<compile_context>
chip_gen: v7x
topology: tpu7x:2x2x1
jax: 0.10.2.dev20260603
libtpu: 0.0.44.dev20260713+nightly
codegen_flags: <defaults>
</compile_context>

<pallas_src>
import functools

import jax
import jax.numpy as jnp
from jax import lax
from jax.experimental import pallas as pl
from jax.experimental.pallas import tpu as pltpu
from jax.experimental.pallas import tpu_sc as plsc

_N_FEATURES = 26
_VOCAB = 100000
_ROWS = _VOCAB + 1
_K = 32
_BATCH = 4096
_LANES = 16

_NUM_WORKERS = 32
_B_PER_W = _BATCH // _NUM_WORKERS
_NTILE = (_ROWS - 1) // 128
_TAIL = _NTILE * 128
_TAILW = _ROWS - _TAIL


def _body(idx_hbm, tables_hbm, tail_hbm, out_hbm, *rest):
    idx_full = rest[0]
    tail_v = rest[1]
    stages = rest[2:4]
    bufs = rest[4:12]
    fsems = rest[12:20]
    ssems = rest[20:22]

    wid = lax.axis_index("s") * 2 + lax.axis_index("c")
    base = wid * _B_PER_W

    r0 = lax.iota(jnp.int32, _LANES)
    r1 = r0 + _LANES

    def fire(i, v, buf, sem):
        vt = jnp.minimum(lax.shift_right_logical(v, 7), _NTILE - 1)
        off = pl.multiple_of(vt * 128, 128)
        pltpu.make_async_copy(
            tables_hbm.at[i, :, pl.ds(off, 128)], buf, sem
        ).start()

    def extract(i, v, b, buf, stage):
        vt = jnp.minimum(lax.shift_right_logical(v, 7), _NTILE - 1)
        lw = jnp.minimum(v - vt * 128, 127)
        colw = jnp.full((_LANES,), lw, jnp.int32)
        bv = jnp.full((_LANES,), b, jnp.int32)
        g0 = plsc.load_gather(buf, [r0, colw])
        g1 = plsc.load_gather(buf, [r1, colw])
        plsc.store_scatter(stage, [r0, bv], g0)
        plsc.store_scatter(stage, [r1, bv], g1)

    def tail_pass(stage):
        def grp(g, _):
            v = idx_full[wid, pl.ds(g * _LANES, _LANES)]
            m = v >= _TAIL
            cnt = plsc.all_reduce_population_count(m)
            if getattr(cnt, "ndim", 0):
                cnt = cnt[0]

            @pl.when(cnt > 0)
            def _fix():
                tc = jnp.clip(v - _TAIL, 0, _TAILW - 1)
                bv = r0 + g * _LANES
                for j in range(_K):
                    jv = jnp.full((_LANES,), j, jnp.int32)
                    hj = plsc.load_gather(tail_v, [jv, tc])
                    plsc.store_scatter(stage, [jv, bv], hj, mask=m)

            return _

        lax.fori_loop(0, _B_PER_W // _LANES, grp, 0)

    def wait_slot(u):
        pltpu.make_async_copy(
            tables_hbm.at[0, :, pl.ds(0, 128)], bufs[u], fsems[u]
        ).wait()

    def do_feature(i, stage, ssem):
        pltpu.sync_copy(idx_hbm.at[i], idx_full)
        pltpu.sync_copy(tail_hbm.at[i], tail_v)

        vg = idx_full[wid, pl.ds(0, _LANES)]
        for u in range(8):
            fire(i, vg[u], bufs[u], fsems[u])

        def step(t, _):
            vcur = idx_full[wid, pl.ds(t * _LANES, _LANES)]
            tn = jnp.minimum(t + 1, (_B_PER_W // _LANES) - 1)
            vnext = idx_full[wid, pl.ds(tn * _LANES, _LANES)]
            for u in range(8):
                wait_slot(u)
                extract(i, vcur[u], t * _LANES + u, bufs[u], stage)
                fire(i, vcur[8 + u], bufs[u], fsems[u])
            for u in range(8):
                wait_slot(u)
                extract(i, vcur[8 + u], t * _LANES + 8 + u, bufs[u], stage)
                fire(i, vnext[u], bufs[u], fsems[u])
            return _

        lax.fori_loop(0, _B_PER_W // _LANES, step, 0)
        for u in range(8):
            wait_slot(u)
        tail_pass(stage)

        pltpu.make_async_copy(
            stage, out_hbm.at[i, :, pl.ds(base, _B_PER_W)], ssem
        ).start()

    def store_wait(i, stage, ssem):
        pltpu.make_async_copy(
            stage, out_hbm.at[i, :, pl.ds(base, _B_PER_W)], ssem
        ).wait()

    def pair(ip, _):
        i0 = ip * 2
        i1 = ip * 2 + 1

        @pl.when(ip > 0)
        def _wait0():
            store_wait(i0, stages[0], ssems[0])

        do_feature(i0, stages[0], ssems[0])

        @pl.when(ip > 0)
        def _wait1():
            store_wait(i1, stages[1], ssems[1])

        do_feature(i1, stages[1], ssems[1])
        return _

    lax.fori_loop(0, _N_FEATURES // 2, pair, 0)
    store_wait(_N_FEATURES - 2, stages[0], ssems[0])
    store_wait(_N_FEATURES - 1, stages[1], ssems[1])


@jax.jit
def _run(idx2d, tables_t, tail_t):
    mesh = plsc.VectorSubcoreMesh(core_axis_name="c", subcore_axis_name="s")
    fn = functools.partial(
        pl.kernel,
        mesh=mesh,
        out_type=jax.ShapeDtypeStruct((_N_FEATURES, _K, _BATCH), jnp.float32),
        scratch_types=(
            [
                pltpu.VMEM((_NUM_WORKERS, _B_PER_W), jnp.int32),
                pltpu.VMEM((_K, _TAILW), jnp.float32),
                pltpu.VMEM((_K, _B_PER_W), jnp.float32),
                pltpu.VMEM((_K, _B_PER_W), jnp.float32),
            ]
            + [pltpu.VMEM((_K, 128), jnp.float32) for _ in range(8)]
            + [pltpu.SemaphoreType.DMA for _ in range(8)]
            + [pltpu.SemaphoreType.DMA for _ in range(2)]
        ),
        compiler_params=pltpu.CompilerParams(needs_layout_passes=False),
    )(_body)
    return fn(idx2d, tables_t, tail_t)


def kernel(indices, tables):
    idx2d = indices.reshape(_N_FEATURES, _NUM_WORKERS, _B_PER_W)
    tables_t = jnp.transpose(tables, (0, 2, 1))
    tail_t = jnp.transpose(tables[:, _TAIL:, :], (0, 2, 1))
    out = _run(idx2d, tables_t, tail_t)
    return tuple(out[i].T[:, None, :] for i in range(_N_FEATURES))

# --- scband reference (transcript-rebuilt; emitter-appended) ---
"""Pipeline reference for scband-sparse-v-12953621364963 (READ-ONLY COPY).

The authoritative reference and input builder live on the scoring server;
editing this copy changes nothing except your own understanding.
"""

import jax, jax.numpy as jnp
import numpy as np

N_FEATURES = 26
VOCAB = 100000
M = 1
K = 32
BATCH = 4096


def setup_inputs(seed: int = 0) -> dict:
    key = jax.random.key(seed)
    k1, k2 = jax.random.split(key)
    # 26 sparse feature index tensors stacked along axis 0; each is [BATCH, M]
    indices = jax.random.randint(k1, (N_FEATURES, BATCH, M), 0, VOCAB, dtype=jnp.int32)
    # One embedding table per feature (Embedding with input_dim = vocab + 1),
    # stacked: [N_FEATURES, VOCAB + 1, K]
    tables = jax.random.normal(k2, (N_FEATURES, VOCAB + 1, K), dtype=jnp.float32) * 0.05
    return {"indices": indices, "tables": tables}


def reference(indices, tables):
    # Faithful translation of SparseV.call: the function returns `es`, the list of
    # masked per-feature embeddings (the FM second-order code after the early
    # `return es` is dead code).
    es = []
    for i in range(N_FEATURES):
        idx = indices[i]                                   # [BATCH, M]
        e = jnp.take(tables[i], idx, axis=0)               # [BATCH, M, K] gather
        # MaskEmbedding(input_dim=VOCAB): ones for valid ids (< VOCAB), zeros for
        # the padding id (== VOCAB)
        mask = (idx < VOCAB).astype(jnp.float32)[..., None]  # [BATCH, M, 1]
        es.append(e * mask)
    return tuple(es)

if __name__ == "__main__":
    import jax
    _d = setup_inputs()
    print(jax.jit(kernel)(*tuple(_d.values())))

</pallas_src>

<mosaic_0001>
#map = affine_map<(d0, d1) -> (0, 0, 0)>
module attributes {stable_mosaic.version = 14 : i64} {
  func.func @_body(%arg0: i32, %arg1: i32, %arg2: memref<26x32x128xi32, #tpu.memory_space<hbm>>, %arg3: memref<26x32x100001xf32, #tpu.memory_space<hbm>>, %arg4: memref<26x32x33xf32, #tpu.memory_space<hbm>>, %arg5: memref<26x32x4096xf32, #tpu.memory_space<hbm>>, %arg6: memref<32x128xi32, #tpu.memory_space<vmem>>, %arg7: memref<32x33xf32, #tpu.memory_space<vmem>>, %arg8: memref<32x128xf32, #tpu.memory_space<vmem>>, %arg9: memref<32x128xf32, #tpu.memory_space<vmem>>, %arg10: memref<32x128xf32, #tpu.memory_space<vmem>>, %arg11: memref<32x128xf32, #tpu.memory_space<vmem>>, %arg12: memref<32x128xf32, #tpu.memory_space<vmem>>, %arg13: memref<32x128xf32, #tpu.memory_space<vmem>>, %arg14: memref<32x128xf32, #tpu.memory_space<vmem>>, %arg15: memref<32x128xf32, #tpu.memory_space<vmem>>, %arg16: memref<32x128xf32, #tpu.memory_space<vmem>>, %arg17: memref<32x128xf32, #tpu.memory_space<vmem>>, %arg18: memref<!tpu.dma_semaphore, #tpu.memory_space<semaphore_mem>>, %arg19: memref<!tpu.dma_semaphore, #tpu.memory_space<semaphore_mem>>, %arg20: memref<!tpu.dma_semaphore, #tpu.memory_space<semaphore_mem>>, %arg21: memref<!tpu.dma_semaphore, #tpu.memory_space<semaphore_mem>>, %arg22: memref<!tpu.dma_semaphore, #tpu.memory_space<semaphore_mem>>, %arg23: memref<!tpu.dma_semaphore, #tpu.memory_space<semaphore_mem>>, %arg24: memref<!tpu.dma_semaphore, #tpu.memory_space<semaphore_mem>>, %arg25: memref<!tpu.dma_semaphore, #tpu.memory_space<semaphore_mem>>, %arg26: memref<!tpu.dma_semaphore, #tpu.memory_space<semaphore_mem>>, %arg27: memref<!tpu.dma_semaphore, #tpu.memory_space<semaphore_mem>>) attributes {dimension_semantics = [#tpu.dimension_semantics<core_parallel>, #tpu.dimension_semantics<subcore_parallel>], iteration_bounds = array<i64: 2, 16>, scalar_prefetch = 0 : i64, scratch_operands = 22 : i64, tpu.core_type = #tpu.core_type<sc_vector_subcore>, window_params = [{transform_indices = #map}, {transform_indices = #map}, {transform_indices = #map}, {transform_indices = #map}]} {
    %mul3A = arith.constant 2 : i32
    %mul3A_0 = arith.muli %arg1, %mul3A : i32
    %add3A = arith.addi %mul3A_0, %arg0 : i32
    %mul3A_1 = arith.constant 128 : i32
    %mul3A_2 = arith.muli %add3A, %mul3A_1 : i32
    %iota3A = tpu.iota {dimensions = array<i32: 0>} : vector<16xi32>
    %add3A_3 = arith.constant 16 : i32
    %add3A_4 = vector.broadcast %add3A_3 : i32 to vector<16xi32>
    %add3A_5 = arith.addi %iota3A, %add3A_4 : vector<16xi32>
    %scan3A = arith.constant 0 : i32
    %scan3A_6 = arith.constant 0 : i32
    %scan3A_7 = arith.constant 13 : i32
    %scan3A_8 = arith.addi %scan3A_6, %scan3A_7 : i32
    %scan3A_9 = arith.constant 1 : i32
    scf.for %scan3A_24 = %scan3A_6 to %scan3A_8 step %scan3A_9  : i32 {
      %mul3A_25 = arith.constant 2 : i32
      %mul3A_26 = arith.muli %scan3A_24, %mul3A_25 : i32
      %mul3A_27 = arith.constant 2 : i32
      %mul3A_28 = arith.muli %scan3A_24, %mul3A_27 : i32
      %add3A_29 = arith.constant 1 : i32
      %add3A_30 = arith.addi %mul3A_28, %add3A_29 : i32
      %gt3A = arith.constant 0 : i32
      %gt3A_31 = arith.cmpi sgt, %scan3A_24, %gt3A : i32
      %convert_element_type3A = arith.extui %gt3A_31 : i1 to i32
      %cond3A = arith.constant 0 : i32
      %cond3A_32 = arith.cmpi ne, %convert_element_type3A, %cond3A : i32
      scf.if %cond3A_32 {
        %dma_wait3A_457 = arith.constant 0 : i32
        %dma_wait3A_458 = tpu.memref_slice %arg5[%mul3A_26, %dma_wait3A_457, %mul3A_2] : memref<26x32x4096xf32, #tpu.memory_space<hbm>> -> memref<1x32x128xf32, #tpu.memory_space<hbm>>
        %dma_wait3A_459 = tpu.memref_squeeze %dma_wait3A_458 : memref<1x32x128xf32, #tpu.memory_space<hbm>> -> memref<32x128xf32, #tpu.memory_space<hbm>>
        %dma_wait3A_460 = arith.constant 0 : i32
        %dma_wait3A_461 = tpu.memref_slice %arg5[%mul3A_26, %dma_wait3A_460, %mul3A_2] : memref<26x32x4096xf32, #tpu.memory_space<hbm>> -> memref<1x32x128xf32, #tpu.memory_space<hbm>>
        %dma_wait3A_462 = tpu.memref_squeeze %dma_wait3A_461 : memref<1x32x128xf32, #tpu.memory_space<hbm>> -> memref<32x128xf32, #tpu.memory_space<hbm>>
        tpu.wait_dma2 semaphore(%arg26 : memref<!tpu.dma_semaphore, #tpu.memory_space<semaphore_mem>>) src(%arg8 : memref<32x128xf32, #tpu.memory_space<vmem>>) dst(%dma_wait3A_462 : memref<32x128xf32, #tpu.memory_space<hbm>>)
      } else {
      }
      "tpu.region"() ({
        %run_scoped3A = tpu.sem_alloc : memref<!tpu.dma_semaphore, #tpu.memory_space<semaphore_mem>>
        %dma_start3A_457 = arith.constant 0 : i32
        %dma_start3A_458 = arith.constant 0 : i32
        %dma_start3A_459 = tpu.memref_slice %arg2[%mul3A_26, %dma_start3A_457, %dma_start3A_458] : memref<26x32x128xi32, #tpu.memory_space<hbm>> -> memref<1x32x128xi32, #tpu.memory_space<hbm>>
        %dma_start3A_460 = tpu.memref_squeeze %dma_start3A_459 : memref<1x32x128xi32, #tpu.memory_space<hbm>> -> memref<32x128xi32, #tpu.memory_space<hbm>>
        %dma_start3A_461 = arith.constant 0 : i32
        %dma_start3A_462 = arith.constant 0 : i32
        %dma_start3A_463 = tpu.memref_slice %arg2[%mul3A_26, %dma_start3A_461, %dma_start3A_462] : memref<26x32x128xi32, #tpu.memory_space<hbm>> -> memref<1x32x128xi32, #tpu.memory_space<hbm>>
        %dma_start3A_464 = tpu.memref_squeeze %dma_start3A_463 : memref<1x32x128xi32, #tpu.memory_space<hbm>> -> memref<32x128xi32, #tpu.memory_space<hbm>>
        tpu.enqueue_dma source(%dma_start3A_464 : memref<32x128xi32, #tpu.memory_space<hbm>>) target(%arg6 : memref<32x128xi32, #tpu.memory_space<vmem>>) target_semaphore(%run_scoped3A : memref<!tpu.dma_semaphore, #tpu.memory_space<semaphore_mem>>)
        %dma_wait3A_465 = arith.constant 0 : i32
        %dma_wait3A_466 = arith.constant 0 : i32
        %dma_wait3A_467 = tpu.memref_slice %arg2[%mul3A_26, %dma_wait3A_465, %dma_wait3A_466] : memref<26x32x128xi32, #tpu.memory_space<hbm>> -> memref<1x32x128xi32, #tpu.memory_space<hbm>>
        %dma_wait3A_468 = tpu.memref_squeeze %dma_wait3A_467 : memref<1x32x128xi32, #tpu.memory_space<hbm>> -> memref<32x128xi32, #tpu.memory_space<hbm>>
        %dma_wait3A_469 = arith.constant 0 : i32
        %dma_wait3A_470 = arith.constant 0 : i32
        %dma_wait3A_471 = tpu.memref_slice %arg2[%mul3A_26, %dma_wait3A_469, %dma_wait3A_470] : memref<26x32x128xi32, #tpu.memory_space<hbm>> -> memref<1x32x128xi32, #tpu.memory_space<hbm>>
        %dma_wait3A_472 = tpu.memref_squeeze %dma_wait3A_471 : memref<1x32x128xi32, #tpu.memory_space<hbm>> -> memref<32x128xi32, #tpu.memory_space<hbm>>
        tpu.wait_dma2 semaphore(%run_scoped3A : memref<!tpu.dma_semaphore, #tpu.memory_space<semaphore_mem>>) src(%dma_wait3A_472 : memref<32x128xi32, #tpu.memory_space<hbm>>) dst(%arg6 : memref<32x128xi32, #tpu.memory_space<vmem>>)
        tpu.yield
      }) : () -> ()
      "tpu.region"() ({
        %run_scoped3A = tpu.sem_alloc : memref<!tpu.dma_semaphore, #tpu.memory_space<semaphore_mem>>
        %dma_start3A_457 = arith.constant 0 : i32
        %dma_start3A_458 = arith.constant 0 : i32
        %dma_start3A_459 = tpu.memref_slice %arg4[%mul3A_26, %dma_start3A_457, %dma_start3A_458] : memref<26x32x33xf32, #tpu.memory_space<hbm>> -> memref<1x32x33xf32, #tpu.memory_space<hbm>>
        %dma_start3A_460 = tpu.memref_squeeze %dma_start3A_459 : memref<1x32x33xf32, #tpu.memory_space<hbm>> -> memref<32x33xf32, #tpu.memory_space<hbm>>
        %dma_start3A_461 = arith.constant 0 : i32
        %dma_start3A_462 = arith.constant 0 : i32
        %dma_start3A_463 = tpu.memref_slice %arg4[%mul3A_26, %dma_start3A_461, %dma_start3A_462] : memref<26x32x33xf32, #tpu.memory_space<hbm>> -> memref<1x32x33xf32, #tpu.memory_space<hbm>>
        %dma_start3A_464 = tpu.memref_squeeze %dma_start3A_463 : memref<1x32x33xf32, #tpu.memory_space<hbm>> -> memref<32x33xf32, #tpu.memory_space<hbm>>
        tpu.enqueue_dma source(%dma_start3A_464 : memref<32x33xf32, #tpu.memory_space<hbm>>) target(%arg7 : memref<32x33xf32, #tpu.memory_space<vmem>>) target_semaphore(%run_scoped3A : memref<!tpu.dma_semaphore, #tpu.memory_space<semaphore_mem>>)
        %dma_wait3A_465 = arith.constant 0 : i32
        %dma_wait3A_466 = arith.constant 0 : i32
        %dma_wait3A_467 = tpu.memref_slice %arg4[%mul3A_26, %dma_wait3A_465, %dma_wait3A_466] : memref<26x32x33xf32, #tpu.memory_space<hbm>> -> memref<1x32x33xf32, #tpu.memory_space<hbm>>
        %dma_wait3A_468 = tpu.memref_squeeze %dma_wait3A_467 : memref<1x32x33xf32, #tpu.memory_space<hbm>> -> memref<32x33xf32, #tpu.memory_space<hbm>>
        %dma_wait3A_469 = arith.constant 0 : i32
        %dma_wait3A_470 = arith.constant 0 : i32
        %dma_wait3A_471 = tpu.memref_slice %arg4[%mul3A_26, %dma_wait3A_469, %dma_wait3A_470] : memref<26x32x33xf32, #tpu.memory_space<hbm>> -> memref<1x32x33xf32, #tpu.memory_space<hbm>>
        %dma_wait3A_472 = tpu.memref_squeeze %dma_wait3A_471 : memref<1x32x33xf32, #tpu.memory_space<hbm>> -> memref<32x33xf32, #tpu.memory_space<hbm>>
        tpu.wait_dma2 semaphore(%run_scoped3A : memref<!tpu.dma_semaphore, #tpu.memory_space<semaphore_mem>>) src(%dma_wait3A_472 : memref<32x33xf32, #tpu.memory_space<hbm>>) dst(%arg7 : memref<32x33xf32, #tpu.memory_space<vmem>>)
        tpu.yield
      }) : () -> ()
      %get3A = arith.index_cast %add3A : i32 to index
      %get3A_33 = arith.constant 0 : index
      %get3A_34 = tpu.vector_load %arg6[%get3A, %get3A_33] {strides = array<i32>} : memref<32x128xi32, #tpu.memory_space<vmem>>, vector<16xi32>,
      %slice3A = vector.extract_strided_slice %get3A_34 {offsets = [0], sizes = [1], strides = [1]} : vector<16xi32> to vector<1xi32>
      %squeeze3A = vector.extract %slice3A[0] : i32 from vector<1xi32>
      %shift_right_logical3A = arith.constant 7 : i32
      %shift_right_logical3A_35 = arith.shrui %squeeze3A, %shift_right_logical3A : i32
      %min3A = arith.constant 780 : i32
      %min3A_36 = arith.minsi %shift_right_logical3A_35, %min3A : i32
      %mul3A_37 = arith.constant 128 : i32
      %mul3A_38 = arith.muli %min3A_36, %mul3A_37 : i32
      %multiple_of3A = tpu.assume_multiple %mul3A_38, 128 : i32
      %dma_start3A = arith.constant 0 : i32
      %dma_start3A_39 = tpu.memref_slice %arg3[%mul3A_26, %dma_start3A, %multiple_of3A] : memref<26x32x100001xf32, #tpu.memory_space<hbm>> -> memref<1x32x128xf32, #tpu.memory_space<hbm>>
      %dma_start3A_40 = tpu.memref_squeeze %dma_start3A_39 : memref<1x32x128xf32, #tpu.memory_space<hbm>> -> memref<32x128xf32, #tpu.memory_space<hbm>>
      %dma_start3A_41 = arith.constant 0 : i32
      %dma_start3A_42 = tpu.memref_slice %arg3[%mul3A_26, %dma_start3A_41, %multiple_of3A] : memref<26x32x100001xf32, #tpu.memory_space<hbm>> -> memref<1x32x128xf32, #tpu.memory_space<hbm>>
      %dma_start3A_43 = tpu.memref_squeeze %dma_start3A_42 : memref<1x32x128xf32, #tpu.memory_space<hbm>> -> memref<32x128xf32, #tpu.memory_space<hbm>>
      tpu.enqueue_dma source(%dma_start3A_43 : memref<32x128xf32, #tpu.memory_space<hbm>>) target(%arg10 : memref<32x128xf32, #tpu.memory_space<vmem>>) target_semaphore(%arg18 : memref<!tpu.dma_semaphore, #tpu.memory_space<semaphore_mem>>)
      %slice3A_44 = vector.extract_strided_slice %get3A_34 {offsets = [1], sizes = [1], strides = [1]} : vector<16xi32> to vector<1xi32>
      %squeeze3A_45 = vector.extract %slice3A_44[0] : i32 from vector<1xi32>
      %shift_right_logical3A_46 = arith.constant 7 : i32
      %shift_right_logical3A_47 = arith.shrui %squeeze3A_45, %shift_right_logical3A_46 : i32
      %min3A_48 = arith.constant 780 : i32
      %min3A_49 = arith.minsi %shift_right_logical3A_47, %min3A_48 : i32
      %mul3A_50 = arith.constant 128 : i32
      %mul3A_51 = arith.muli %min3A_49, %mul3A_50 : i32
      %multiple_of3A_52 = tpu.assume_multiple %mul3A_51, 128 : i32
      %dma_start3A_53 = arith.constant 0 : i32
      %dma_start3A_54 = tpu.memref_slice %arg3[%mul3A_26, %dma_start3A_53, %multiple_of3A_52] : memref<26x32x100001xf32, #tpu.memory_space<hbm>> -> memref<1x32x128xf32, #tpu.memory_space<hbm>>
      %dma_start3A_55 = tpu.memref_squeeze %dma_start3A_54 : memref<1x32x128xf32, #tpu.memory_space<hbm>> -> memref<32x128xf32, #tpu.memory_space<hbm>>
      %dma_start3A_56 = arith.constant 0 : i32
      %dma_start3A_57 = tpu.memref_slice %arg3[%mul3A_26, %dma_start3A_56, %multiple_of3A_52] : memref<26x32x100001xf32, #tpu.memory_space<hbm>> -> memref<1x32x128xf32, #tpu.memory_space<hbm>>
      %dma_start3A_58 = tpu.memref_squeeze %dma_start3A_57 : memref<1x32x128xf32, #tpu.memory_space<hbm>> -> memref<32x128xf32, #tpu.memory_space<hbm>>
      tpu.enqueue_dma source(%dma_start3A_58 : memref<32x128xf32, #tpu.memory_space<hbm>>) target(%arg11 : memref<32x128xf32, #tpu.memory_space<vmem>>) target_semaphore(%arg19 : memref<!tpu.dma_semaphore, #tpu.memory_space<semaphore_mem>>)
      %slice3A_59 = vector.extract_strided_slice %get3A_34 {offsets = [2], sizes = [1], strides = [1]} : vector<16xi32> to vector<1xi32>
      %squeeze3A_60 = vector.extract %slice3A_59[0] : i32 from vector<1xi32>
      %shift_right_logical3A_61 = arith.constant 7 : i32
      %shift_right_logical3A_62 = arith.shrui %squeeze3A_60, %shift_right_logical3A_61 : i32
      %min3A_63 = arith.constant 780 : i32
      %min3A_64 = arith.minsi %shift_right_logical3A_62, %min3A_63 : i32
      %mul3A_65 = arith.constant 128 : i32
      %mul3A_66 = arith.muli %min3A_64, %mul3A_65 : i32
      %multiple_of3A_67 = tpu.assume_multiple %mul3A_66, 128 : i32
      %dma_start3A_68 = arith.constant 0 : i32
      %dma_start3A_69 = tpu.memref_slice %arg3[%mul3A_26, %dma_start3A_68, %multiple_of3A_67] : memref<26x32x100001xf32, #tpu.memory_space<hbm>> -> memref<1x32x128xf32, #tpu.memory_space<hbm>>
      %dma_start3A_70 = tpu.memref_squeeze %dma_start3A_69 : memref<1x32x128xf32, #tpu.memory_space<hbm>> -> memref<32x128xf32, #tpu.memory_space<hbm>>
      %dma_start3A_71 = arith.constant 0 : i32
      %dma_start3A_72 = tpu.memref_slice %arg3[%mul3A_26, %dma_start3A_71, %multiple_of3A_67] : memref<26x32x100001xf32, #tpu.memory_space<hbm>> -> memref<1x32x128xf32, #tpu.memory_space<hbm>>
      %dma_start3A_73 = tpu.memref_squeeze %dma_start3A_72 : memref<1x32x128xf32, #tpu.memory_space<hbm>> -> memref<32x128xf32, #tpu.memory_space<hbm>>
      tpu.enqueue_dma source(%dma_start3A_73 : memref<32x128xf32, #tpu.memory_space<hbm>>) target(%arg12 : memref<32x128xf32, #tpu.memory_space<vmem>>) target_semaphore(%arg20 : memref<!tpu.dma_semaphore, #tpu.memory_space<semaphore_mem>>)
      %slice3A_74 = vector.extract_strided_slice %get3A_34 {offsets = [3], sizes = [1], strides = [1]} : vector<16xi32> to vector<1xi32>
      %squeeze3A_75 = vector.extract %slice3A_74[0] : i32 from vector<1xi32>
      %shift_right_logical3A_76 = arith.constant 7 : i32
      %shift_right_logical3A_77 = arith.shrui %squeeze3A_75, %shift_right_logical3A_76 : i32
      %min3A_78 = arith.constant 780 : i32
      %min3A_79 = arith.minsi %shift_right_logical3A_77, %min3A_78 : i32
      %mul3A_80 = arith.constant 128 : i32
      %mul3A_81 = arith.muli %min3A_79, %mul3A_80 : i32
      %multiple_of3A_82 = tpu.assume_multiple %mul3A_81, 128 : i32
      %dma_start3A_83 = arith.constant 0 : i32
      %dma_start3A_84 = tpu.memref_slice %arg3[%mul3A_26, %dma_start3A_83, %multiple_of3A_82] : memref<26x32x100001xf32, #tpu.memory_space<hbm>> -> memref<1x32x128xf32, #tpu.memory_space<hbm>>
      %dma_start3A_85 = tpu.memref_squeeze %dma_start3A_84 : memref<1x32x128xf32, #tpu.memory_space<hbm>> -> memref<32x128xf32, #tpu.memory_space<hbm>>
      %dma_start3A_86 = arith.constant 0 : i32
      %dma_start3A_87 = tpu.memref_slice %arg3[%mul3A_26, %dma_start3A_86, %multiple_of3A_82] : memref<26x32x100001xf32, #tpu.memory_space<hbm>> -> memref<1x32x128xf32, #tpu.memory_space<hbm>>
      %dma_start3A_88 = tpu.memref_squeeze %dma_start3A_87 : memref<1x32x128xf32, #tpu.memory_space<hbm>> -> memref<32x128xf32, #tpu.memory_space<hbm>>
      tpu.enqueue_dma source(%dma_start3A_88 : memref<32x128xf32, #tpu.memory_space<hbm>>) target(%arg13 : memref<32x128xf32, #tpu.memory_space<vmem>>) target_semaphore(%arg21 : memref<!tpu.dma_semaphore, #tpu.memory_space<semaphore_mem>>)
      %slice3A_89 = vector.extract_strided_slice %get3A_34 {offsets = [4], sizes = [1], strides = [1]} : vector<16xi32> to vector<1xi32>
      %squeeze3A_90 = vector.extract %slice3A_89[0] : i32 from vector<1xi32>
      %shift_right_logical3A_91 = arith.constant 7 : i32
      %shift_right_logical3A_92 = arith.shrui %squeeze3A_90, %shift_right_logical3A_91 : i32
      %min3A_93 = arith.constant 780 : i32
      %min3A_94 = arith.minsi %shift_right_logical3A_92, %min3A_93 : i32
      %mul3A_95 = arith.constant 128 : i32
      %mul3A_96 = arith.muli %min3A_94, %mul3A_95 : i32
      %multiple_of3A_97 = tpu.assume_multiple %mul3A_96, 128 : i32
      %dma_start3A_98 = arith.constant 0 : i32
      %dma_start3A_99 = tpu.memref_slice %arg3[%mul3A_26, %dma_start3A_98, %multiple_of3A_97] : memref<26x32x100001xf32, #tpu.memory_space<hbm>> -> memref<1x32x128xf32, #tpu.memory_space<hbm>>
      %dma_start3A_100 = tpu.memref_squeeze %dma_start3A_99 : memref<1x32x128xf32, #tpu.memory_space<hbm>> -> memref<32x128xf32, #tpu.memory_space<hbm>>
      %dma_start3A_101 = arith.constant 0 : i32
      %dma_start3A_102 = tpu.memref_slice %arg3[%mul3A_26, %dma_start3A_101, %multiple_of3A_97] : memref<26x32x100001xf32, #tpu.memory_space<hbm>> -> memref<1x32x128xf32, #tpu.memory_space<hbm>>
      %dma_start3A_103 = tpu.memref_squeeze %dma_start3A_102 : memref<1x32x128xf32, #tpu.memory_space<hbm>> -> memref<32x128xf32, #tpu.memory_space<hbm>>
      tpu.enqueue_dma source(%dma_start3A_103 : memref<32x128xf32, #tpu.memory_space<hbm>>) target(%arg14 : memref<32x128xf32, #tpu.memory_space<vmem>>) target_semaphore(%arg22 : memref<!tpu.dma_semaphore, #tpu.memory_space<semaphore_mem>>)
      %slice3A_104 = vector.extract_strided_slice %get3A_34 {offsets = [5], sizes = [1], strides = [1]} : vector<16xi32> to vector<1xi32>
      %squeeze3A_105 = vector.extract %slice3A_104[0] : i32 from vector<1xi32>
      %shift_right_logical3A_106 = arith.constant 7 : i32
      %shift_right_logical3A_107 = arith.shrui %squeeze3A_105, %shift_right_logical3A_106 : i32
      %min3A_108 = arith.constant 780 : i32
      %min3A_109 = arith.minsi %shift_right_logical3A_107, %min3A_108 : i32
      %mul3A_110 = arith.constant 128 : i32
      %mul3A_111 = arith.muli %min3A_109, %mul3A_110 : i32
      %multiple_of3A_112 = tpu.assume_multiple %mul3A_111, 128 : i32
      %dma_start3A_113 = arith.constant 0 : i32
      %dma_start3A_114 = tpu.memref_slice %arg3[%mul3A_26, %dma_start3A_113, %multiple_of3A_112] : memref<26x32x100001xf32, #tpu.memory_space<hbm>> -> memref<1x32x128xf32, #tpu.memory_space<hbm>>
      %dma_start3A_115 = tpu.memref_squeeze %dma_start3A_114 : memref<1x32x128xf32, #tpu.memory_space<hbm>> -> memref<32x128xf32, #tpu.memory_space<hbm>>
      %dma_start3A_116 = arith.constant 0 : i32
      %dma_start3A_117 = tpu.memref_slice %arg3[%mul3A_26, %dma_start3A_116, %multiple_of3A_112] : memref<26x32x100001xf32, #tpu.memory_space<hbm>> -> memref<1x32x128xf32, #tpu.memory_space<hbm>>
      %dma_start3A_118 = tpu.memref_squeeze %dma_start3A_117 : memref<1x32x128xf32, #tpu.memory_space<hbm>> -> memref<32x128xf32, #tpu.memory_space<hbm>>
      tpu.enqueue_dma source(%dma_start3A_118 : memref<32x128xf32, #tpu.memory_space<hbm>>) target(%arg15 : memref<32x128xf32, #tpu.memory_space<vmem>>) target_semaphore(%arg23 : memref<!tpu.dma_semaphore, #tpu.memory_space<semaphore_mem>>)
      %slice3A_119 = vector.extract_strided_slice %get3A_34 {offsets = [6], sizes = [1], strides = [1]} : vector<16xi32> to vector<1xi32>
      %squeeze3A_120 = vector.extract %slice3A_119[0] : i32 from vector<1xi32>
      %shift_right_logical3A_121 = arith.constant 7 : i32
      %shift_right_logical3A_122 = arith.shrui %squeeze3A_120, %shift_right_logical3A_121 : i32
      %min3A_123 = arith.constant 780 : i32
      %min3A_124 = arith.minsi %shift_right_logical3A_122, %min3A_123 : i32
      %mul3A_125 = arith.constant 128 : i32
      %mul3A_126 = arith.muli %min3A_124, %mul3A_125 : i32
      %multiple_of3A_127 = tpu.assume_multiple %mul3A_126, 128 : i32
      %dma_start3A_128 = arith.constant 0 : i32
      %dma_start3A_129 = tpu.memref_slice %arg3[%mul3A_26, %dma_start3A_128, %multiple_of3A_127] : memref<26x32x100001xf32, #tpu.memory_space<hbm>> -> memref<1x32x128xf32, #tpu.memory_space<hbm>>
      %dma_start3A_130 = tpu.memref_squeeze %dma_start3A_129 : memref<1x32x128xf32, #tpu.memory_space<hbm>> -> memref<32x128xf32, #tpu.memory_space<hbm>>
      %dma_start3A_131 = arith.constant 0 : i32
      %dma_start3A_132 = tpu.memref_slice %arg3[%mul3A_26, %dma_start3A_131, %multiple_of3A_127] : memref<26x32x100001xf32, #tpu.memory_space<hbm>> -> memref<1x32x128xf32, #tpu.memory_space<hbm>>
      %dma_start3A_133 = tpu.memref_squeeze %dma_start3A_132 : memref<1x32x128xf32, #tpu.memory_space<hbm>> -> memref<32x128xf32, #tpu.memory_space<hbm>>
      tpu.enqueue_dma source(%dma_start3A_133 : memref<32x128xf32, #tpu.memory_space<hbm>>) target(%arg16 : memref<32x128xf32, #tpu.memory_space<vmem>>) target_semaphore(%arg24 : memref<!tpu.dma_semaphore, #tpu.memory_space<semaphore_mem>>)
      %slice3A_134 = vector.extract_strided_slice %get3A_34 {offsets = [7], sizes = [1], strides = [1]} : vector<16xi32> to vector<1xi32>
      %squeeze3A_135 = vector.extract %slice3A_134[0] : i32 from vector<1xi32>
      %shift_right_logical3A_136 = arith.constant 7 : i32
      %shift_right_logical3A_137 = arith.shrui %squeeze3A_135, %shift_right_logical3A_136 : i32
      %min3A_138 = arith.constant 780 : i32
      %min3A_139 = arith.minsi %shift_right_logical3A_137, %min3A_138 : i32
      %mul3A_140 = arith.constant 128 : i32
      %mul3A_141 = arith.muli %min3A_139, %mul3A_140 : i32
      %multiple_of3A_142 = tpu.assume_multiple %mul3A_141, 128 : i32
      %dma_start3A_143 = arith.constant 0 : i32
      %dma_start3A_144 = tpu.memref_slice %arg3[%mul3A_26, %dma_start3A_143, %multiple_of3A_142] : memref<26x32x100001xf32, #tpu.memory_space<hbm>> -> memref<1x32x128xf32, #tpu.memory_space<hbm>>
      %dma_start3A_145 = tpu.memref_squeeze %dma_start3A_144 : memref<1x32x128xf32, #tpu.memory_space<hbm>> -> memref<32x128xf32, #tpu.memory_space<hbm>>
      %dma_start3A_146 = arith.constant 0 : i32
      %dma_start3A_147 = tpu.memref_slice %arg3[%mul3A_26, %dma_start3A_146, %multiple_of3A_142] : memref<26x32x100001xf32, #tpu.memory_space<hbm>> -> memref<1x32x128xf32, #tpu.memory_space<hbm>>
      %dma_start3A_148 = tpu.memref_squeeze %dma_start3A_147 : memref<1x32x128xf32, #tpu.memory_space<hbm>> -> memref<32x128xf32, #tpu.memory_space<hbm>>
      tpu.enqueue_dma source(%dma_start3A_148 : memref<32x128xf32, #tpu.memory_space<hbm>>) target(%arg17 : memref<32x128xf32, #tpu.memory_space<vmem>>) target_semaphore(%arg25 : memref<!tpu.dma_semaphore, #tpu.memory_space<semaphore_mem>>)
      %scan3A_149 = arith.constant 0 : i32
      %scan3A_150 = arith.constant 0 : i32
      %scan3A_151 = arith.constant 8 : i32
      %scan3A_152 = arith.addi %scan3A_150, %scan3A_151 : i32
      %scan3A_153 = arith.constant 1 : i32
      scf.for %scan3A_457 = %scan3A_150 to %scan3A_152 step %scan3A_153  : i32 {
        %mul3A_458 = arith.constant 16 : i32
        %mul3A_459 = arith.muli %scan3A_457, %mul3A_458 : i32
        %get3A_460 = arith.index_cast %add3A : i32 to index
        %get3A_461 = arith.index_cast %mul3A_459 : i32 to index
        %get3A_462 = tpu.vector_load %arg6[%get3A_460, %get3A_461] {strides = array<i32>} : memref<32x128xi32, #tpu.memory_space<vmem>>, vector<16xi32>,
        %add3A_463 = arith.constant 1 : i32
        %add3A_464 = arith.addi %scan3A_457, %add3A_463 : i32
        %min3A_465 = arith.constant 7 : i32
        %min3A_466 = arith.minsi %add3A_464, %min3A_465 : i32
        %mul3A_467 = arith.constant 16 : i32
        %mul3A_468 = arith.muli %min3A_466, %mul3A_467 : i32
        %get3A_469 = arith.index_cast %add3A : i32 to index
        %get3A_470 = arith.index_cast %mul3A_468 : i32 to index
        %get3A_471 = tpu.vector_load %arg6[%get3A_469, %get3A_470] {strides = array<i32>} : memref<32x128xi32, #tpu.memory_space<vmem>>, vector<16xi32>,
        %dma_wait3A_472 = arith.constant 0 : i32
        %dma_wait3A_473 = arith.constant 0 : i32
        %dma_wait3A_474 = arith.constant 0 : i32
        %dma_wait3A_475 = tpu.memref_slice %arg3[%dma_wait3A_472, %dma_wait3A_473, %dma_wait3A_474] : memref<26x32x100001xf32, #tpu.memory_space<hbm>> -> memref<1x32x128xf32, #tpu.memory_space<hbm>>
        %dma_wait3A_476 = tpu.memref_squeeze %dma_wait3A_475 : memref<1x32x128xf32, #tpu.memory_space<hbm>> -> memref<32x128xf32, #tpu.memory_space<hbm>>
        %dma_wait3A_477 = arith.constant 0 : i32
        %dma_wait3A_478 = arith.constant 0 : i32
        %dma_wait3A_479 = tpu.memref_slice %arg3[%dma_wait3A_472, %dma_wait3A_477, %dma_wait3A_478] : memref<26x32x100001xf32, #tpu.memory_space<hbm>> -> memref<1x32x128xf32, #tpu.memory_space<hbm>>
        %dma_wait3A_480 = tpu.memref_squeeze %dma_wait3A_479 : memref<1x32x128xf32, #tpu.memory_space<hbm>> -> memref<32x128xf32, #tpu.memory_space<hbm>>
        tpu.wait_dma2 semaphore(%arg18 : memref<!tpu.dma_semaphore, #tpu.memory_space<semaphore_mem>>) src(%dma_wait3A_480 : memref<32x128xf32, #tpu.memory_space<hbm>>) dst(%arg10 : memref<32x128xf32, #tpu.memory_space<vmem>>)
        %slice3A_481 = vector.extract_strided_slice %get3A_462 {offsets = [0], sizes = [1], strides = [1]} : vector<16xi32> to vector<1xi32>
        %squeeze3A_482 = vector.extract %slice3A_481[0] : i32 from vector<1xi32>
        %mul3A_483 = arith.constant 16 : i32
        %mul3A_484 = arith.muli %scan3A_457, %mul3A_483 : i32
        %add3A_485 = arith.constant 0 : i32
        %add3A_486 = arith.addi %mul3A_484, %add3A_485 : i32
        %shift_right_logical3A_487 = arith.constant 7 : i32
        %shift_right_logical3A_488 = arith.shrui %squeeze3A_482, %shift_right_logical3A_487 : i32
        %min3A_489 = arith.constant 780 : i32
        %min3A_490 = arith.minsi %shift_right_logical3A_488, %min3A_489 : i32
        %mul3A_491 = arith.constant 128 : i32
        %mul3A_492 = arith.muli %min3A_490, %mul3A_491 : i32
        %sub3A = arith.subi %squeeze3A_482, %mul3A_492 : i32
        %min3A_493 = arith.constant 127 : i32
        %min3A_494 = arith.minsi %sub3A, %min3A_493 : i32
        %broadcast_in_dim3A = vector.broadcast %min3A_494 : i32 to vector<16xi32>
        %broadcast_in_dim3A_495 = vector.broadcast %add3A_486 : i32 to vector<16xi32>
        %gather3A = tpu.vector_load_idx %arg10[%iota3A, %broadcast_in_dim3A] : memref<32x128xf32, #tpu.memory_space<vmem>>[vector<16xi32>, vector<16xi32>], vector<16xf32>,
        %gather3A_496 = tpu.vector_load_idx %arg10[%add3A_5, %broadcast_in_dim3A] : memref<32x128xf32, #tpu.memory_space<vmem>>[vector<16xi32>, vector<16xi32>], vector<16xf32>,
        tpu.vector_store_idx %arg8[%iota3A, %broadcast_in_dim3A_495], %gather3A : memref<32x128xf32, #tpu.memory_space<vmem>>[vector<16xi32>, vector<16xi32>], vector<16xf32>,
        tpu.vector_store_idx %arg8[%add3A_5, %broadcast_in_dim3A_495], %gather3A_496 : memref<32x128xf32, #tpu.memory_space<vmem>>[vector<16xi32>, vector<16xi32>], vector<16xf32>,
        %slice3A_497 = vector.extract_strided_slice %get3A_462 {offsets = [8], sizes = [1], strides = [1]} : vector<16xi32> to vector<1xi32>
        %squeeze3A_498 = vector.extract %slice3A_497[0] : i32 from vector<1xi32>
        %shift_right_logical3A_499 = arith.constant 7 : i32
        %shift_right_logical3A_500 = arith.shrui %squeeze3A_498, %shift_right_logical3A_499 : i32
        %min3A_501 = arith.constant 780 : i32
        %min3A_502 = arith.minsi %shift_right_logical3A_500, %min3A_501 : i32
        %mul3A_503 = arith.constant 128 : i32
        %mul3A_504 = arith.muli %min3A_502, %mul3A_503 : i32
        %multiple_of3A_505 = tpu.assume_multiple %mul3A_504, 128 : i32
        %dma_start3A_506 = arith.constant 0 : i32
        %dma_start3A_507 = tpu.memref_slice %arg3[%mul3A_26, %dma_start3A_506, %multiple_of3A_505] : memref<26x32x100001xf32, #tpu.memory_space<hbm>> -> memref<1x32x128xf32, #tpu.memory_space<hbm>>
        %dma_start3A_508 = tpu.memref_squeeze %dma_start3A_507 : memref<1x32x128xf32, #tpu.memory_space<hbm>> -> memref<32x128xf32, #tpu.memory_space<hbm>>
        %dma_start3A_509 = arith.constant 0 : i32
        %dma_start3A_510 = tpu.memref_slice %arg3[%mul3A_26, %dma_start3A_509, %multiple_of3A_505] : memref<26x32x100001xf32, #tpu.memory_space<hbm>> -> memref<1x32x128xf32, #tpu.memory_space<hbm>>
        %dma_start3A_511 = tpu.memref_squeeze %dma_start3A_510 : memref<1x32x128xf32, #tpu.memory_space<hbm>> -> memref<32x128xf32, #tpu.memory_space<hbm>>
        tpu.enqueue_dma source(%dma_start3A_511 : memref<32x128xf32, #tpu.memory_space<hbm>>) target(%arg10 : memref<32x128xf32, #tpu.memory_space<vmem>>) target_semaphore(%arg18 : memref<!tpu.dma_semaphore, #tpu.memory_space<semaphore_mem>>)
        %dma_wait3A_512 = arith.constant 0 : i32
        %dma_wait3A_513 = arith.constant 0 : i32
        %dma_wait3A_514 = arith.constant 0 : i32
        %dma_wait3A_515 = tpu.memref_slice %arg3[%dma_wait3A_512, %dma_wait3A_513, %dma_wait3A_514] : memref<26x32x100001xf32, #tpu.memory_space<hbm>> -> memref<1x32x128xf32, #tpu.memory_space<hbm>>
        %dma_wait3A_516 = tpu.memref_squeeze %dma_wait3A_515 : memref<1x32x128xf32, #tpu.memory_space<hbm>> -> memref<32x128xf32, #tpu.memory_space<hbm>>
        %dma_wait3A_517 = arith.constant 0 : i32
        %dma_wait3A_518 = arith.constant 0 : i32
        %dma_wait3A_519 = tpu.memref_slice %arg3[%dma_wait3A_512, %dma_wait3A_517, %dma_wait3A_518] : memref<26x32x100001xf32, #tpu.memory_space<hbm>> -> memref<1x32x128xf32, #tpu.memory_space<hbm>>
        %dma_wait3A_520 = tpu.memref_squeeze %dma_wait3A_519 : memref<1x32x128xf32, #tpu.memory_space<hbm>> -> memref<32x128xf32, #tpu.memory_space<hbm>>
        tpu.wait_dma2 semaphore(%arg19 : memref<!tpu.dma_semaphore, #tpu.memory_space<semaphore_mem>>) src(%dma_wait3A_520 : memref<32x128xf32, #tpu.memory_space<hbm>>) dst(%arg11 : memref<32x128xf32, #tpu.memory_space<vmem>>)
        %slice3A_521 = vector.extract_strided_slice %get3A_462 {offsets = [1], sizes = [1], strides = [1]} : vector<16xi32> to vector<1xi32>
        %squeeze3A_522 = vector.extract %slice3A_521[0] : i32 from vector<1xi32>
        %mul3A_523 = arith.constant 16 : i32
        %mul3A_524 = arith.muli %scan3A_457, %mul3A_523 : i32
        %add3A_525 = arith.constant 1 : i32
        %add3A_526 = arith.addi %mul3A_524, %add3A_525 : i32
        %shift_right_logical3A_527 = arith.constant 7 : i32
        %shift_right_logical3A_528 = arith.shrui %squeeze3A_522, %shift_right_logical3A_527 : i32
        %min3A_529 = arith.constant 780 : i32
        %min3A_530 = arith.minsi %shift_right_logical3A_528, %min3A_529 : i32
        %mul3A_531 = arith.constant 128 : i32
        %mul3A_532 = arith.muli %min3A_530, %mul3A_531 : i32
        %sub3A_533 = arith.subi %squeeze3A_522, %mul3A_532 : i32
        %min3A_534 = arith.constant 127 : i32
        %min3A_535 = arith.minsi %sub3A_533, %min3A_534 : i32
        %broadcast_in_dim3A_536 = vector.broadcast %min3A_535 : i32 to vector<16xi32>
        %broadcast_in_dim3A_537 = vector.broadcast %add3A_526 : i32 to vector<16xi32>
        %gather3A_538 = tpu.vector_load_idx %arg11[%iota3A, %broadcast_in_dim3A_536] : memref<32x128xf32, #tpu.memory_space<vmem>>[vector<16xi32>, vector<16xi32>], vector<16xf32>,
        %gather3A_539 = tpu.vector_load_idx %arg11[%add3A_5, %broadcast_in_dim3A_536] : memref<32x128xf32, #tpu.memory_space<vmem>>[vector<16xi32>, vector<16xi32>], vector<16xf32>,
        tpu.vector_store_idx %arg8[%iota3A, %broadcast_in_dim3A_537], %gather3A_538 : memref<32x128xf32, #tpu.memory_space<vmem>>[vector<16xi32>, vector<16xi32>], vector<16xf32>,
        tpu.vector_store_idx %arg8[%add3A_5, %broadcast_in_dim3A_537], %gather3A_539 : memref<32x128xf32, #tpu.memory_space<vmem>>[vector<16xi32>, vector<16xi32>], vector<16xf32>,
        %slice3A_540 = vector.extract_strided_slice %get3A_462 {offsets = [9], sizes = [1], strides = [1]} : vector<16xi32> to vector<1xi32>
        %squeeze3A_541 = vector.extract %slice3A_540[0] : i32 from vector<1xi32>
        %shift_right_logical3A_542 = arith.constant 7 : i32
        %shift_right_logical3A_543 = arith.shrui %squeeze3A_541, %shift_right_logical3A_542 : i32
        %min3A_544 = arith.constant 780 : i32
        %min3A_545 = arith.minsi %shift_right_logical3A_543, %min3A_544 : i32
        %mul3A_546 = arith.constant 128 : i32
        %mul3A_547 = arith.muli %min3A_545, %mul3A_546 : i32
        %multiple_of3A_548 = tpu.assume_multiple %mul3A_547, 128 : i32
        %dma_start3A_549 = arith.constant 0 : i32
        %dma_start3A_550 = tpu.memref_slice %arg3[%mul3A_26, %dma_start3A_549, %multiple_of3A_548] : memref<26x32x100001xf32, #tpu.memory_space<hbm>> -> memref<1x32x128xf32, #tpu.memory_space<hbm>>
        %dma_start3A_551 = tpu.memref_squeeze %dma_start3A_550 : memref<1x32x128xf32, #tpu.memory_space<hbm>> -> memref<32x128xf32, #tpu.memory_space<hbm>>
        %dma_start3A_552 = arith.constant 0 : i32
        %dma_start3A_553 = tpu.memref_slice %arg3[%mul3A_26, %dma_start3A_552, %multiple_of3A_548] : memref<26x32x100001xf32, #tpu.memory_space<hbm>> -> memref<1x32x128xf32, #tpu.memory_space<hbm>>
        %dma_start3A_554 = tpu.memref_squeeze %dma_start3A_553 : memref<1x32x128xf32, #tpu.memory_space<hbm>> -> memref<32x128xf32, #tpu.memory_space<hbm>>
        tpu.enqueue_dma source(%dma_start3A_554 : memref<32x128xf32, #tpu.memory_space<hbm>>) target(%arg11 : memref<32x128xf32, #tpu.memory_space<vmem>>) target_semaphore(%arg19 : memref<!tpu.dma_semaphore, #tpu.memory_space<semaphore_mem>>)
        %dma_wait3A_555 = arith.constant 0 : i32
        %dma_wait3A_556 = arith.constant 0 : i32
        %dma_wait3A_557 = arith.constant 0 : i32
        %dma_wait3A_558 = tpu.memref_slice %arg3[%dma_wait3A_555, %dma_wait3A_556, %dma_wait3A_557] : memref<26x32x100001xf32, #tpu.memory_space<hbm>> -> memref<1x32x128xf32, #tpu.memory_space<hbm>>
        %dma_wait3A_559 = tpu.memref_squeeze %dma_wait3A_558 : memref<1x32x128xf32, #tpu.memory_space<hbm>> -> memref<32x128xf32, #tpu.memory_space<hbm>>
        %dma_wait3A_560 = arith.constant 0 : i32
        %dma_wait3A_561 = arith.constant 0 : i32
        %dma_wait3A_562 = tpu.memref_slice %arg3[%dma_wait3A_555, %dma_wait3A_560, %dma_wait3A_561] : memref<26x32x100001xf32, #tpu.memory_space<hbm>> -> memref<1x32x128xf32, #tpu.memory_space<hbm>>
        %dma_wait3A_563 = tpu.memref_squeeze %dma_wait3A_562 : memref<1x32x128xf32, #tpu.memory_space<hbm>> -> memref<32x128xf32, #tpu.memory_space<hbm>>
        tpu.wait_dma2 semaphore(%arg20 : memref<!tpu.dma_semaphore, #tpu.memory_space<semaphore_mem>>) src(%dma_wait3A_563 : memref<32x128xf32, #tpu.memory_space<hbm>>) dst(%arg12 : memref<32x128xf32, #tpu.memory_space<vmem>>)
        %slice3A_564 = vector.extract_strided_slice %get3A_462 {offsets = [2], sizes = [1], strides = [1]} : vector<16xi32> to vector<1xi32>
        %squeeze3A_565 = vector.extract %slice3A_564[0] : i32 from vector<1xi32>
        %mul3A_566 = arith.constant 16 : i32
        %mul3A_567 = arith.muli %scan3A_457, %mul3A_566 : i32
        %add3A_568 = arith.constant 2 : i32
        %add3A_569 = arith.addi %mul3A_567, %add3A_568 : i32
        %shift_right_logical3A_570 = arith.constant 7 : i32
        %shift_right_logical3A_571 = arith.shrui %squeeze3A_565, %shift_right_logical3A_570 : i32
        %min3A_572 = arith.constant 780 : i32
        %min3A_573 = arith.minsi %shift_right_logical3A_571, %min3A_572 : i32
        %mul3A_574 = arith.constant 128 : i32
        %mul3A_575 = arith.muli %min3A_573, %mul3A_574 : i32
        %sub3A_576 = arith.subi %squeeze3A_565, %mul3A_575 : i32
        %min3A_577 = arith.constant 127 : i32
        %min3A_578 = arith.minsi %sub3A_576, %min3A_577 : i32
        %broadcast_in_dim3A_579 = vector.broadcast %min3A_578 : i32 to vector<16xi32>
        %broadcast_in_dim3A_580 = vector.broadcast %add3A_569 : i32 to vector<16xi32>
        %gather3A_581 = tpu.vector_load_idx %arg12[%iota3A, %broadcast_in_dim3A_579] : memref<32x128xf32, #tpu.memory_space<vmem>>[vector<16xi32>, vector<16xi32>], vector<16xf32>,
        %gather3A_582 = tpu.vector_load_idx %arg12[%add3A_5, %broadcast_in_dim3A_579] : memref<32x128xf32, #tpu.memory_space<vmem>>[vector<16xi32>, vector<16xi32>], vector<16xf32>,
        tpu.vector_store_idx %arg8[%iota3A, %broadcast_in_dim3A_580], %gather3A_581 : memref<32x128xf32, #tpu.memory_space<vmem>>[vector<16xi32>, vector<16xi32>], vector<16xf32>,
        tpu.vector_store_idx %arg8[%add3A_5, %broadcast_in_dim3A_580], %gather3A_582 : memref<32x128xf32, #tpu.memory_space<vmem>>[vector<16xi32>, vector<16xi32>], vector<16xf32>,
        %slice3A_583 = vector.extract_strided_slice %get3A_462 {offsets = [10], sizes = [1], strides = [1]} : vector<16xi32> to vector<1xi32>
        %squeeze3A_584 = vector.extract %slice3A_583[0] : i32 from vector<1xi32>
        %shift_right_logical3A_585 = arith.constant 7 : i32
        %shift_right_logical3A_586 = arith.shrui %squeeze3A_584, %shift_right_logical3A_585 : i32
        %min3A_587 = arith.constant 780 : i32
        %min3A_588 = arith.minsi %shift_right_logical3A_586, %min3A_587 : i32
        %mul3A_589 = arith.constant 128 : i32
        %mul3A_590 = arith.muli %min3A_588, %mul3A_589 : i32
        %multiple_of3A_591 = tpu.assume_multiple %mul3A_590, 128 : i32
        %dma_start3A_592 = arith.constant 0 : i32
        %dma_start3A_593 = tpu.memref_slice %arg3[%mul3A_26, %dma_start3A_592, %multiple_of3A_591] : memref<26x32x100001xf32, #tpu.memory_space<hbm>> -> memref<1x32x128xf32, #tpu.memory_space<hbm>>
        %dma_start3A_594 = tpu.memref_squeeze %dma_start3A_593 : memref<1x32x128xf32, #tpu.memory_space<hbm>> -> memref<32x128xf32, #tpu.memory_space<hbm>>
        %dma_start3A_595 = arith.constant 0 : i32
        %dma_start3A_596 = tpu.memref_slice %arg3[%mul3A_26, %dma_start3A_595, %multiple_of3A_591] : memref<26x32x100001xf32, #tpu.memory_space<hbm>> -> memref<1x32x128xf32, #tpu.memory_space<hbm>>
        %dma_start3A_597 = tpu.memref_squeeze %dma_start3A_596 : memref<1x32x128xf32, #tpu.memory_space<hbm>> -> memref<32x128xf32, #tpu.memory_space<hbm>>
        tpu.enqueue_dma source(%dma_start3A_597 : memref<32x128xf32, #tpu.memory_space<hbm>>) target(%arg12 : memref<32x128xf32, #tpu.memory_space<vmem>>) target_semaphore(%arg20 : memref<!tpu.dma_semaphore, #tpu.memory_space<semaphore_mem>>)
        %dma_wait3A_598 = arith.constant 0 : i32
        %dma_wait3A_599 = arith.constant 0 : i32
        %dma_wait3A_600 = arith.constant 0 : i32
        %dma_wait3A_601 = tpu.memref_slice %arg3[%dma_wait3A_598, %dma_wait3A_599, %dma_wait3A_600] : memref<26x32x100001xf32, #tpu.memory_space<hbm>> -> memref<1x32x128xf32, #tpu.memory_space<hbm>>
        %dma_wait3A_602 = tpu.memref_squeeze %dma_wait3A_601 : memref<1x32x128xf32, #tpu.memory_space<hbm>> -> memref<32x128xf32, #tpu.memory_space<hbm>>
        %dma_wait3A_603 = arith.constant 0 : i32
        %dma_wait3A_604 = arith.constant 0 : i32
        %dma_wait3A_605 = tpu.memref_slice %arg3[%dma_wait3A_598, %dma_wait3A_603, %dma_wait3A_604] : memref<26x32x100001xf32, #tpu.memory_space<hbm>> -> memref<1x32x128xf32, #tpu.memory_space<hbm>>
        %dma_wait3A_606 = tpu.memref_squeeze %dma_wait3A_605 : memref<1x32x128xf32, #tpu.memory_space<hbm>> -> memref<32x128xf32, #tpu.memory_space<hbm>>
        tpu.wait_dma2 semaphore(%arg21 : memref<!tpu.dma_semaphore, #tpu.memory_space<semaphore_mem>>) src(%dma_wait3A_606 : memref<32x128xf32, #tpu.memory_space<hbm>>) dst(%arg13 : memref<32x128xf32, #tpu.memory_space<vmem>>)
        %slice3A_607 = vector.extract_strided_slice %get3A_462 {offsets = [3], sizes = [1], strides = [1]} : vector<16xi32> to vector<1xi32>
        %squeeze3A_608 = vector.extract %slice3A_607[0] : i32 from vector<1xi32>
        %mul3A_609 = arith.constant 16 : i32
        %mul3A_610 = arith.muli %scan3A_457, %mul3A_609 : i32
        %add3A_611 = arith.constant 3 : i32
        %add3A_612 = arith.addi %mul3A_610, %add3A_611 : i32
        %shift_right_logical3A_613 = arith.constant 7 : i32
        %shift_right_logical3A_614 = arith.shrui %squeeze3A_608, %shift_right_logical3A_613 : i32
        %min3A_615 = arith.constant 780 : i32
        %min3A_616 = arith.minsi %shift_right_logical3A_614, %min3A_615 : i32
        %mul3A_617 = arith.constant 128 : i32
        %mul3A_618 = arith.muli %min3A_616, %mul3A_617 : i32
        %sub3A_619 = arith.subi %squeeze3A_608, %mul3A_618 : i32
        %min3A_620 = arith.constant 127 : i32
        %min3A_621 = arith.minsi %sub3A_619, %min3A_620 : i32
        %broadcast_in_dim3A_622 = vector.broadcast %min3A_621 : i32 to vector<16xi32>
        %broadcast_in_dim3A_623 = vector.broadcast %add3A_612 : i32 to vector<16xi32>
        %gather3A_624 = tpu.vector_load_idx %arg13[%iota3A, %broadcast_in_dim3A_622] : memref<32x128xf32, #tpu.memory_space<vmem>>[vector<16xi32>, vector<16xi32>], vector<16xf32>,
        %gather3A_625 = tpu.vector_load_idx %arg13[%add3A_5, %broadcast_in_dim3A_622] : memref<32x128xf32, #tpu.memory_space<vmem>>[vector<16xi32>, vector<16xi32>], vector<16xf32>,
        tpu.vector_store_idx %arg8[%iota3A, %broadcast_in_dim3A_623], %gather3A_624 : memref<32x128xf32, #tpu.memory_space<vmem>>[vector<16xi32>, vector<16xi32>], vector<16xf32>,
        tpu.vector_store_idx %arg8[%add3A_5, %broadcast_in_dim3A_623], %gather3A_625 : memref<32x128xf32, #tpu.memory_space<vmem>>[vector<16xi32>, vector<16xi32>], vector<16xf32>,
        %slice3A_626 = vector.extract_strided_slice %get3A_462 {offsets = [11], sizes = [1], strides = [1]} : vector<16xi32> to vector<1xi32>
        %squeeze3A_627 = vector.extract %slice3A_626[0] : i32 from vector<1xi32>
        %shift_right_logical3A_628 = arith.constant 7 : i32
        %shift_right_logical3A_629 = arith.shrui %squeeze3A_627, %shift_right_logical3A_628 : i32
        %min3A_630 = arith.constant 780 : i32
        %min3A_631 = arith.minsi %shift_right_logical3A_629, %min3A_630 : i32
        %mul3A_632 = arith.constant 128 : i32
        %mul3A_633 = arith.muli %min3A_631, %mul3A_632 : i32
        %multiple_of3A_634 = tpu.assume_multiple %mul3A_633, 128 : i32
        %dma_start3A_635 = arith.constant 0 : i32
        %dma_start3A_636 = tpu.memref_slice %arg3[%mul3A_26, %dma_start3A_635, %multiple_of3A_634] : memref<26x32x100001xf32, #tpu.memory_space<hbm>> -> memref<1x32x128xf32, #tpu.memory_space<hbm>>
        %dma_start3A_637 = tpu.memref_squeeze %dma_start3A_636 : memref<1x32x128xf32, #tpu.memory_space<hbm>> -> memref<32x128xf32, #tpu.memory_space<hbm>>
        %dma_start3A_638 = arith.constant 0 : i32
        %dma_start3A_639 = tpu.memref_slice %arg3[%mul3A_26, %dma_start3A_638, %multiple_of3A_634] : memref<26x32x100001xf32, #tpu.memory_space<hbm>> -> memref<1x32x128xf32, #tpu.memory_space<hbm>>
        %dma_start3A_640 = tpu.memref_squeeze %dma_start3A_639 : memref<1x32x128xf32, #tpu.memory_space<hbm>> -> memref<32x128xf32, #tpu.memory_space<hbm>>
        tpu.enqueue_dma source(%dma_start3A_640 : memref<32x128xf32, #tpu.memory_space<hbm>>) target(%arg13 : memref<32x128xf32, #tpu.memory_space<vmem>>) target_semaphore(%arg21 : memref<!tpu.dma_semaphore, #tpu.memory_space<semaphore_mem>>)
        %dma_wait3A_641 = arith.constant 0 : i32
        %dma_wait3A_642 = arith.constant 0 : i32
        %dma_wait3A_643 = arith.constant 0 : i32
        %dma_wait3A_644 = tpu.memref_slice %arg3[%dma_wait3A_641, %dma_wait3A_642, %dma_wait3A_643] : memref<26x32x100001xf32, #tpu.memory_space<hbm>> -> memref<1x32x128xf32, #tpu.memory_space<hbm>>
        %dma_wait3A_645 = tpu.memref_squeeze %dma_wait3A_644 : memref<1x32x128xf32, #tpu.memory_space<hbm>> -> memref<32x128xf32, #tpu.memory_space<hbm>>
        %dma_wait3A_646 = arith.constant 0 : i32
        %dma_wait3A_647 = arith.constant 0 : i32
        %dma_wait3A_648 = tpu.memref_slice %arg3[%dma_wait3A_641, %dma_wait3A_646, %dma_wait3A_647] : memref<26x32x100001xf32, #tpu.memory_space<hbm>> -> memref<1x32x128xf32, #tpu.memory_space<hbm>>
        %dma_wait3A_649 = tpu.memref_squeeze %dma_wait3A_648 : memref<1x32x128xf32, #tpu.memory_space<hbm>> -> memref<32x128xf32, #tpu.memory_space<hbm>>
        tpu.wait_dma2 semaphore(%arg22 : memref<!tpu.dma_semaphore, #tpu.memory_space<semaphore_mem>>) src(%dma_wait3A_649 : memref<32x128xf32, #tpu.memory_space<hbm>>) dst(%arg14 : memref<32x128xf32, #tpu.memory_space<vmem>>)
        %slice3A_650 = vector.extract_strided_slice %get3A_462 {offsets = [4], sizes = [1], strides = [1]} : vector<16xi32> to vector<1xi32>
        %squeeze3A_651 = vector.extract %slice3A_650[0] : i32 from vector<1xi32>
        %mul3A_652 = arith.constant 16 : i32
        %mul3A_653 = arith.muli %scan3A_457, %mul3A_652 : i32
        %add3A_654 = arith.constant 4 : i32
        %add3A_655 = arith.addi %mul3A_653, %add3A_654 : i32
        %shift_right_logical3A_656 = arith.constant 7 : i32
        %shift_right_logical3A_657 = arith.shrui %squeeze3A_651, %shift_right_logical3A_656 : i32
        %min3A_658 = arith.constant 780 : i32
        %min3A_659 = arith.minsi %shift_right_logical3A_657, %min3A_658 : i32
        %mul3A_660 = arith.constant 128 : i32
        %mul3A_661 = arith.muli %min3A_659, %mul3A_660 : i32
        %sub3A_662 = arith.subi %squeeze3A_651, %mul3A_661 : i32
        %min3A_663 = arith.constant 127 : i32
        %min3A_664 = arith.minsi %sub3A_662, %min3A_663 : i32
        %broadcast_in_dim3A_665 = vector.broadcast %min3A_664 : i32 to vector<16xi32>
        %broadcast_in_dim3A_666 = vector.broadcast %add3A_655 : i32 to vector<16xi32>
        %gather3A_667 = tpu.vector_load_idx %arg14[%iota3A, %broadcast_in_dim3A_665] : memref<32x128xf32, #tpu.memory_space<vmem>>[vector<16xi32>, vector<16xi32>], vector<16xf32>,
        %gather3A_668 = tpu.vector_load_idx %arg14[%add3A_5, %broadcast_in_dim3A_665] : memref<32x128xf32, #tpu.memory_space<vmem>>[vector<16xi32>, vector<16xi32>], vector<16xf32>,
        tpu.vector_store_idx %arg8[%iota3A, %broadcast_in_dim3A_666], %gather3A_667 : memref<32x128xf32, #tpu.memory_space<vmem>>[vector<16xi32>, vector<16xi32>], vector<16xf32>,
        tpu.vector_store_idx %arg8[%add3A_5, %broadcast_in_dim3A_666], %gather3A_668 : memref<32x128xf32, #tpu.memory_space<vmem>>[vector<16xi32>, vector<16xi32>], vector<16xf32>,
        %slice3A_669 = vector.extract_strided_slice %get3A_462 {offsets = [12], sizes = [1], strides = [1]} : vector<16xi32> to vector<1xi32>
        %squeeze3A_670 = vector.extract %slice3A_669[0] : i32 from vector<1xi32>
        %shift_right_logical3A_671 = arith.constant 7 : i32
        %shift_right_logical3A_672 = arith.shrui %squeeze3A_670, %shift_right_logical3A_671 : i32
        %min3A_673 = arith.constant 780 : i32
        %min3A_674 = arith.minsi %shift_right_logical3A_672, %min3A_673 : i32
        %mul3A_675 = arith.constant 128 : i32
        %mul3A_676 = arith.muli %min3A_674, %mul3A_675 : i32
        %multiple_of3A_677 = tpu.assume_multiple %mul3A_676, 128 : i32
        %dma_start3A_678 = arith.constant 0 : i32
        %dma_start3A_679 = tpu.memref_slice %arg3[%mul3A_26, %dma_start3A_678, %multiple_of3A_677] : memref<26x32x100001xf32, #tpu.memory_space<hbm>> -> memref<1x32x128xf32, #tpu.memory_space<hbm>>
        %dma_start3A_680 = tpu.memref_squeeze %dma_start3A_679 : memref<1x32x128xf32, #tpu.memory_space<hbm>> -> memref<32x128xf32, #tpu.memory_space<hbm>>
        %dma_start3A_681 = arith.constant 0 : i32
        %dma_start3A_682 = tpu.memref_slice %arg3[%mul3A_26, %dma_start3A_681, %multiple_of3A_677] : memref<26x32x100001xf32, #tpu.memory_space<hbm>> -> memref<1x32x128xf32, #tpu.memory_space<hbm>>
        %dma_start3A_683 = tpu.memref_squeeze %dma_start3A_682 : memref<1x32x128xf32, #tpu.memory_space<hbm>> -> memref<32x128xf32, #tpu.memory_space<hbm>>
        tpu.enqueue_dma source(%dma_start3A_683 : memref<32x128xf32, #tpu.memory_space<hbm>>) target(%arg14 : memref<32x128xf32, #tpu.memory_space<vmem>>) target_semaphore(%arg22 : memref<!tpu.dma_semaphore, #tpu.memory_space<semaphore_mem>>)
        %dma_wait3A_684 = arith.constant 0 : i32
        %dma_wait3A_685 = arith.constant 0 : i32
        %dma_wait3A_686 = arith.constant 0 : i32
        %dma_wait3A_687 = tpu.memref_slice %arg3[%dma_wait3A_684, %dma_wait3A_685, %dma_wait3A_686] : memref<26x32x100001xf32, #tpu.memory_space<hbm>> -> memref<1x32x128xf32, #tpu.memory_space<hbm>>
        %dma_wait3A_688 = tpu.memref_squeeze %dma_wait3A_687 : memref<1x32x128xf32, #tpu.memory_space<hbm>> -> memref<32x128xf32, #tpu.memory_space<hbm>>
        %dma_wait3A_689 = arith.constant 0 : i32
        %dma_wait3A_690 = arith.constant 0 : i32
        %dma_wait3A_691 = tpu.memref_slice %arg3[%dma_wait3A_684, %dma_wait3A_689, %dma_wait3A_690] : memref<26x32x100001xf32, #tpu.memory_space<hbm>> -> memref<1x32x128xf32, #tpu.memory_space<hbm>>
        %dma_wait3A_692 = tpu.memref_squeeze %dma_wait3A_691 : memref<1x32x128xf32, #tpu.memory_space<hbm>> -> memref<32x128xf32, #tpu.memory_space<hbm>>
        tpu.wait_dma2 semaphore(%arg23 : memref<!tpu.dma_semaphore, #tpu.memory_space<semaphore_mem>>) src(%dma_wait3A_692 : memref<32x128xf32, #tpu.memory_space<hbm>>) dst(%arg15 : memref<32x128xf32, #tpu.memory_space<vmem>>)
        %slice3A_693 = vector.extract_strided_slice %get3A_462 {offsets = [5], sizes = [1], strides = [1]} : vector<16xi32> to vector<1xi32>
        %squeeze3A_694 = vector.extract %slice3A_693[0] : i32 from vector<1xi32>
        %mul3A_695 = arith.constant 16 : i32
        %mul3A_696 = arith.muli %scan3A_457, %mul3A_695 : i32
        %add3A_697 = arith.constant 5 : i32
        %add3A_698 = arith.addi %mul3A_696, %add3A_697 : i32
        %shift_right_logical3A_699 = arith.constant 7 : i32
        %shift_right_logical3A_700 = arith.shrui %squeeze3A_694, %shift_right_logical3A_699 : i32
        %min3A_701 = arith.constant 780 : i32
        %min3A_702 = arith.minsi %shift_right_logical3A_700, %min3A_701 : i32
        %mul3A_703 = arith.constant 128 : i32
        %mul3A_704 = arith.muli %min3A_702, %mul3A_703 : i32
        %sub3A_705 = arith.subi %squeeze3A_694, %mul3A_704 : i32
        %min3A_706 = arith.constant 127 : i32
        %min3A_707 = arith.minsi %sub3A_705, %min3A_706 : i32
        %broadcast_in_dim3A_708 = vector.broadcast %min3A_707 : i32 to vector<16xi32>
        %broadcast_in_dim3A_709 = vector.broadcast %add3A_698 : i32 to vector<16xi32>
        %gather3A_710 = tpu.vector_load_idx %arg15[%iota3A, %broadcast_in_dim3A_708] : memref<32x128xf32, #tpu.memory_space<vmem>>[vector<16xi32>, vector<16xi32>], vector<16xf32>,
        %gather3A_711 = tpu.vector_load_idx %arg15[%add3A_5, %broadcast_in_dim3A_708] : memref<32x128xf32, #tpu.memory_space<vmem>>[vector<16xi32>, vector<16xi32>], vector<16xf32>,
        tpu.vector_store_idx %arg8[%iota3A, %broadcast_in_dim3A_709], %gather3A_710 : memref<32x128xf32, #tpu.memory_space<vmem>>[vector<16xi32>, vector<16xi32>], vector<16xf32>,
        tpu.vector_store_idx %arg8[%add3A_5, %broadcast_in_dim3A_709], %gather3A_711 : memref<32x128xf32, #tpu.memory_space<vmem>>[vector<16xi32>, vector<16xi32>], vector<16xf32>,
        %slice3A_712 = vector.extract_strided_slice %get3A_462 {offsets = [13], sizes = [1], strides = [1]} : vector<16xi32> to vector<1xi32>
        %squeeze3A_713 = vector.extract %slice3A_712[0] : i32 from vector<1xi32>
        %shift_right_logical3A_714 = arith.constant 7 : i32
        %shift_right_logical3A_715 = arith.shrui %squeeze3A_713, %shift_right_logical3A_714 : i32
        %min3A_716 = arith.constant 780 : i32
        %min3A_717 = arith.minsi %shift_right_logical3A_715, %min3A_716 : i32
        %mul3A_718 = arith.constant 128 : i32
        %mul3A_719 = arith.muli %min3A_717, %mul3A_718 : i32
        %multiple_of3A_720 = tpu.assume_multiple %mul3A_719, 128 : i32
        %dma_start3A_721 = arith.constant 0 : i32
        %dma_start3A_722 = tpu.memref_slice %arg3[%mul3A_26, %dma_start3A_721, %multiple_of3A_720] : memref<26x32x100001xf32, #tpu.memory_space<hbm>> -> memref<1x32x128xf32, #tpu.memory_space<hbm>>
        %dma_start3A_723 = tpu.memref_squeeze %dma_start3A_722 : memref<1x32x128xf32, #tpu.memory_space<hbm>> -> memref<32x128xf32, #tpu.memory_space<hbm>>
        %dma_start3A_724 = arith.constant 0 : i32
        %dma_start3A_725 = tpu.memref_slice %arg3[%mul3A_26, %dma_start3A_724, %multiple_of3A_720] : memref<26x32x100001xf32, #tpu.memory_space<hbm>> -> memref<1x32x128xf32, #tpu.memory_space<hbm>>
        %dma_start3A_726 = tpu.memref_squeeze %dma_start3A_725 : memref<1x32x128xf32, #tpu.memory_space<hbm>> -> memref<32x128xf32, #tpu.memory_space<hbm>>
        tpu.enqueue_dma source(%dma_start3A_726 : memref<32x128xf32, #tpu.memory_space<hbm>>) target(%arg15 : memref<32x128xf32, #tpu.memory_space<vmem>>) target_semaphore(%arg23 : memref<!tpu.dma_semaphore, #tpu.memory_space<semaphore_mem>>)
        %dma_wait3A_727 = arith.constant 0 : i32
        %dma_wait3A_728 = arith.constant 0 : i32
        %dma_wait3A_729 = arith.constant 0 : i32
        %dma_wait3A_730 = tpu.memref_slice %arg3[%dma_wait3A_727, %dma_wait3A_728, %dma_wait3A_729] : memref<26x32x100001xf32, #tpu.memory_space<hbm>> -> memref<1x32x128xf32, #tpu.memory_space<hbm>>
        %dma_wait3A_731 = tpu.memref_squeeze %dma_wait3A_730 : memref<1x32x128xf32, #tpu.memory_space<hbm>> -> memref<32x128xf32, #tpu.memory_space<hbm>>
        %dma_wait3A_732 = arith.constant 0 : i32
        %dma_wait3A_733 = arith.constant 0 : i32
        %dma_wait3A_734 = tpu.memref_slice %arg3[%dma_wait3A_727, %dma_wait3A_732, %dma_wait3A_733] : memref<26x32x100001xf32, #tpu.memory_space<hbm>> -> memref<1x32x128xf32, #tpu.memory_space<hbm>>
        %dma_wait3A_735 = tpu.memref_squeeze %dma_wait3A_734 : memref<1x32x128xf32, #tpu.memory_space<hbm>> -> memref<32x128xf32, #tpu.memory_space<hbm>>
        tpu.wait_dma2 semaphore(%arg24 : memref<!tpu.dma_semaphore, #tpu.memory_space<semaphore_mem>>) src(%dma_wait3A_735 : memref<32x128xf32, #tpu.memory_space<hbm>>) dst(%arg16 : memref<32x128xf32, #tpu.memory_space<vmem>>)
        %slice3A_736 = vector.extract_strided_slice %get3A_462 {offsets = [6], sizes = [1], strides = [1]} : vector<16xi32> to vector<1xi32>
        %squeeze3A_737 = vector.extract %slice3A_736[0] : i32 from vector<1xi32>
        %mul3A_738 = arith.constant 16 : i32
        %mul3A_739 = arith.muli %scan3A_457, %mul3A_738 : i32
        %add3A_740 = arith.constant 6 : i32
        %add3A_741 = arith.addi %mul3A_739, %add3A_740 : i32
        %shift_right_logical3A_742 = arith.constant 7 : i32
        %shift_right_logical3A_743 = arith.shrui %squeeze3A_737, %shift_right_logical3A_742 : i32
        %min3A_744 = arith.constant 780 : i32
        %min3A_745 = arith.minsi %shift_right_logical3A_743, %min3A_744 : i32
        %mul3A_746 = arith.constant 128 : i32
        %mul3A_747 = arith.muli %min3A_745, %mul3A_746 : i32
        %sub3A_748 = arith.subi %squeeze3A_737, %mul3A_747 : i32
        %min3A_749 = arith.constant 127 : i32
        %min3A_750 = arith.minsi %sub3A_748, %min3A_749 : i32
        %broadcast_in_dim3A_751 = vector.broadcast %min3A_750 : i32 to vector<16xi32>
        %broadcast_in_dim3A_752 = vector.broadcast %add3A_741 : i32 to vector<16xi32>
        %gather3A_753 = tpu.vector_load_idx %arg16[%iota3A, %broadcast_in_dim3A_751] : memref<32x128xf32, #tpu.memory_space<vmem>>[vector<16xi32>, vector<16xi32>], vector<16xf32>,
        %gather3A_754 = tpu.vector_load_idx %arg16[%add3A_5, %broadcast_in_dim3A_751] : memref<32x128xf32, #tpu.memory_space<vmem>>[vector<16xi32>, vector<16xi32>], vector<16xf32>,
        tpu.vector_store_idx %arg8[%iota3A, %broadcast_in_dim3A_752], %gather3A_753 : memref<32x128xf32, #tpu.memory_space<vmem>>[vector<16xi32>, vector<16xi32>], vector<16xf32>,
        tpu.vector_store_idx %arg8[%add3A_5, %broadcast_in_dim3A_752], %gather3A_754 : memref<32x128xf32, #tpu.memory_space<vmem>>[vector<16xi32>, vector<16xi32>], vector<16xf32>,
        %slice3A_755 = vector.extract_strided_slice %get3A_462 {offsets = [14], sizes = [1], strides = [1]} : vector<16xi32> to vector<1xi32>
        %squeeze3A_756 = vector.extract %slice3A_755[0] : i32 from vector<1xi32>
        %shift_right_logical3A_757 = arith.constant 7 : i32
        %shift_right_logical3A_758 = arith.shrui %squeeze3A_756, %shift_right_logical3A_757 : i32
        %min3A_759 = arith.constant 780 : i32
        %min3A_760 = arith.minsi %shift_right_logical3A_758, %min3A_759 : i32
        %mul3A_761 = arith.constant 128 : i32
        %mul3A_762 = arith.muli %min3A_760, %mul3A_761 : i32
        %multiple_of3A_763 = tpu.assume_multiple %mul3A_762, 128 : i32
        %dma_start3A_764 = arith.constant 0 : i32
        %dma_start3A_765 = tpu.memref_slice %arg3[%mul3A_26, %dma_start3A_764, %multiple_of3A_763] : memref<26x32x100001xf32, #tpu.memory_space<hbm>> -> memref<1x32x128xf32, #tpu.memory_space<hbm>>
        %dma_start3A_766 = tpu.memref_squeeze %dma_start3A_765 : memref<1x32x128xf32, #tpu.memory_space<hbm>> -> memref<32x128xf32, #tpu.memory_space<hbm>>
        %dma_start3A_767 = arith.constant 0 : i32
        %dma_start3A_768 = tpu.memref_slice %arg3[%mul3A_26, %dma_start3A_767, %multiple_of3A_763] : memref<26x32x100001xf32, #tpu.memory_space<hbm>> -> memref<1x32x128xf32, #tpu.memory_space<hbm>>
        %dma_start3A_769 = tpu.memref_squeeze %dma_start3A_768 : memref<1x32x128xf32, #tpu.memory_space<hbm>> -> memref<32x128xf32, #tpu.memory_space<hbm>>
        tpu.enqueue_dma source(%dma_start3A_769 : memref<32x128xf32, #tpu.memory_space<hbm>>) target(%arg16 : memref<32x128xf32, #tpu.memory_space<vmem>>) target_semaphore(%arg24 : memref<!tpu.dma_semaphore, #tpu.memory_space<semaphore_mem>>)
        %dma_wait3A_770 = arith.constant 0 : i32
        %dma_wait3A_771 = arith.constant 0 : i32
        %dma_wait3A_772 = arith.constant 0 : i32
        %dma_wait3A_773 = tpu.memref_slice %arg3[%dma_wait3A_770, %dma_wait3A_771, %dma_wait3A_772] : memref<26x32x100001xf32, #tpu.memory_space<hbm>> -> memref<1x32x128xf32, #tpu.memory_space<hbm>>
        %dma_wait3A_774 = tpu.memref_squeeze %dma_wait3A_773 : memref<1x32x128xf32, #tpu.memory_space<hbm>> -> memref<32x128xf32, #tpu.memory_space<hbm>>
        %dma_wait3A_775 = arith.constant 0 : i32
        %dma_wait3A_776 = arith.constant 0 : i32
        %dma_wait3A_777 = tpu.memref_slice %arg3[%dma_wait3A_770, %dma_wait3A_775, %dma_wait3A_776] : memref<26x32x100001xf32, #tpu.memory_space<hbm>> -> memref<1x32x128xf32, #tpu.memory_space<hbm>>
        %dma_wait3A_778 = tpu.memref_squeeze %dma_wait3A_777 : memref<1x32x128xf32, #tpu.memory_space<hbm>> -> memref<32x128xf32, #tpu.memory_space<hbm>>
        tpu.wait_dma2 semaphore(%arg25 : memref<!tpu.dma_semaphore, #tpu.memory_space<semaphore_mem>>) src(%dma_wait3A_778 : memref<32x128xf32, #tpu.memory_space<hbm>>) dst(%arg17 : memref<32x128xf32, #tpu.memory_space<vmem>>)
        %slice3A_779 = vector.extract_strided_slice %get3A_462 {offsets = [7], sizes = [1], strides = [1]} : vector<16xi32> to vector<1xi32>
        %squeeze3A_780 = vector.extract %slice3A_779[0] : i32 from vector<1xi32>
        %mul3A_781 = arith.constant 16 : i32
        %mul3A_782 = arith.muli %scan3A_457, %mul3A_781 : i32
        %add3A_783 = arith.constant 7 : i32
        %add3A_784 = arith.addi %mul3A_782, %add3A_783 : i32
        %shift_right_logical3A_785 = arith.constant 7 : i32
        %shift_right_logical3A_786 = arith.shrui %squeeze3A_780, %shift_right_logical3A_785 : i32
        %min3A_787 = arith.constant 780 : i32
        %min3A_788 = arith.minsi %shift_right_logical3A_786, %min3A_787 : i32
        %mul3A_789 = arith.constant 128 : i32
        %mul3A_790 = arith.muli %min3A_788, %mul3A_789 : i32
        %sub3A_791 = arith.subi %squeeze3A_780, %mul3A_790 : i32
        %min3A_792 = arith.constant 127 : i32
        %min3A_793 = arith.minsi %sub3A_791, %min3A_792 : i32
        %broadcast_in_dim3A_794 = vector.broadcast %min3A_793 : i32 to vector<16xi32>
        %broadcast_in_dim3A_795 = vector.broadcast %add3A_784 : i32 to vector<16xi32>
        %gather3A_796 = tpu.vector_load_idx %arg17[%iota3A, %broadcast_in_dim3A_794] : memref<32x128xf32, #tpu.memory_space<vmem>>[vector<16xi32>, vector<16xi32>], vector<16xf32>,
        %gather3A_797 = tpu.vector_load_idx %arg17[%add3A_5, %broadcast_in_dim3A_794] : memref<32x128xf32, #tpu.memory_space<vmem>>[vector<16xi32>, vector<16xi32>], vector<16xf32>,
        tpu.vector_store_idx %arg8[%iota3A, %broadcast_in_dim3A_795], %gather3A_796 : memref<32x128xf32, #tpu.memory_space<vmem>>[vector<16xi32>, vector<16xi32>], vector<16xf32>,
        tpu.vector_store_idx %arg8[%add3A_5, %broadcast_in_dim3A_795], %gather3A_797 : memref<32x128xf32, #tpu.memory_space<vmem>>[vector<16xi32>, vector<16xi32>], vector<16xf32>,
        %slice3A_798 = vector.extract_strided_slice %get3A_462 {offsets = [15], sizes = [1], strides = [1]} : vector<16xi32> to vector<1xi32>
        %squeeze3A_799 = vector.extract %slice3A_798[0] : i32 from vector<1xi32>
        %shift_right_logical3A_800 = arith.constant 7 : i32
        %shift_right_logical3A_801 = arith.shrui %squeeze3A_799, %shift_right_logical3A_800 : i32
        %min3A_802 = arith.constant 780 : i32
        %min3A_803 = arith.minsi %shift_right_logical3A_801, %min3A_802 : i32
        %mul3A_804 = arith.constant 128 : i32
        %mul3A_805 = arith.muli %min3A_803, %mul3A_804 : i32
        %multiple_of3A_806 = tpu.assume_multiple %mul3A_805, 128 : i32
        %dma_start3A_807 = arith.constant 0 : i32
        %dma_start3A_808 = tpu.memref_slice %arg3[%mul3A_26, %dma_start3A_807, %multiple_of3A_806] : memref<26x32x100001xf32, #tpu.memory_space<hbm>> -> memref<1x32x128xf32, #tpu.memory_space<hbm>>
        %dma_start3A_809 = tpu.memref_squeeze %dma_start3A_808 : memref<1x32x128xf32, #tpu.memory_space<hbm>> -> memref<32x128xf32, #tpu.memory_space<hbm>>
        %dma_start3A_810 = arith.constant 0 : i32
        %dma_start3A_811 = tpu.memref_slice %arg3[%mul3A_26, %dma_start3A_810, %multiple_of3A_806] : memref<26x32x100001xf32, #tpu.memory_space<hbm>> -> memref<1x32x128xf32, #tpu.memory_space<hbm>>
        %dma_start3A_812 = tpu.memref_squeeze %dma_start3A_811 : memref<1x32x128xf32, #tpu.memory_space<hbm>> -> memref<32x128xf32, #tpu.memory_space<hbm>>
        tpu.enqueue_dma source(%dma_start3A_812 : memref<32x128xf32, #tpu.memory_space<hbm>>) target(%arg17 : memref<32x128xf32, #tpu.memory_space<vmem>>) target_semaphore(%arg25 : memref<!tpu.dma_semaphore, #tpu.memory_space<semaphore_mem>>)
        %dma_wait3A_813 = arith.constant 0 : i32
        %dma_wait3A_814 = arith.constant 0 : i32
        %dma_wait3A_815 = arith.constant 0 : i32
        %dma_wait3A_816 = tpu.memref_slice %arg3[%dma_wait3A_813, %dma_wait3A_814, %dma_wait3A_815] : memref<26x32x100001xf32, #tpu.memory_space<hbm>> -> memref<1x32x128xf32, #tpu.memory_space<hbm>>
        %dma_wait3A_817 = tpu.memref_squeeze %dma_wait3A_816 : memref<1x32x128xf32, #tpu.memory_space<hbm>> -> memref<32x128xf32, #tpu.memory_space<hbm>>
        %dma_wait3A_818 = arith.constant 0 : i32
        %dma_wait3A_819 = arith.constant 0 : i32
        %dma_wait3A_820 = tpu.memref_slice %arg3[%dma_wait3A_813, %dma_wait3A_818, %dma_wait3A_819] : memref<26x32x100001xf32, #tpu.memory_space<hbm>> -> memref<1x32x128xf32, #tpu.memory_space<hbm>>
        %dma_wait3A_821 = tpu.memref_squeeze %dma_wait3A_820 : memref<1x32x128xf32, #tpu.memory_space<hbm>> -> memref<32x128xf32, #tpu.memory_space<hbm>>
        tpu.wait_dma2 semaphore(%arg18 : memref<!tpu.dma_semaphore, #tpu.memory_space<semaphore_mem>>) src(%dma_wait3A_821 : memref<32x128xf32, #tpu.memory_space<hbm>>) dst(%arg10 : memref<32x128xf32, #tpu.memory_space<vmem>>)
        %slice3A_822 = vector.extract_strided_slice %get3A_462 {offsets = [8], sizes = [1], strides = [1]} : vector<16xi32> to vector<1xi32>
        %squeeze3A_823 = vector.extract %slice3A_822[0] : i32 from vector<1xi32>
        %mul3A_824 = arith.constant 16 : i32
        %mul3A_825 = arith.muli %scan3A_457, %mul3A_824 : i32
        %add3A_826 = arith.constant 8 : i32
        %add3A_827 = arith.addi %mul3A_825, %add3A_826 : i32
        %add3A_828 = arith.constant 0 : i32
        %add3A_829 = arith.addi %add3A_827, %add3A_828 : i32
        %shift_right_logical3A_830 = arith.constant 7 : i32
        %shift_right_logical3A_831 = arith.shrui %squeeze3A_823, %shift_right_logical3A_830 : i32
        %min3A_832 = arith.constant 780 : i32
        %min3A_833 = arith.minsi %shift_right_logical3A_831, %min3A_832 : i32
        %mul3A_834 = arith.constant 128 : i32
        %mul3A_835 = arith.muli %min3A_833, %mul3A_834 : i32
        %sub3A_836 = arith.subi %squeeze3A_823, %mul3A_835 : i32
        %min3A_837 = arith.constant 127 : i32
        %min3A_838 = arith.minsi %sub3A_836, %min3A_837 : i32
        %broadcast_in_dim3A_839 = vector.broadcast %min3A_838 : i32 to vector<16xi32>
        %broadcast_in_dim3A_840 = vector.broadcast %add3A_829 : i32 to vector<16xi32>
        %gather3A_841 = tpu.vector_load_idx %arg10[%iota3A, %broadcast_in_dim3A_839] : memref<32x128xf32, #tpu.memory_space<vmem>>[vector<16xi32>, vector<16xi32>], vector<16xf32>,
        %gather3A_842 = tpu.vector_load_idx %arg10[%add3A_5, %broadcast_in_dim3A_839] : memref<32x128xf32, #tpu.memory_space<vmem>>[vector<16xi32>, vector<16xi32>], vector<16xf32>,
        tpu.vector_store_idx %arg8[%iota3A, %broadcast_in_dim3A_840], %gather3A_841 : memref<32x128xf32, #tpu.memory_space<vmem>>[vector<16xi32>, vector<16xi32>], vector<16xf32>,
        tpu.vector_store_idx %arg8[%add3A_5, %broadcast_in_dim3A_840], %gather3A_842 : memref<32x128xf32, #tpu.memory_space<vmem>>[vector<16xi32>, vector<16xi32>], vector<16xf32>,
        %slice3A_843 = vector.extract_strided_slice %get3A_471 {offsets = [0], sizes = [1], strides = [1]} : vector<16xi32> to vector<1xi32>
        %squeeze3A_844 = vector.extract %slice3A_843[0] : i32 from vector<1xi32>
        %shift_right_logical3A_845 = arith.constant 7 : i32
        %shift_right_logical3A_846 = arith.shrui %squeeze3A_844, %shift_right_logical3A_845 : i32
        %min3A_847 = arith.constant 780 : i32
        %min3A_848 = arith.minsi %shift_right_logical3A_846, %min3A_847 : i32
        %mul3A_849 = arith.constant 128 : i32
        %mul3A_850 = arith.muli %min3A_848, %mul3A_849 : i32
        %multiple_of3A_851 = tpu.assume_multiple %mul3A_850, 128 : i32
        %dma_start3A_852 = arith.constant 0 : i32
        %dma_start3A_853 = tpu.memref_slice %arg3[%mul3A_26, %dma_start3A_852, %multiple_of3A_851] : memref<26x32x100001xf32, #tpu.memory_space<hbm>> -> memref<1x32x128xf32, #tpu.memory_space<hbm>>
        %dma_start3A_854 = tpu.memref_squeeze %dma_start3A_853 : memref<1x32x128xf32, #tpu.memory_space<hbm>> -> memref<32x128xf32, #tpu.memory_space<hbm>>
        %dma_start3A_855 = arith.constant 0 : i32
        %dma_start3A_856 = tpu.memref_slice %arg3[%mul3A_26, %dma_start3A_855, %multiple_of3A_851] : memref<26x32x100001xf32, #tpu.memory_space<hbm>> -> memref<1x32x128xf32, #tpu.memory_space<hbm>>
        %dma_start3A_857 = tpu.memref_squeeze %dma_start3A_856 : memref<1x32x128xf32, #tpu.memory_space<hbm>> -> memref<32x128xf32, #tpu.memory_space<hbm>>
        tpu.enqueue_dma source(%dma_start3A_857 : memref<32x128xf32, #tpu.memory_space<hbm>>) target(%arg10 : memref<32x128xf32, #tpu.memory_space<vmem>>) target_semaphore(%arg18 : memref<!tpu.dma_semaphore, #tpu.memory_space<semaphore_mem>>)
        %dma_wait3A_858 = arith.constant 0 : i32
        %dma_wait3A_859 = arith.constant 0 : i32
        %dma_wait3A_860 = arith.constant 0 : i32
        %dma_wait3A_861 = tpu.memref_slice %arg3[%dma_wait3A_858, %dma_wait3A_859, %dma_wait3A_860] : memref<26x32x100001xf32, #tpu.memory_space<hbm>> -> memref<1x32x128xf32, #tpu.memory_space<hbm>>
        %dma_wait3A_862 = tpu.memref_squeeze %dma_wait3A_861 : memref<1x32x128xf32, #tpu.memory_space<hbm>> -> memref<32x128xf32, #tpu.memory_space<hbm>>
        %dma_wait3A_863 = arith.constant 0 : i32
        %dma_wait3A_864 = arith.constant 0 : i32
        %dma_wait3A_865 = tpu.memref_slice %arg3[%dma_wait3A_858, %dma_wait3A_863, %dma_wait3A_864] : memref<26x32x100001xf32, #tpu.memory_space<hbm>> -> memref<1x32x128xf32, #tpu.memory_space<hbm>>
        %dma_wait3A_866 = tpu.memref_squeeze %dma_wait3A_865 : memref<1x32x128xf32, #tpu.memory_space<hbm>> -> memref<32x128xf32, #tpu.memory_space<hbm>>
        tpu.wait_dma2 semaphore(%arg19 : memref<!tpu.dma_semaphore, #tpu.memory_space<semaphore_mem>>) src(%dma_wait3A_866 : memref<32x128xf32, #tpu.memory_space<hbm>>) dst(%arg11 : memref<32x128xf32, #tpu.memory_space<vmem>>)
        %slice3A_867 = vector.extract_strided_slice %get3A_462 {offsets = [9], sizes = [1], strides = [1]} : vector<16xi32> to vector<1xi32>
        %squeeze3A_868 = vector.extract %slice3A_867[0] : i32 from vector<1xi32>
        %mul3A_869 = arith.constant 16 : i32
        %mul3A_870 = arith.muli %scan3A_457, %mul3A_869 : i32
        %add3A_871 = arith.constant 8 : i32
        %add3A_872 = arith.addi %mul3A_870, %add3A_871 : i32
        %add3A_873 = arith.constant 1 : i32
        %add3A_874 = arith.addi %add3A_872, %add3A_873 : i32
        %shift_right_logical3A_875 = arith.constant 7 : i32
        %shift_right_logical3A_876 = arith.shrui %squeeze3A_868, %shift_right_logical3A_875 : i32
        %min3A_877 = arith.constant 780 : i32
        %min3A_878 = arith.minsi %shift_right_logical3A_876, %min3A_877 : i32
        %mul3A_879 = arith.constant 128 : i32
        %mul3A_880 = arith.muli %min3A_878, %mul3A_879 : i32
        %sub3A_881 = arith.subi %squeeze3A_868, %mul3A_880 : i32
        %min3A_882 = arith.constant 127 : i32
        %min3A_883 = arith.minsi %sub3A_881, %min3A_882 : i32
        %broadcast_in_dim3A_884 = vector.broadcast %min3A_883 : i32 to vector<16xi32>
        %broadcast_in_dim3A_885 = vector.broadcast %add3A_874 : i32 to vector<16xi32>
        %gather3A_886 = tpu.vector_load_idx %arg11[%iota3A, %broadcast_in_dim3A_884] : memref<32x128xf32, #tpu.memory_space<vmem>>[vector<16xi32>, vector<16xi32>], vector<16xf32>,
        %gather3A_887 = tpu.vector_load_idx %arg11[%add3A_5, %broadcast_in_dim3A_884] : memref<32x128xf32, #tpu.memory_space<vmem>>[vector<16xi32>, vector<16xi32>], vector<16xf32>,
        tpu.vector_store_idx %arg8[%iota3A, %broadcast_in_dim3A_885], %gather3A_886 : memref<32x128xf32, #tpu.memory_space<vmem>>[vector<16xi32>, vector<16xi32>], vector<16xf32>,
        tpu.vector_store_idx %arg8[%add3A_5, %broadcast_in_dim3A_885], %gather3A_887 : memref<32x128xf32, #tpu.memory_space<vmem>>[vector<16xi32>, vector<16xi32>], vector<16xf32>,
        %slice3A_888 = vector.extract_strided_slice %get3A_471 {offsets = [1], sizes = [1], strides = [1]} : vector<16xi32> to vector<1xi32>
        %squeeze3A_889 = vector.extract %slice3A_888[0] : i32 from vector<1xi32>
        %shift_right_logical3A_890 = arith.constant 7 : i32
        %shift_right_logical3A_891 = arith.shrui %squeeze3A_889, %shift_right_logical3A_890 : i32
        %min3A_892 = arith.constant 780 : i32
        %min3A_893 = arith.minsi %shift_right_logical3A_891, %min3A_892 : i32
        %mul3A_894 = arith.constant 128 : i32
        %mul3A_895 = arith.muli %min3A_893, %mul3A_894 : i32
        %multiple_of3A_896 = tpu.assume_multiple %mul3A_895, 128 : i32
        %dma_start3A_897 = arith.constant 0 : i32
        %dma_start3A_898 = tpu.memref_slice %arg3[%mul3A_26, %dma_start3A_897, %multiple_of3A_896] : memref<26x32x100001xf32, #tpu.memory_space<hbm>> -> memref<1x32x128xf32, #tpu.memory_space<hbm>>
        %dma_start3A_899 = tpu.memref_squeeze %dma_start3A_898 : memref<1x32x128xf32, #tpu.memory_space<hbm>> -> memref<32x128xf32, #tpu.memory_space<hbm>>
        %dma_start3A_900 = arith.constant 0 : i32
        %dma_start3A_901 = tpu.memref_slice %arg3[%mul3A_26, %dma_start3A_900, %multiple_of3A_896] : memref<26x32x100001xf32, #tpu.memory_space<hbm>> -> memref<1x32x128xf32, #tpu.memory_space<hbm>>
        %dma_start3A_902 = tpu.memref_squeeze %dma_start3A_901 : memref<1x32x128xf32, #tpu.memory_space<hbm>> -> memref<32x128xf32, #tpu.memory_space<hbm>>
        tpu.enqueue_dma source(%dma_start3A_902 : memref<32x128xf32, #tpu.memory_space<hbm>>) target(%arg11 : memref<32x128xf32, #tpu.memory_space<vmem>>) target_semaphore(%arg19 : memref<!tpu.dma_semaphore, #tpu.memory_space<semaphore_mem>>)
        %dma_wait3A_903 = arith.constant 0 : i32
        %dma_wait3A_904 = arith.constant 0 : i32
        %dma_wait3A_905 = arith.constant 0 : i32
        %dma_wait3A_906 = tpu.memref_slice %arg3[%dma_wait3A_903, %dma_wait3A_904, %dma_wait3A_905] : memref<26x32x100001xf32, #tpu.memory_space<hbm>> -> memref<1x32x128xf32, #tpu.memory_space<hbm>>
        %dma_wait3A_907 = tpu.memref_squeeze %dma_wait3A_906 : memref<1x32x128xf32, #tpu.memory_space<hbm>> -> memref<32x128xf32, #tpu.memory_space<hbm>>
        %dma_wait3A_908 = arith.constant 0 : i32
        %dma_wait3A_909 = arith.constant 0 : i32
        %dma_wait3A_910 = tpu.memref_slice %arg3[%dma_wait3A_903, %dma_wait3A_908, %dma_wait3A_909] : memref<26x32x100001xf32, #tpu.memory_space<hbm>> -> memref<1x32x128xf32, #tpu.memory_space<hbm>>
        %dma_wait3A_911 = tpu.memref_squeeze %dma_wait3A_910 : memref<1x32x128xf32, #tpu.memory_space<hbm>> -> memref<32x128xf32, #tpu.memory_space<hbm>>
        tpu.wait_dma2 semaphore(%arg20 : memref<!tpu.dma_semaphore, #tpu.memory_space<semaphore_mem>>) src(%dma_wait3A_911 : memref<32x128xf32, #tpu.memory_space<hbm>>) dst(%arg12 : memref<32x128xf32, #tpu.memory_space<vmem>>)
        %slice3A_912 = vector.extract_strided_slice %get3A_462 {offsets = [10], sizes = [1], strides = [1]} : vector<16xi32> to vector<1xi32>
        %squeeze3A_913 = vector.extract %slice3A_912[0] : i32 from vector<1xi32>
        %mul3A_914 = arith.constant 16 : i32
        %mul3A_915 = arith.muli %scan3A_457, %mul3A_914 : i32
        %add3A_916 = arith.constant 8 : i32
        %add3A_917 = arith.addi %mul3A_915, %add3A_916 : i32
        %add3A_918 = arith.constant 2 : i32
        %add3A_919 = arith.addi %add3A_917, %add3A_918 : i32
        %shift_right_logical3A_920 = arith.constant 7 : i32
        %shift_right_logical3A_921 = arith.shrui %squeeze3A_913, %shift_right_logical3A_920 : i32
        %min3A_922 = arith.constant 780 : i32
        %min3A_923 = arith.minsi %shift_right_logical3A_921, %min3A_922 : i32
        %mul3A_924 = arith.constant 128 : i32
        %mul3A_925 = arith.muli %min3A_923, %mul3A_924 : i32
        %sub3A_926 = arith.subi %squeeze3A_913, %mul3A_925 : i32
        %min3A_927 = arith.constant 127 : i32
        %min3A_928 = arith.minsi %sub3A_926, %min3A_927 : i32
        %broadcast_in_dim3A_929 = vector.broadcast %min3A_928 : i32 to vector<16xi32>
        %broadcast_in_dim3A_930 = vector.broadcast %add3A_919 : i32 to vector<16xi32>
        %gather3A_931 = tpu.vector_load_idx %arg12[%iota3A, %broadcast_in_dim3A_929] : memref<32x128xf32, #tpu.memory_space<vmem>>[vector<16xi32>, vector<16xi32>], vector<16xf32>,
        %gather3A_932 = tpu.vector_load_idx %arg12[%add3A_5, %broadcast_in_dim3A_929] : memref<32x128xf32, #tpu.memory_space<vmem>>[vector<16xi32>, vector<16xi32>], vector<16xf32>,
        tpu.vector_store_idx %arg8[%iota3A, %broadcast_in_dim3A_930], %gather3A_931 : memref<32x128xf32, #tpu.memory_space<vmem>>[vector<16xi32>, vector<16xi32>], vector<16xf32>,
        tpu.vector_store_idx %arg8[%add3A_5, %broadcast_in_dim3A_930], %gather3A_932 : memref<32x128xf32, #tpu.memory_space<vmem>>[vector<16xi32>, vector<16xi32>], vector<16xf32>,
        %slice3A_933 = vector.extract_strided_slice %get3A_471 {offsets = [2], sizes = [1], strides = [1]} : vector<16xi32> to vector<1xi32>
        %squeeze3A_934 = vector.extract %slice3A_933[0] : i32 from vector<1xi32>
        %shift_right_logical3A_935 = arith.constant 7 : i32
        %shift_right_logical3A_936 = arith.shrui %squeeze3A_934, %shift_right_logical3A_935 : i32
        %min3A_937 = arith.constant 780 : i32
        %min3A_938 = arith.minsi %shift_right_logical3A_936, %min3A_937 : i32
        %mul3A_939 = arith.constant 128 : i32
        %mul3A_940 = arith.muli %min3A_938, %mul3A_939 : i32
        %multiple_of3A_941 = tpu.assume_multiple %mul3A_940, 128 : i32
        %dma_start3A_942 = arith.constant 0 : i32
        %dma_start3A_943 = tpu.memref_slice %arg3[%mul3A_26, %dma_start3A_942, %multiple_of3A_941] : memref<26x32x100001xf32, #tpu.memory_space<hbm>> -> memref<1x32x128xf32, #tpu.memory_space<hbm>>
        %dma_start3A_944 = tpu.memref_squeeze %dma_start3A_943 : memref<1x32x128xf32, #tpu.memory_space<hbm>> -> memref<32x128xf32, #tpu.memory_space<hbm>>
        %dma_start3A_945 = arith.constant 0 : i32
        %dma_start3A_946 = tpu.memref_slice %arg3[%mul3A_26, %dma_start3A_945, %multiple_of3A_941] : memref<26x32x100001xf32, #tpu.memory_space<hbm>> -> memref<1x32x128xf32, #tpu.memory_space<hbm>>
        %dma_start3A_947 = tpu.memref_squeeze %dma_start3A_946 : memref<1x32x128xf32, #tpu.memory_space<hbm>> -> memref<32x128xf32, #tpu.memory_space<hbm>>
        tpu.enqueue_dma source(%dma_start3A_947 : memref<32x128xf32, #tpu.memory_space<hbm>>) target(%arg12 : memref<32x128xf32, #tpu.memory_space<vmem>>) target_semaphore(%arg20 : memref<!tpu.dma_semaphore, #tpu.memory_space<semaphore_mem>>)
        %dma_wait3A_948 = arith.constant 0 : i32
        %dma_wait3A_949 = arith.constant 0 : i32
        %dma_wait3A_950 = arith.constant 0 : i32
        %dma_wait3A_951 = tpu.memref_slice %arg3[%dma_wait3A_948, %dma_wait3A_949, %dma_wait3A_950] : memref<26x32x100001xf32, #tpu.memory_space<hbm>> -> memref<1x32x128xf32, #tpu.memory_space<hbm>>
        %dma_wait3A_952 = tpu.memref_squeeze %dma_wait3A_951 : memref<1x32x128xf32, #tpu.memory_space<hbm>> -> memref<32x128xf32, #tpu.memory_space<hbm>>
        %dma_wait3A_953 = arith.constant 0 : i32
        %dma_wait3A_954 = arith.constant 0 : i32
        %dma_wait3A_955 = tpu.memref_slice %arg3[%dma_wait3A_948, %dma_wait3A_953, %dma_wait3A_954] : memref<26x32x100001xf32, #tpu.memory_space<hbm>> -> memref<1x32x128xf32, #tpu.memory_space<hbm>>
        %dma_wait3A_956 = tpu.memref_squeeze %dma_wait3A_955 : memref<1x32x128xf32, #tpu.memory_space<hbm>> -> memref<32x128xf32, #tpu.memory_space<hbm>>
        tpu.wait_dma2 semaphore(%arg21 : memref<!tpu.dma_semaphore, #tpu.memory_space<semaphore_mem>>) src(%dma_wait3A_956 : memref<32x128xf32, #tpu.memory_space<hbm>>) dst(%arg13 : memref<32x128xf32, #tpu.memory_space<vmem>>)
        %slice3A_957 = vector.extract_strided_slice %get3A_462 {offsets = [11], sizes = [1], strides = [1]} : vector<16xi32> to vector<1xi32>
        %squeeze3A_958 = vector.extract %slice3A_957[0] : i32 from vector<1xi32>
        %mul3A_959 = arith.constant 16 : i32
        %mul3A_960 = arith.muli %scan3A_457, %mul3A_959 : i32
        %add3A_961 = arith.constant 8 : i32
        %add3A_962 = arith.addi %mul3A_960, %add3A_961 : i32
        %add3A_963 = arith.constant 3 : i32
        %add3A_964 = arith.addi %add3A_962, %add3A_963 : i32
        %shift_right_logical3A_965 = arith.constant 7 : i32
        %shift_right_logical3A_966 = arith.shrui %squeeze3A_958, %shift_right_logical3A_965 : i32
        %min3A_967 = arith.constant 780 : i32
        %min3A_968 = arith.minsi %shift_right_logical3A_966, %min3A_967 : i32
        %mul3A_969 = arith.constant 128 : i32
        %mul3A_970 = arith.muli %min3A_968, %mul3A_969 : i32
        %sub3A_971 = arith.subi %squeeze3A_958, %mul3A_970 : i32
        %min3A_972 = arith.constant 127 : i32
        %min3A_973 = arith.minsi %sub3A_971, %min3A_972 : i32
        %broadcast_in_dim3A_974 = vector.broadcast %min3A_973 : i32 to vector<16xi32>
        %broadcast_in_dim3A_975 = vector.broadcast %add3A_964 : i32 to vector<16xi32>
        %gather3A_976 = tpu.vector_load_idx %arg13[%iota3A, %broadcast_in_dim3A_974] : memref<32x128xf32, #tpu.memory_space<vmem>>[vector<16xi32>, vector<16xi32>], vector<16xf32>,
        %gather3A_977 = tpu.vector_load_idx %arg13[%add3A_5, %broadcast_in_dim3A_974] : memref<32x128xf32, #tpu.memory_space<vmem>>[vector<16xi32>, vector<16xi32>], vector<16xf32>,
        tpu.vector_store_idx %arg8[%iota3A, %broadcast_in_dim3A_975], %gather3A_976 : memref<32x128xf32, #tpu.memory_space<vmem>>[vector<16xi32>, vector<16xi32>], vector<16xf32>,
        tpu.vector_store_idx %arg8[%add3A_5, %broadcast_in_dim3A_975], %gather3A_977 : memref<32x128xf32, #tpu.memory_space<vmem>>[vector<16xi32>, vector<16xi32>], vector<16xf32>,
        %slice3A_978 = vector.extract_strided_slice %get3A_471 {offsets = [3], sizes = [1], strides = [1]} : vector<16xi32> to vector<1xi32>
        %squeeze3A_979 = vector.extract %slice3A_978[0] : i32 from vector<1xi32>
        %shift_right_logical3A_980 = arith.constant 7 : i32
        %shift_right_logical3A_981 = arith.shrui %squeeze3A_979, %shift_right_logical3A_980 : i32
        %min3A_982 = arith.constant 780 : i32
        %min3A_983 = arith.minsi %shift_right_logical3A_981, %min3A_982 : i32
        %mul3A_984 = arith.constant 128 : i32
        %mul3A_985 = arith.muli %min3A_983, %mul3A_984 : i32
        %multiple_of3A_986 = tpu.assume_multiple %mul3A_985, 128 : i32
        %dma_start3A_987 = arith.constant 0 : i32
        %dma_start3A_988 = tpu.memref_slice %arg3[%mul3A_26, %dma_start3A_987, %multiple_of3A_986] : memref<26x32x100001xf32, #tpu.memory_space<hbm>> -> memref<1x32x128xf32, #tpu.memory_space<hbm>>
        %dma_start3A_989 = tpu.memref_squeeze %dma_start3A_988 : memref<1x32x128xf32, #tpu.memory_space<hbm>> -> memref<32x128xf32, #tpu.memory_space<hbm>>
        %dma_start3A_990 = arith.constant 0 : i32
        %dma_start3A_991 = tpu.memref_slice %arg3[%mul3A_26, %dma_start3A_990, %multiple_of3A_986] : memref<26x32x100001xf32, #tpu.memory_space<hbm>> -> memref<1x32x128xf32, #tpu.memory_space<hbm>>
        %dma_start3A_992 = tpu.memref_squeeze %dma_start3A_991 : memref<1x32x128xf32, #tpu.memory_space<hbm>> -> memref<32x128xf32, #tpu.memory_space<hbm>>
        tpu.enqueue_dma source(%dma_start3A_992 : memref<32x128xf32, #tpu.memory_space<hbm>>) target(%arg13 : memref<32x128xf32, #tpu.memory_space<vmem>>) target_semaphore(%arg21 : memref<!tpu.dma_semaphore, #tpu.memory_space<semaphore_mem>>)
        %dma_wait3A_993 = arith.constant 0 : i32
        %dma_wait3A_994 = arith.constant 0 : i32
        %dma_wait3A_995 = arith.constant 0 : i32
        %dma_wait3A_996 = tpu.memref_slice %arg3[%dma_wait3A_993, %dma_wait3A_994, %dma_wait3A_995] : memref<26x32x100001xf32, #tpu.memory_space<hbm>> -> memref<1x32x128xf32, #tpu.memory_space<hbm>>
        %dma_wait3A_997 = tpu.memref_squeeze %dma_wait3A_996 : memref<1x32x128xf32, #tpu.memory_space<hbm>> -> memref<32x128xf32, #tpu.memory_space<hbm>>
        %dma_wait3A_998 = arith.constant 0 : i32
        %dma_wait3A_999 = arith.constant 0 : i32
        %dma_wait3A_1000 = tpu.memref_slice %arg3[%dma_wait3A_993, %dma_wait3A_998, %dma_wait3A_999] : memref<26x32x100001xf32, #tpu.memory_space<hbm>> -> memref<1x32x128xf32, #tpu.memory_space<hbm>>
        %dma_wait3A_1001 = tpu.memref_squeeze %dma_wait3A_1000 : memref<1x32x128xf32, #tpu.memory_space<hbm>> -> memref<32x128xf32, #tpu.memory_space<hbm>>
        tpu.wait_dma2 semaphore(%arg22 : memref<!tpu.dma_semaphore, #tpu.memory_space<semaphore_mem>>) src(%dma_wait3A_1001 : memref<32x128xf32, #tpu.memory_space<hbm>>) dst(%arg14 : memref<32x128xf32, #tpu.memory_space<vmem>>)
        %slice3A_1002 = vector.extract_strided_slice %get3A_462 {offsets = [12], sizes = [1], strides = [1]} : vector<16xi32> to vector<1xi32>
        %squeeze3A_1003 = vector.extract %slice3A_1002[0] : i32 from vector<1xi32>
        %mul3A_1004 = arith.constant 16 : i32
        %mul3A_1005 = arith.muli %scan3A_457, %mul3A_1004 : i32
        %add3A_1006 = arith.constant 8 : i32
        %add3A_1007 = arith.addi %mul3A_1005, %add3A_1006 : i32
        %add3A_1008 = arith.constant 4 : i32
        %add3A_1009 = arith.addi %add3A_1007, %add3A_1008 : i32
        %shift_right_logical3A_1010 = arith.constant 7 : i32
        %shift_right_logical3A_1011 = arith.shrui %squeeze3A_1003, %shift_right_logical3A_1010 : i32
        %min3A_1012 = arith.constant 780 : i32
        %min3A_1013 = arith.minsi %shift_right_logical3A_1011, %min3A_1012 : i32
        %mul3A_1014 = arith.constant 128 : i32
        %mul3A_1015 = arith.muli %min3A_1013, %mul3A_1014 : i32
        %sub3A_1016 = arith.subi %squeeze3A_1003, %mul3A_1015 : i32
        %min3A_1017 = arith.constant 127 : i32
        %min3A_1018 = arith.minsi %sub3A_1016, %min3A_1017 : i32
        %broadcast_in_dim3A_1019 = vector.broadcast %min3A_1018 : i32 to vector<16xi32>
        %broadcast_in_dim3A_1020 = vector.broadcast %add3A_1009 : i32 to vector<16xi32>
        %gather3A_1021 = tpu.vector_load_idx %arg14[%iota3A, %broadcast_in_dim3A_1019] : memref<32x128xf32, #tpu.memory_space<vmem>>[vector<16xi32>, vector<16xi32>], vector<16xf32>,
        %gather3A_1022 = tpu.vector_load_idx %arg14[%add3A_5, %broadcast_in_dim3A_1019] : memref<32x128xf32, #tpu.memory_space<vmem>>[vector<16xi32>, vector<16xi32>], vector<16xf32>,
        tpu.vector_store_idx %arg8[%iota3A, %broadcast_in_dim3A_1020], %gather3A_1021 : memref<32x128xf32, #tpu.memory_space<vmem>>[vector<16xi32>, vector<16xi32>], vector<16xf32>,
        tpu.vector_store_idx %arg8[%add3A_5, %broadcast_in_dim3A_1020], %gather3A_1022 : memref<32x128xf32, #tpu.memory_space<vmem>>[vector<16xi32>, vector<16xi32>], vector<16xf32>,
        %slice3A_1023 = vector.extract_strided_slice %get3A_471 {offsets = [4], sizes = [1], strides = [1]} : vector<16xi32> to vector<1xi32>
        %squeeze3A_1024 = vector.extract %slice3A_1023[0] : i32 from vector<1xi32>
        %shift_right_logical3A_1025 = arith.constant 7 : i32
        %shift_right_logical3A_1026 = arith.shrui %squeeze3A_1024, %shift_right_logical3A_1025 : i32
        %min3A_1027 = arith.constant 780 : i32
        %min3A_1028 = arith.minsi %shift_right_logical3A_1026, %min3A_1027 : i32
        %mul3A_1029 = arith.constant 128 : i32
        %mul3A_1030 = arith.muli %min3A_1028, %mul3A_1029 : i32
        %multiple_of3A_1031 = tpu.assume_multiple %mul3A_1030, 128 : i32
        %dma_start3A_1032 = arith.constant 0 : i32
        %dma_start3A_1033 = tpu.memref_slice %arg3[%mul3A_26, %dma_start3A_1032, %multiple_of3A_1031] : memref<26x32x100001xf32, #tpu.memory_space<hbm>> -> memref<1x32x128xf32, #tpu.memory_space<hbm>>
        %dma_start3A_1034 = tpu.memref_squeeze %dma_start3A_1033 : memref<1x32x128xf32, #tpu.memory_space<hbm>> -> memref<32x128xf32, #tpu.memory_space<hbm>>
        %dma_start3A_1035 = arith.constant 0 : i32
        %dma_start3A_1036 = tpu.memref_slice %arg3[%mul3A_26, %dma_start3A_1035, %multiple_of3A_1031] : memref<26x32x100001xf32, #tpu.memory_space<hbm>> -> memref<1x32x128xf32, #tpu.memory_space<hbm>>
        %dma_start3A_1037 = tpu.memref_squeeze %dma_start3A_1036 : memref<1x32x128xf32, #tpu.memory_space<hbm>> -> memref<32x128xf32, #tpu.memory_space<hbm>>
        tpu.enqueue_dma source(%dma_start3A_1037 : memref<32x128xf32, #tpu.memory_space<hbm>>) target(%arg14 : memref<32x128xf32, #tpu.memory_space<vmem>>) target_semaphore(%arg22 : memref<!tpu.dma_semaphore, #tpu.memory_space<semaphore_mem>>)
        %dma_wait3A_1038 = arith.constant 0 : i32
        %dma_wait3A_1039 = arith.constant 0 : i32
        %dma_wait3A_1040 = arith.constant 0 : i32
        %dma_wait3A_1041 = tpu.memref_slice %arg3[%dma_wait3A_1038, %dma_wait3A_1039, %dma_wait3A_1040] : memref<26x32x100001xf32, #tpu.memory_space<hbm>> -> memref<1x32x128xf32, #tpu.memory_space<hbm>>
        %dma_wait3A_1042 = tpu.memref_squeeze %dma_wait3A_1041 : memref<1x32x128xf32, #tpu.memory_space<hbm>> -> memref<32x128xf32, #tpu.memory_space<hbm>>
        %dma_wait3A_1043 = arith.constant 0 : i32
        %dma_wait3A_1044 = arith.constant 0 : i32
        %dma_wait3A_1045 = tpu.memref_slice %arg3[%dma_wait3A_1038, %dma_wait3A_1043, %dma_wait3A_1044] : memref<26x32x100001xf32, #tpu.memory_space<hbm>> -> memref<1x32x128xf32, #tpu.memory_space<hbm>>
        %dma_wait3A_1046 = tpu.memref_squeeze %dma_wait3A_1045 : memref<1x32x128xf32, #tpu.memory_space<hbm>> -> memref<32x128xf32, #tpu.memory_space<hbm>>
        tpu.wait_dma2 semaphore(%arg23 : memref<!tpu.dma_semaphore, #tpu.memory_space<semaphore_mem>>) src(%dma_wait3A_1046 : memref<32x128xf32, #tpu.memory_space<hbm>>) dst(%arg15 : memref<32x128xf32, #tpu.memory_space<vmem>>)
        %slice3A_1047 = vector.extract_strided_slice %get3A_462 {offsets = [13], sizes = [1], strides = [1]} : vector<16xi32> to vector<1xi32>
        %squeeze3A_1048 = vector.extract %slice3A_1047[0] : i32 from vector<1xi32>
        %mul3A_1049 = arith.constant 16 : i32
        %mul3A_1050 = arith.muli %scan3A_457, %mul3A_1049 : i32
        %add3A_1051 = arith.constant 8 : i32
        %add3A_1052 = arith.addi %mul3A_1050, %add3A_1051 : i32
        %add3A_1053 = arith.constant 5 : i32
        %add3A_1054 = arith.addi %add3A_1052, %add3A_1053 : i32
        %shift_right_logical3A_1055 = arith.constant 7 : i32
        %shift_right_logical3A_1056 = arith.shrui %squeeze3A_1048, %shift_right_logical3A_1055 : i32
        %min3A_1057 = arith.constant 780 : i32
        %min3A_1058 = arith.minsi %shift_right_logical3A_1056, %min3A_1057 : i32
        %mul3A_1059 = arith.constant 128 : i32
        %mul3A_1060 = arith.muli %min3A_1058, %mul3A_1059 : i32
        %sub3A_1061 = arith.subi %squeeze3A_1048, %mul3A_1060 : i32
        %min3A_1062 = arith.constant 127 : i32
        %min3A_1063 = arith.minsi %sub3A_1061, %min3A_1062 : i32
        %broadcast_in_dim3A_1064 = vector.broadcast %min3A_1063 : i32 to vector<16xi32>
        %broadcast_in_dim3A_1065 = vector.broadcast %add3A_1054 : i32 to vector<16xi32>
        %gather3A_1066 = tpu.vector_load_idx %arg15[%iota3A, %broadcast_in_dim3A_1064] : memref<32x128xf32, #tpu.memory_space<vmem>>[vector<16xi32>, vector<16xi32>], vector<16xf32>,
        %gather3A_1067 = tpu.vector_load_idx %arg15[%add3A_5, %broadcast_in_dim3A_1064] : memref<32x128xf32, #tpu.memory_space<vmem>>[vector<16xi32>, vector<16xi32>], vector<16xf32>,
        tpu.vector_store_idx %arg8[%iota3A, %broadcast_in_dim3A_1065], %gather3A_1066 : memref<32x128xf32, #tpu.memory_space<vmem>>[vector<16xi32>, vector<16xi32>], vector<16xf32>,
        tpu.vector_store_idx %arg8[%add3A_5, %broadcast_in_dim3A_1065], %gather3A_1067 : memref<32x128xf32, #tpu.memory_space<vmem>>[vector<16xi32>, vector<16xi32>], vector<16xf32>,
        %slice3A_1068 = vector.extract_strided_slice %get3A_471 {offsets = [5], sizes = [1], strides = [1]} : vector<16xi32> to vector<1xi32>
        %squeeze3A_1069 = vector.extract %slice3A_1068[0] : i32 from vector<1xi32>
        %shift_right_logical3A_1070 = arith.constant 7 : i32
        %shift_right_logical3A_1071 = arith.shrui %squeeze3A_1069, %shift_right_logical3A_1070 : i32
        %min3A_1072 = arith.constant 780 : i32
        %min3A_1073 = arith.minsi %shift_right_logical3A_1071, %min3A_1072 : i32
        %mul3A_1074 = arith.constant 128 : i32
        %mul3A_1075 = arith.muli %min3A_1073, %mul3A_1074 : i32
        %multiple_of3A_1076 = tpu.assume_multiple %mul3A_1075, 128 : i32
        %dma_start3A_1077 = arith.constant 0 : i32
        %dma_start3A_1078 = tpu.memref_slice %arg3[%mul3A_26, %dma_start3A_1077, %multiple_of3A_1076] : memref<26x32x100001xf32, #tpu.memory_space<hbm>> -> memref<1x32x128xf32, #tpu.memory_space<hbm>>
        %dma_start3A_1079 = tpu.memref_squeeze %dma_start3A_1078 : memref<1x32x128xf32, #tpu.memory_space<hbm>> -> memref<32x128xf32, #tpu.memory_space<hbm>>
        %dma_start3A_1080 = arith.constant 0 : i32
        %dma_start3A_1081 = tpu.memref_slice %arg3[%mul3A_26, %dma_start3A_1080, %multiple_of3A_1076] : memref<26x32x100001xf32, #tpu.memory_space<hbm>> -> memref<1x32x128xf32, #tpu.memory_space<hbm>>
        %dma_start3A_1082 = tpu.memref_squeeze %dma_start3A_1081 : memref<1x32x128xf32, #tpu.memory_space<hbm>> -> memref<32x128xf32, #tpu.memory_space<hbm>>
        tpu.enqueue_dma source(%dma_start3A_1082 : memref<32x128xf32, #tpu.memory_space<hbm>>) target(%arg15 : memref<32x128xf32, #tpu.memory_space<vmem>>) target_semaphore(%arg23 : memref<!tpu.dma_semaphore, #tpu.memory_space<semaphore_mem>>)
        %dma_wait3A_1083 = arith.constant 0 : i32
        %dma_wait3A_1084 = arith.constant 0 : i32
        %dma_wait3A_1085 = arith.constant 0 : i32
        %dma_wait3A_1086 = tpu.memref_slice %arg3[%dma_wait3A_1083, %dma_wait3A_1084, %dma_wait3A_1085] : memref<26x32x100001xf32, #tpu.memory_space<hbm>> -> memref<1x32x128xf32, #tpu.memory_space<hbm>>
        %dma_wait3A_1087 = tpu.memref_squeeze %dma_wait3A_1086 : memref<1x32x128xf32, #tpu.memory_space<hbm>> -> memref<32x128xf32, #tpu.memory_space<hbm>>
        %dma_wait3A_1088 = arith.constant 0 : i32
        %dma_wait3A_1089 = arith.constant 0 : i32
        %dma_wait3A_1090 = tpu.memref_slice %arg3[%dma_wait3A_1083, %dma_wait3A_1088, %dma_wait3A_1089] : memref<26x32x100001xf32, #tpu.memory_space<hbm>> -> memref<1x32x128xf32, #tpu.memory_space<hbm>>
        %dma_wait3A_1091 = tpu.memref_squeeze %dma_wait3A_1090 : memref<1x32x128xf32, #tpu.memory_space<hbm>> -> memref<32x128xf32, #tpu.memory_space<hbm>>
        tpu.wait_dma2 semaphore(%arg24 : memref<!tpu.dma_semaphore, #tpu.memory_space<semaphore_mem>>) src(%dma_wait3A_1091 : memref<32x128xf32, #tpu.memory_space<hbm>>) dst(%arg16 : memref<32x128xf32, #tpu.memory_space<vmem>>)
        %slice3A_1092 = vector.extract_strided_slice %get3A_462 {offsets = [14], sizes = [1], strides = [1]} : vector<16xi32> to vector<1xi32>
        %squeeze3A_1093 = vector.extract %slice3A_1092[0] : i32 from vector<1xi32>
        %mul3A_1094 = arith.constant 16 : i32
        %mul3A_1095 = arith.muli %scan3A_457, %mul3A_1094 : i32
        %add3A_1096 = arith.constant 8 : i32
        %add3A_1097 = arith.addi %mul3A_1095, %add3A_1096 : i32
        %add3A_1098 = arith.constant 6 : i32
        %add3A_1099 = arith.addi %add3A_1097, %add3A_1098 : i32
        %shift_right_logical3A_1100 = arith.constant 7 : i32
        %shift_right_logical3A_1101 = arith.shrui %squeeze3A_1093, %shift_right_logical3A_1100 : i32
        %min3A_1102 = arith.constant 780 : i32
        %min3A_1103 = arith.minsi %shift_right_logical3A_1101, %min3A_1102 : i32
        %mul3A_1104 = arith.constant 128 : i32
        %mul3A_1105 = arith.muli %min3A_1103, %mul3A_1104 : i32
        %sub3A_1106 = arith.subi %squeeze3A_1093, %mul3A_1105 : i32
        %min3A_1107 = arith.constant 127 : i32
        %min3A_1108 = arith.minsi %sub3A_1106, %min3A_1107 : i32
        %broadcast_in_dim3A_1109 = vector.broadcast %min3A_1108 : i32 to vector<16xi32>
        %broadcast_in_dim3A_1110 = vector.broadcast %add3A_1099 : i32 to vector<16xi32>
        %gather3A_1111 = tpu.vector_load_idx %arg16[%iota3A, %broadcast_in_dim3A_1109] : memref<32x128xf32, #tpu.memory_space<vmem>>[vector<16xi32>, vector<16xi32>], vector<16xf32>,
        %gather3A_1112 = tpu.vector_load_idx %arg16[%add3A_5, %broadcast_in_dim3A_1109] : memref<32x128xf32, #tpu.memory_space<vmem>>[vector<16xi32>, vector<16xi32>], vector<16xf32>,
        tpu.vector_store_idx %arg8[%iota3A, %broadcast_in_dim3A_1110], %gather3A_1111 : memref<32x128xf32, #tpu.memory_space<vmem>>[vector<16xi32>, vector<16xi32>], vector<16xf32>,
        tpu.vector_store_idx %arg8[%add3A_5, %broadcast_in_dim3A_1110], %gather3A_1112 : memref<32x128xf32, #tpu.memory_space<vmem>>[vector<16xi32>, vector<16xi32>], vector<16xf32>,
        %slice3A_1113 = vector.extract_strided_slice %get3A_471 {offsets = [6], sizes = [1], strides = [1]} : vector<16xi32> to vector<1xi32>
        %squeeze3A_1114 = vector.extract %slice3A_1113[0] : i32 from vector<1xi32>
        %shift_right_logical3A_1115 = arith.constant 7 : i32
        %shift_right_logical3A_1116 = arith.shrui %squeeze3A_1114, %shift_right_logical3A_1115 : i32
        %min3A_1117 = arith.constant 780 : i32
        %min3A_1118 = arith.minsi %shift_right_logical3A_1116, %min3A_1117 : i32
        %mul3A_1119 = arith.constant 128 : i32
        %mul3A_1120 = arith.muli %min3A_1118, %mul3A_1119 : i32
        %multiple_of3A_1121 = tpu.assume_multiple %mul3A_1120, 128 : i32
        %dma_start3A_1122 = arith.constant 0 : i32
        %dma_start3A_1123 = tpu.memref_slice %arg3[%mul3A_26, %dma_start3A_1122, %multiple_of3A_1121] : memref<26x32x100001xf32, #tpu.memory_space<hbm>> -> memref<1x32x128xf32, #tpu.memory_space<hbm>>
        %dma_start3A_1124 = tpu.memref_squeeze %dma_start3A_1123 : memref<1x32x128xf32, #tpu.memory_space<hbm>> -> memref<32x128xf32, #tpu.memory_space<hbm>>
        %dma_start3A_1125 = arith.constant 0 : i32
        %dma_start3A_1126 = tpu.memref_slice %arg3[%mul3A_26, %dma_start3A_1125, %multiple_of3A_1121] : memref<26x32x100001xf32, #tpu.memory_space<hbm>> -> memref<1x32x128xf32, #tpu.memory_space<hbm>>
        %dma_start3A_1127 = tpu.memref_squeeze %dma_start3A_1126 : memref<1x32x128xf32, #tpu.memory_space<hbm>> -> memref<32x128xf32, #tpu.memory_space<hbm>>
        tpu.enqueue_dma source(%dma_start3A_1127 : memref<32x128xf32, #tpu.memory_space<hbm>>) target(%arg16 : memref<32x128xf32, #tpu.memory_space<vmem>>) target_semaphore(%arg24 : memref<!tpu.dma_semaphore, #tpu.memory_space<semaphore_mem>>)
        %dma_wait3A_1128 = arith.constant 0 : i32
        %dma_wait3A_1129 = arith.constant 0 : i32
        %dma_wait3A_1130 = arith.constant 0 : i32
        %dma_wait3A_1131 = tpu.memref_slice %arg3[%dma_wait3A_1128, %dma_wait3A_1129, %dma_wait3A_1130] : memref<26x32x100001xf32, #tpu.memory_space<hbm>> -> memref<1x32x128xf32, #tpu.memory_space<hbm>>
        %dma_wait3A_1132 = tpu.memref_squeeze %dma_wait3A_1131 : memref<1x32x128xf32, #tpu.memory_space<hbm>> -> memref<32x128xf32, #tpu.memory_space<hbm>>
        %dma_wait3A_1133 = arith.constant 0 : i32
        %dma_wait3A_1134 = arith.constant 0 : i32
        %dma_wait3A_1135 = tpu.memref_slice %arg3[%dma_wait3A_1128, %dma_wait3A_1133, %dma_wait3A_1134] : memref<26x32x100001xf32, #tpu.memory_space<hbm>> -> memref<1x32x128xf32, #tpu.memory_space<hbm>>
        %dma_wait3A_1136 = tpu.memref_squeeze %dma_wait3A_1135 : memref<1x32x128xf32, #tpu.memory_space<hbm>> -> memref<32x128xf32, #tpu.memory_space<hbm>>
        tpu.wait_dma2 semaphore(%arg25 : memref<!tpu.dma_semaphore, #tpu.memory_space<semaphore_mem>>) src(%dma_wait3A_1136 : memref<32x128xf32, #tpu.memory_space<hbm>>) dst(%arg17 : memref<32x128xf32, #tpu.memory_space<vmem>>)
        %slice3A_1137 = vector.extract_strided_slice %get3A_462 {offsets = [15], sizes = [1], strides = [1]} : vector<16xi32> to vector<1xi32>
        %squeeze3A_1138 = vector.extract %slice3A_1137[0] : i32 from vector<1xi32>
        %mul3A_1139 = arith.constant 16 : i32
        %mul3A_1140 = arith.muli %scan3A_457, %mul3A_1139 : i32
        %add3A_1141 = arith.constant 8 : i32
        %add3A_1142 = arith.addi %mul3A_1140, %add3A_1141 : i32
        %add3A_1143 = arith.constant 7 : i32
        %add3A_1144 = arith.addi %add3A_1142, %add3A_1143 : i32
        %shift_right_logical3A_1145 = arith.constant 7 : i32
        %shift_right_logical3A_1146 = arith.shrui %squeeze3A_1138, %shift_right_logical3A_1145 : i32
        %min3A_1147 = arith.constant 780 : i32
        %min3A_1148 = arith.minsi %shift_right_logical3A_1146, %min3A_1147 : i32
        %mul3A_1149 = arith.constant 128 : i32
        %mul3A_1150 = arith.muli %min3A_1148, %mul3A_1149 : i32
        %sub3A_1151 = arith.subi %squeeze3A_1138, %mul3A_1150 : i32
        %min3A_1152 = arith.constant 127 : i32
        %min3A_1153 = arith.minsi %sub3A_1151, %min3A_1152 : i32
        %broadcast_in_dim3A_1154 = vector.broadcast %min3A_1153 : i32 to vector<16xi32>
        %broadcast_in_dim3A_1155 = vector.broadcast %add3A_1144 : i32 to vector<16xi32>
        %gather3A_1156 = tpu.vector_load_idx %arg17[%iota3A, %broadcast_in_dim3A_1154] : memref<32x128xf32, #tpu.memory_space<vmem>>[vector<16xi32>, vector<16xi32>], vector<16xf32>,
        %gather3A_1157 = tpu.vector_load_idx %arg17[%add3A_5, %broadcast_in_dim3A_1154] : memref<32x128xf32, #tpu.memory_space<vmem>>[vector<16xi32>, vector<16xi32>], vector<16xf32>,
        tpu.vector_store_idx %arg8[%iota3A, %broadcast_in_dim3A_1155], %gather3A_1156 : memref<32x128xf32, #tpu.memory_space<vmem>>[vector<16xi32>, vector<16xi32>], vector<16xf32>,
        tpu.vector_store_idx %arg8[%add3A_5, %broadcast_in_dim3A_1155], %gather3A_1157 : memref<32x128xf32, #tpu.memory_space<vmem>>[vector<16xi32>, vector<16xi32>], vector<16xf32>,
        %slice3A_1158 = vector.extract_strided_slice %get3A_471 {offsets = [7], sizes = [1], strides = [1]} : vector<16xi32> to vector<1xi32>
        %squeeze3A_1159 = vector.extract %slice3A_1158[0] : i32 from vector<1xi32>
        %shift_right_logical3A_1160 = arith.constant 7 : i32
        %shift_right_logical3A_1161 = arith.shrui %squeeze3A_1159, %shift_right_logical3A_1160 : i32
        %min3A_1162 = arith.constant 780 : i32
        %min3A_1163 = arith.minsi %shift_right_logical3A_1161, %min3A_1162 : i32
        %mul3A_1164 = arith.constant 128 : i32
        %mul3A_1165 = arith.muli %min3A_1163, %mul3A_1164 : i32
        %multiple_of3A_1166 = tpu.assume_multiple %mul3A_1165, 128 : i32
        %dma_start3A_1167 = arith.constant 0 : i32
        %dma_start3A_1168 = tpu.memref_slice %arg3[%mul3A_26, %dma_start3A_1167, %multiple_of3A_1166] : memref<26x32x100001xf32, #tpu.memory_space<hbm>> -> memref<1x32x128xf32, #tpu.memory_space<hbm>>
        %dma_start3A_1169 = tpu.memref_squeeze %dma_start3A_1168 : memref<1x32x128xf32, #tpu.memory_space<hbm>> -> memref<32x128xf32, #tpu.memory_space<hbm>>
        %dma_start3A_1170 = arith.constant 0 : i32
        %dma_start3A_1171 = tpu.memref_slice %arg3[%mul3A_26, %dma_start3A_1170, %multiple_of3A_1166] : memref<26x32x100001xf32, #tpu.memory_space<hbm>> -> memref<1x32x128xf32, #tpu.memory_space<hbm>>
        %dma_start3A_1172 = tpu.memref_squeeze %dma_start3A_1171 : memref<1x32x128xf32, #tpu.memory_space<hbm>> -> memref<32x128xf32, #tpu.memory_space<hbm>>
        tpu.enqueue_dma source(%dma_start3A_1172 : memref<32x128xf32, #tpu.memory_space<hbm>>) target(%arg17 : memref<32x128xf32, #tpu.memory_space<vmem>>) target_semaphore(%arg25 : memref<!tpu.dma_semaphore, #tpu.memory_space<semaphore_mem>>)
      }
      %scan3A_154 = arith.constant 8 : i32
      %dma_wait3A_155 = arith.constant 0 : i32
      %dma_wait3A_156 = arith.constant 0 : i32
      %dma_wait3A_157 = arith.constant 0 : i32
      %dma_wait3A_158 = tpu.memref_slice %arg3[%dma_wait3A_155, %dma_wait3A_156, %dma_wait3A_157] : memref<26x32x100001xf32, #tpu.memory_space<hbm>> -> memref<1x32x128xf32, #tpu.memory_space<hbm>>
      %dma_wait3A_159 = tpu.memref_squeeze %dma_wait3A_158 : memref<1x32x128xf32, #tpu.memory_space<hbm>> -> memref<32x128xf32, #tpu.memory_space<hbm>>
      %dma_wait3A_160 = arith.constant 0 : i32
      %dma_wait3A_161 = arith.constant 0 : i32
      %dma_wait3A_162 = tpu.memref_slice %arg3[%dma_wait3A_155, %dma_wait3A_160, %dma_wait3A_161] : memref<26x32x100001xf32, #tpu.memory_space<hbm>> -> memref<1x32x128xf32, #tpu.memory_space<hbm>>
      %dma_wait3A_163 = tpu.memref_squeeze %dma_wait3A_162 : memref<1x32x128xf32, #tpu.memory_space<hbm>> -> memref<32x128xf32, #tpu.memory_space<hbm>>
      tpu.wait_dma2 semaphore(%arg18 : memref<!tpu.dma_semaphore, #tpu.memory_space<semaphore_mem>>) src(%dma_wait3A_163 : memref<32x128xf32, #tpu.memory_space<hbm>>) dst(%arg10 : memref<32x128xf32, #tpu.memory_space<vmem>>)
      %dma_wait3A_164 = arith.constant 0 : i32
      %dma_wait3A_165 = arith.constant 0 : i32
      %dma_wait3A_166 = arith.constant 0 : i32
      %dma_wait3A_167 = tpu.memref_slice %arg3[%dma_wait3A_164, %dma_wait3A_165, %dma_wait3A_166] : memref<26x32x100001xf32, #tpu.memory_space<hbm>> -> memref<1x32x128xf32, #tpu.memory_space<hbm>>
      %dma_wait3A_168 = tpu.memref_squeeze %dma_wait3A_167 : memref<1x32x128xf32, #tpu.memory_space<hbm>> -> memref<32x128xf32, #tpu.memory_space<hbm>>
      %dma_wait3A_169 = arith.constant 0 : i32
      %dma_wait3A_170 = arith.constant 0 : i32
      %dma_wait3A_171 = tpu.memref_slice %arg3[%dma_wait3A_164, %dma_wait3A_169, %dma_wait3A_170] : memref<26x32x100001xf32, #tpu.memory_space<hbm>> -> memref<1x32x128xf32, #tpu.memory_space<hbm>>
      %dma_wait3A_172 = tpu.memref_squeeze %dma_wait3A_171 : memref<1x32x128xf32, #tpu.memory_space<hbm>> -> memref<32x128xf32, #tpu.memory_space<hbm>>
      tpu.wait_dma2 semaphore(%arg19 : memref<!tpu.dma_semaphore, #tpu.memory_space<semaphore_mem>>) src(%dma_wait3A_172 : memref<32x128xf32, #tpu.memory_space<hbm>>) dst(%arg11 : memref<32x128xf32, #tpu.memory_space<vmem>>)
      %dma_wait3A_173 = arith.constant 0 : i32
      %dma_wait3A_174 = arith.constant 0 : i32
      %dma_wait3A_175 = arith.constant 0 : i32
      %dma_wait3A_176 = tpu.memref_slice %arg3[%dma_wait3A_173, %dma_wait3A_174, %dma_wait3A_175] : memref<26x32x100001xf32, #tpu.memory_space<hbm>> -> memref<1x32x128xf32, #tpu.memory_space<hbm>>
      %dma_wait3A_177 = tpu.memref_squeeze %dma_wait3A_176 : memref<1x32x128xf32, #tpu.memory_space<hbm>> -> memref<32x128xf32, #tpu.memory_space<hbm>>
      %dma_wait3A_178 = arith.constant 0 : i32
      %dma_wait3A_179 = arith.constant 0 : i32
      %dma_wait3A_180 = tpu.memref_slice %arg3[%dma_wait3A_173, %dma_wait3A_178, %dma_wait3A_179] : memref<26x32x100001xf32, #tpu.memory_space<hbm>> -> memref<1x32x128xf32, #tpu.memory_space<hbm>>
      %dma_wait3A_181 = tpu.memref_squeeze %dma_wait3A_180 : memref<1x32x128xf32, #tpu.memory_space<hbm>> -> memref<32x128xf32, #tpu.memory_space<hbm>>
      tpu.wait_dma2 semaphore(%arg20 : memref<!tpu.dma_semaphore, #tpu.memory_space<semaphore_mem>>) src(%dma_wait3A_181 : memref<32x128xf32, #tpu.memory_space<hbm>>) dst(%arg12 : memref<32x128xf32, #tpu.memory_space<vmem>>)
      %dma_wait3A_182 = arith.constant 0 : i32
      %dma_wait3A_183 = arith.constant 0 : i32
      %dma_wait3A_184 = arith.constant 0 : i32
      %dma_wait3A_185 = tpu.memref_slice %arg3[%dma_wait3A_182, %dma_wait3A_183, %dma_wait3A_184] : memref<26x32x100001xf32, #tpu.memory_space<hbm>> -> memref<1x32x128xf32, #tpu.memory_space<hbm>>
      %dma_wait3A_186 = tpu.memref_squeeze %dma_wait3A_185 : memref<1x32x128xf32, #tpu.memory_space<hbm>> -> memref<32x128xf32, #tpu.memory_space<hbm>>
      %dma_wait3A_187 = arith.constant 0 : i32
      %dma_wait3A_188 = arith.constant 0 : i32
      %dma_wait3A_189 = tpu.memref_slice %arg3[%dma_wait3A_182, %dma_wait3A_187, %dma_wait3A_188] : memref<26x32x100001xf32, #tpu.memory_space<hbm>> -> memref<1x32x128xf32, #tpu.memory_space<hbm>>
      %dma_wait3A_190 = tpu.memref_squeeze %dma_wait3A_189 : memref<1x32x128xf32, #tpu.memory_space<hbm>> -> memref<32x128xf32, #tpu.memory_space<hbm>>
      tpu.wait_dma2 semaphore(%arg21 : memref<!tpu.dma_semaphore, #tpu.memory_space<semaphore_mem>>) src(%dma_wait3A_190 : memref<32x128xf32, #tpu.memory_space<hbm>>) dst(%arg13 : memref<32x128xf32, #tpu.memory_space<vmem>>)
      %dma_wait3A_191 = arith.constant 0 : i32
      %dma_wait3A_192 = arith.constant 0 : i32
      %dma_wait3A_193 = arith.constant 0 : i32
      %dma_wait3A_194 = tpu.memref_slice %arg3[%dma_wait3A_191, %dma_wait3A_192, %dma_wait3A_193] : memref<26x32x100001xf32, #tpu.memory_space<hbm>> -> memref<1x32x128xf32, #tpu.memory_space<hbm>>
      %dma_wait3A_195 = tpu.memref_squeeze %dma_wait3A_194 : memref<1x32x128xf32, #tpu.memory_space<hbm>> -> memref<32x128xf32, #tpu.memory_space<hbm>>
      %dma_wait3A_196 = arith.constant 0 : i32
      %dma_wait3A_197 = arith.constant 0 : i32
      %dma_wait3A_198 = tpu.memref_slice %arg3[%dma_wait3A_191, %dma_wait3A_196, %dma_wait3A_197] : memref<26x32x100001xf32, #tpu.memory_space<hbm>> -> memref<1x32x128xf32, #tpu.memory_space<hbm>>
      %dma_wait3A_199 = tpu.memref_squeeze %dma_wait3A_198 : memref<1x32x128xf32, #tpu.memory_space<hbm>> -> memref<32x128xf32, #tpu.memory_space<hbm>>
      tpu.wait_dma2 semaphore(%arg22 : memref<!tpu.dma_semaphore, #tpu.memory_space<semaphore_mem>>) src(%dma_wait3A_199 : memref<32x128xf32, #tpu.memory_space<hbm>>) dst(%arg14 : memref<32x128xf32, #tpu.memory_space<vmem>>)
      %dma_wait3A_200 = arith.constant 0 : i32
      %dma_wait3A_201 = arith.constant 0 : i32
      %dma_wait3A_202 = arith.constant 0 : i32
      %dma_wait3A_203 = tpu.memref_slice %arg3[%dma_wait3A_200, %dma_wait3A_201, %dma_wait3A_202] : memref<26x32x100001xf32, #tpu.memory_space<hbm>> -> memref<1x32x128xf32, #tpu.memory_space<hbm>>
      %dma_wait3A_204 = tpu.memref_squeeze %dma_wait3A_203 : memref<1x32x128xf32, #tpu.memory_space<hbm>> -> memref<32x128xf32, #tpu.memory_space<hbm>>
      %dma_wait3A_205 = arith.constant 0 : i32
      %dma_wait3A_206 = arith.constant 0 : i32
      %dma_wait3A_207 = tpu.memref_slice %arg3[%dma_wait3A_200, %dma_wait3A_205, %dma_wait3A_206] : memref<26x32x100001xf32, #tpu.memory_space<hbm>> -> memref<1x32x128xf32, #tpu.memory_space<hbm>>
      %dma_wait3A_208 = tpu.memref_squeeze %dma_wait3A_207 : memref<1x32x128xf32, #tpu.memory_space<hbm>> -> memref<32x128xf32, #tpu.memory_space<hbm>>
      tpu.wait_dma2 semaphore(%arg23 : memref<!tpu.dma_semaphore, #tpu.memory_space<semaphore_mem>>) src(%dma_wait3A_208 : memref<32x128xf32, #tpu.memory_space<hbm>>) dst(%arg15 : memref<32x128xf32, #tpu.memory_space<vmem>>)
      %dma_wait3A_209 = arith.constant 0 : i32
      %dma_wait3A_210 = arith.constant 0 : i32
      %dma_wait3A_211 = arith.constant 0 : i32
      %dma_wait3A_212 = tpu.memref_slice %arg3[%dma_wait3A_209, %dma_wait3A_210, %dma_wait3A_211] : memref<26x32x100001xf32, #tpu.memory_space<hbm>> -> memref<1x32x128xf32, #tpu.memory_space<hbm>>
      %dma_wait3A_213 = tpu.memref_squeeze %dma_wait3A_212 : memref<1x32x128xf32, #tpu.memory_space<hbm>> -> memref<32x128xf32, #tpu.memory_space<hbm>>
      %dma_wait3A_214 = arith.constant 0 : i32
      %dma_wait3A_215 = arith.constant 0 : i32
      %dma_wait3A_216 = tpu.memref_slice %arg3[%dma_wait3A_209, %dma_wait3A_214, %dma_wait3A_215] : memref<26x32x100001xf32, #tpu.memory_space<hbm>> -> memref<1x32x128xf32, #tpu.memory_space<hbm>>
      %dma_wait3A_217 = tpu.memref_squeeze %dma_wait3A_216 : memref<1x32x128xf32, #tpu.memory_space<hbm>> -> memref<32x128xf32, #tpu.memory_space<hbm>>
      tpu.wait_dma2 semaphore(%arg24 : memref<!tpu.dma_semaphore, #tpu.memory_space<semaphore_mem>>) src(%dma_wait3A_217 : memref<32x128xf32, #tpu.memory_space<hbm>>) dst(%arg16 : memref<32x128xf32, #tpu.memory_space<vmem>>)
      %dma_wait3A_218 = arith.constant 0 : i32
      %dma_wait3A_219 = arith.constant 0 : i32
      %dma_wait3A_220 = arith.constant 0 : i32
      %dma_wait3A_221 = tpu.memref_slice %arg3[%dma_wait3A_218, %dma_wait3A_219, %dma_wait3A_220] : memref<26x32x100001xf32, #tpu.memory_space<hbm>> -> memref<1x32x128xf32, #tpu.memory_space<hbm>>
      %dma_wait3A_222 = tpu.memref_squeeze %dma_wait3A_221 : memref<1x32x128xf32, #tpu.memory_space<hbm>> -> memref<32x128xf32, #tpu.memory_space<hbm>>
      %dma_wait3A_223 = arith.constant 0 : i32
      %dma_wait3A_224 = arith.constant 0 : i32
      %dma_wait3A_225 = tpu.memref_slice %arg3[%dma_wait3A_218, %dma_wait3A_223, %dma_wait3A_224] : memref<26x32x100001xf32, #tpu.memory_space<hbm>> -> memref<1x32x128xf32, #tpu.memory_space<hbm>>
      %dma_wait3A_226 = tpu.memref_squeeze %dma_wait3A_225 : memref<1x32x128xf32, #tpu.memory_space<hbm>> -> memref<32x128xf32, #tpu.memory_space<hbm>>
      tpu.wait_dma2 semaphore(%arg25 : memref<!tpu.dma_semaphore, #tpu.memory_space<semaphore_mem>>) src(%dma_wait3A_226 : memref<32x128xf32, #tpu.memory_space<hbm>>) dst(%arg17 : memref<32x128xf32, #tpu.memory_space<vmem>>)
      %scan3A_227 = arith.constant 0 : i32
      %scan3A_228 = arith.constant 0 : i32
      %scan3A_229 = arith.constant 8 : i32
      %scan3A_230 = arith.addi %scan3A_228, %scan3A_229 : i32
      %scan3A_231 = arith.constant 1 : i32
      scf.for %scan3A_457 = %scan3A_228 to %scan3A_230 step %scan3A_231  : i32 {
        %mul3A_458 = arith.constant 16 : i32
        %mul3A_459 = arith.muli %scan3A_457, %mul3A_458 : i32
        %get3A_460 = arith.index_cast %add3A : i32 to index
        %get3A_461 = arith.index_cast %mul3A_459 : i32 to index
        %get3A_462 = tpu.vector_load %arg6[%get3A_460, %get3A_461] {strides = array<i32>} : memref<32x128xi32, #tpu.memory_space<vmem>>, vector<16xi32>,
        %ge3A = arith.constant 99968 : i32
        %ge3A_463 = vector.broadcast %ge3A : i32 to vector<16xi32>
        %ge3A_464 = arith.cmpi sge, %get3A_462, %ge3A_463 : vector<16xi32>
        %all_reduce_population_count3A = tpu.all_reduce %ge3A_464 {dim = 0 : i64, kind = #tpu.reduction_kind<sum>} : vector<16xi1> -> vector<16xi32>
        %slice3A_465 = vector.extract_strided_slice %all_reduce_population_count3A {offsets = [0], sizes = [1], strides = [1]} : vector<16xi32> to vector<1xi32>
        %squeeze3A_466 = vector.extract %slice3A_465[0] : i32 from vector<1xi32>
        %gt3A_467 = arith.constant 0 : i32
        %gt3A_468 = arith.cmpi sgt, %squeeze3A_466, %gt3A_467 : i32
        %convert_element_type3A_469 = arith.extui %gt3A_468 : i1 to i32
        %cond3A_470 = arith.constant 0 : i32
        %cond3A_471 = arith.cmpi ne, %convert_element_type3A_469, %cond3A_470 : i32
        scf.if %cond3A_471 {
          %sub3A = arith.constant 99968 : i32
          %sub3A_472 = vector.broadcast %sub3A : i32 to vector<16xi32>
          %sub3A_473 = arith.subi %get3A_462, %sub3A_472 : vector<16xi32>
          %jit3A = arith.constant 0 : i32
          %jit3A_474 = arith.constant 32 : i32
          %max3A = vector.broadcast %jit3A : i32 to vector<16xi32>
          %max3A_475 = arith.maxsi %max3A, %sub3A_473 : vector<16xi32>
          %min3A_476 = vector.broadcast %jit3A_474 : i32 to vector<16xi32>
          %min3A_477 = arith.minsi %min3A_476, %max3A_475 : vector<16xi32>
          %mul3A_478 = arith.constant 16 : i32
          %mul3A_479 = arith.muli %scan3A_457, %mul3A_478 : i32
          %add3A_480 = vector.broadcast %mul3A_479 : i32 to vector<16xi32>
          %add3A_481 = arith.addi %iota3A, %add3A_480 : vector<16xi32>
          %broadcast_in_dim3A = arith.constant 0 : i32
          %broadcast_in_dim3A_482 = vector.broadcast %broadcast_in_dim3A : i32 to vector<16xi32>
          %gather3A = tpu.vector_load_idx %arg7[%broadcast_in_dim3A_482, %min3A_477] : memref<32x33xf32, #tpu.memory_space<vmem>>[vector<16xi32>, vector<16xi32>], vector<16xf32>,
          tpu.vector_store_idx %arg8[%broadcast_in_dim3A_482, %add3A_481], %gather3A masked %ge3A_464 : memref<32x128xf32, #tpu.memory_space<vmem>>[vector<16xi32>, vector<16xi32>], vector<16xf32>, vector<16xi1>
          %broadcast_in_dim3A_483 = arith.constant 1 : i32
          %broadcast_in_dim3A_484 = vector.broadcast %broadcast_in_dim3A_483 : i32 to vector<16xi32>
          %gather3A_485 = tpu.vector_load_idx %arg7[%broadcast_in_dim3A_484, %min3A_477] : memref<32x33xf32, #tpu.memory_space<vmem>>[vector<16xi32>, vector<16xi32>], vector<16xf32>,
          tpu.vector_store_idx %arg8[%broadcast_in_dim3A_484, %add3A_481], %gather3A_485 masked %ge3A_464 : memref<32x128xf32, #tpu.memory_space<vmem>>[vector<16xi32>, vector<16xi32>], vector<16xf32>, vector<16xi1>
          %broadcast_in_dim3A_486 = arith.constant 2 : i32
          %broadcast_in_dim3A_487 = vector.broadcast %broadcast_in_dim3A_486 : i32 to vector<16xi32>
          %gather3A_488 = tpu.vector_load_idx %arg7[%broadcast_in_dim3A_487, %min3A_477] : memref<32x33xf32, #tpu.memory_space<vmem>>[vector<16xi32>, vector<16xi32>], vector<16xf32>,
          tpu.vector_store_idx %arg8[%broadcast_in_dim3A_487, %add3A_481], %gather3A_488 masked %ge3A_464 : memref<32x128xf32, #tpu.memory_space<vmem>>[vector<16xi32>, vector<16xi32>], vector<16xf32>, vector<16xi1>
          %broadcast_in_dim3A_489 = arith.constant 3 : i32
          %broadcast_in_dim3A_490 = vector.broadcast %broadcast_in_dim3A_489 : i32 to vector<16xi32>
          %gather3A_491 = tpu.vector_load_idx %arg7[%broadcast_in_dim3A_490, %min3A_477] : memref<32x33xf32, #tpu.memory_space<vmem>>[vector<16xi32>, vector<16xi32>], vector<16xf32>,
          tpu.vector_store_idx %arg8[%broadcast_in_dim3A_490, %add3A_481], %gather3A_491 masked %ge3A_464 : memref<32x128xf32, #tpu.memory_space<vmem>>[vector<16xi32>, vector<16xi32>], vector<16xf32>, vector<16xi1>
          %broadcast_in_dim3A_492 = arith.constant 4 : i32
          %broadcast_in_dim3A_493 = vector.broadcast %broadcast_in_dim3A_492 : i32 to vector<16xi32>
          %gather3A_494 = tpu.vector_load_idx %arg7[%broadcast_in_dim3A_493, %min3A_477] : memref<32x33xf32, #tpu.memory_space<vmem>>[vector<16xi32>, vector<16xi32>], vector<16xf32>,
          tpu.vector_store_idx %arg8[%broadcast_in_dim3A_493, %add3A_481], %gather3A_494 masked %ge3A_464 : memref<32x128xf32, #tpu.memory_space<vmem>>[vector<16xi32>, vector<16xi32>], vector<16xf32>, vector<16xi1>
          %broadcast_in_dim3A_495 = arith.constant 5 : i32
          %broadcast_in_dim3A_496 = vector.broadcast %broadcast_in_dim3A_495 : i32 to vector<16xi32>
          %gather3A_497 = tpu.vector_load_idx %arg7[%broadcast_in_dim3A_496, %min3A_477] : memref<32x33xf32, #tpu.memory_space<vmem>>[vector<16xi32>, vector<16xi32>], vector<16xf32>,
          tpu.vector_store_idx %arg8[%broadcast_in_dim3A_496, %add3A_481], %gather3A_497 masked %ge3A_464 : memref<32x128xf32, #tpu.memory_space<vmem>>[vector<16xi32>, vector<16xi32>], vector<16xf32>, vector<16xi1>
          %broadcast_in_dim3A_498 = arith.constant 6 : i32
          %broadcast_in_dim3A_499 = vector.broadcast %broadcast_in_dim3A_498 : i32 to vector<16xi32>
          %gather3A_500 = tpu.vector_load_idx %arg7[%broadcast_in_dim3A_499, %min3A_477] : memref<32x33xf32, #tpu.memory_space<vmem>>[vector<16xi32>, vector<16xi32>], vector<16xf32>,
          tpu.vector_store_idx %arg8[%broadcast_in_dim3A_499, %add3A_481], %gather3A_500 masked %ge3A_464 : memref<32x128xf32, #tpu.memory_space<vmem>>[vector<16xi32>, vector<16xi32>], vector<16xf32>, vector<16xi1>
          %broadcast_in_dim3A_501 = arith.constant 7 : i32
          %broadcast_in_dim3A_502 = vector.broadcast %broadcast_in_dim3A_501 : i32 to vector<16xi32>
          %gather3A_503 = tpu.vector_load_idx %arg7[%broadcast_in_dim3A_502, %min3A_477] : memref<32x33xf32, #tpu.memory_space<vmem>>[vector<16xi32>, vector<16xi32>], vector<16xf32>,
          tpu.vector_store_idx %arg8[%broadcast_in_dim3A_502, %add3A_481], %gather3A_503 masked %ge3A_464 : memref<32x128xf32, #tpu.memory_space<vmem>>[vector<16xi32>, vector<16xi32>], vector<16xf32>, vector<16xi1>
          %broadcast_in_dim3A_504 = arith.constant 8 : i32
          %broadcast_in_dim3A_505 = vector.broadcast %broadcast_in_dim3A_504 : i32 to vector<16xi32>
          %gather3A_506 = tpu.vector_load_idx %arg7[%broadcast_in_dim3A_505, %min3A_477] : memref<32x33xf32, #tpu.memory_space<vmem>>[vector<16xi32>, vector<16xi32>], vector<16xf32>,
          tpu.vector_store_idx %arg8[%broadcast_in_dim3A_505, %add3A_481], %gather3A_506 masked %ge3A_464 : memref<32x128xf32, #tpu.memory_space<vmem>>[vector<16xi32>, vector<16xi32>], vector<16xf32>, vector<16xi1>
          %broadcast_in_dim3A_507 = arith.constant 9 : i32
          %broadcast_in_dim3A_508 = vector.broadcast %broadcast_in_dim3A_507 : i32 to vector<16xi32>
          %gather3A_509 = tpu.vector_load_idx %arg7[%broadcast_in_dim3A_508, %min3A_477] : memref<32x33xf32, #tpu.memory_space<vmem>>[vector<16xi32>, vector<16xi32>], vector<16xf32>,
          tpu.vector_store_idx %arg8[%broadcast_in_dim3A_508, %add3A_481], %gather3A_509 masked %ge3A_464 : memref<32x128xf32, #tpu.memory_space<vmem>>[vector<16xi32>, vector<16xi32>], vector<16xf32>, vector<16xi1>
          %broadcast_in_dim3A_510 = arith.constant 10 : i32
          %broadcast_in_dim3A_511 = vector.broadcast %broadcast_in_dim3A_510 : i32 to vector<16xi32>
          %gather3A_512 = tpu.vector_load_idx %arg7[%broadcast_in_dim3A_511, %min3A_477] : memref<32x33xf32, #tpu.memory_space<vmem>>[vector<16xi32>, vector<16xi32>], vector<16xf32>,
          tpu.vector_store_idx %arg8[%broadcast_in_dim3A_511, %add3A_481], %gather3A_512 masked %ge3A_464 : memref<32x128xf32, #tpu.memory_space<vmem>>[vector<16xi32>, vector<16xi32>], vector<16xf32>, vector<16xi1>
          %broadcast_in_dim3A_513 = arith.constant 11 : i32
          %broadcast_in_dim3A_514 = vector.broadcast %broadcast_in_dim3A_513 : i32 to vector<16xi32>
          %gather3A_515 = tpu.vector_load_idx %arg7[%broadcast_in_dim3A_514, %min3A_477] : memref<32x33xf32, #tpu.memory_space<vmem>>[vector<16xi32>, vector<16xi32>], vector<16xf32>,
          tpu.vector_store_idx %arg8[%broadcast_in_dim3A_514, %add3A_481], %gather3A_515 masked %ge3A_464 : memref<32x128xf32, #tpu.memory_space<vmem>>[vector<16xi32>, vector<16xi32>], vector<16xf32>, vector<16xi1>
          %broadcast_in_dim3A_516 = arith.constant 12 : i32
          %broadcast_in_dim3A_517 = vector.broadcast %broadcast_in_dim3A_516 : i32 to vector<16xi32>
          %gather3A_518 = tpu.vector_load_idx %arg7[%broadcast_in_dim3A_517, %min3A_477] : memref<32x33xf32, #tpu.memory_space<vmem>>[vector<16xi32>, vector<16xi32>], vector<16xf32>,
          tpu.vector_store_idx %arg8[%broadcast_in_dim3A_517, %add3A_481], %gather3A_518 masked %ge3A_464 : memref<32x128xf32, #tpu.memory_space<vmem>>[vector<16xi32>, vector<16xi32>], vector<16xf32>, vector<16xi1>
          %broadcast_in_dim3A_519 = arith.constant 13 : i32
          %broadcast_in_dim3A_520 = vector.broadcast %broadcast_in_dim3A_519 : i32 to vector<16xi32>
          %gather3A_521 = tpu.vector_load_idx %arg7[%broadcast_in_dim3A_520, %min3A_477] : memref<32x33xf32, #tpu.memory_space<vmem>>[vector<16xi32>, vector<16xi32>], vector<16xf32>,
          tpu.vector_store_idx %arg8[%broadcast_in_dim3A_520, %add3A_481], %gather3A_521 masked %ge3A_464 : memref<32x128xf32, #tpu.memory_space<vmem>>[vector<16xi32>, vector<16xi32>], vector<16xf32>, vector<16xi1>
          %broadcast_in_dim3A_522 = arith.constant 14 : i32
          %broadcast_in_dim3A_523 = vector.broadcast %broadcast_in_dim3A_522 : i32 to vector<16xi32>
          %gather3A_524 = tpu.vector_load_idx %arg7[%broadcast_in_dim3A_523, %min3A_477] : memref<32x33xf32, #tpu.memory_space<vmem>>[vector<16xi32>, vector<16xi32>], vector<16xf32>,
          tpu.vector_store_idx %arg8[%broadcast_in_dim3A_523, %add3A_481], %gather3A_524 masked %ge3A_464 : memref<32x128xf32, #tpu.memory_space<vmem>>[vector<16xi32>, vector<16xi32>], vector<16xf32>, vector<16xi1>
          %broadcast_in_dim3A_525 = arith.constant 15 : i32
          %broadcast_in_dim3A_526 = vector.broadcast %broadcast_in_dim3A_525 : i32 to vector<16xi32>
          %gather3A_527 = tpu.vector_load_idx %arg7[%broadcast_in_dim3A_526, %min3A_477] : memref<32x33xf32, #tpu.memory_space<vmem>>[vector<16xi32>, vector<16xi32>], vector<16xf32>,
          tpu.vector_store_idx %arg8[%broadcast_in_dim3A_526, %add3A_481], %gather3A_527 masked %ge3A_464 : memref<32x128xf32, #tpu.memory_space<vmem>>[vector<16xi32>, vector<16xi32>], vector<16xf32>, vector<16xi1>
          %broadcast_in_dim3A_528 = arith.constant 16 : i32
          %broadcast_in_dim3A_529 = vector.broadcast %broadcast_in_dim3A_528 : i32 to vector<16xi32>
          %gather3A_530 = tpu.vector_load_idx %arg7[%broadcast_in_dim3A_529, %min3A_477] : memref<32x33xf32, #tpu.memory_space<vmem>>[vector<16xi32>, vector<16xi32>], vector<16xf32>,
          tpu.vector_store_idx %arg8[%broadcast_in_dim3A_529, %add3A_481], %gather3A_530 masked %ge3A_464 : memref<32x128xf32, #tpu.memory_space<vmem>>[vector<16xi32>, vector<16xi32>], vector<16xf32>, vector<16xi1>
          %broadcast_in_dim3A_531 = arith.constant 17 : i32
          %broadcast_in_dim3A_532 = vector.broadcast %broadcast_in_dim3A_531 : i32 to vector<16xi32>
          %gather3A_533 = tpu.vector_load_idx %arg7[%broadcast_in_dim3A_532, %min3A_477] : memref<32x33xf32, #tpu.memory_space<vmem>>[vector<16xi32>, vector<16xi32>], vector<16xf32>,
          tpu.vector_store_idx %arg8[%broadcast_in_dim3A_532, %add3A_481], %gather3A_533 masked %ge3A_464 : memref<32x128xf32, #tpu.memory_space<vmem>>[vector<16xi32>, vector<16xi32>], vector<16xf32>, vector<16xi1>
          %broadcast_in_dim3A_534 = arith.constant 18 : i32
          %broadcast_in_dim3A_535 = vector.broadcast %broadcast_in_dim3A_534 : i32 to vector<16xi32>
          %gather3A_536 = tpu.vector_load_idx %arg7[%broadcast_in_dim3A_535, %min3A_477] : memref<32x33xf32, #tpu.memory_space<vmem>>[vector<16xi32>, vector<16xi32>], vector<16xf32>,
          tpu.vector_store_idx %arg8[%broadcast_in_dim3A_535, %add3A_481], %gather3A_536 masked %ge3A_464 : memref<32x128xf32, #tpu.memory_space<vmem>>[vector<16xi32>, vector<16xi32>], vector<16xf32>, vector<16xi1>
          %broadcast_in_dim3A_537 = arith.constant 19 : i32
          %broadcast_in_dim3A_538 = vector.broadcast %broadcast_in_dim3A_537 : i32 to vector<16xi32>
          %gather3A_539 = tpu.vector_load_idx %arg7[%broadcast_in_dim3A_538, %min3A_477] : memref<32x33xf32, #tpu.memory_space<vmem>>[vector<16xi32>, vector<16xi32>], vector<16xf32>,
          tpu.vector_store_idx %arg8[%broadcast_in_dim3A_538, %add3A_481], %gather3A_539 masked %ge3A_464 : memref<32x128xf32, #tpu.memory_space<vmem>>[vector<16xi32>, vector<16xi32>], vector<16xf32>, vector<16xi1>
          %broadcast_in_dim3A_540 = arith.constant 20 : i32
          %broadcast_in_dim3A_541 = vector.broadcast %broadcast_in_dim3A_540 : i32 to vector<16xi32>
          %gather3A_542 = tpu.vector_load_idx %arg7[%broadcast_in_dim3A_541, %min3A_477] : memref<32x33xf32, #tpu.memory_space<vmem>>[vector<16xi32>, vector<16xi32>], vector<16xf32>,
          tpu.vector_store_idx %arg8[%broadcast_in_dim3A_541, %add3A_481], %gather3A_542 masked %ge3A_464 : memref<32x128xf32, #tpu.memory_space<vmem>>[vector<16xi32>, vector<16xi32>], vector<16xf32>, vector<16xi1>
          %broadcast_in_dim3A_543 = arith.constant 21 : i32
          %broadcast_in_dim3A_544 = vector.broadcast %broadcast_in_dim3A_543 : i32 to vector<16xi32>
          %gather3A_545 = tpu.vector_load_idx %arg7[%broadcast_in_dim3A_544, %min3A_477] : memref<32x33xf32, #tpu.memory_space<vmem>>[vector<16xi32>, vector<16xi32>], vector<16xf32>,
          tpu.vector_store_idx %arg8[%broadcast_in_dim3A_544, %add3A_481], %gather3A_545 masked %ge3A_464 : memref<32x128xf32, #tpu.memory_space<vmem>>[vector<16xi32>, vector<16xi32>], vector<16xf32>, vector<16xi1>
          %broadcast_in_dim3A_546 = arith.constant 22 : i32
          %broadcast_in_dim3A_547 = vector.broadcast %broadcast_in_dim3A_546 : i32 to vector<16xi32>
          %gather3A_548 = tpu.vector_load_idx %arg7[%broadcast_in_dim3A_547, %min3A_477] : memref<32x33xf32, #tpu.memory_space<vmem>>[vector<16xi32>, vector<16xi32>], vector<16xf32>,
          tpu.vector_store_idx %arg8[%broadcast_in_dim3A_547, %add3A_481], %gather3A_548 masked %ge3A_464 : memref<32x128xf32, #tpu.memory_space<vmem>>[vector<16xi32>, vector<16xi32>], vector<16xf32>, vector<16xi1>
          %broadcast_in_dim3A_549 = arith.constant 23 : i32
          %broadcast_in_dim3A_550 = vector.broadcast %broadcast_in_dim3A_549 : i32 to vector<16xi32>
          %gather3A_551 = tpu.vector_load_idx %arg7[%broadcast_in_dim3A_550, %min3A_477] : memref<32x33xf32, #tpu.memory_space<vmem>>[vector<16xi32>, vector<16xi32>], vector<16xf32>,
          tpu.vector_store_idx %arg8[%broadcast_in_dim3A_550, %add3A_481], %gather3A_551 masked %ge3A_464 : memref<32x128xf32, #tpu.memory_space<vmem>>[vector<16xi32>, vector<16xi32>], vector<16xf32>, vector<16xi1>
          %broadcast_in_dim3A_552 = arith.constant 24 : i32
          %broadcast_in_dim3A_553 = vector.broadcast %broadcast_in_dim3A_552 : i32 to vector<16xi32>
          %gather3A_554 = tpu.vector_load_idx %arg7[%broadcast_in_dim3A_553, %min3A_477] : memref<32x33xf32, #tpu.memory_space<vmem>>[vector<16xi32>, vector<16xi32>], vector<16xf32>,
          tpu.vector_store_idx %arg8[%broadcast_in_dim3A_553, %add3A_481], %gather3A_554 masked %ge3A_464 : memref<32x128xf32, #tpu.memory_space<vmem>>[vector<16xi32>, vector<16xi32>], vector<16xf32>, vector<16xi1>
          %broadcast_in_dim3A_555 = arith.constant 25 : i32
          %broadcast_in_dim3A_556 = vector.broadcast %broadcast_in_dim3A_555 : i32 to vector<16xi32>
          %gather3A_557 = tpu.vector_load_idx %arg7[%broadcast_in_dim3A_556, %min3A_477] : memref<32x33xf32, #tpu.memory_space<vmem>>[vector<16xi32>, vector<16xi32>], vector<16xf32>,
          tpu.vector_store_idx %arg8[%broadcast_in_dim3A_556, %add3A_481], %gather3A_557 masked %ge3A_464 : memref<32x128xf32, #tpu.memory_space<vmem>>[vector<16xi32>, vector<16xi32>], vector<16xf32>, vector<16xi1>
          %broadcast_in_dim3A_558 = arith.constant 26 : i32
          %broadcast_in_dim3A_559 = vector.broadcast %broadcast_in_dim3A_558 : i32 to vector<16xi32>
          %gather3A_560 = tpu.vector_load_idx %arg7[%broadcast_in_dim3A_559, %min3A_477] : memref<32x33xf32, #tpu.memory_space<vmem>>[vector<16xi32>, vector<16xi32>], vector<16xf32>,
          tpu.vector_store_idx %arg8[%broadcast_in_dim3A_559, %add3A_481], %gather3A_560 masked %ge3A_464 : memref<32x128xf32, #tpu.memory_space<vmem>>[vector<16xi32>, vector<16xi32>], vector<16xf32>, vector<16xi1>
          %broadcast_in_dim3A_561 = arith.constant 27 : i32
          %broadcast_in_dim3A_562 = vector.broadcast %broadcast_in_dim3A_561 : i32 to vector<16xi32>
          %gather3A_563 = tpu.vector_load_idx %arg7[%broadcast_in_dim3A_562, %min3A_477] : memref<32x33xf32, #tpu.memory_space<vmem>>[vector<16xi32>, vector<16xi32>], vector<16xf32>,
          tpu.vector_store_idx %arg8[%broadcast_in_dim3A_562, %add3A_481], %gather3A_563 masked %ge3A_464 : memref<32x128xf32, #tpu.memory_space<vmem>>[vector<16xi32>, vector<16xi32>], vector<16xf32>, vector<16xi1>
          %broadcast_in_dim3A_564 = arith.constant 28 : i32
          %broadcast_in_dim3A_565 = vector.broadcast %broadcast_in_dim3A_564 : i32 to vector<16xi32>
          %gather3A_566 = tpu.vector_load_idx %arg7[%broadcast_in_dim3A_565, %min3A_477] : memref<32x33xf32, #tpu.memory_space<vmem>>[vector<16xi32>, vector<16xi32>], vector<16xf32>,
          tpu.vector_store_idx %arg8[%broadcast_in_dim3A_565, %add3A_481], %gather3A_566 masked %ge3A_464 : memref<32x128xf32, #tpu.memory_space<vmem>>[vector<16xi32>, vector<16xi32>], vector<16xf32>, vector<16xi1>
          %broadcast_in_dim3A_567 = arith.constant 29 : i32
          %broadcast_in_dim3A_568 = vector.broadcast %broadcast_in_dim3A_567 : i32 to vector<16xi32>
          %gather3A_569 = tpu.vector_load_idx %arg7[%broadcast_in_dim3A_568, %min3A_477] : memref<32x33xf32, #tpu.memory_space<vmem>>[vector<16xi32>, vector<16xi32>], vector<16xf32>,
          tpu.vector_store_idx %arg8[%broadcast_in_dim3A_568, %add3A_481], %gather3A_569 masked %ge3A_464 : memref<32x128xf32, #tpu.memory_space<vmem>>[vector<16xi32>, vector<16xi32>], vector<16xf32>, vector<16xi1>
          %broadcast_in_dim3A_570 = arith.constant 30 : i32
          %broadcast_in_dim3A_571 = vector.broadcast %broadcast_in_dim3A_570 : i32 to vector<16xi32>
          %gather3A_572 = tpu.vector_load_idx %arg7[%broadcast_in_dim3A_571, %min3A_477] : memref<32x33xf32, #tpu.memory_space<vmem>>[vector<16xi32>, vector<16xi32>], vector<16xf32>,
          tpu.vector_store_idx %arg8[%broadcast_in_dim3A_571, %add3A_481], %gather3A_572 masked %ge3A_464 : memref<32x128xf32, #tpu.memory_space<vmem>>[vector<16xi32>, vector<16xi32>], vector<16xf32>, vector<16xi1>
          %broadcast_in_dim3A_573 = arith.constant 31 : i32
          %broadcast_in_dim3A_574 = vector.broadcast %broadcast_in_dim3A_573 : i32 to vector<16xi32>
          %gather3A_575 = tpu.vector_load_idx %arg7[%broadcast_in_dim3A_574, %min3A_477] : memref<32x33xf32, #tpu.memory_space<vmem>>[vector<16xi32>, vector<16xi32>], vector<16xf32>,
          tpu.vector_store_idx %arg8[%broadcast_in_dim3A_574, %add3A_481], %gather3A_575 masked %ge3A_464 : memref<32x128xf32, #tpu.memory_space<vmem>>[vector<16xi32>, vector<16xi32>], vector<16xf32>, vector<16xi1>
        } else {
        }
      }
      %scan3A_232 = arith.constant 8 : i32
      %dma_start3A_233 = arith.constant 0 : i32
      %dma_start3A_234 = tpu.memref_slice %arg5[%mul3A_26, %dma_start3A_233, %mul3A_2] : memref<26x32x4096xf32, #tpu.memory_space<hbm>> -> memref<1x32x128xf32, #tpu.memory_space<hbm>>
      %dma_start3A_235 = tpu.memref_squeeze %dma_start3A_234 : memref<1x32x128xf32, #tpu.memory_space<hbm>> -> memref<32x128xf32, #tpu.memory_space<hbm>>
      %dma_start3A_236 = arith.constant 0 : i32
      %dma_start3A_237 = tpu.memref_slice %arg5[%mul3A_26, %dma_start3A_236, %mul3A_2] : memref<26x32x4096xf32, #tpu.memory_space<hbm>> -> memref<1x32x128xf32, #tpu.memory_space<hbm>>
      %dma_start3A_238 = tpu.memref_squeeze %dma_start3A_237 : memref<1x32x128xf32, #tpu.memory_space<hbm>> -> memref<32x128xf32, #tpu.memory_space<hbm>>
      tpu.enqueue_dma source(%arg8 : memref<32x128xf32, #tpu.memory_space<vmem>>) target(%dma_start3A_238 : memref<32x128xf32, #tpu.memory_space<hbm>>) target_semaphore(%arg26 : memref<!tpu.dma_semaphore, #tpu.memory_space<semaphore_mem>>)
      %gt3A_239 = arith.constant 0 : i32
      %gt3A_240 = arith.cmpi sgt, %scan3A_24, %gt3A_239 : i32
      %convert_element_type3A_241 = arith.extui %gt3A_240 : i1 to i32
      %cond3A_242 = arith.constant 0 : i32
      %cond3A_243 = arith.cmpi ne, %convert_element_type3A_241, %cond3A_242 : i32
      scf.if %cond3A_243 {
        %dma_wait3A_457 = arith.constant 0 : i32
        %dma_wait3A_458 = tpu.memref_slice %arg5[%add3A_30, %dma_wait3A_457, %mul3A_2] : memref<26x32x4096xf32, #tpu.memory_space<hbm>> -> memref<1x32x128xf32, #tpu.memory_space<hbm>>
        %dma_wait3A_459 = tpu.memref_squeeze %dma_wait3A_458 : memref<1x32x128xf32, #tpu.memory_space<hbm>> -> memref<32x128xf32, #tpu.memory_space<hbm>>
        %dma_wait3A_460 = arith.constant 0 : i32
        %dma_wait3A_461 = tpu.memref_slice %arg5[%add3A_30, %dma_wait3A_460, %mul3A_2] : memref<26x32x4096xf32, #tpu.memory_space<hbm>> -> memref<1x32x128xf32, #tpu.memory_space<hbm>>
        %dma_wait3A_462 = tpu.memref_squeeze %dma_wait3A_461 : memref<1x32x128xf32, #tpu.memory_space<hbm>> -> memref<32x128xf32, #tpu.memory_space<hbm>>
        tpu.wait_dma2 semaphore(%arg27 : memref<!tpu.dma_semaphore, #tpu.memory_space<semaphore_mem>>) src(%arg9 : memref<32x128xf32, #tpu.memory_space<vmem>>) dst(%dma_wait3A_462 : memref<32x128xf32, #tpu.memory_space<hbm>>)
      } else {
      }
      "tpu.region"() ({
        %run_scoped3A = tpu.sem_alloc : memref<!tpu.dma_semaphore, #tpu.memory_space<semaphore_mem>>
        %dma_start3A_457 = arith.constant 0 : i32
        %dma_start3A_458 = arith.constant 0 : i32
        %dma_start3A_459 = tpu.memref_slice %arg2[%add3A_30, %dma_start3A_457, %dma_start3A_458] : memref<26x32x128xi32, #tpu.memory_space<hbm>> -> memref<1x32x128xi32, #tpu.memory_space<hbm>>
        %dma_start3A_460 = tpu.memref_squeeze %dma_start3A_459 : memref<1x32x128xi32, #tpu.memory_space<hbm>> -> memref<32x128xi32, #tpu.memory_space<hbm>>
        %dma_start3A_461 = arith.constant 0 : i32
        %dma_start3A_462 = arith.constant 0 : i32
        %dma_start3A_463 = tpu.memref_slice %arg2[%add3A_30, %dma_start3A_461, %dma_start3A_462] : memref<26x32x128xi32, #tpu.memory_space<hbm>> -> memref<1x32x128xi32, #tpu.memory_space<hbm>>
        %dma_start3A_464 = tpu.memref_squeeze %dma_start3A_463 : memref<1x32x128xi32, #tpu.memory_space<hbm>> -> memref<32x128xi32, #tpu.memory_space<hbm>>
        tpu.enqueue_dma source(%dma_start3A_464 : memref<32x128xi32, #tpu.memory_space<hbm>>) target(%arg6 : memref<32x128xi32, #tpu.memory_space<vmem>>) target_semaphore(%run_scoped3A : memref<!tpu.dma_semaphore, #tpu.memory_space<semaphore_mem>>)
        %dma_wait3A_465 = arith.constant 0 : i32
        %dma_wait3A_466 = arith.constant 0 : i32
        %dma_wait3A_467 = tpu.memref_slice %arg2[%add3A_30, %dma_wait3A_465, %dma_wait3A_466] : memref<26x32x128xi32, #tpu.memory_space<hbm>> -> memref<1x32x128xi32, #tpu.memory_space<hbm>>
        %dma_wait3A_468 = tpu.memref_squeeze %dma_wait3A_467 : memref<1x32x128xi32, #tpu.memory_space<hbm>> -> memref<32x128xi32, #tpu.memory_space<hbm>>
        %dma_wait3A_469 = arith.constant 0 : i32
        %dma_wait3A_470 = arith.constant 0 : i32
        %dma_wait3A_471 = tpu.memref_slice %arg2[%add3A_30, %dma_wait3A_469, %dma_wait3A_470] : memref<26x32x128xi32, #tpu.memory_space<hbm>> -> memref<1x32x128xi32, #tpu.memory_space<hbm>>
        %dma_wait3A_472 = tpu.memref_squeeze %dma_wait3A_471 : memref<1x32x128xi32, #tpu.memory_space<hbm>> -> memref<32x128xi32, #tpu.memory_space<hbm>>
        tpu.wait_dma2 semaphore(%run_scoped3A : memref<!tpu.dma_semaphore, #tpu.memory_space<semaphore_mem>>) src(%dma_wait3A_472 : memref<32x128xi32, #tpu.memory_space<hbm>>) dst(%arg6 : memref<32x128xi32, #tpu.memory_space<vmem>>)
        tpu.yield
      }) : () -> ()
      "tpu.region"() ({
        %run_scoped3A = tpu.sem_alloc : memref<!tpu.dma_semaphore, #tpu.memory_space<semaphore_mem>>
        %dma_start3A_457 = arith.constant 0 : i32
        %dma_start3A_458 = arith.constant 0 : i32
        %dma_start3A_459 = tpu.memref_slice %arg4[%add3A_30, %dma_start3A_457, %dma_start3A_458] : memref<26x32x33xf32, #tpu.memory_space<hbm>> -> memref<1x32x33xf32, #tpu.memory_space<hbm>>
        %dma_start3A_460 = tpu.memref_squeeze %dma_start3A_459 : memref<1x32x33xf32, #tpu.memory_space<hbm>> -> memref<32x33xf32, #tpu.memory_space<hbm>>
        %dma_start3A_461 = arith.constant 0 : i32
        %dma_start3A_462 = arith.constant 0 : i32
        %dma_start3A_463 = tpu.memref_slice %arg4[%add3A_30, %dma_start3A_461, %dma_start3A_462] : memref<26x32x33xf32, #tpu.memory_space<hbm>> -> memref<1x32x33xf32, #tpu.memory_space<hbm>>
        %dma_start3A_464 = tpu.memref_squeeze %dma_start3A_463 : memref<1x32x33xf32, #tpu.memory_space<hbm>> -> memref<32x33xf32, #tpu.memory_space<hbm>>
        tpu.enqueue_dma source(%dma_start3A_464 : memref<32x33xf32, #tpu.memory_space<hbm>>) target(%arg7 : memref<32x33xf32, #tpu.memory_space<vmem>>) target_semaphore(%run_scoped3A : memref<!tpu.dma_semaphore, #tpu.memory_space<semaphore_mem>>)
        %dma_wait3A_465 = arith.constant 0 : i32
        %dma_wait3A_466 = arith.constant 0 : i32
        %dma_wait3A_467 = tpu.memref_slice %arg4[%add3A_30, %dma_wait3A_465, %dma_wait3A_466] : memref<26x32x33xf32, #tpu.memory_space<hbm>> -> memref<1x32x33xf32, #tpu.memory_space<hbm>>
        %dma_wait3A_468 = tpu.memref_squeeze %dma_wait3A_467 : memref<1x32x33xf32, #tpu.memory_space<hbm>> -> memref<32x33xf32, #tpu.memory_space<hbm>>
        %dma_wait3A_469 = arith.constant 0 : i32
        %dma_wait3A_470 = arith.constant 0 : i32
        %dma_wait3A_471 = tpu.memref_slice %arg4[%add3A_30, %dma_wait3A_469, %dma_wait3A_470] : memref<26x32x33xf32, #tpu.memory_space<hbm>> -> memref<1x32x33xf32, #tpu.memory_space<hbm>>
        %dma_wait3A_472 = tpu.memref_squeeze %dma_wait3A_471 : memref<1x32x33xf32, #tpu.memory_space<hbm>> -> memref<32x33xf32, #tpu.memory_space<hbm>>
        tpu.wait_dma2 semaphore(%run_scoped3A : memref<!tpu.dma_semaphore, #tpu.memory_space<semaphore_mem>>) src(%dma_wait3A_472 : memref<32x33xf32, #tpu.memory_space<hbm>>) dst(%arg7 : memref<32x33xf32, #tpu.memory_space<vmem>>)
        tpu.yield
      }) : () -> ()
      %get3A_244 = arith.index_cast %add3A : i32 to index
      %get3A_245 = arith.constant 0 : index
      %get3A_246 = tpu.vector_load %arg6[%get3A_244, %get3A_245] {strides = array<i32>} : memref<32x128xi32, #tpu.memory_space<vmem>>, vector<16xi32>,
      %slice3A_247 = vector.extract_strided_slice %get3A_246 {offsets = [0], sizes = [1], strides = [1]} : vector<16xi32> to vector<1xi32>
      %squeeze3A_248 = vector.extract %slice3A_247[0] : i32 from vector<1xi32>
      %shift_right_logical3A_249 = arith.constant 7 : i32
      %shift_right_logical3A_250 = arith.shrui %squeeze3A_248, %shift_right_logical3A_249 : i32
      %min3A_251 = arith.constant 780 : i32
      %min3A_252 = arith.minsi %shift_right_logical3A_250, %min3A_251 : i32
      %mul3A_253 = arith.constant 128 : i32
      %mul3A_254 = arith.muli %min3A_252, %mul3A_253 : i32
      %multiple_of3A_255 = tpu.assume_multiple %mul3A_254, 128 : i32
      %dma_start3A_256 = arith.constant 0 : i32
      %dma_start3A_257 = tpu.memref_slice %arg3[%add3A_30, %dma_start3A_256, %multiple_of3A_255] : memref<26x32x100001xf32, #tpu.memory_space<hbm>> -> memref<1x32x128xf32, #tpu.memory_space<hbm>>
      %dma_start3A_258 = tpu.memref_squeeze %dma_start3A_257 : memref<1x32x128xf32, #tpu.memory_space<hbm>> -> memref<32x128xf32, #tpu.memory_space<hbm>>
      %dma_start3A_259 = arith.constant 0 : i32
      %dma_start3A_260 = tpu.memref_slice %arg3[%add3A_30, %dma_start3A_259, %multiple_of3A_255] : memref<26x32x100001xf32, #tpu.memory_space<hbm>> -> memref<1x32x128xf32, #tpu.memory_space<hbm>>
      %dma_start3A_261 = tpu.memref_squeeze %dma_start3A_260 : memref<1x32x128xf32, #tpu.memory_space<hbm>> -> memref<32x128xf32, #tpu.memory_space<hbm>>
      tpu.enqueue_dma source(%dma_start3A_261 : memref<32x128xf32, #tpu.memory_space<hbm>>) target(%arg10 : memref<32x128xf32, #tpu.memory_space<vmem>>) target_semaphore(%arg18 : memref<!tpu.dma_semaphore, #tpu.memory_space<semaphore_mem>>)
      %slice3A_262 = vector.extract_strided_slice %get3A_246 {offsets = [1], sizes = [1], strides = [1]} : vector<16xi32> to vector<1xi32>
      %squeeze3A_263 = vector.extract %slice3A_262[0] : i32 from vector<1xi32>
      %shift_right_logical3A_264 = arith.constant 7 : i32
      %shift_right_logical3A_265 = arith.shrui %squeeze3A_263, %shift_right_logical3A_264 : i32
      %min3A_266 = arith.constant 780 : i32
      %min3A_267 = arith.minsi %shift_right_logical3A_265, %min3A_266 : i32
      %mul3A_268 = arith.constant 128 : i32
      %mul3A_269 = arith.muli %min3A_267, %mul3A_268 : i32
      %multiple_of3A_270 = tpu.assume_multiple %mul3A_269, 128 : i32
      %dma_start3A_271 = arith.constant 0 : i32
      %dma_start3A_272 = tpu.memref_slice %arg3[%add3A_30, %dma_start3A_271, %multiple_of3A_270] : memref<26x32x100001xf32, #tpu.memory_space<hbm>> -> memref<1x32x128xf32, #tpu.memory_space<hbm>>
      %dma_start3A_273 = tpu.memref_squeeze %dma_start3A_272 : memref<1x32x128xf32, #tpu.memory_space<hbm>> -> memref<32x128xf32, #tpu.memory_space<hbm>>
      %dma_start3A_274 = arith.constant 0 : i32
      %dma_start3A_275 = tpu.memref_slice %arg3[%add3A_30, %dma_start3A_274, %multiple_of3A_270] : memref<26x32x100001xf32, #tpu.memory_space<hbm>> -> memref<1x32x128xf32, #tpu.memory_space<hbm>>
      %dma_start3A_276 = tpu.memref_squeeze %dma_start3A_275 : memref<1x32x128xf32, #tpu.memory_space<hbm>> -> memref<32x128xf32, #tpu.memory_space<hbm>>
      tpu.enqueue_dma source(%dma_start3A_276 : memref<32x128xf32, #tpu.memory_space<hbm>>) target(%arg11 : memref<32x128xf32, #tpu.memory_space<vmem>>) target_semaphore(%arg19 : memref<!tpu.dma_semaphore, #tpu.memory_space<semaphore_mem>>)
      %slice3A_277 = vector.extract_strided_slice %get3A_246 {offsets = [2], sizes = [1], strides = [1]} : vector<16xi32> to vector<1xi32>
      %squeeze3A_278 = vector.extract %slice3A_277[0] : i32 from vector<1xi32>
      %shift_right_logical3A_279 = arith.constant 7 : i32
      %shift_right_logical3A_280 = arith.shrui %squeeze3A_278, %shift_right_logical3A_279 : i32
      %min3A_281 = arith.constant 780 : i32
      %min3A_282 = arith.minsi %shift_right_logical3A_280, %min3A_281 : i32
      %mul3A_283 = arith.constant 128 : i32
      %mul3A_284 = arith.muli %min3A_282, %mul3A_283 : i32
      %multiple_of3A_285 = tpu.assume_multiple %mul3A_284, 128 : i32
      %dma_start3A_286 = arith.constant 0 : i32
      %dma_start3A_287 = tpu.memref_slice %arg3[%add3A_30, %dma_start3A_286, %multiple_of3A_285] : memref<26x32x100001xf32, #tpu.memory_space<hbm>> -> memref<1x32x128xf32, #tpu.memory_space<hbm>>
      %dma_start3A_288 = tpu.memref_squeeze %dma_start3A_287 : memref<1x32x128xf32, #tpu.memory_space<hbm>> -> memref<32x128xf32, #tpu.memory_space<hbm>>
      %dma_start3A_289 = arith.constant 0 : i32
      %dma_start3A_290 = tpu.memref_slice %arg3[%add3A_30, %dma_start3A_289, %multiple_of3A_285] : memref<26x32x100001xf32, #tpu.memory_space<hbm>> -> memref<1x32x128xf32, #tpu.memory_space<hbm>>
      %dma_start3A_291 = tpu.memref_squeeze %dma_start3A_290 : memref<1x32x128xf32, #tpu.memory_space<hbm>> -> memref<32x128xf32, #tpu.memory_space<hbm>>
      tpu.enqueue_dma source(%dma_start3A_291 : memref<32x128xf32, #tpu.memory_space<hbm>>) target(%arg12 : memref<32x128xf32, #tpu.memory_space<vmem>>) target_semaphore(%arg20 : memref<!tpu.dma_semaphore, #tpu.memory_space<semaphore_mem>>)
      %slice3A_292 = vector.extract_strided_slice %get3A_246 {offsets = [3], sizes = [1], strides = [1]} : vector<16xi32> to vector<1xi32>
      %squeeze3A_293 = vector.extract %slice3A_292[0] : i32 from vector<1xi32>
      %shift_right_logical3A_294 = arith.constant 7 : i32
      %shift_right_logical3A_295 = arith.shrui %squeeze3A_293, %shift_right_logical3A_294 : i32
      %min3A_296 = arith.constant 780 : i32
      %min3A_297 = arith.minsi %shift_right_logical3A_295, %min3A_296 : i32
      %mul3A_298 = arith.constant 128 : i32
      %mul3A_299 = arith.muli %min3A_297, %mul3A_298 : i32
      %multiple_of3A_300 = tpu.assume_multiple %mul3A_299, 128 : i32
      %dma_start3A_301 = arith.constant 0 : i32
      %dma_start3A_302 = tpu.memref_slice %arg3[%add3A_30, %dma_start3A_301, %multiple_of3A_300] : memref<26x32x100001xf32, #tpu.memory_space<hbm>> -> memref<1x32x128xf32, #tpu.memory_space<hbm>>
      %dma_start3A_303 = tpu.memref_squeeze %dma_start3A_302 : memref<1x32x128xf32, #tpu.memory_space<hbm>> -> memref<32x128xf32, #tpu.memory_space<hbm>>
      %dma_start3A_304 = arith.constant 0 : i32
      %dma_start3A_305 = tpu.memref_slice %arg3[%add3A_30, %dma_start3A_304, %multiple_of3A_300] : memref<26x32x100001xf32, #tpu.memory_space<hbm>> -> memref<1x32x128xf32, #tpu.memory_space<hbm>>
      %dma_start3A_306 = tpu.memref_squeeze %dma_start3A_305 : memref<1x32x128xf32, #tpu.memory_space<hbm>> -> memref<32x128xf32, #tpu.memory_space<hbm>>
      tpu.enqueue_dma source(%dma_start3A_306 : memref<32x128xf32, #tpu.memory_space<hbm>>) target(%arg13 : memref<32x128xf32, #tpu.memory_space<vmem>>) target_semaphore(%arg21 : memref<!tpu.dma_semaphore, #tpu.memory_space<semaphore_mem>>)
      %slice3A_307 = vector.extract_strided_slice %get3A_246 {offsets = [4], sizes = [1], strides = [1]} : vector<16xi32> to vector<1xi32>
      %squeeze3A_308 = vector.extract %slice3A_307[0] : i32 from vector<1xi32>
      %shift_right_logical3A_309 = arith.constant 7 : i32
      %shift_right_logical3A_310 = arith.shrui %squeeze3A_308, %shift_right_logical3A_309 : i32
      %min3A_311 = arith.constant 780 : i32
      %min3A_312 = arith.minsi %shift_right_logical3A_310, %min3A_311 : i32
      %mul3A_313 = arith.constant 128 : i32
      %mul3A_314 = arith.muli %min3A_312, %mul3A_313 : i32
      %multiple_of3A_315 = tpu.assume_multiple %mul3A_314, 128 : i32
      %dma_start3A_316 = arith.constant 0 : i32
      %dma_start3A_317 = tpu.memref_slice %arg3[%add3A_30, %dma_start3A_316, %multiple_of3A_315] : memref<26x32x100001xf32, #tpu.memory_space<hbm>> -> memref<1x32x128xf32, #tpu.memory_space<hbm>>
      %dma_start3A_318 = tpu.memref_squeeze %dma_start3A_317 : memref<1x32x128xf32, #tpu.memory_space<hbm>> -> memref<32x128xf32, #tpu.memory_space<hbm>>
      %dma_start3A_319 = arith.constant 0 : i32
      %dma_start3A_320 = tpu.memref_slice %arg3[%add3A_30, %dma_start3A_319, %multiple_of3A_315] : memref<26x32x100001xf32, #tpu.memory_space<hbm>> -> memref<1x32x128xf32, #tpu.memory_space<hbm>>
      %dma_start3A_321 = tpu.memref_squeeze %dma_start3A_320 : memref<1x32x128xf32, #tpu.memory_space<hbm>> -> memref<32x128xf32, #tpu.memory_space<hbm>>
      tpu.enqueue_dma source(%dma_start3A_321 : memref<32x128xf32, #tpu.memory_space<hbm>>) target(%arg14 : memref<32x128xf32, #tpu.memory_space<vmem>>) target_semaphore(%arg22 : memref<!tpu.dma_semaphore, #tpu.memory_space<semaphore_mem>>)
      %slice3A_322 = vector.extract_strided_slice %get3A_246 {offsets = [5], sizes = [1], strides = [1]} : vector<16xi32> to vector<1xi32>
      %squeeze3A_323 = vector.extract %slice3A_322[0] : i32 from vector<1xi32>
      %shift_right_logical3A_324 = arith.constant 7 : i32
      %shift_right_logical3A_325 = arith.shrui %squeeze3A_323, %shift_right_logical3A_324 : i32
      %min3A_326 = arith.constant 780 : i32
      %min3A_327 = arith.minsi %shift_right_logical3A_325, %min3A_326 : i32
      %mul3A_328 = arith.constant 128 : i32
      %mul3A_329 = arith.muli %min3A_327, %mul3A_328 : i32
      %multiple_of3A_330 = tpu.assume_multiple %mul3A_329, 128 : i32
      %dma_start3A_331 = arith.constant 0 : i32
      %dma_start3A_332 = tpu.memref_slice %arg3[%add3A_30, %dma_start3A_331, %multiple_of3A_330] : memref<26x32x100001xf32, #tpu.memory_space<hbm>> -> memref<1x32x128xf32, #tpu.memory_space<hbm>>
      %dma_start3A_333 = tpu.memref_squeeze %dma_start3A_332 : memref<1x32x128xf32, #tpu.memory_space<hbm>> -> memref<32x128xf32, #tpu.memory_space<hbm>>
      %dma_start3A_334 = arith.constant 0 : i32
      %dma_start3A_335 = tpu.memref_slice %arg3[%add3A_30, %dma_start3A_334, %multiple_of3A_330] : memref<26x32x100001xf32, #tpu.memory_space<hbm>> -> memref<1x32x128xf32, #tpu.memory_space<hbm>>
      %dma_start3A_336 = tpu.memref_squeeze %dma_start3A_335 : memref<1x32x128xf32, #tpu.memory_space<hbm>> -> memref<32x128xf32, #tpu.memory_space<hbm>>
      tpu.enqueue_dma source(%dma_start3A_336 : memref<32x128xf32, #tpu.memory_space<hbm>>) target(%arg15 : memref<32x128xf32, #tpu.memory_space<vmem>>) target_semaphore(%arg23 : memref<!tpu.dma_semaphore, #tpu.memory_space<semaphore_mem>>)
      %slice3A_337 = vector.extract_strided_slice %get3A_246 {offsets = [6], sizes = [1], strides = [1]} : vector<16xi32> to vector<1xi32>
      %squeeze3A_338 = vector.extract %slice3A_337[0] : i32 from vector<1xi32>
      %shift_right_logical3A_339 = arith.constant 7 : i32
      %shift_right_logical3A_340 = arith.shrui %squeeze3A_338, %shift_right_logical3A_339 : i32
      %min3A_341 = arith.constant 780 : i32
      %min3A_342 = arith.minsi %shift_right_logical3A_340, %min3A_341 : i32
      %mul3A_343 = arith.constant 128 : i32
      %mul3A_344 = arith.muli %min3A_342, %mul3A_343 : i32
      %multiple_of3A_345 = tpu.assume_multiple %mul3A_344, 128 : i32
      %dma_start3A_346 = arith.constant 0 : i32
      %dma_start3A_347 = tpu.memref_slice %arg3[%add3A_30, %dma_start3A_346, %multiple_of3A_345] : memref<26x32x100001xf32, #tpu.memory_space<hbm>> -> memref<1x32x128xf32, #tpu.memory_space<hbm>>
      %dma_start3A_348 = tpu.memref_squeeze %dma_start3A_347 : memref<1x32x128xf32, #tpu.memory_space<hbm>> -> memref<32x128xf32, #tpu.memory_space<hbm>>
      %dma_start3A_349 = arith.constant 0 : i32
      %dma_start3A_350 = tpu.memref_slice %arg3[%add3A_30, %dma_start3A_349, %multiple_of3A_345] : memref<26x32x100001xf32, #tpu.memory_space<hbm>> -> memref<1x32x128xf32, #tpu.memory_space<hbm>>
      %dma_start3A_351 = tpu.memref_squeeze %dma_start3A_350 : memref<1x32x128xf32, #tpu.memory_space<hbm>> -> memref<32x128xf32, #tpu.memory_space<hbm>>
      tpu.enqueue_dma source(%dma_start3A_351 : memref<32x128xf32, #tpu.memory_space<hbm>>) target(%arg16 : memref<32x128xf32, #tpu.memory_space<vmem>>) target_semaphore(%arg24 : memref<!tpu.dma_semaphore, #tpu.memory_space<semaphore_mem>>)
      %slice3A_352 = vector.extract_strided_slice %get3A_246 {offsets = [7], sizes = [1], strides = [1]} : vector<16xi32> to vector<1xi32>
      %squeeze3A_353 = vector.extract %slice3A_352[0] : i32 from vector<1xi32>
      %shift_right_logical3A_354 = arith.constant 7 : i32
      %shift_right_logical3A_355 = arith.shrui %squeeze3A_353, %shift_right_logical3A_354 : i32
      %min3A_356 = arith.constant 780 : i32
      %min3A_357 = arith.minsi %shift_right_logical3A_355, %min3A_356 : i32
      %mul3A_358 = arith.constant 128 : i32
      %mul3A_359 = arith.muli %min3A_357, %mul3A_358 : i32
      %multiple_of3A_360 = tpu.assume_multiple %mul3A_359, 128 : i32
      %dma_start3A_361 = arith.constant 0 : i32
      %dma_start3A_362 = tpu.memref_slice %arg3[%add3A_30, %dma_start3A_361, %multiple_of3A_360] : memref<26x32x100001xf32, #tpu.memory_space<hbm>> -> memref<1x32x128xf32, #tpu.memory_space<hbm>>
      %dma_start3A_363 = tpu.memref_squeeze %dma_start3A_362 : memref<1x32x128xf32, #tpu.memory_space<hbm>> -> memref<32x128xf32, #tpu.memory_space<hbm>>
      %dma_start3A_364 = arith.constant 0 : i32
      %dma_start3A_365 = tpu.memref_slice %arg3[%add3A_30, %dma_start3A_364, %multiple_of3A_360] : memref<26x32x100001xf32, #tpu.memory_space<hbm>> -> memref<1x32x128xf32, #tpu.memory_space<hbm>>
      %dma_start3A_366 = tpu.memref_squeeze %dma_start3A_365 : memref<1x32x128xf32, #tpu.memory_space<hbm>> -> memref<32x128xf32, #tpu.memory_space<hbm>>
      tpu.enqueue_dma source(%dma_start3A_366 : memref<32x128xf32, #tpu.memory_space<hbm>>) target(%arg17 : memref<32x128xf32, #tpu.memory_space<vmem>>) target_semaphore(%arg25 : memref<!tpu.dma_semaphore, #tpu.memory_space<semaphore_mem>>)
      %scan3A_367 = arith.constant 0 : i32
      %scan3A_368 = arith.constant 0 : i32
      %scan3A_369 = arith.constant 8 : i32
      %scan3A_370 = arith.addi %scan3A_368, %scan3A_369 : i32
      %scan3A_371 = arith.constant 1 : i32
      scf.for %scan3A_457 = %scan3A_368 to %scan3A_370 step %scan3A_371  : i32 {
        %mul3A_458 = arith.constant 16 : i32
        %mul3A_459 = arith.muli %scan3A_457, %mul3A_458 : i32
        %get3A_460 = arith.index_cast %add3A : i32 to index
        %get3A_461 = arith.index_cast %mul3A_459 : i32 to index
        %get3A_462 = tpu.vector_load %arg6[%get3A_460, %get3A_461] {strides = array<i32>} : memref<32x128xi32, #tpu.memory_space<vmem>>, vector<16xi32>,
        %add3A_463 = arith.constant 1 : i32
        %add3A_464 = arith.addi %scan3A_457, %add3A_463 : i32
        %min3A_465 = arith.constant 7 : i32
        %min3A_466 = arith.minsi %add3A_464, %min3A_465 : i32
        %mul3A_467 = arith.constant 16 : i32
        %mul3A_468 = arith.muli %min3A_466, %mul3A_467 : i32
        %get3A_469 = arith.index_cast %add3A : i32 to index
        %get3A_470 = arith.index_cast %mul3A_468 : i32 to index
        %get3A_471 = tpu.vector_load %arg6[%get3A_469, %get3A_470] {strides = array<i32>} : memref<32x128xi32, #tpu.memory_space<vmem>>, vector<16xi32>,
        %dma_wait3A_472 = arith.constant 0 : i32
        %dma_wait3A_473 = arith.constant 0 : i32
        %dma_wait3A_474 = arith.constant 0 : i32
        %dma_wait3A_475 = tpu.memref_slice %arg3[%dma_wait3A_472, %dma_wait3A_473, %dma_wait3A_474] : memref<26x32x100001xf32, #tpu.memory_space<hbm>> -> memref<1x32x128xf32, #tpu.memory_space<hbm>>
        %dma_wait3A_476 = tpu.memref_squeeze %dma_wait3A_475 : memref<1x32x128xf32, #tpu.memory_space<hbm>> -> memref<32x128xf32, #tpu.memory_space<hbm>>
        %dma_wait3A_477 = arith.constant 0 : i32
        %dma_wait3A_478 = arith.constant 0 : i32
        %dma_wait3A_479 = tpu.memref_slice %arg3[%dma_wait3A_472, %dma_wait3A_477, %dma_wait3A_478] : memref<26x32x100001xf32, #tpu.memory_space<hbm>> -> memref<1x32x128xf32, #tpu.memory_space<hbm>>
        %dma_wait3A_480 = tpu.memref_squeeze %dma_wait3A_479 : memref<1x32x128xf32, #tpu.memory_space<hbm>> -> memref<32x128xf32, #tpu.memory_space<hbm>>
        tpu.wait_dma2 semaphore(%arg18 : memref<!tpu.dma_semaphore, #tpu.memory_space<semaphore_mem>>) src(%dma_wait3A_480 : memref<32x128xf32, #tpu.memory_space<hbm>>) dst(%arg10 : memref<32x128xf32, #tpu.memory_space<vmem>>)
        %slice3A_481 = vector.extract_strided_slice %get3A_462 {offsets = [0], sizes = [1], strides = [1]} : vector<16xi32> to vector<1xi32>
        %squeeze3A_482 = vector.extract %slice3A_481[0] : i32 from vector<1xi32>
        %mul3A_483 = arith.constant 16 : i32
        %mul3A_484 = arith.muli %scan3A_457, %mul3A_483 : i32
        %add3A_485 = arith.constant 0 : i32
        %add3A_486 = arith.addi %mul3A_484, %add3A_485 : i32
        %shift_right_logical3A_487 = arith.constant 7 : i32
        %shift_right_logical3A_488 = arith.shrui %squeeze3A_482, %shift_right_logical3A_487 : i32
        %min3A_489 = arith.constant 780 : i32
        %min3A_490 = arith.minsi %shift_right_logical3A_488, %min3A_489 : i32
        %mul3A_491 = arith.constant 128 : i32
        %mul3A_492 = arith.muli %min3A_490, %mul3A_491 : i32
        %sub3A = arith.subi %squeeze3A_482, %mul3A_492 : i32
        %min3A_493 = arith.constant 127 : i32
        %min3A_494 = arith.minsi %sub3A, %min3A_493 : i32
        %broadcast_in_dim3A = vector.broadcast %min3A_494 : i32 to vector<16xi32>
        %broadcast_in_dim3A_495 = vector.broadcast %add3A_486 : i32 to vector<16xi32>
        %gather3A = tpu.vector_load_idx %arg10[%iota3A, %broadcast_in_dim3A] : memref<32x128xf32, #tpu.memory_space<vmem>>[vector<16xi32>, vector<16xi32>], vector<16xf32>,
        %gather3A_496 = tpu.vector_load_idx %arg10[%add3A_5, %broadcast_in_dim3A] : memref<32x128xf32, #tpu.memory_space<vmem>>[vector<16xi32>, vector<16xi32>], vector<16xf32>,
        tpu.vector_store_idx %arg9[%iota3A, %broadcast_in_dim3A_495], %gather3A : memref<32x128xf32, #tpu.memory_space<vmem>>[vector<16xi32>, vector<16xi32>], vector<16xf32>,
        tpu.vector_store_idx %arg9[%add3A_5, %broadcast_in_dim3A_495], %gather3A_496 : memref<32x128xf32, #tpu.memory_space<vmem>>[vector<16xi32>, vector<16xi32>], vector<16xf32>,
        %slice3A_497 = vector.extract_strided_slice %get3A_462 {offsets = [8], sizes = [1], strides = [1]} : vector<16xi32> to vector<1xi32>
        %squeeze3A_498 = vector.extract %slice3A_497[0] : i32 from vector<1xi32>
        %shift_right_logical3A_499 = arith.constant 7 : i32
        %shift_right_logical3A_500 = arith.shrui %squeeze3A_498, %shift_right_logical3A_499 : i32
        %min3A_501 = arith.constant 780 : i32
        %min3A_502 = arith.minsi %shift_right_logical3A_500, %min3A_501 : i32
        %mul3A_503 = arith.constant 128 : i32
        %mul3A_504 = arith.muli %min3A_502, %mul3A_503 : i32
        %multiple_of3A_505 = tpu.assume_multiple %mul3A_504, 128 : i32
        %dma_start3A_506 = arith.constant 0 : i32
        %dma_start3A_507 = tpu.memref_slice %arg3[%add3A_30, %dma_start3A_506, %multiple_of3A_505] : memref<26x32x100001xf32, #tpu.memory_space<hbm>> -> memref<1x32x128xf32, #tpu.memory_space<hbm>>
        %dma_start3A_508 = tpu.memref_squeeze %dma_start3A_507 : memref<1x32x128xf32, #tpu.memory_space<hbm>> -> memref<32x128xf32, #tpu.memory_space<hbm>>
        %dma_start3A_509 = arith.constant 0 : i32
        %dma_start3A_510 = tpu.memref_slice %arg3[%add3A_30, %dma_start3A_509, %multiple_of3A_505] : memref<26x32x100001xf32, #tpu.memory_space<hbm>> -> memref<1x32x128xf32, #tpu.memory_space<hbm>>
        %dma_start3A_511 = tpu.memref_squeeze %dma_start3A_510 : memref<1x32x128xf32, #tpu.memory_space<hbm>> -> memref<32x128xf32, #tpu.memory_space<hbm>>
        tpu.enqueue_dma source(%dma_start3A_511 : memref<32x128xf32, #tpu.memory_space<hbm>>) target(%arg10 : memref<32x128xf32, #tpu.memory_space<vmem>>) target_semaphore(%arg18 : memref<!tpu.dma_semaphore, #tpu.memory_space<semaphore_mem>>)
        %dma_wait3A_512 = arith.constant 0 : i32
        %dma_wait3A_513 = arith.constant 0 : i32
        %dma_wait3A_514 = arith.constant 0 : i32
        %dma_wait3A_515 = tpu.memref_slice %arg3[%dma_wait3A_512, %dma_wait3A_513, %dma_wait3A_514] : memref<26x32x100001xf32, #tpu.memory_space<hbm>> -> memref<1x32x128xf32, #tpu.memory_space<hbm>>
        %dma_wait3A_516 = tpu.memref_squeeze %dma_wait3A_515 : memref<1x32x128xf32, #tpu.memory_space<hbm>> -> memref<32x128xf32, #tpu.memory_space<hbm>>
        %dma_wait3A_517 = arith.constant 0 : i32
        %dma_wait3A_518 = arith.constant 0 : i32
        %dma_wait3A_519 = tpu.memref_slice %arg3[%dma_wait3A_512, %dma_wait3A_517, %dma_wait3A_518] : memref<26x32x100001xf32, #tpu.memory_space<hbm>> -> memref<1x32x128xf32, #tpu.memory_space<hbm>>
        %dma_wait3A_520 = tpu.memref_squeeze %dma_wait3A_519 : memref<1x32x128xf32, #tpu.memory_space<hbm>> -> memref<32x128xf32, #tpu.memory_space<hbm>>
        tpu.wait_dma2 semaphore(%arg19 : memref<!tpu.dma_semaphore, #tpu.memory_space<semaphore_mem>>) src(%dma_wait3A_520 : memref<32x128xf32, #tpu.memory_space<hbm>>) dst(%arg11 : memref<32x128xf32, #tpu.memory_space<vmem>>)
        %slice3A_521 = vector.extract_strided_slice %get3A_462 {offsets = [1], sizes = [1], strides = [1]} : vector<16xi32> to vector<1xi32>
        %squeeze3A_522 = vector.extract %slice3A_521[0] : i32 from vector<1xi32>
        %mul3A_523 = arith.constant 16 : i32
        %mul3A_524 = arith.muli %scan3A_457, %mul3A_523 : i32
        %add3A_525 = arith.constant 1 : i32
        %add3A_526 = arith.addi %mul3A_524, %add3A_525 : i32
        %shift_right_logical3A_527 = arith.constant 7 : i32
        %shift_right_logical3A_528 = arith.shrui %squeeze3A_522, %shift_right_logical3A_527 : i32
        %min3A_529 = arith.constant 780 : i32
        %min3A_530 = arith.minsi %shift_right_logical3A_528, %min3A_529 : i32
        %mul3A_531 = arith.constant 128 : i32
        %mul3A_532 = arith.muli %min3A_530, %mul3A_531 : i32
        %sub3A_533 = arith.subi %squeeze3A_522, %mul3A_532 : i32
        %min3A_534 = arith.constant 127 : i32
        %min3A_535 = arith.minsi %sub3A_533, %min3A_534 : i32
        %broadcast_in_dim3A_536 = vector.broadcast %min3A_535 : i32 to vector<16xi32>
        %broadcast_in_dim3A_537 = vector.broadcast %add3A_526 : i32 to vector<16xi32>
        %gather3A_538 = tpu.vector_load_idx %arg11[%iota3A, %broadcast_in_dim3A_536] : memref<32x128xf32, #tpu.memory_space<vmem>>[vector<16xi32>, vector<16xi32>], vector<16xf32>,
        %gather3A_539 = tpu.vector_load_idx %arg11[%add3A_5, %broadcast_in_dim3A_536] : memref<32x128xf32, #tpu.memory_space<vmem>>[vector<16xi32>, vector<16xi32>], vector<16xf32>,
        tpu.vector_store_idx %arg9[%iota3A, %broadcast_in_dim3A_537], %gather3A_538 : memref<32x128xf32, #tpu.memory_space<vmem>>[vector<16xi32>, vector<16xi32>], vector<16xf32>,
        tpu.vector_store_idx %arg9[%add3A_5, %broadcast_in_dim3A_537], %gather3A_539 : memref<32x128xf32, #tpu.memory_space<vmem>>[vector<16xi32>, vector<16xi32>], vector<16xf32>,
        %slice3A_540 = vector.extract_strided_slice %get3A_462 {offsets = [9], sizes = [1], strides = [1]} : vector<16xi32> to vector<1xi32>
        %squeeze3A_541 = vector.extract %slice3A_540[0] : i32 from vector<1xi32>
        %shift_right_logical3A_542 = arith.constant 7 : i32
        %shift_right_logical3A_543 = arith.shrui %squeeze3A_541, %shift_right_logical3A_542 : i32
        %min3A_544 = arith.constant 780 : i32
        %min3A_545 = arith.minsi %shift_right_logical3A_543, %min3A_544 : i32
        %mul3A_546 = arith.constant 128 : i32
        %mul3A_547 = arith.muli %min3A_545, %mul3A_546 : i32
        %multiple_of3A_548 = tpu.assume_multiple %mul3A_547, 128 : i32
        %dma_start3A_549 = arith.constant 0 : i32
        %dma_start3A_550 = tpu.memref_slice %arg3[%add3A_30, %dma_start3A_549, %multiple_of3A_548] : memref<26x32x100001xf32, #tpu.memory_space<hbm>> -> memref<1x32x128xf32, #tpu.memory_space<hbm>>
        %dma_start3A_551 = tpu.memref_squeeze %dma_start3A_550 : memref<1x32x128xf32, #tpu.memory_space<hbm>> -> memref<32x128xf32, #tpu.memory_space<hbm>>
        %dma_start3A_552 = arith.constant 0 : i32
        %dma_start3A_553 = tpu.memref_slice %arg3[%add3A_30, %dma_start3A_552, %multiple_of3A_548] : memref<26x32x100001xf32, #tpu.memory_space<hbm>> -> memref<1x32x128xf32, #tpu.memory_space<hbm>>
        %dma_start3A_554 = tpu.memref_squeeze %dma_start3A_553 : memref<1x32x128xf32, #tpu.memory_space<hbm>> -> memref<32x128xf32, #tpu.memory_space<hbm>>
        tpu.enqueue_dma source(%dma_start3A_554 : memref<32x128xf32, #tpu.memory_space<hbm>>) target(%arg11 : memref<32x128xf32, #tpu.memory_space<vmem>>) target_semaphore(%arg19 : memref<!tpu.dma_semaphore, #tpu.memory_space<semaphore_mem>>)
        %dma_wait3A_555 = arith.constant 0 : i32
        %dma_wait3A_556 = arith.constant 0 : i32
        %dma_wait3A_557 = arith.constant 0 : i32
        %dma_wait3A_558 = tpu.memref_slice %arg3[%dma_wait3A_555, %dma_wait3A_556, %dma_wait3A_557] : memref<26x32x100001xf32, #tpu.memory_space<hbm>> -> memref<1x32x128xf32, #tpu.memory_space<hbm>>
        %dma_wait3A_559 = tpu.memref_squeeze %dma_wait3A_558 : memref<1x32x128xf32, #tpu.memory_space<hbm>> -> memref<32x128xf32, #tpu.memory_space<hbm>>
        %dma_wait3A_560 = arith.constant 0 : i32
        %dma_wait3A_561 = arith.constant 0 : i32
        %dma_wait3A_562 = tpu.memref_slice %arg3[%dma_wait3A_555, %dma_wait3A_560, %dma_wait3A_561] : memref<26x32x100001xf32, #tpu.memory_space<hbm>> -> memref<1x32x128xf32, #tpu.memory_space<hbm>>
        %dma_wait3A_563 = tpu.memref_squeeze %dma_wait3A_562 : memref<1x32x128xf32, #tpu.memory_space<hbm>> -> memref<32x128xf32, #tpu.memory_space<hbm>>
        tpu.wait_dma2 semaphore(%arg20 : memref<!tpu.dma_semaphore, #tpu.memory_space<semaphore_mem>>) src(%dma_wait3A_563 : memref<32x128xf32, #tpu.memory_space<hbm>>) dst(%arg12 : memref<32x128xf32, #tpu.memory_space<vmem>>)
        %slice3A_564 = vector.extract_strided_slice %get3A_462 {offsets = [2], sizes = [1], strides = [1]} : vector<16xi32> to vector<1xi32>
        %squeeze3A_565 = vector.extract %slice3A_564[0] : i32 from vector<1xi32>
        %mul3A_566 = arith.constant 16 : i32
        %mul3A_567 = arith.muli %scan3A_457, %mul3A_566 : i32
        %add3A_568 = arith.constant 2 : i32
        %add3A_569 = arith.addi %mul3A_567, %add3A_568 : i32
        %shift_right_logical3A_570 = arith.constant 7 : i32
        %shift_right_logical3A_571 = arith.shrui %squeeze3A_565, %shift_right_logical3A_570 : i32
        %min3A_572 = arith.constant 780 : i32
        %min3A_573 = arith.minsi %shift_right_logical3A_571, %min3A_572 : i32
        %mul3A_574 = arith.constant 128 : i32
        %mul3A_575 = arith.muli %min3A_573, %mul3A_574 : i32
        %sub3A_576 = arith.subi %squeeze3A_565, %mul3A_575 : i32
        %min3A_577 = arith.constant 127 : i32
        %min3A_578 = arith.minsi %sub3A_576, %min3A_577 : i32
        %broadcast_in_dim3A_579 = vector.broadcast %min3A_578 : i32 to vector<16xi32>
        %broadcast_in_dim3A_580 = vector.broadcast %add3A_569 : i32 to vector<16xi32>
        %gather3A_581 = tpu.vector_load_idx %arg12[%iota3A, %broadcast_in_dim3A_579] : memref<32x128xf32, #tpu.memory_space<vmem>>[vector<16xi32>, vector<16xi32>], vector<16xf32>,
        %gather3A_582 = tpu.vector_load_idx %arg12[%add3A_5, %broadcast_in_dim3A_579] : memref<32x128xf32, #tpu.memory_space<vmem>>[vector<16xi32>, vector<16xi32>], vector<16xf32>,
        tpu.vector_store_idx %arg9[%iota3A, %broadcast_in_dim3A_580], %gather3A_581 : memref<32x128xf32, #tpu.memory_space<vmem>>[vector<16xi32>, vector<16xi32>], vector<16xf32>,
        tpu.vector_store_idx %arg9[%add3A_5, %broadcast_in_dim3A_580], %gather3A_582 : memref<32x128xf32, #tpu.memory_space<vmem>>[vector<16xi32>, vector<16xi32>], vector<16xf32>,
        %slice3A_583 = vector.extract_strided_slice %get3A_462 {offsets = [10], sizes = [1], strides = [1]} : vector<16xi32> to vector<1xi32>
        %squeeze3A_584 = vector.extract %slice3A_583[0] : i32 from vector<1xi32>
        %shift_right_logical3A_585 = arith.constant 7 : i32
        %shift_right_logical3A_586 = arith.shrui %squeeze3A_584, %shift_right_logical3A_585 : i32
        %min3A_587 = arith.constant 780 : i32
        %min3A_588 = arith.minsi %shift_right_logical3A_586, %min3A_587 : i32
        %mul3A_589 = arith.constant 128 : i32
        %mul3A_590 = arith.muli %min3A_588, %mul3A_589 : i32
        %multiple_of3A_591 = tpu.assume_multiple %mul3A_590, 128 : i32
        %dma_start3A_592 = arith.constant 0 : i32
        %dma_start3A_593 = tpu.memref_slice %arg3[%add3A_30, %dma_start3A_592, %multiple_of3A_591] : memref<26x32x100001xf32, #tpu.memory_space<hbm>> -> memref<1x32x128xf32, #tpu.memory_space<hbm>>
        %dma_start3A_594 = tpu.memref_squeeze %dma_start3A_593 : memref<1x32x128xf32, #tpu.memory_space<hbm>> -> memref<32x128xf32, #tpu.memory_space<hbm>>
        %dma_start3A_595 = arith.constant 0 : i32
        %dma_start3A_596 = tpu.memref_slice %arg3[%add3A_30, %dma_start3A_595, %multiple_of3A_591] : memref<26x32x100001xf32, #tpu.memory_space<hbm>> -> memref<1x32x128xf32, #tpu.memory_space<hbm>>
        %dma_start3A_597 = tpu.memref_squeeze %dma_start3A_596 : memref<1x32x128xf32, #tpu.memory_space<hbm>> -> memref<32x128xf32, #tpu.memory_space<hbm>>
        tpu.enqueue_dma source(%dma_start3A_597 : memref<32x128xf32, #tpu.memory_space<hbm>>) target(%arg12 : memref<32x128xf32, #tpu.memory_space<vmem>>) target_semaphore(%arg20 : memref<!tpu.dma_semaphore, #tpu.memory_space<semaphore_mem>>)
        %dma_wait3A_598 = arith.constant 0 : i32
        %dma_wait3A_599 = arith.constant 0 : i32
        %dma_wait3A_600 = arith.constant 0 : i32
        %dma_wait3A_601 = tpu.memref_slice %arg3[%dma_wait3A_598, %dma_wait3A_599, %dma_wait3A_600] : memref<26x32x100001xf32, #tpu.memory_space<hbm>> -> memref<1x32x128xf32, #tpu.memory_space<hbm>>
        %dma_wait3A_602 = tpu.memref_squeeze %dma_wait3A_601 : memref<1x32x128xf32, #tpu.memory_space<hbm>> -> memref<32x128xf32, #tpu.memory_space<hbm>>
        %dma_wait3A_603 = arith.constant 0 : i32
        %dma_wait3A_604 = arith.constant 0 : i32
        %dma_wait3A_605 = tpu.memref_slice %arg3[%dma_wait3A_598, %dma_wait3A_603, %dma_wait3A_604] : memref<26x32x100001xf32, #tpu.memory_space<hbm>> -> memref<1x32x128xf32, #tpu.memory_space<hbm>>
        %dma_wait3A_606 = tpu.memref_squeeze %dma_wait3A_605 : memref<1x32x128xf32, #tpu.memory_space<hbm>> -> memref<32x128xf32, #tpu.memory_space<hbm>>
        tpu.wait_dma2 semaphore(%arg21 : memref<!tpu.dma_semaphore, #tpu.memory_space<semaphore_mem>>) src(%dma_wait3A_606 : memref<32x128xf32, #tpu.memory_space<hbm>>) dst(%arg13 : memref<32x128xf32, #tpu.memory_space<vmem>>)
        %slice3A_607 = vector.extract_strided_slice %get3A_462 {offsets = [3], sizes = [1], strides = [1]} : vector<16xi32> to vector<1xi32>
        %squeeze3A_608 = vector.extract %slice3A_607[0] : i32 from vector<1xi32>
        %mul3A_609 = arith.constant 16 : i32
        %mul3A_610 = arith.muli %scan3A_457, %mul3A_609 : i32
        %add3A_611 = arith.constant 3 : i32
        %add3A_612 = arith.addi %mul3A_610, %add3A_611 : i32
        %shift_right_logical3A_613 = arith.constant 7 : i32
        %shift_right_logical3A_614 = arith.shrui %squeeze3A_608, %shift_right_logical3A_613 : i32
        %min3A_615 = arith.constant 780 : i32
        %min3A_616 = arith.minsi %shift_right_logical3A_614, %min3A_615 : i32
        %mul3A_617 = arith.constant 128 : i32
        %mul3A_618 = arith.muli %min3A_616, %mul3A_617 : i32
        %sub3A_619 = arith.subi %squeeze3A_608, %mul3A_618 : i32
        %min3A_620 = arith.constant 127 : i32
        %min3A_621 = arith.minsi %sub3A_619, %min3A_620 : i32
        %broadcast_in_dim3A_622 = vector.broadcast %min3A_621 : i32 to vector<16xi32>
        %broadcast_in_dim3A_623 = vector.broadcast %add3A_612 : i32 to vector<16xi32>
        %gather3A_624 = tpu.vector_load_idx %arg13[%iota3A, %broadcast_in_dim3A_622] : memref<32x128xf32, #tpu.memory_space<vmem>>[vector<16xi32>, vector<16xi32>], vector<16xf32>,
        %gather3A_625 = tpu.vector_load_idx %arg13[%add3A_5, %broadcast_in_dim3A_622] : memref<32x128xf32, #tpu.memory_space<vmem>>[vector<16xi32>, vector<16xi32>], vector<16xf32>,
        tpu.vector_store_idx %arg9[%iota3A, %broadcast_in_dim3A_623], %gather3A_624 : memref<32x128xf32, #tpu.memory_space<vmem>>[vector<16xi32>, vector<16xi32>], vector<16xf32>,
        tpu.vector_store_idx %arg9[%add3A_5, %broadcast_in_dim3A_623], %gather3A_625 : memref<32x128xf32, #tpu.memory_space<vmem>>[vector<16xi32>, vector<16xi32>], vector<16xf32>,
        %slice3A_626 = vector.extract_strided_slice %get3A_462 {offsets = [11], sizes = [1], strides = [1]} : vector<16xi32> to vector<1xi32>
        %squeeze3A_627 = vector.extract %slice3A_626[0] : i32 from vector<1xi32>
        %shift_right_logical3A_628 = arith.constant 7 : i32
        %shift_right_logical3A_629 = arith.shrui %squeeze3A_627, %shift_right_logical3A_628 : i32
        %min3A_630 = arith.constant 780 : i32
        %min3A_631 = arith.minsi %shift_right_logical3A_629, %min3A_630 : i32
        %mul3A_632 = arith.constant 128 : i32
        %mul3A_633 = arith.muli %min3A_631, %mul3A_632 : i32
        %multiple_of3A_634 = tpu.assume_multiple %mul3A_633, 128 : i32
        %dma_start3A_635 = arith.constant 0 : i32
        %dma_start3A_636 = tpu.memref_slice %arg3[%add3A_30, %dma_start3A_635, %multiple_of3A_634] : memref<26x32x100001xf32, #tpu.memory_space<hbm>> -> memref<1x32x128xf32, #tpu.memory_space<hbm>>
        %dma_start3A_637 = tpu.memref_squeeze %dma_start3A_636 : memref<1x32x128xf32, #tpu.memory_space<hbm>> -> memref<32x128xf32, #tpu.memory_space<hbm>>
        %dma_start3A_638 = arith.constant 0 : i32
        %dma_start3A_639 = tpu.memref_slice %arg3[%add3A_30, %dma_start3A_638, %multiple_of3A_634] : memref<26x32x100001xf32, #tpu.memory_space<hbm>> -> memref<1x32x128xf32, #tpu.memory_space<hbm>>
        %dma_start3A_640 = tpu.memref_squeeze %dma_start3A_639 : memref<1x32x128xf32, #tpu.memory_space<hbm>> -> memref<32x128xf32, #tpu.memory_space<hbm>>
        tpu.enqueue_dma source(%dma_start3A_640 : memref<32x128xf32, #tpu.memory_space<hbm>>) target(%arg13 : memref<32x128xf32, #tpu.memory_space<vmem>>) target_semaphore(%arg21 : memref<!tpu.dma_semaphore, #tpu.memory_space<semaphore_mem>>)
        %dma_wait3A_641 = arith.constant 0 : i32
        %dma_wait3A_642 = arith.constant 0 : i32
        %dma_wait3A_643 = arith.constant 0 : i32
        %dma_wait3A_644 = tpu.memref_slice %arg3[%dma_wait3A_641, %dma_wait3A_642, %dma_wait3A_643] : memref<26x32x100001xf32, #tpu.memory_space<hbm>> -> memref<1x32x128xf32, #tpu.memory_space<hbm>>
        %dma_wait3A_645 = tpu.memref_squeeze %dma_wait3A_644 : memref<1x32x128xf32, #tpu.memory_space<hbm>> -> memref<32x128xf32, #tpu.memory_space<hbm>>
        %dma_wait3A_646 = arith.constant 0 : i32
        %dma_wait3A_647 = arith.constant 0 : i32
        %dma_wait3A_648 = tpu.memref_slice %arg3[%dma_wait3A_641, %dma_wait3A_646, %dma_wait3A_647] : memref<26x32x100001xf32, #tpu.memory_space<hbm>> -> memref<1x32x128xf32, #tpu.memory_space<hbm>>
        %dma_wait3A_649 = tpu.memref_squeeze %dma_wait3A_648 : memref<1x32x128xf32, #tpu.memory_space<hbm>> -> memref<32x128xf32, #tpu.memory_space<hbm>>
        tpu.wait_dma2 semaphore(%arg22 : memref<!tpu.dma_semaphore, #tpu.memory_space<semaphore_mem>>) src(%dma_wait3A_649 : memref<32x128xf32, #tpu.memory_space<hbm>>) dst(%arg14 : memref<32x128xf32, #tpu.memory_space<vmem>>)
        %slice3A_650 = vector.extract_strided_slice %get3A_462 {offsets = [4], sizes = [1], strides = [1]} : vector<16xi32> to vector<1xi32>
        %squeeze3A_651 = vector.extract %slice3A_650[0] : i32 from vector<1xi32>
        %mul3A_652 = arith.constant 16 : i32
        %mul3A_653 = arith.muli %scan3A_457, %mul3A_652 : i32
        %add3A_654 = arith.constant 4 : i32
        %add3A_655 = arith.addi %mul3A_653, %add3A_654 : i32
        %shift_right_logical3A_656 = arith.constant 7 : i32
        %shift_right_logical3A_657 = arith.shrui %squeeze3A_651, %shift_right_logical3A_656 : i32
        %min3A_658 = arith.constant 780 : i32
        %min3A_659 = arith.minsi %shift_right_logical3A_657, %min3A_658 : i32
        %mul3A_660 = arith.constant 128 : i32
        %mul3A_661 = arith.muli %min3A_659, %mul3A_660 : i32
        %sub3A_662 = arith.subi %squeeze3A_651, %mul3A_661 : i32
        %min3A_663 = arith.constant 127 : i32
        %min3A_664 = arith.minsi %sub3A_662, %min3A_663 : i32
        %broadcast_in_dim3A_665 = vector.broadcast %min3A_664 : i32 to vector<16xi32>
        %broadcast_in_dim3A_666 = vector.broadcast %add3A_655 : i32 to vector<16xi32>
        %gather3A_667 = tpu.vector_load_idx %arg14[%iota3A, %broadcast_in_dim3A_665] : memref<32x128xf32, #tpu.memory_space<vmem>>[vector<16xi32>, vector<16xi32>], vector<16xf32>,
        %gather3A_668 = tpu.vector_load_idx %arg14[%add3A_5, %broadcast_in_dim3A_665] : memref<32x128xf32, #tpu.memory_space<vmem>>[vector<16xi32>, vector<16xi32>], vector<16xf32>,
        tpu.vector_store_idx %arg9[%iota3A, %broadcast_in_dim3A_666], %gather3A_667 : memref<32x128xf32, #tpu.memory_space<vmem>>[vector<16xi32>, vector<16xi32>], vector<16xf32>,
        tpu.vector_store_idx %arg9[%add3A_5, %broadcast_in_dim3A_666], %gather3A_668 : memref<32x128xf32, #tpu.memory_space<vmem>>[vector<16xi32>, vector<16xi32>], vector<16xf32>,
        %slice3A_669 = vector.extract_strided_slice %get3A_462 {offsets = [12], sizes = [1], strides = [1]} : vector<16xi32> to vector<1xi32>
        %squeeze3A_670 = vector.extract %slice3A_669[0] : i32 from vector<1xi32>
        %shift_right_logical3A_671 = arith.constant 7 : i32
        %shift_right_logical3A_672 = arith.shrui %squeeze3A_670, %shift_right_logical3A_671 : i32
        %min3A_673 = arith.constant 780 : i32
        %min3A_674 = arith.minsi %shift_right_logical3A_672, %min3A_673 : i32
        %mul3A_675 = arith.constant 128 : i32
        %mul3A_676 = arith.muli %min3A_674, %mul3A_675 : i32
        %multiple_of3A_677 = tpu.assume_multiple %mul3A_676, 128 : i32
        %dma_start3A_678 = arith.constant 0 : i32
        %dma_start3A_679 = tpu.memref_slice %arg3[%add3A_30, %dma_start3A_678, %multiple_of3A_677] : memref<26x32x100001xf32, #tpu.memory_space<hbm>> -> memref<1x32x128xf32, #tpu.memory_space<hbm>>
        %dma_start3A_680 = tpu.memref_squeeze %dma_start3A_679 : memref<1x32x128xf32, #tpu.memory_space<hbm>> -> memref<32x128xf32, #tpu.memory_space<hbm>>
        %dma_start3A_681 = arith.constant 0 : i32
        %dma_start3A_682 = tpu.memref_slice %arg3[%add3A_30, %dma_start3A_681, %multiple_of3A_677] : memref<26x32x100001xf32, #tpu.memory_space<hbm>> -> memref<1x32x128xf32, #tpu.memory_space<hbm>>
        %dma_start3A_683 = tpu.memref_squeeze %dma_start3A_682 : memref<1x32x128xf32, #tpu.memory_space<hbm>> -> memref<32x128xf32, #tpu.memory_space<hbm>>
        tpu.enqueue_dma source(%dma_start3A_683 : memref<32x128xf32, #tpu.memory_space<hbm>>) target(%arg14 : memref<32x128xf32, #tpu.memory_space<vmem>>) target_semaphore(%arg22 : memref<!tpu.dma_semaphore, #tpu.memory_space<semaphore_mem>>)
        %dma_wait3A_684 = arith.constant 0 : i32
        %dma_wait3A_685 = arith.constant 0 : i32
        %dma_wait3A_686 = arith.constant 0 : i32
        %dma_wait3A_687 = tpu.memref_slice %arg3[%dma_wait3A_684, %dma_wait3A_685, %dma_wait3A_686] : memref<26x32x100001xf32, #tpu.memory_space<hbm>> -> memref<1x32x128xf32, #tpu.memory_space<hbm>>
        %dma_wait3A_688 = tpu.memref_squeeze %dma_wait3A_687 : memref<1x32x128xf32, #tpu.memory_space<hbm>> -> memref<32x128xf32, #tpu.memory_space<hbm>>
        %dma_wait3A_689 = arith.constant 0 : i32
        %dma_wait3A_690 = arith.constant 0 : i32
        %dma_wait3A_691 = tpu.memref_slice %arg3[%dma_wait3A_684, %dma_wait3A_689, %dma_wait3A_690] : memref<26x32x100001xf32, #tpu.memory_space<hbm>> -> memref<1x32x128xf32, #tpu.memory_space<hbm>>
        %dma_wait3A_692 = tpu.memref_squeeze %dma_wait3A_691 : memref<1x32x128xf32, #tpu.memory_space<hbm>> -> memref<32x128xf32, #tpu.memory_space<hbm>>
        tpu.wait_dma2 semaphore(%arg23 : memref<!tpu.dma_semaphore, #tpu.memory_space<semaphore_mem>>) src(%dma_wait3A_692 : memref<32x128xf32, #tpu.memory_space<hbm>>) dst(%arg15 : memref<32x128xf32, #tpu.memory_space<vmem>>)
        %slice3A_693 = vector.extract_strided_slice %get3A_462 {offsets = [5], sizes = [1], strides = [1]} : vector<16xi32> to vector<1xi32>
        %squeeze3A_694 = vector.extract %slice3A_693[0] : i32 from vector<1xi32>
        %mul3A_695 = arith.constant 16 : i32
        %mul3A_696 = arith.muli %scan3A_457, %mul3A_695 : i32
        %add3A_697 = arith.constant 5 : i32
        %add3A_698 = arith.addi %mul3A_696, %add3A_697 : i32
        %shift_right_logical3A_699 = arith.constant 7 : i32
        %shift_right_logical3A_700 = arith.shrui %squeeze3A_694, %shift_right_logical3A_699 : i32
        %min3A_701 = arith.constant 780 : i32
        %min3A_702 = arith.minsi %shift_right_logical3A_700, %min3A_701 : i32
        %mul3A_703 = arith.constant 128 : i32
        %mul3A_704 = arith.muli %min3A_702, %mul3A_703 : i32
        %sub3A_705 = arith.subi %squeeze3A_694, %mul3A_704 : i32
        %min3A_706 = arith.constant 127 : i32
        %min3A_707 = arith.minsi %sub3A_705, %min3A_706 : i32
        %broadcast_in_dim3A_708 = vector.broadcast %min3A_707 : i32 to vector<16xi32>
        %broadcast_in_dim3A_709 = vector.broadcast %add3A_698 : i32 to vector<16xi32>
        %gather3A_710 = tpu.vector_load_idx %arg15[%iota3A, %broadcast_in_dim3A_708] : memref<32x128xf32, #tpu.memory_space<vmem>>[vector<16xi32>, vector<16xi32>], vector<16xf32>,
        %gather3A_711 = tpu.vector_load_idx %arg15[%add3A_5, %broadcast_in_dim3A_708] : memref<32x128xf32, #tpu.memory_space<vmem>>[vector<16xi32>, vector<16xi32>], vector<16xf32>,
        tpu.vector_store_idx %arg9[%iota3A, %broadcast_in_dim3A_709], %gather3A_710 : memref<32x128xf32, #tpu.memory_space<vmem>>[vector<16xi32>, vector<16xi32>], vector<16xf32>,
        tpu.vector_store_idx %arg9[%add3A_5, %broadcast_in_dim3A_709], %gather3A_711 : memref<32x128xf32, #tpu.memory_space<vmem>>[vector<16xi32>, vector<16xi32>], vector<16xf32>,
        %slice3A_712 = vector.extract_strided_slice %get3A_462 {offsets = [13], sizes = [1], strides = [1]} : vector<16xi32> to vector<1xi32>
        %squeeze3A_713 = vector.extract %slice3A_712[0] : i32 from vector<1xi32>
        %shift_right_logical3A_714 = arith.constant 7 : i32
        %shift_right_logical3A_715 = arith.shrui %squeeze3A_713, %shift_right_logical3A_714 : i32
        %min3A_716 = arith.constant 780 : i32
        %min3A_717 = arith.minsi %shift_right_logical3A_715, %min3A_716 : i32
        %mul3A_718 = arith.constant 128 : i32
        %mul3A_719 = arith.muli %min3A_717, %mul3A_718 : i32
        %multiple_of3A_720 = tpu.assume_multiple %mul3A_719, 128 : i32
        %dma_start3A_721 = arith.constant 0 : i32
        %dma_start3A_722 = tpu.memref_slice %arg3[%add3A_30, %dma_start3A_721, %multiple_of3A_720] : memref<26x32x100001xf32, #tpu.memory_space<hbm>> -> memref<1x32x128xf32, #tpu.memory_space<hbm>>
        %dma_start3A_723 = tpu.memref_squeeze %dma_start3A_722 : memref<1x32x128xf32, #tpu.memory_space<hbm>> -> memref<32x128xf32, #tpu.memory_space<hbm>>
        %dma_start3A_724 = arith.constant 0 : i32
        %dma_start3A_725 = tpu.memref_slice %arg3[%add3A_30, %dma_start3A_724, %multiple_of3A_720] : memref<26x32x100001xf32, #tpu.memory_space<hbm>> -> memref<1x32x128xf32, #tpu.memory_space<hbm>>
        %dma_start3A_726 = tpu.memref_squeeze %dma_start3A_725 : memref<1x32x128xf32, #tpu.memory_space<hbm>> -> memref<32x128xf32, #tpu.memory_space<hbm>>
        tpu.enqueue_dma source(%dma_start3A_726 : memref<32x128xf32, #tpu.memory_space<hbm>>) target(%arg15 : memref<32x128xf32, #tpu.memory_space<vmem>>) target_semaphore(%arg23 : memref<!tpu.dma_semaphore, #tpu.memory_space<semaphore_mem>>)
        %dma_wait3A_727 = arith.constant 0 : i32
        %dma_wait3A_728 = arith.constant 0 : i32
        %dma_wait3A_729 = arith.constant 0 : i32
        %dma_wait3A_730 = tpu.memref_slice %arg3[%dma_wait3A_727, %dma_wait3A_728, %dma_wait3A_729] : memref<26x32x100001xf32, #tpu.memory_space<hbm>> -> memref<1x32x128xf32, #tpu.memory_space<hbm>>
        %dma_wait3A_731 = tpu.memref_squeeze %dma_wait3A_730 : memref<1x32x128xf32, #tpu.memory_space<hbm>> -> memref<32x128xf32, #tpu.memory_space<hbm>>
        %dma_wait3A_732 = arith.constant 0 : i32
        %dma_wait3A_733 = arith.constant 0 : i32
        %dma_wait3A_734 = tpu.memref_slice %arg3[%dma_wait3A_727, %dma_wait3A_732, %dma_wait3A_733] : memref<26x32x100001xf32, #tpu.memory_space<hbm>> -> memref<1x32x128xf32, #tpu.memory_space<hbm>>
        %dma_wait3A_735 = tpu.memref_squeeze %dma_wait3A_734 : memref<1x32x128xf32, #tpu.memory_space<hbm>> -> memref<32x128xf32, #tpu.memory_space<hbm>>
        tpu.wait_dma2 semaphore(%arg24 : memref<!tpu.dma_semaphore, #tpu.memory_space<semaphore_mem>>) src(%dma_wait3A_735 : memref<32x128xf32, #tpu.memory_space<hbm>>) dst(%arg16 : memref<32x128xf32, #tpu.memory_space<vmem>>)
        %slice3A_736 = vector.extract_strided_slice %get3A_462 {offsets = [6], sizes = [1], strides = [1]} : vector<16xi32> to vector<1xi32>
        %squeeze3A_737 = vector.extract %slice3A_736[0] : i32 from vector<1xi32>
        %mul3A_738 = arith.constant 16 : i32
        %mul3A_739 = arith.muli %scan3A_457, %mul3A_738 : i32
        %add3A_740 = arith.constant 6 : i32
        %add3A_741 = arith.addi %mul3A_739, %add3A_740 : i32
        %shift_right_logical3A_742 = arith.constant 7 : i32
        %shift_right_logical3A_743 = arith.shrui %squeeze3A_737, %shift_right_logical3A_742 : i32
        %min3A_744 = arith.constant 780 : i32
        %min3A_745 = arith.minsi %shift_right_logical3A_743, %min3A_744 : i32
        %mul3A_746 = arith.constant 128 : i32
        %mul3A_747 = arith.muli %min3A_745, %mul3A_746 : i32
        %sub3A_748 = arith.subi %squeeze3A_737, %mul3A_747 : i32
        %min3A_749 = arith.constant 127 : i32
        %min3A_750 = arith.minsi %sub3A_748, %min3A_749 : i32
        %broadcast_in_dim3A_751 = vector.broadcast %min3A_750 : i32 to vector<16xi32>
        %broadcast_in_dim3A_752 = vector.broadcast %add3A_741 : i32 to vector<16xi32>
        %gather3A_753 = tpu.vector_load_idx %arg16[%iota3A, %broadcast_in_dim3A_751] : memref<32x128xf32, #tpu.memory_space<vmem>>[vector<16xi32>, vector<16xi32>], vector<16xf32>,
        %gather3A_754 = tpu.vector_load_idx %arg16[%add3A_5, %broadcast_in_dim3A_751] : memref<32x128xf32, #tpu.memory_space<vmem>>[vector<16xi32>, vector<16xi32>], vector<16xf32>,
        tpu.vector_store_idx %arg9[%iota3A, %broadcast_in_dim3A_752], %gather3A_753 : memref<32x128xf32, #tpu.memory_space<vmem>>[vector<16xi32>, vector<16xi32>], vector<16xf32>,
        tpu.vector_store_idx %arg9[%add3A_5, %broadcast_in_dim3A_752], %gather3A_754 : memref<32x128xf32, #tpu.memory_space<vmem>>[vector<16xi32>, vector<16xi32>], vector<16xf32>,
        %slice3A_755 = vector.extract_strided_slice %get3A_462 {offsets = [14], sizes = [1], strides = [1]} : vector<16xi32> to vector<1xi32>
        %squeeze3A_756 = vector.extract %slice3A_755[0] : i32 from vector<1xi32>
        %shift_right_logical3A_757 = arith.constant 7 : i32
        %shift_right_logical3A_758 = arith.shrui %squeeze3A_756, %shift_right_logical3A_757 : i32
        %min3A_759 = arith.constant 780 : i32
        %min3A_760 = arith.minsi %shift_right_logical3A_758, %min3A_759 : i32
        %mul3A_761 = arith.constant 128 : i32
        %mul3A_762 = arith.muli %min3A_760, %mul3A_761 : i32
        %multiple_of3A_763 = tpu.assume_multiple %mul3A_762, 128 : i32
        %dma_start3A_764 = arith.constant 0 : i32
        %dma_start3A_765 = tpu.memref_slice %arg3[%add3A_30, %dma_start3A_764, %multiple_of3A_763] : memref<26x32x100001xf32, #tpu.memory_space<hbm>> -> memref<1x32x128xf32, #tpu.memory_space<hbm>>
        %dma_start3A_766 = tpu.memref_squeeze %dma_start3A_765 : memref<1x32x128xf32, #tpu.memory_space<hbm>> -> memref<32x128xf32, #tpu.memory_space<hbm>>
        %dma_start3A_767 = arith.constant 0 : i32
        %dma_start3A_768 = tpu.memref_slice %arg3[%add3A_30, %dma_start3A_767, %multiple_of3A_763] : memref<26x32x100001xf32, #tpu.memory_space<hbm>> -> memref<1x32x128xf32, #tpu.memory_space<hbm>>
        %dma_start3A_769 = tpu.memref_squeeze %dma_start3A_768 : memref<1x32x128xf32, #tpu.memory_space<hbm>> -> memref<32x128xf32, #tpu.memory_space<hbm>>
        tpu.enqueue_dma source(%dma_start3A_769 : memref<32x128xf32, #tpu.memory_space<hbm>>) target(%arg16 : memref<32x128xf32, #tpu.memory_space<vmem>>) target_semaphore(%arg24 : memref<!tpu.dma_semaphore, #tpu.memory_space<semaphore_mem>>)
        %dma_wait3A_770 = arith.constant 0 : i32
        %dma_wait3A_771 = arith.constant 0 : i32
        %dma_wait3A_772 = arith.constant 0 : i32
        %dma_wait3A_773 = tpu.memref_slice %arg3[%dma_wait3A_770, %dma_wait3A_771, %dma_wait3A_772] : memref<26x32x100001xf32, #tpu.memory_space<hbm>> -> memref<1x32x128xf32, #tpu.memory_space<hbm>>
        %dma_wait3A_774 = tpu.memref_squeeze %dma_wait3A_773 : memref<1x32x128xf32, #tpu.memory_space<hbm>> -> memref<32x128xf32, #tpu.memory_space<hbm>>
        %dma_wait3A_775 = arith.constant 0 : i32
        %dma_wait3A_776 = arith.constant 0 : i32
        %dma_wait3A_777 = tpu.memref_slice %arg3[%dma_wait3A_770, %dma_wait3A_775, %dma_wait3A_776] : memref<26x32x100001xf32, #tpu.memory_space<hbm>> -> memref<1x32x128xf32, #tpu.memory_space<hbm>>
        %dma_wait3A_778 = tpu.memref_squeeze %dma_wait3A_777 : memref<1x32x128xf32, #tpu.memory_space<hbm>> -> memref<32x128xf32, #tpu.memory_space<hbm>>
        tpu.wait_dma2 semaphore(%arg25 : memref<!tpu.dma_semaphore, #tpu.memory_space<semaphore_mem>>) src(%dma_wait3A_778 : memref<32x128xf32, #tpu.memory_space<hbm>>) dst(%arg17 : memref<32x128xf32, #tpu.memory_space<vmem>>)
        %slice3A_779 = vector.extract_strided_slice %get3A_462 {offsets = [7], sizes = [1], strides = [1]} : vector<16xi32> to vector<1xi32>
        %squeeze3A_780 = vector.extract %slice3A_779[0] : i32 from vector<1xi32>
        %mul3A_781 = arith.constant 16 : i32
        %mul3A_782 = arith.muli %scan3A_457, %mul3A_781 : i32
        %add3A_783 = arith.constant 7 : i32
        %add3A_784 = arith.addi %mul3A_782, %add3A_783 : i32
        %shift_right_logical3A_785 = arith.constant 7 : i32
        %shift_right_logical3A_786 = arith.shrui %squeeze3A_780, %shift_right_logical3A_785 : i32
        %min3A_787 = arith.constant 780 : i32
        %min3A_788 = arith.minsi %shift_right_logical3A_786, %min3A_787 : i32
        %mul3A_789 = arith.constant 128 : i32
        %mul3A_790 = arith.muli %min3A_788, %mul3A_789 : i32
        %sub3A_791 = arith.subi %squeeze3A_780, %mul3A_790 : i32
        %min3A_792 = arith.constant 127 : i32
        %min3A_793 = arith.minsi %sub3A_791, %min3A_792 : i32
        %broadcast_in_dim3A_794 = vector.broadcast %min3A_793 : i32 to vector<16xi32>
        %broadcast_in_dim3A_795 = vector.broadcast %add3A_784 : i32 to vector<16xi32>
        %gather3A_796 = tpu.vector_load_idx %arg17[%iota3A, %broadcast_in_dim3A_794] : memref<32x128xf32, #tpu.memory_space<vmem>>[vector<16xi32>, vector<16xi32>], vector<16xf32>,
        %gather3A_797 = tpu.vector_load_idx %arg17[%add3A_5, %broadcast_in_dim3A_794] : memref<32x128xf32, #tpu.memory_space<vmem>>[vector<16xi32>, vector<16xi32>], vector<16xf32>,
        tpu.vector_store_idx %arg9[%iota3A, %broadcast_in_dim3A_795], %gather3A_796 : memref<32x128xf32, #tpu.memory_space<vmem>>[vector<16xi32>, vector<16xi32>], vector<16xf32>,
        tpu.vector_store_idx %arg9[%add3A_5, %broadcast_in_dim3A_795], %gather3A_797 : memref<32x128xf32, #tpu.memory_space<vmem>>[vector<16xi32>, vector<16xi32>], vector<16xf32>,
        %slice3A_798 = vector.extract_strided_slice %get3A_462 {offsets = [15], sizes = [1], strides = [1]} : vector<16xi32> to vector<1xi32>
        %squeeze3A_799 = vector.extract %slice3A_798[0] : i32 from vector<1xi32>
        %shift_right_logical3A_800 = arith.constant 7 : i32
        %shift_right_logical3A_801 = arith.shrui %squeeze3A_799, %shift_right_logical3A_800 : i32
        %min3A_802 = arith.constant 780 : i32
        %min3A_803 = arith.minsi %shift_right_logical3A_801, %min3A_802 : i32
        %mul3A_804 = arith.constant 128 : i32
        %mul3A_805 = arith.muli %min3A_803, %mul3A_804 : i32
        %multiple_of3A_806 = tpu.assume_multiple %mul3A_805, 128 : i32
        %dma_start3A_807 = arith.constant 0 : i32
        %dma_start3A_808 = tpu.memref_slice %arg3[%add3A_30, %dma_start3A_807, %multiple_of3A_806] : memref<26x32x100001xf32, #tpu.memory_space<hbm>> -> memref<1x32x128xf32, #tpu.memory_space<hbm>>
        %dma_start3A_809 = tpu.memref_squeeze %dma_start3A_808 : memref<1x32x128xf32, #tpu.memory_space<hbm>> -> memref<32x128xf32, #tpu.memory_space<hbm>>
        %dma_start3A_810 = arith.constant 0 : i32
        %dma_start3A_811 = tpu.memref_slice %arg3[%add3A_30, %dma_start3A_810, %multiple_of3A_806] : memref<26x32x100001xf32, #tpu.memory_space<hbm>> -> memref<1x32x128xf32, #tpu.memory_space<hbm>>
        %dma_start3A_812 = tpu.memref_squeeze %dma_start3A_811 : memref<1x32x128xf32, #tpu.memory_space<hbm>> -> memref<32x128xf32, #tpu.memory_space<hbm>>
        tpu.enqueue_dma source(%dma_start3A_812 : memref<32x128xf32, #tpu.memory_space<hbm>>) target(%arg17 : memref<32x128xf32, #tpu.memory_space<vmem>>) target_semaphore(%arg25 : memref<!tpu.dma_semaphore, #tpu.memory_space<semaphore_mem>>)
        %dma_wait3A_813 = arith.constant 0 : i32
        %dma_wait3A_814 = arith.constant 0 : i32
        %dma_wait3A_815 = arith.constant 0 : i32
        %dma_wait3A_816 = tpu.memref_slice %arg3[%dma_wait3A_813, %dma_wait3A_814, %dma_wait3A_815] : memref<26x32x100001xf32, #tpu.memory_space<hbm>> -> memref<1x32x128xf32, #tpu.memory_space<hbm>>
        %dma_wait3A_817 = tpu.memref_squeeze %dma_wait3A_816 : memref<1x32x128xf32, #tpu.memory_space<hbm>> -> memref<32x128xf32, #tpu.memory_space<hbm>>
        %dma_wait3A_818 = arith.constant 0 : i32
        %dma_wait3A_819 = arith.constant 0 : i32
        %dma_wait3A_820 = tpu.memref_slice %arg3[%dma_wait3A_813, %dma_wait3A_818, %dma_wait3A_819] : memref<26x32x100001xf32, #tpu.memory_space<hbm>> -> memref<1x32x128xf32, #tpu.memory_space<hbm>>
        %dma_wait3A_821 = tpu.memref_squeeze %dma_wait3A_820 : memref<1x32x128xf32, #tpu.memory_space<hbm>> -> memref<32x128xf32, #tpu.memory_space<hbm>>
        tpu.wait_dma2 semaphore(%arg18 : memref<!tpu.dma_semaphore, #tpu.memory_space<semaphore_mem>>) src(%dma_wait3A_821 : memref<32x128xf32, #tpu.memory_space<hbm>>) dst(%arg10 : memref<32x128xf32, #tpu.memory_space<vmem>>)
        %slice3A_822 = vector.extract_strided_slice %get3A_462 {offsets = [8], sizes = [1], strides = [1]} : vector<16xi32> to vector<1xi32>
        %squeeze3A_823 = vector.extract %slice3A_822[0] : i32 from vector<1xi32>
        %mul3A_824 = arith.constant 16 : i32
        %mul3A_825 = arith.muli %scan3A_457, %mul3A_824 : i32
        %add3A_826 = arith.constant 8 : i32
        %add3A_827 = arith.addi %mul3A_825, %add3A_826 : i32
        %add3A_828 = arith.constant 0 : i32
        %add3A_829 = arith.addi %add3A_827, %add3A_828 : i32
        %shift_right_logical3A_830 = arith.constant 7 : i32
        %shift_right_logical3A_831 = arith.shrui %squeeze3A_823, %shift_right_logical3A_830 : i32
        %min3A_832 = arith.constant 780 : i32
        %min3A_833 = arith.minsi %shift_right_logical3A_831, %min3A_832 : i32
        %mul3A_834 = arith.constant 128 : i32
        %mul3A_835 = arith.muli %min3A_833, %mul3A_834 : i32
        %sub3A_836 = arith.subi %squeeze3A_823, %mul3A_835 : i32
        %min3A_837 = arith.constant 127 : i32
        %min3A_838 = arith.minsi %sub3A_836, %min3A_837 : i32
        %broadcast_in_dim3A_839 = vector.broadcast %min3A_838 : i32 to vector<16xi32>
        %broadcast_in_dim3A_840 = vector.broadcast %add3A_829 : i32 to vector<16xi32>
        %gather3A_841 = tpu.vector_load_idx %arg10[%iota3A, %broadcast_in_dim3A_839] : memref<32x128xf32, #tpu.memory_space<vmem>>[vector<16xi32>, vector<16xi32>], vector<16xf32>,
        %gather3A_842 = tpu.vector_load_idx %arg10[%add3A_5, %broadcast_in_dim3A_839] : memref<32x128xf32, #tpu.memory_space<vmem>>[vector<16xi32>, vector<16xi32>], vector<16xf32>,
        tpu.vector_store_idx %arg9[%iota3A, %broadcast_in_dim3A_840], %gather3A_841 : memref<32x128xf32, #tpu.memory_space<vmem>>[vector<16xi32>, vector<16xi32>], vector<16xf32>,
        tpu.vector_store_idx %arg9[%add3A_5, %broadcast_in_dim3A_840], %gather3A_842 : memref<32x128xf32, #tpu.memory_space<vmem>>[vector<16xi32>, vector<16xi32>], vector<16xf32>,
        %slice3A_843 = vector.extract_strided_slice %get3A_471 {offsets = [0], sizes = [1], strides = [1]} : vector<16xi32> to vector<1xi32>
        %squeeze3A_844 = vector.extract %slice3A_843[0] : i32 from vector<1xi32>
        %shift_right_logical3A_845 = arith.constant 7 : i32
        %shift_right_logical3A_846 = arith.shrui %squeeze3A_844, %shift_right_logical3A_845 : i32
        %min3A_847 = arith.constant 780 : i32
        %min3A_848 = arith.minsi %shift_right_logical3A_846, %min3A_847 : i32
        %mul3A_849 = arith.constant 128 : i32
        %mul3A_850 = arith.muli %min3A_848, %mul3A_849 : i32
        %multiple_of3A_851 = tpu.assume_multiple %mul3A_850, 128 : i32
        %dma_start3A_852 = arith.constant 0 : i32
        %dma_start3A_853 = tpu.memref_slice %arg3[%add3A_30, %dma_start3A_852, %multiple_of3A_851] : memref<26x32x100001xf32, #tpu.memory_space<hbm>> -> memref<1x32x128xf32, #tpu.memory_space<hbm>>
        %dma_start3A_854 = tpu.memref_squeeze %dma_start3A_853 : memref<1x32x128xf32, #tpu.memory_space<hbm>> -> memref<32x128xf32, #tpu.memory_space<hbm>>
        %dma_start3A_855 = arith.constant 0 : i32
        %dma_start3A_856 = tpu.memref_slice %arg3[%add3A_30, %dma_start3A_855, %multiple_of3A_851] : memref<26x32x100001xf32, #tpu.memory_space<hbm>> -> memref<1x32x128xf32, #tpu.memory_space<hbm>>
        %dma_start3A_857 = tpu.memref_squeeze %dma_start3A_856 : memref<1x32x128xf32, #tpu.memory_space<hbm>> -> memref<32x128xf32, #tpu.memory_space<hbm>>
        tpu.enqueue_dma source(%dma_start3A_857 : memref<32x128xf32, #tpu.memory_space<hbm>>) target(%arg10 : memref<32x128xf32, #tpu.memory_space<vmem>>) target_semaphore(%arg18 : memref<!tpu.dma_semaphore, #tpu.memory_space<semaphore_mem>>)
        %dma_wait3A_858 = arith.constant 0 : i32
        %dma_wait3A_859 = arith.constant 0 : i32
        %dma_wait3A_860 = arith.constant 0 : i32
        %dma_wait3A_861 = tpu.memref_slice %arg3[%dma_wait3A_858, %dma_wait3A_859, %dma_wait3A_860] : memref<26x32x100001xf32, #tpu.memory_space<hbm>> -> memref<1x32x128xf32, #tpu.memory_space<hbm>>
        %dma_wait3A_862 = tpu.memref_squeeze %dma_wait3A_861 : memref<1x32x128xf32, #tpu.memory_space<hbm>> -> memref<32x128xf32, #tpu.memory_space<hbm>>
        %dma_wait3A_863 = arith.constant 0 : i32
        %dma_wait3A_864 = arith.constant 0 : i32
        %dma_wait3A_865 = tpu.memref_slice %arg3[%dma_wait3A_858, %dma_wait3A_863, %dma_wait3A_864] : memref<26x32x100001xf32, #tpu.memory_space<hbm>> -> memref<1x32x128xf32, #tpu.memory_space<hbm>>
        %dma_wait3A_866 = tpu.memref_squeeze %dma_wait3A_865 : memref<1x32x128xf32, #tpu.memory_space<hbm>> -> memref<32x128xf32, #tpu.memory_space<hbm>>
        tpu.wait_dma2 semaphore(%arg19 : memref<!tpu.dma_semaphore, #tpu.memory_space<semaphore_mem>>) src(%dma_wait3A_866 : memref<32x128xf32, #tpu.memory_space<hbm>>) dst(%arg11 : memref<32x128xf32, #tpu.memory_space<vmem>>)
        %slice3A_867 = vector.extract_strided_slice %get3A_462 {offsets = [9], sizes = [1], strides = [1]} : vector<16xi32> to vector<1xi32>
        %squeeze3A_868 = vector.extract %slice3A_867[0] : i32 from vector<1xi32>
        %mul3A_869 = arith.constant 16 : i32
        %mul3A_870 = arith.muli %scan3A_457, %mul3A_869 : i32
        %add3A_871 = arith.constant 8 : i32
        %add3A_872 = arith.addi %mul3A_870, %add3A_871 : i32
        %add3A_873 = arith.constant 1 : i32
        %add3A_874 = arith.addi %add3A_872, %add3A_873 : i32
        %shift_right_logical3A_875 = arith.constant 7 : i32
        %shift_right_logical3A_876 = arith.shrui %squeeze3A_868, %shift_right_logical3A_875 : i32
        %min3A_877 = arith.constant 780 : i32
        %min3A_878 = arith.minsi %shift_right_logical3A_876, %min3A_877 : i32
        %mul3A_879 = arith.constant 128 : i32
        %mul3A_880 = arith.muli %min3A_878, %mul3A_879 : i32
        %sub3A_881 = arith.subi %squeeze3A_868, %mul3A_880 : i32
        %min3A_882 = arith.constant 127 : i32
        %min3A_883 = arith.minsi %sub3A_881, %min3A_882 : i32
        %broadcast_in_dim3A_884 = vector.broadcast %min3A_883 : i32 to vector<16xi32>
        %broadcast_in_dim3A_885 = vector.broadcast %add3A_874 : i32 to vector<16xi32>
        %gather3A_886 = tpu.vector_load_idx %arg11[%iota3A, %broadcast_in_dim3A_884] : memref<32x128xf32, #tpu.memory_space<vmem>>[vector<16xi32>, vector<16xi32>], vector<16xf32>,
        %gather3A_887 = tpu.vector_load_idx %arg11[%add3A_5, %broadcast_in_dim3A_884] : memref<32x128xf32, #tpu.memory_space<vmem>>[vector<16xi32>, vector<16xi32>], vector<16xf32>,
        tpu.vector_store_idx %arg9[%iota3A, %broadcast_in_dim3A_885], %gather3A_886 : memref<32x128xf32, #tpu.memory_space<vmem>>[vector<16xi32>, vector<16xi32>], vector<16xf32>,
        tpu.vector_store_idx %arg9[%add3A_5, %broadcast_in_dim3A_885], %gather3A_887 : memref<32x128xf32, #tpu.memory_space<vmem>>[vector<16xi32>, vector<16xi32>], vector<16xf32>,
        %slice3A_888 = vector.extract_strided_slice %get3A_471 {offsets = [1], sizes = [1], strides = [1]} : vector<16xi32> to vector<1xi32>
        %squeeze3A_889 = vector.extract %slice3A_888[0] : i32 from vector<1xi32>
        %shift_right_logical3A_890 = arith.constant 7 : i32
        %shift_right_logical3A_891 = arith.shrui %squeeze3A_889, %shift_right_logical3A_890 : i32
        %min3A_892 = arith.constant 780 : i32
        %min3A_893 = arith.minsi %shift_right_logical3A_891, %min3A_892 : i32
        %mul3A_894 = arith.constant 128 : i32
        %mul3A_895 = arith.muli %min3A_893, %mul3A_894 : i32
        %multiple_of3A_896 = tpu.assume_multiple %mul3A_895, 128 : i32
        %dma_start3A_897 = arith.constant 0 : i32
        %dma_start3A_898 = tpu.memref_slice %arg3[%add3A_30, %dma_start3A_897, %multiple_of3A_896] : memref<26x32x100001xf32, #tpu.memory_space<hbm>> -> memref<1x32x128xf32, #tpu.memory_space<hbm>>
        %dma_start3A_899 = tpu.memref_squeeze %dma_start3A_898 : memref<1x32x128xf32, #tpu.memory_space<hbm>> -> memref<32x128xf32, #tpu.memory_space<hbm>>
        %dma_start3A_900 = arith.constant 0 : i32
        %dma_start3A_901 = tpu.memref_slice %arg3[%add3A_30, %dma_start3A_900, %multiple_of3A_896] : memref<26x32x100001xf32, #tpu.memory_space<hbm>> -> memref<1x32x128xf32, #tpu.memory_space<hbm>>
        %dma_start3A_902 = tpu.memref_squeeze %dma_start3A_901 : memref<1x32x128xf32, #tpu.memory_space<hbm>> -> memref<32x128xf32, #tpu.memory_space<hbm>>
        tpu.enqueue_dma source(%dma_start3A_902 : memref<32x128xf32, #tpu.memory_space<hbm>>) target(%arg11 : memref<32x128xf32, #tpu.memory_space<vmem>>) target_semaphore(%arg19 : memref<!tpu.dma_semaphore, #tpu.memory_space<semaphore_mem>>)
        %dma_wait3A_903 = arith.constant 0 : i32
        %dma_wait3A_904 = arith.constant 0 : i32
        %dma_wait3A_905 = arith.constant 0 : i32
        %dma_wait3A_906 = tpu.memref_slice %arg3[%dma_wait3A_903, %dma_wait3A_904, %dma_wait3A_905] : memref<26x32x100001xf32, #tpu.memory_space<hbm>> -> memref<1x32x128xf32, #tpu.memory_space<hbm>>
        %dma_wait3A_907 = tpu.memref_squeeze %dma_wait3A_906 : memref<1x32x128xf32, #tpu.memory_space<hbm>> -> memref<32x128xf32, #tpu.memory_space<hbm>>
        %dma_wait3A_908 = arith.constant 0 : i32
        %dma_wait3A_909 = arith.constant 0 : i32
        %dma_wait3A_910 = tpu.memref_slice %arg3[%dma_wait3A_903, %dma_wait3A_908, %dma_wait3A_909] : memref<26x32x100001xf32, #tpu.memory_space<hbm>> -> memref<1x32x128xf32, #tpu.memory_space<hbm>>
        %dma_wait3A_911 = tpu.memref_squeeze %dma_wait3A_910 : memref<1x32x128xf32, #tpu.memory_space<hbm>> -> memref<32x128xf32, #tpu.memory_space<hbm>>
        tpu.wait_dma2 semaphore(%arg20 : memref<!tpu.dma_semaphore, #tpu.memory_space<semaphore_mem>>) src(%dma_wait3A_911 : memref<32x128xf32, #tpu.memory_space<hbm>>) dst(%arg12 : memref<32x128xf32, #tpu.memory_space<vmem>>)
        %slice3A_912 = vector.extract_strided_slice %get3A_462 {offsets = [10], sizes = [1], strides = [1]} : vector<16xi32> to vector<1xi32>
        %squeeze3A_913 = vector.extract %slice3A_912[0] : i32 from vector<1xi32>
        %mul3A_914 = arith.constant 16 : i32
        %mul3A_915 = arith.muli %scan3A_457, %mul3A_914 : i32
        %add3A_916 = arith.constant 8 : i32
        %add3A_917 = arith.addi %mul3A_915, %add3A_916 : i32
        %add3A_918 = arith.constant 2 : i32
        %add3A_919 = arith.addi %add3A_917, %add3A_918 : i32
        %shift_right_logical3A_920 = arith.constant 7 : i32
        %shift_right_logical3A_921 = arith.shrui %squeeze3A_913, %shift_right_logical3A_920 : i32
        %min3A_922 = arith.constant 780 : i32
        %min3A_923 = arith.minsi %shift_right_logical3A_921, %min3A_922 : i32
        %mul3A_924 = arith.constant 128 : i32
        %mul3A_925 = arith.muli %min3A_923, %mul3A_924 : i32
        %sub3A_926 = arith.subi %squeeze3A_913, %mul3A_925 : i32
        %min3A_927 = arith.constant 127 : i32
        %min3A_928 = arith.minsi %sub3A_926, %min3A_927 : i32
        %broadcast_in_dim3A_929 = vector.broadcast %min3A_928 : i32 to vector<16xi32>
        %broadcast_in_dim3A_930 = vector.broadcast %add3A_919 : i32 to vector<16xi32>
        %gather3A_931 = tpu.vector_load_idx %arg12[%iota3A, %broadcast_in_dim3A_929] : memref<32x128xf32, #tpu.memory_space<vmem>>[vector<16xi32>, vector<16xi32>], vector<16xf32>,
        %gather3A_932 = tpu.vector_load_idx %arg12[%add3A_5, %broadcast_in_dim3A_929] : memref<32x128xf32, #tpu.memory_space<vmem>>[vector<16xi32>, vector<16xi32>], vector<16xf32>,
        tpu.vector_store_idx %arg9[%iota3A, %broadcast_in_dim3A_930], %gather3A_931 : memref<32x128xf32, #tpu.memory_space<vmem>>[vector<16xi32>, vector<16xi32>], vector<16xf32>,
        tpu.vector_store_idx %arg9[%add3A_5, %broadcast_in_dim3A_930], %gather3A_932 : memref<32x128xf32, #tpu.memory_space<vmem>>[vector<16xi32>, vector<16xi32>], vector<16xf32>,
        %slice3A_933 = vector.extract_strided_slice %get3A_471 {offsets = [2], sizes = [1], strides = [1]} : vector<16xi32> to vector<1xi32>
        %squeeze3A_934 = vector.extract %slice3A_933[0] : i32 from vector<1xi32>
        %shift_right_logical3A_935 = arith.constant 7 : i32
        %shift_right_logical3A_936 = arith.shrui %squeeze3A_934, %shift_right_logical3A_935 : i32
        %min3A_937 = arith.constant 780 : i32
        %min3A_938 = arith.minsi %shift_right_logical3A_936, %min3A_937 : i32
        %mul3A_939 = arith.constant 128 : i32
        %mul3A_940 = arith.muli %min3A_938, %mul3A_939 : i32
        %multiple_of3A_941 = tpu.assume_multiple %mul3A_940, 128 : i32
        %dma_start3A_942 = arith.constant 0 : i32
        %dma_start3A_943 = tpu.memref_slice %arg3[%add3A_30, %dma_start3A_942, %multiple_of3A_941] : memref<26x32x100001xf32, #tpu.memory_space<hbm>> -> memref<1x32x128xf32, #tpu.memory_space<hbm>>
        %dma_start3A_944 = tpu.memref_squeeze %dma_start3A_943 : memref<1x32x128xf32, #tpu.memory_space<hbm>> -> memref<32x128xf32, #tpu.memory_space<hbm>>
        %dma_start3A_945 = arith.constant 0 : i32
        %dma_start3A_946 = tpu.memref_slice %arg3[%add3A_30, %dma_start3A_945, %multiple_of3A_941] : memref<26x32x100001xf32, #tpu.memory_space<hbm>> -> memref<1x32x128xf32, #tpu.memory_space<hbm>>
        %dma_start3A_947 = tpu.memref_squeeze %dma_start3A_946 : memref<1x32x128xf32, #tpu.memory_space<hbm>> -> memref<32x128xf32, #tpu.memory_space<hbm>>
        tpu.enqueue_dma source(%dma_start3A_947 : memref<32x128xf32, #tpu.memory_space<hbm>>) target(%arg12 : memref<32x128xf32, #tpu.memory_space<vmem>>) target_semaphore(%arg20 : memref<!tpu.dma_semaphore, #tpu.memory_space<semaphore_mem>>)
        %dma_wait3A_948 = arith.constant 0 : i32
        %dma_wait3A_949 = arith.constant 0 : i32
        %dma_wait3A_950 = arith.constant 0 : i32
        %dma_wait3A_951 = tpu.memref_slice %arg3[%dma_wait3A_948, %dma_wait3A_949, %dma_wait3A_950] : memref<26x32x100001xf32, #tpu.memory_space<hbm>> -> memref<1x32x128xf32, #tpu.memory_space<hbm>>
        %dma_wait3A_952 = tpu.memref_squeeze %dma_wait3A_951 : memref<1x32x128xf32, #tpu.memory_space<hbm>> -> memref<32x128xf32, #tpu.memory_space<hbm>>
        %dma_wait3A_953 = arith.constant 0 : i32
        %dma_wait3A_954 = arith.constant 0 : i32
        %dma_wait3A_955 = tpu.memref_slice %arg3[%dma_wait3A_948, %dma_wait3A_953, %dma_wait3A_954] : memref<26x32x100001xf32, #tpu.memory_space<hbm>> -> memref<1x32x128xf32, #tpu.memory_space<hbm>>
        %dma_wait3A_956 = tpu.memref_squeeze %dma_wait3A_955 : memref<1x32x128xf32, #tpu.memory_space<hbm>> -> memref<32x128xf32, #tpu.memory_space<hbm>>
        tpu.wait_dma2 semaphore(%arg21 : memref<!tpu.dma_semaphore, #tpu.memory_space<semaphore_mem>>) src(%dma_wait3A_956 : memref<32x128xf32, #tpu.memory_space<hbm>>) dst(%arg13 : memref<32x128xf32, #tpu.memory_space<vmem>>)
        %slice3A_957 = vector.extract_strided_slice %get3A_462 {offsets = [11], sizes = [1], strides = [1]} : vector<16xi32> to vector<1xi32>
        %squeeze3A_958 = vector.extract %slice3A_957[0] : i32 from vector<1xi32>
        %mul3A_959 = arith.constant 16 : i32
        %mul3A_960 = arith.muli %scan3A_457, %mul3A_959 : i32
        %add3A_961 = arith.constant 8 : i32
        %add3A_962 = arith.addi %mul3A_960, %add3A_961 : i32
        %add3A_963 = arith.constant 3 : i32
        %add3A_964 = arith.addi %add3A_962, %add3A_963 : i32
        %shift_right_logical3A_965 = arith.constant 7 : i32
        %shift_right_logical3A_966 = arith.shrui %squeeze3A_958, %shift_right_logical3A_965 : i32
        %min3A_967 = arith.constant 780 : i32
        %min3A_968 = arith.minsi %shift_right_logical3A_966, %min3A_967 : i32
        %mul3A_969 = arith.constant 128 : i32
        %mul3A_970 = arith.muli %min3A_968, %mul3A_969 : i32
        %sub3A_971 = arith.subi %squeeze3A_958, %mul3A_970 : i32
        %min3A_972 = arith.constant 127 : i32
        %min3A_973 = arith.minsi %sub3A_971, %min3A_972 : i32
        %broadcast_in_dim3A_974 = vector.broadcast %min3A_973 : i32 to vector<16xi32>
        %broadcast_in_dim3A_975 = vector.broadcast %add3A_964 : i32 to vector<16xi32>
        %gather3A_976 = tpu.vector_load_idx %arg13[%iota3A, %broadcast_in_dim3A_974] : memref<32x128xf32, #tpu.memory_space<vmem>>[vector<16xi32>, vector<16xi32>], vector<16xf32>,
        %gather3A_977 = tpu.vector_load_idx %arg13[%add3A_5, %broadcast_in_dim3A_974] : memref<32x128xf32, #tpu.memory_space<vmem>>[vector<16xi32>, vector<16xi32>], vector<16xf32>,
        tpu.vector_store_idx %arg9[%iota3A, %broadcast_in_dim3A_975], %gather3A_976 : memref<32x128xf32, #tpu.memory_space<vmem>>[vector<16xi32>, vector<16xi32>], vector<16xf32>,
        tpu.vector_store_idx %arg9[%add3A_5, %broadcast_in_dim3A_975], %gather3A_977 : memref<32x128xf32, #tpu.memory_space<vmem>>[vector<16xi32>, vector<16xi32>], vector<16xf32>,
        %slice3A_978 = vector.extract_strided_slice %get3A_471 {offsets = [3], sizes = [1], strides = [1]} : vector<16xi32> to vector<1xi32>
        %squeeze3A_979 = vector.extract %slice3A_978[0] : i32 from vector<1xi32>
        %shift_right_logical3A_980 = arith.constant 7 : i32
        %shift_right_logical3A_981 = arith.shrui %squeeze3A_979, %shift_right_logical3A_980 : i32
        %min3A_982 = arith.constant 780 : i32
        %min3A_983 = arith.minsi %shift_right_logical3A_981, %min3A_982 : i32
        %mul3A_984 = arith.constant 128 : i32
        %mul3A_985 = arith.muli %min3A_983, %mul3A_984 : i32
        %multiple_of3A_986 = tpu.assume_multiple %mul3A_985, 128 : i32
        %dma_start3A_987 = arith.constant 0 : i32
        %dma_start3A_988 = tpu.memref_slice %arg3[%add3A_30, %dma_start3A_987, %multiple_of3A_986] : memref<26x32x100001xf32, #tpu.memory_space<hbm>> -> memref<1x32x128xf32, #tpu.memory_space<hbm>>
        %dma_start3A_989 = tpu.memref_squeeze %dma_start3A_988 : memref<1x32x128xf32, #tpu.memory_space<hbm>> -> memref<32x128xf32, #tpu.memory_space<hbm>>
        %dma_start3A_990 = arith.constant 0 : i32
        %dma_start3A_991 = tpu.memref_slice %arg3[%add3A_30, %dma_start3A_990, %multiple_of3A_986] : memref<26x32x100001xf32, #tpu.memory_space<hbm>> -> memref<1x32x128xf32, #tpu.memory_space<hbm>>
        %dma_start3A_992 = tpu.memref_squeeze %dma_start3A_991 : memref<1x32x128xf32, #tpu.memory_space<hbm>> -> memref<32x128xf32, #tpu.memory_space<hbm>>
        tpu.enqueue_dma source(%dma_start3A_992 : memref<32x128xf32, #tpu.memory_space<hbm>>) target(%arg13 : memref<32x128xf32, #tpu.memory_space<vmem>>) target_semaphore(%arg21 : memref<!tpu.dma_semaphore, #tpu.memory_space<semaphore_mem>>)
        %dma_wait3A_993 = arith.constant 0 : i32
        %dma_wait3A_994 = arith.constant 0 : i32
        %dma_wait3A_995 = arith.constant 0 : i32
        %dma_wait3A_996 = tpu.memref_slice %arg3[%dma_wait3A_993, %dma_wait3A_994, %dma_wait3A_995] : memref<26x32x100001xf32, #tpu.memory_space<hbm>> -> memref<1x32x128xf32, #tpu.memory_space<hbm>>
        %dma_wait3A_997 = tpu.memref_squeeze %dma_wait3A_996 : memref<1x32x128xf32, #tpu.memory_space<hbm>> -> memref<32x128xf32, #tpu.memory_space<hbm>>
        %dma_wait3A_998 = arith.constant 0 : i32
        %dma_wait3A_999 = arith.constant 0 : i32
        %dma_wait3A_1000 = tpu.memref_slice %arg3[%dma_wait3A_993, %dma_wait3A_998, %dma_wait3A_999] : memref<26x32x100001xf32, #tpu.memory_space<hbm>> -> memref<1x32x128xf32, #tpu.memory_space<hbm>>
        %dma_wait3A_1001 = tpu.memref_squeeze %dma_wait3A_1000 : memref<1x32x128xf32, #tpu.memory_space<hbm>> -> memref<32x128xf32, #tpu.memory_space<hbm>>
        tpu.wait_dma2 semaphore(%arg22 : memref<!tpu.dma_semaphore, #tpu.memory_space<semaphore_mem>>) src(%dma_wait3A_1001 : memref<32x128xf32, #tpu.memory_space<hbm>>) dst(%arg14 : memref<32x128xf32, #tpu.memory_space<vmem>>)
        %slice3A_1002 = vector.extract_strided_slice %get3A_462 {offsets = [12], sizes = [1], strides = [1]} : vector<16xi32> to vector<1xi32>
        %squeeze3A_1003 = vector.extract %slice3A_1002[0] : i32 from vector<1xi32>
        %mul3A_1004 = arith.constant 16 : i32
        %mul3A_1005 = arith.muli %scan3A_457, %mul3A_1004 : i32
        %add3A_1006 = arith.constant 8 : i32
        %add3A_1007 = arith.addi %mul3A_1005, %add3A_1006 : i32
        %add3A_1008 = arith.constant 4 : i32
        %add3A_1009 = arith.addi %add3A_1007, %add3A_1008 : i32
        %shift_right_logical3A_1010 = arith.constant 7 : i32
        %shift_right_logical3A_1011 = arith.shrui %squeeze3A_1003, %shift_right_logical3A_1010 : i32
        %min3A_1012 = arith.constant 780 : i32
        %min3A_1013 = arith.minsi %shift_right_logical3A_1011, %min3A_1012 : i32
        %mul3A_1014 = arith.constant 128 : i32
        %mul3A_1015 = arith.muli %min3A_1013, %mul3A_1014 : i32
        %sub3A_1016 = arith.subi %squeeze3A_1003, %mul3A_1015 : i32
        %min3A_1017 = arith.constant 127 : i32
        %min3A_1018 = arith.minsi %sub3A_1016, %min3A_1017 : i32
        %broadcast_in_dim3A_1019 = vector.broadcast %min3A_1018 : i32 to vector<16xi32>
        %broadcast_in_dim3A_1020 = vector.broadcast %add3A_1009 : i32 to vector<16xi32>
        %gather3A_1021 = tpu.vector_load_idx %arg14[%iota3A, %broadcast_in_dim3A_1019] : memref<32x128xf32, #tpu.memory_space<vmem>>[vector<16xi32>, vector<16xi32>], vector<16xf32>,
        %gather3A_1022 = tpu.vector_load_idx %arg14[%add3A_5, %broadcast_in_dim3A_1019] : memref<32x128xf32, #tpu.memory_space<vmem>>[vector<16xi32>, vector<16xi32>], vector<16xf32>,
        tpu.vector_store_idx %arg9[%iota3A, %broadcast_in_dim3A_1020], %gather3A_1021 : memref<32x128xf32, #tpu.memory_space<vmem>>[vector<16xi32>, vector<16xi32>], vector<16xf32>,
        tpu.vector_store_idx %arg9[%add3A_5, %broadcast_in_dim3A_1020], %gather3A_1022 : memref<32x128xf32, #tpu.memory_space<vmem>>[vector<16xi32>, vector<16xi32>], vector<16xf32>,
        %slice3A_1023 = vector.extract_strided_slice %get3A_471 {offsets = [4], sizes = [1], strides = [1]} : vector<16xi32> to vector<1xi32>
        %squeeze3A_1024 = vector.extract %slice3A_1023[0] : i32 from vector<1xi32>
        %shift_right_logical3A_1025 = arith.constant 7 : i32
        %shift_right_logical3A_1026 = arith.shrui %squeeze3A_1024, %shift_right_logical3A_1025 : i32
        %min3A_1027 = arith.constant 780 : i32
        %min3A_1028 = arith.minsi %shift_right_logical3A_1026, %min3A_1027 : i32
        %mul3A_1029 = arith.constant 128 : i32
        %mul3A_1030 = arith.muli %min3A_1028, %mul3A_1029 : i32
        %multiple_of3A_1031 = tpu.assume_multiple %mul3A_1030, 128 : i32
        %dma_start3A_1032 = arith.constant 0 : i32
        %dma_start3A_1033 = tpu.memref_slice %arg3[%add3A_30, %dma_start3A_1032, %multiple_of3A_1031] : memref<26x32x100001xf32, #tpu.memory_space<hbm>> -> memref<1x32x128xf32, #tpu.memory_space<hbm>>
        %dma_start3A_1034 = tpu.memref_squeeze %dma_start3A_1033 : memref<1x32x128xf32, #tpu.memory_space<hbm>> -> memref<32x128xf32, #tpu.memory_space<hbm>>
        %dma_start3A_1035 = arith.constant 0 : i32
        %dma_start3A_1036 = tpu.memref_slice %arg3[%add3A_30, %dma_start3A_1035, %multiple_of3A_1031] : memref<26x32x100001xf32, #tpu.memory_space<hbm>> -> memref<1x32x128xf32, #tpu.memory_space<hbm>>
        %dma_start3A_1037 = tpu.memref_squeeze %dma_start3A_1036 : memref<1x32x128xf32, #tpu.memory_space<hbm>> -> memref<32x128xf32, #tpu.memory_space<hbm>>
        tpu.enqueue_dma source(%dma_start3A_1037 : memref<32x128xf32, #tpu.memory_space<hbm>>) target(%arg14 : memref<32x128xf32, #tpu.memory_space<vmem>>) target_semaphore(%arg22 : memref<!tpu.dma_semaphore, #tpu.memory_space<semaphore_mem>>)
        %dma_wait3A_1038 = arith.constant 0 : i32
        %dma_wait3A_1039 = arith.constant 0 : i32
        %dma_wait3A_1040 = arith.constant 0 : i32
        %dma_wait3A_1041 = tpu.memref_slice %arg3[%dma_wait3A_1038, %dma_wait3A_1039, %dma_wait3A_1040] : memref<26x32x100001xf32, #tpu.memory_space<hbm>> -> memref<1x32x128xf32, #tpu.memory_space<hbm>>
        %dma_wait3A_1042 = tpu.memref_squeeze %dma_wait3A_1041 : memref<1x32x128xf32, #tpu.memory_space<hbm>> -> memref<32x128xf32, #tpu.memory_space<hbm>>
        %dma_wait3A_1043 = arith.constant 0 : i32
        %dma_wait3A_1044 = arith.constant 0 : i32
        %dma_wait3A_1045 = tpu.memref_slice %arg3[%dma_wait3A_1038, %dma_wait3A_1043, %dma_wait3A_1044] : memref<26x32x100001xf32, #tpu.memory_space<hbm>> -> memref<1x32x128xf32, #tpu.memory_space<hbm>>
        %dma_wait3A_1046 = tpu.memref_squeeze %dma_wait3A_1045 : memref<1x32x128xf32, #tpu.memory_space<hbm>> -> memref<32x128xf32, #tpu.memory_space<hbm>>
        tpu.wait_dma2 semaphore(%arg23 : memref<!tpu.dma_semaphore, #tpu.memory_space<semaphore_mem>>) src(%dma_wait3A_1046 : memref<32x128xf32, #tpu.memory_space<hbm>>) dst(%arg15 : memref<32x128xf32, #tpu.memory_space<vmem>>)
        %slice3A_1047 = vector.extract_strided_slice %get3A_462 {offsets = [13], sizes = [1], strides = [1]} : vector<16xi32> to vector<1xi32>
        %squeeze3A_1048 = vector.extract %slice3A_1047[0] : i32 from vector<1xi32>
        %mul3A_1049 = arith.constant 16 : i32
        %mul3A_1050 = arith.muli %scan3A_457, %mul3A_1049 : i32
        %add3A_1051 = arith.constant 8 : i32
        %add3A_1052 = arith.addi %mul3A_1050, %add3A_1051 : i32
        %add3A_1053 = arith.constant 5 : i32
        %add3A_1054 = arith.addi %add3A_1052, %add3A_1053 : i32
        %shift_right_logical3A_1055 = arith.constant 7 : i32
        %shift_right_logical3A_1056 = arith.shrui %squeeze3A_1048, %shift_right_logical3A_1055 : i32
        %min3A_1057 = arith.constant 780 : i32
        %min3A_1058 = arith.minsi %shift_right_logical3A_1056, %min3A_1057 : i32
        %mul3A_1059 = arith.constant 128 : i32
        %mul3A_1060 = arith.muli %min3A_1058, %mul3A_1059 : i32
        %sub3A_1061 = arith.subi %squeeze3A_1048, %mul3A_1060 : i32
        %min3A_1062 = arith.constant 127 : i32
        %min3A_1063 = arith.minsi %sub3A_1061, %min3A_1062 : i32
        %broadcast_in_dim3A_1064 = vector.broadcast %min3A_1063 : i32 to vector<16xi32>
        %broadcast_in_dim3A_1065 = vector.broadcast %add3A_1054 : i32 to vector<16xi32>
        %gather3A_1066 = tpu.vector_load_idx %arg15[%iota3A, %broadcast_in_dim3A_1064] : memref<32x128xf32, #tpu.memory_space<vmem>>[vector<16xi32>, vector<16xi32>], vector<16xf32>,
        %gather3A_1067 = tpu.vector_load_idx %arg15[%add3A_5, %broadcast_in_dim3A_1064] : memref<32x128xf32, #tpu.memory_space<vmem>>[vector<16xi32>, vector<16xi32>], vector<16xf32>,
        tpu.vector_store_idx %arg9[%iota3A, %broadcast_in_dim3A_1065], %gather3A_1066 : memref<32x128xf32, #tpu.memory_space<vmem>>[vector<16xi32>, vector<16xi32>], vector<16xf32>,
        tpu.vector_store_idx %arg9[%add3A_5, %broadcast_in_dim3A_1065], %gather3A_1067 : memref<32x128xf32, #tpu.memory_space<vmem>>[vector<16xi32>, vector<16xi32>], vector<16xf32>,
        %slice3A_1068 = vector.extract_strided_slice %get3A_471 {offsets = [5], sizes = [1], strides = [1]} : vector<16xi32> to vector<1xi32>
        %squeeze3A_1069 = vector.extract %slice3A_1068[0] : i32 from vector<1xi32>
        %shift_right_logical3A_1070 = arith.constant 7 : i32
        %shift_right_logical3A_1071 = arith.shrui %squeeze3A_1069, %shift_right_logical3A_1070 : i32
        %min3A_1072 = arith.constant 780 : i32
        %min3A_1073 = arith.minsi %shift_right_logical3A_1071, %min3A_1072 : i32
        %mul3A_1074 = arith.constant 128 : i32
        %mul3A_1075 = arith.muli %min3A_1073, %mul3A_1074 : i32
        %multiple_of3A_1076 = tpu.assume_multiple %mul3A_1075, 128 : i32
        %dma_start3A_1077 = arith.constant 0 : i32
        %dma_start3A_1078 = tpu.memref_slice %arg3[%add3A_30, %dma_start3A_1077, %multiple_of3A_1076] : memref<26x32x100001xf32, #tpu.memory_space<hbm>> -> memref<1x32x128xf32, #tpu.memory_space<hbm>>
        %dma_start3A_1079 = tpu.memref_squeeze %dma_start3A_1078 : memref<1x32x128xf32, #tpu.memory_space<hbm>> -> memref<32x128xf32, #tpu.memory_space<hbm>>
        %dma_start3A_1080 = arith.constant 0 : i32
        %dma_start3A_1081 = tpu.memref_slice %arg3[%add3A_30, %dma_start3A_1080, %multiple_of3A_1076] : memref<26x32x100001xf32, #tpu.memory_space<hbm>> -> memref<1x32x128xf32, #tpu.memory_space<hbm>>
        %dma_start3A_1082 = tpu.memref_squeeze %dma_start3A_1081 : memref<1x32x128xf32, #tpu.memory_space<hbm>> -> memref<32x128xf32, #tpu.memory_space<hbm>>
        tpu.enqueue_dma source(%dma_start3A_1082 : memref<32x128xf32, #tpu.memory_space<hbm>>) target(%arg15 : memref<32x128xf32, #tpu.memory_space<vmem>>) target_semaphore(%arg23 : memref<!tpu.dma_semaphore, #tpu.memory_space<semaphore_mem>>)
        %dma_wait3A_1083 = arith.constant 0 : i32
        %dma_wait3A_1084 = arith.constant 0 : i32
        %dma_wait3A_1085 = arith.constant 0 : i32
        %dma_wait3A_1086 = tpu.memref_slice %arg3[%dma_wait3A_1083, %dma_wait3A_1084, %dma_wait3A_1085] : memref<26x32x100001xf32, #tpu.memory_space<hbm>> -> memref<1x32x128xf32, #tpu.memory_space<hbm>>
        %dma_wait3A_1087 = tpu.memref_squeeze %dma_wait3A_1086 : memref<1x32x128xf32, #tpu.memory_space<hbm>> -> memref<32x128xf32, #tpu.memory_space<hbm>>
        %dma_wait3A_1088 = arith.constant 0 : i32
        %dma_wait3A_1089 = arith.constant 0 : i32
        %dma_wait3A_1090 = tpu.memref_slice %arg3[%dma_wait3A_1083, %dma_wait3A_1088, %dma_wait3A_1089] : memref<26x32x100001xf32, #tpu.memory_space<hbm>> -> memref<1x32x128xf32, #tpu.memory_space<hbm>>
        %dma_wait3A_1091 = tpu.memref_squeeze %dma_wait3A_1090 : memref<1x32x128xf32, #tpu.memory_space<hbm>> -> memref<32x128xf32, #tpu.memory_space<hbm>>
        tpu.wait_dma2 semaphore(%arg24 : memref<!tpu.dma_semaphore, #tpu.memory_space<semaphore_mem>>) src(%dma_wait3A_1091 : memref<32x128xf32, #tpu.memory_space<hbm>>) dst(%arg16 : memref<32x128xf32, #tpu.memory_space<vmem>>)
        %slice3A_1092 = vector.extract_strided_slice %get3A_462 {offsets = [14], sizes = [1], strides = [1]} : vector<16xi32> to vector<1xi32>
        %squeeze3A_1093 = vector.extract %slice3A_1092[0] : i32 from vector<1xi32>
        %mul3A_1094 = arith.constant 16 : i32
        %mul3A_1095 = arith.muli %scan3A_457, %mul3A_1094 : i32
        %add3A_1096 = arith.constant 8 : i32
        %add3A_1097 = arith.addi %mul3A_1095, %add3A_1096 : i32
        %add3A_1098 = arith.constant 6 : i32
        %add3A_1099 = arith.addi %add3A_1097, %add3A_1098 : i32
        %shift_right_logical3A_1100 = arith.constant 7 : i32
        %shift_right_logical3A_1101 = arith.shrui %squeeze3A_1093, %shift_right_logical3A_1100 : i32
        %min3A_1102 = arith.constant 780 : i32
        %min3A_1103 = arith.minsi %shift_right_logical3A_1101, %min3A_1102 : i32
        %mul3A_1104 = arith.constant 128 : i32
        %mul3A_1105 = arith.muli %min3A_1103, %mul3A_1104 : i32
        %sub3A_1106 = arith.subi %squeeze3A_1093, %mul3A_1105 : i32
        %min3A_1107 = arith.constant 127 : i32
        %min3A_1108 = arith.minsi %sub3A_1106, %min3A_1107 : i32
        %broadcast_in_dim3A_1109 = vector.broadcast %min3A_1108 : i32 to vector<16xi32>
        %broadcast_in_dim3A_1110 = vector.broadcast %add3A_1099 : i32 to vector<16xi32>
        %gather3A_1111 = tpu.vector_load_idx %arg16[%iota3A, %broadcast_in_dim3A_1109] : memref<32x128xf32, #tpu.memory_space<vmem>>[vector<16xi32>, vector<16xi32>], vector<16xf32>,
        %gather3A_1112 = tpu.vector_load_idx %arg16[%add3A_5, %broadcast_in_dim3A_1109] : memref<32x128xf32, #tpu.memory_space<vmem>>[vector<16xi32>, vector<16xi32>], vector<16xf32>,
        tpu.vector_store_idx %arg9[%iota3A, %broadcast_in_dim3A_1110], %gather3A_1111 : memref<32x128xf32, #tpu.memory_space<vmem>>[vector<16xi32>, vector<16xi32>], vector<16xf32>,
        tpu.vector_store_idx %arg9[%add3A_5, %broadcast_in_dim3A_1110], %gather3A_1112 : memref<32x128xf32, #tpu.memory_space<vmem>>[vector<16xi32>, vector<16xi32>], vector<16xf32>,
        %slice3A_1113 = vector.extract_strided_slice %get3A_471 {offsets = [6], sizes = [1], strides = [1]} : vector<16xi32> to vector<1xi32>
        %squeeze3A_1114 = vector.extract %slice3A_1113[0] : i32 from vector<1xi32>
        %shift_right_logical3A_1115 = arith.constant 7 : i32
        %shift_right_logical3A_1116 = arith.shrui %squeeze3A_1114, %shift_right_logical3A_1115 : i32
        %min3A_1117 = arith.constant 780 : i32
        %min3A_1118 = arith.minsi %shift_right_logical3A_1116, %min3A_1117 : i32
        %mul3A_1119 = arith.constant 128 : i32
        %mul3A_1120 = arith.muli %min3A_1118, %mul3A_1119 : i32
        %multiple_of3A_1121 = tpu.assume_multiple %mul3A_1120, 128 : i32
        %dma_start3A_1122 = arith.constant 0 : i32
        %dma_start3A_1123 = tpu.memref_slice %arg3[%add3A_30, %dma_start3A_1122, %multiple_of3A_1121] : memref<26x32x100001xf32, #tpu.memory_space<hbm>> -> memref<1x32x128xf32, #tpu.memory_space<hbm>>
        %dma_start3A_1124 = tpu.memref_squeeze %dma_start3A_1123 : memref<1x32x128xf32, #tpu.memory_space<hbm>> -> memref<32x128xf32, #tpu.memory_space<hbm>>
        %dma_start3A_1125 = arith.constant 0 : i32
        %dma_start3A_1126 = tpu.memref_slice %arg3[%add3A_30, %dma_start3A_1125, %multiple_of3A_1121] : memref<26x32x100001xf32, #tpu.memory_space<hbm>> -> memref<1x32x128xf32, #tpu.memory_space<hbm>>
        %dma_start3A_1127 = tpu.memref_squeeze %dma_start3A_1126 : memref<1x32x128xf32, #tpu.memory_space<hbm>> -> memref<32x128xf32, #tpu.memory_space<hbm>>
        tpu.enqueue_dma source(%dma_start3A_1127 : memref<32x128xf32, #tpu.memory_space<hbm>>) target(%arg16 : memref<32x128xf32, #tpu.memory_space<vmem>>) target_semaphore(%arg24 : memref<!tpu.dma_semaphore, #tpu.memory_space<semaphore_mem>>)
        %dma_wait3A_1128 = arith.constant 0 : i32
        %dma_wait3A_1129 = arith.constant 0 : i32
        %dma_wait3A_1130 = arith.constant 0 : i32
        %dma_wait3A_1131 = tpu.memref_slice %arg3[%dma_wait3A_1128, %dma_wait3A_1129, %dma_wait3A_1130] : memref<26x32x100001xf32, #tpu.memory_space<hbm>> -> memref<1x32x128xf32, #tpu.memory_space<hbm>>
        %dma_wait3A_1132 = tpu.memref_squeeze %dma_wait3A_1131 : memref<1x32x128xf32, #tpu.memory_space<hbm>> -> memref<32x128xf32, #tpu.memory_space<hbm>>
        %dma_wait3A_1133 = arith.constant 0 : i32
        %dma_wait3A_1134 = arith.constant 0 : i32
        %dma_wait3A_1135 = tpu.memref_slice %arg3[%dma_wait3A_1128, %dma_wait3A_1133, %dma_wait3A_1134] : memref<26x32x100001xf32, #tpu.memory_space<hbm>> -> memref<1x32x128xf32, #tpu.memory_space<hbm>>
        %dma_wait3A_1136 = tpu.memref_squeeze %dma_wait3A_1135 : memref<1x32x128xf32, #tpu.memory_space<hbm>> -> memref<32x128xf32, #tpu.memory_space<hbm>>
        tpu.wait_dma2 semaphore(%arg25 : memref<!tpu.dma_semaphore, #tpu.memory_space<semaphore_mem>>) src(%dma_wait3A_1136 : memref<32x128xf32, #tpu.memory_space<hbm>>) dst(%arg17 : memref<32x128xf32, #tpu.memory_space<vmem>>)
        %slice3A_1137 = vector.extract_strided_slice %get3A_462 {offsets = [15], sizes = [1], strides = [1]} : vector<16xi32> to vector<1xi32>
        %squeeze3A_1138 = vector.extract %slice3A_1137[0] : i32 from vector<1xi32>
        %mul3A_1139 = arith.constant 16 : i32
        %mul3A_1140 = arith.muli %scan3A_457, %mul3A_1139 : i32
        %add3A_1141 = arith.constant 8 : i32
        %add3A_1142 = arith.addi %mul3A_1140, %add3A_1141 : i32
        %add3A_1143 = arith.constant 7 : i32
        %add3A_1144 = arith.addi %add3A_1142, %add3A_1143 : i32
        %shift_right_logical3A_1145 = arith.constant 7 : i32
        %shift_right_logical3A_1146 = arith.shrui %squeeze3A_1138, %shift_right_logical3A_1145 : i32
        %min3A_1147 = arith.constant 780 : i32
        %min3A_1148 = arith.minsi %shift_right_logical3A_1146, %min3A_1147 : i32
        %mul3A_1149 = arith.constant 128 : i32
        %mul3A_1150 = arith.muli %min3A_1148, %mul3A_1149 : i32
        %sub3A_1151 = arith.subi %squeeze3A_1138, %mul3A_1150 : i32
        %min3A_1152 = arith.constant 127 : i32
        %min3A_1153 = arith.minsi %sub3A_1151, %min3A_1152 : i32
        %broadcast_in_dim3A_1154 = vector.broadcast %min3A_1153 : i32 to vector<16xi32>
        %broadcast_in_dim3A_1155 = vector.broadcast %add3A_1144 : i32 to vector<16xi32>
        %gather3A_1156 = tpu.vector_load_idx %arg17[%iota3A, %broadcast_in_dim3A_1154] : memref<32x128xf32, #tpu.memory_space<vmem>>[vector<16xi32>, vector<16xi32>], vector<16xf32>,
        %gather3A_1157 = tpu.vector_load_idx %arg17[%add3A_5, %broadcast_in_dim3A_1154] : memref<32x128xf32, #tpu.memory_space<vmem>>[vector<16xi32>, vector<16xi32>], vector<16xf32>,
        tpu.vector_store_idx %arg9[%iota3A, %broadcast_in_dim3A_1155], %gather3A_1156 : memref<32x128xf32, #tpu.memory_space<vmem>>[vector<16xi32>, vector<16xi32>], vector<16xf32>,
        tpu.vector_store_idx %arg9[%add3A_5, %broadcast_in_dim3A_1155], %gather3A_1157 : memref<32x128xf32, #tpu.memory_space<vmem>>[vector<16xi32>, vector<16xi32>], vector<16xf32>,
        %slice3A_1158 = vector.extract_strided_slice %get3A_471 {offsets = [7], sizes = [1], strides = [1]} : vector<16xi32> to vector<1xi32>
        %squeeze3A_1159 = vector.extract %slice3A_1158[0] : i32 from vector<1xi32>
        %shift_right_logical3A_1160 = arith.constant 7 : i32
        %shift_right_logical3A_1161 = arith.shrui %squeeze3A_1159, %shift_right_logical3A_1160 : i32
        %min3A_1162 = arith.constant 780 : i32
        %min3A_1163 = arith.minsi %shift_right_logical3A_1161, %min3A_1162 : i32
        %mul3A_1164 = arith.constant 128 : i32
        %mul3A_1165 = arith.muli %min3A_1163, %mul3A_1164 : i32
        %multiple_of3A_1166 = tpu.assume_multiple %mul3A_1165, 128 : i32
        %dma_start3A_1167 = arith.constant 0 : i32
        %dma_start3A_1168 = tpu.memref_slice %arg3[%add3A_30, %dma_start3A_1167, %multiple_of3A_1166] : memref<26x32x100001xf32, #tpu.memory_space<hbm>> -> memref<1x32x128xf32, #tpu.memory_space<hbm>>
        %dma_start3A_1169 = tpu.memref_squeeze %dma_start3A_1168 : memref<1x32x128xf32, #tpu.memory_space<hbm>> -> memref<32x128xf32, #tpu.memory_space<hbm>>
        %dma_start3A_1170 = arith.constant 0 : i32
        %dma_start3A_1171 = tpu.memref_slice %arg3[%add3A_30, %dma_start3A_1170, %multiple_of3A_1166] : memref<26x32x100001xf32, #tpu.memory_space<hbm>> -> memref<1x32x128xf32, #tpu.memory_space<hbm>>
        %dma_start3A_1172 = tpu.memref_squeeze %dma_start3A_1171 : memref<1x32x128xf32, #tpu.memory_space<hbm>> -> memref<32x128xf32, #tpu.memory_space<hbm>>
        tpu.enqueue_dma source(%dma_start3A_1172 : memref<32x128xf32, #tpu.memory_space<hbm>>) target(%arg17 : memref<32x128xf32, #tpu.memory_space<vmem>>) target_semaphore(%arg25 : memref<!tpu.dma_semaphore, #tpu.memory_space<semaphore_mem>>)
      }
      %scan3A_372 = arith.constant 8 : i32
      %dma_wait3A_373 = arith.constant 0 : i32
      %dma_wait3A_374 = arith.constant 0 : i32
      %dma_wait3A_375 = arith.constant 0 : i32
      %dma_wait3A_376 = tpu.memref_slice %arg3[%dma_wait3A_373, %dma_wait3A_374, %dma_wait3A_375] : memref<26x32x100001xf32, #tpu.memory_space<hbm>> -> memref<1x32x128xf32, #tpu.memory_space<hbm>>
      %dma_wait3A_377 = tpu.memref_squeeze %dma_wait3A_376 : memref<1x32x128xf32, #tpu.memory_space<hbm>> -> memref<32x128xf32, #tpu.memory_space<hbm>>
      %dma_wait3A_378 = arith.constant 0 : i32
      %dma_wait3A_379 = arith.constant 0 : i32
      %dma_wait3A_380 = tpu.memref_slice %arg3[%dma_wait3A_373, %dma_wait3A_378, %dma_wait3A_379] : memref<26x32x100001xf32, #tpu.memory_space<hbm>> -> memref<1x32x128xf32, #tpu.memory_space<hbm>>
      %dma_wait3A_381 = tpu.memref_squeeze %dma_wait3A_380 : memref<1x32x128xf32, #tpu.memory_space<hbm>> -> memref<32x128xf32, #tpu.memory_space<hbm>>
      tpu.wait_dma2 semaphore(%arg18 : memref<!tpu.dma_semaphore, #tpu.memory_space<semaphore_mem>>) src(%dma_wait3A_381 : memref<32x128xf32, #tpu.memory_space<hbm>>) dst(%arg10 : memref<32x128xf32, #tpu.memory_space<vmem>>)
      %dma_wait3A_382 = arith.constant 0 : i32
      %dma_wait3A_383 = arith.constant 0 : i32
      %dma_wait3A_384 = arith.constant 0 : i32
      %dma_wait3A_385 = tpu.memref_slice %arg3[%dma_wait3A_382, %dma_wait3A_383, %dma_wait3A_384] : memref<26x32x100001xf32, #tpu.memory_space<hbm>> -> memref<1x32x128xf32, #tpu.memory_space<hbm>>
      %dma_wait3A_386 = tpu.memref_squeeze %dma_wait3A_385 : memref<1x32x128xf32, #tpu.memory_space<hbm>> -> memref<32x128xf32, #tpu.memory_space<hbm>>
      %dma_wait3A_387 = arith.constant 0 : i32
      %dma_wait3A_388 = arith.constant 0 : i32
      %dma_wait3A_389 = tpu.memref_slice %arg3[%dma_wait3A_382, %dma_wait3A_387, %dma_wait3A_388] : memref<26x32x100001xf32, #tpu.memory_space<hbm>> -> memref<1x32x128xf32, #tpu.memory_space<hbm>>
      %dma_wait3A_390 = tpu.memref_squeeze %dma_wait3A_389 : memref<1x32x128xf32, #tpu.memory_space<hbm>> -> memref<32x128xf32, #tpu.memory_space<hbm>>
      tpu.wait_dma2 semaphore(%arg19 : memref<!tpu.dma_semaphore, #tpu.memory_space<semaphore_mem>>) src(%dma_wait3A_390 : memref<32x128xf32, #tpu.memory_space<hbm>>) dst(%arg11 : memref<32x128xf32, #tpu.memory_space<vmem>>)
      %dma_wait3A_391 = arith.constant 0 : i32
      %dma_wait3A_392 = arith.constant 0 : i32
      %dma_wait3A_393 = arith.constant 0 : i32
      %dma_wait3A_394 = tpu.memref_slice %arg3[%dma_wait3A_391, %dma_wait3A_392, %dma_wait3A_393] : memref<26x32x100001xf32, #tpu.memory_space<hbm>> -> memref<1x32x128xf32, #tpu.memory_space<hbm>>
      %dma_wait3A_395 = tpu.memref_squeeze %dma_wait3A_394 : memref<1x32x128xf32, #tpu.memory_space<hbm>> -> memref<32x128xf32, #tpu.memory_space<hbm>>
      %dma_wait3A_396 = arith.constant 0 : i32
      %dma_wait3A_397 = arith.constant 0 : i32
      %dma_wait3A_398 = tpu.memref_slice %arg3[%dma_wait3A_391, %dma_wait3A_396, %dma_wait3A_397] : memref<26x32x100001xf32, #tpu.memory_space<hbm>> -> memref<1x32x128xf32, #tpu.memory_space<hbm>>
      %dma_wait3A_399 = tpu.memref_squeeze %dma_wait3A_398 : memref<1x32x128xf32, #tpu.memory_space<hbm>> -> memref<32x128xf32, #tpu.memory_space<hbm>>
      tpu.wait_dma2 semaphore(%arg20 : memref<!tpu.dma_semaphore, #tpu.memory_space<semaphore_mem>>) src(%dma_wait3A_399 : memref<32x128xf32, #tpu.memory_space<hbm>>) dst(%arg12 : memref<32x128xf32, #tpu.memory_space<vmem>>)
      %dma_wait3A_400 = arith.constant 0 : i32
      %dma_wait3A_401 = arith.constant 0 : i32
      %dma_wait3A_402 = arith.constant 0 : i32
      %dma_wait3A_403 = tpu.memref_slice %arg3[%dma_wait3A_400, %dma_wait3A_401, %dma_wait3A_402] : memref<26x32x100001xf32, #tpu.memory_space<hbm>> -> memref<1x32x128xf32, #tpu.memory_space<hbm>>
      %dma_wait3A_404 = tpu.memref_squeeze %dma_wait3A_403 : memref<1x32x128xf32, #tpu.memory_space<hbm>> -> memref<32x128xf32, #tpu.memory_space<hbm>>
      %dma_wait3A_405 = arith.constant 0 : i32
      %dma_wait3A_406 = arith.constant 0 : i32
      %dma_wait3A_407 = tpu.memref_slice %arg3[%dma_wait3A_400, %dma_wait3A_405, %dma_wait3A_406] : memref<26x32x100001xf32, #tpu.memory_space<hbm>> -> memref<1x32x128xf32, #tpu.memory_space<hbm>>
      %dma_wait3A_408 = tpu.memref_squeeze %dma_wait3A_407 : memref<1x32x128xf32, #tpu.memory_space<hbm>> -> memref<32x128xf32, #tpu.memory_space<hbm>>
      tpu.wait_dma2 semaphore(%arg21 : memref<!tpu.dma_semaphore, #tpu.memory_space<semaphore_mem>>) src(%dma_wait3A_408 : memref<32x128xf32, #tpu.memory_space<hbm>>) dst(%arg13 : memref<32x128xf32, #tpu.memory_space<vmem>>)
      %dma_wait3A_409 = arith.constant 0 : i32
      %dma_wait3A_410 = arith.constant 0 : i32
      %dma_wait3A_411 = arith.constant 0 : i32
      %dma_wait3A_412 = tpu.memref_slice %arg3[%dma_wait3A_409, %dma_wait3A_410, %dma_wait3A_411] : memref<26x32x100001xf32, #tpu.memory_space<hbm>> -> memref<1x32x128xf32, #tpu.memory_space<hbm>>
      %dma_wait3A_413 = tpu.memref_squeeze %dma_wait3A_412 : memref<1x32x128xf32, #tpu.memory_space<hbm>> -> memref<32x128xf32, #tpu.memory_space<hbm>>
      %dma_wait3A_414 = arith.constant 0 : i32
      %dma_wait3A_415 = arith.constant 0 : i32
      %dma_wait3A_416 = tpu.memref_slice %arg3[%dma_wait3A_409, %dma_wait3A_414, %dma_wait3A_415] : memref<26x32x100001xf32, #tpu.memory_space<hbm>> -> memref<1x32x128xf32, #tpu.memory_space<hbm>>
      %dma_wait3A_417 = tpu.memref_squeeze %dma_wait3A_416 : memref<1x32x128xf32, #tpu.memory_space<hbm>> -> memref<32x128xf32, #tpu.memory_space<hbm>>
      tpu.wait_dma2 semaphore(%arg22 : memref<!tpu.dma_semaphore, #tpu.memory_space<semaphore_mem>>) src(%dma_wait3A_417 : memref<32x128xf32, #tpu.memory_space<hbm>>) dst(%arg14 : memref<32x128xf32, #tpu.memory_space<vmem>>)
      %dma_wait3A_418 = arith.constant 0 : i32
      %dma_wait3A_419 = arith.constant 0 : i32
      %dma_wait3A_420 = arith.constant 0 : i32
      %dma_wait3A_421 = tpu.memref_slice %arg3[%dma_wait3A_418, %dma_wait3A_419, %dma_wait3A_420] : memref<26x32x100001xf32, #tpu.memory_space<hbm>> -> memref<1x32x128xf32, #tpu.memory_space<hbm>>
      %dma_wait3A_422 = tpu.memref_squeeze %dma_wait3A_421 : memref<1x32x128xf32, #tpu.memory_space<hbm>> -> memref<32x128xf32, #tpu.memory_space<hbm>>
      %dma_wait3A_423 = arith.constant 0 : i32
      %dma_wait3A_424 = arith.constant 0 : i32
      %dma_wait3A_425 = tpu.memref_slice %arg3[%dma_wait3A_418, %dma_wait3A_423, %dma_wait3A_424] : memref<26x32x100001xf32, #tpu.memory_space<hbm>> -> memref<1x32x128xf32, #tpu.memory_space<hbm>>
      %dma_wait3A_426 = tpu.memref_squeeze %dma_wait3A_425 : memref<1x32x128xf32, #tpu.memory_space<hbm>> -> memref<32x128xf32, #tpu.memory_space<hbm>>
      tpu.wait_dma2 semaphore(%arg23 : memref<!tpu.dma_semaphore, #tpu.memory_space<semaphore_mem>>) src(%dma_wait3A_426 : memref<32x128xf32, #tpu.memory_space<hbm>>) dst(%arg15 : memref<32x128xf32, #tpu.memory_space<vmem>>)
      %dma_wait3A_427 = arith.constant 0 : i32
      %dma_wait3A_428 = arith.constant 0 : i32
      %dma_wait3A_429 = arith.constant 0 : i32
      %dma_wait3A_430 = tpu.memref_slice %arg3[%dma_wait3A_427, %dma_wait3A_428, %dma_wait3A_429] : memref<26x32x100001xf32, #tpu.memory_space<hbm>> -> memref<1x32x128xf32, #tpu.memory_space<hbm>>
      %dma_wait3A_431 = tpu.memref_squeeze %dma_wait3A_430 : memref<1x32x128xf32, #tpu.memory_space<hbm>> -> memref<32x128xf32, #tpu.memory_space<hbm>>
      %dma_wait3A_432 = arith.constant 0 : i32
      %dma_wait3A_433 = arith.constant 0 : i32
      %dma_wait3A_434 = tpu.memref_slice %arg3[%dma_wait3A_427, %dma_wait3A_432, %dma_wait3A_433] : memref<26x32x100001xf32, #tpu.memory_space<hbm>> -> memref<1x32x128xf32, #tpu.memory_space<hbm>>
      %dma_wait3A_435 = tpu.memref_squeeze %dma_wait3A_434 : memref<1x32x128xf32, #tpu.memory_space<hbm>> -> memref<32x128xf32, #tpu.memory_space<hbm>>
      tpu.wait_dma2 semaphore(%arg24 : memref<!tpu.dma_semaphore, #tpu.memory_space<semaphore_mem>>) src(%dma_wait3A_435 : memref<32x128xf32, #tpu.memory_space<hbm>>) dst(%arg16 : memref<32x128xf32, #tpu.memory_space<vmem>>)
      %dma_wait3A_436 = arith.constant 0 : i32
      %dma_wait3A_437 = arith.constant 0 : i32
      %dma_wait3A_438 = arith.constant 0 : i32
      %dma_wait3A_439 = tpu.memref_slice %arg3[%dma_wait3A_436, %dma_wait3A_437, %dma_wait3A_438] : memref<26x32x100001xf32, #tpu.memory_space<hbm>> -> memref<1x32x128xf32, #tpu.memory_space<hbm>>
      %dma_wait3A_440 = tpu.memref_squeeze %dma_wait3A_439 : memref<1x32x128xf32, #tpu.memory_space<hbm>> -> memref<32x128xf32, #tpu.memory_space<hbm>>
      %dma_wait3A_441 = arith.constant 0 : i32
      %dma_wait3A_442 = arith.constant 0 : i32
      %dma_wait3A_443 = tpu.memref_slice %arg3[%dma_wait3A_436, %dma_wait3A_441, %dma_wait3A_442] : memref<26x32x100001xf32, #tpu.memory_space<hbm>> -> memref<1x32x128xf32, #tpu.memory_space<hbm>>
      %dma_wait3A_444 = tpu.memref_squeeze %dma_wait3A_443 : memref<1x32x128xf32, #tpu.memory_space<hbm>> -> memref<32x128xf32, #tpu.memory_space<hbm>>
      tpu.wait_dma2 semaphore(%arg25 : memref<!tpu.dma_semaphore, #tpu.memory_space<semaphore_mem>>) src(%dma_wait3A_444 : memref<32x128xf32, #tpu.memory_space<hbm>>) dst(%arg17 : memref<32x128xf32, #tpu.memory_space<vmem>>)
      %scan3A_445 = arith.constant 0 : i32
      %scan3A_446 = arith.constant 0 : i32
      %scan3A_447 = arith.constant 8 : i32
      %scan3A_448 = arith.addi %scan3A_446, %scan3A_447 : i32
      %scan3A_449 = arith.constant 1 : i32
      scf.for %scan3A_457 = %scan3A_446 to %scan3A_448 step %scan3A_449  : i32 {
        %mul3A_458 = arith.constant 16 : i32
        %mul3A_459 = arith.muli %scan3A_457, %mul3A_458 : i32
        %get3A_460 = arith.index_cast %add3A : i32 to index
        %get3A_461 = arith.index_cast %mul3A_459 : i32 to index
        %get3A_462 = tpu.vector_load %arg6[%get3A_460, %get3A_461] {strides = array<i32>} : memref<32x128xi32, #tpu.memory_space<vmem>>, vector<16xi32>,
        %ge3A = arith.constant 99968 : i32
        %ge3A_463 = vector.broadcast %ge3A : i32 to vector<16xi32>
        %ge3A_464 = arith.cmpi sge, %get3A_462, %ge3A_463 : vector<16xi32>
        %all_reduce_population_count3A = tpu.all_reduce %ge3A_464 {dim = 0 : i64, kind = #tpu.reduction_kind<sum>} : vector<16xi1> -> vector<16xi32>
        %slice3A_465 = vector.extract_strided_slice %all_reduce_population_count3A {offsets = [0], sizes = [1], strides = [1]} : vector<16xi32> to vector<1xi32>
        %squeeze3A_466 = vector.extract %slice3A_465[0] : i32 from vector<1xi32>
        %gt3A_467 = arith.constant 0 : i32
        %gt3A_468 = arith.cmpi sgt, %squeeze3A_466, %gt3A_467 : i32
        %convert_element_type3A_469 = arith.extui %gt3A_468 : i1 to i32
        %cond3A_470 = arith.constant 0 : i32
        %cond3A_471 = arith.cmpi ne, %convert_element_type3A_469, %cond3A_470 : i32
        scf.if %cond3A_471 {
          %sub3A = arith.constant 99968 : i32
          %sub3A_472 = vector.broadcast %sub3A : i32 to vector<16xi32>
          %sub3A_473 = arith.subi %get3A_462, %sub3A_472 : vector<16xi32>
          %jit3A = arith.constant 0 : i32
          %jit3A_474 = arith.constant 32 : i32
          %max3A = vector.broadcast %jit3A : i32 to vector<16xi32>
          %max3A_475 = arith.maxsi %max3A, %sub3A_473 : vector<16xi32>
          %min3A_476 = vector.broadcast %jit3A_474 : i32 to vector<16xi32>
          %min3A_477 = arith.minsi %min3A_476, %max3A_475 : vector<16xi32>
          %mul3A_478 = arith.constant 16 : i32
          %mul3A_479 = arith.muli %scan3A_457, %mul3A_478 : i32
          %add3A_480 = vector.broadcast %mul3A_479 : i32 to vector<16xi32>
          %add3A_481 = arith.addi %iota3A, %add3A_480 : vector<16xi32>
          %broadcast_in_dim3A = arith.constant 0 : i32
          %broadcast_in_dim3A_482 = vector.broadcast %broadcast_in_dim3A : i32 to vector<16xi32>
          %gather3A = tpu.vector_load_idx %arg7[%broadcast_in_dim3A_482, %min3A_477] : memref<32x33xf32, #tpu.memory_space<vmem>>[vector<16xi32>, vector<16xi32>], vector<16xf32>,
          tpu.vector_store_idx %arg9[%broadcast_in_dim3A_482, %add3A_481], %gather3A masked %ge3A_464 : memref<32x128xf32, #tpu.memory_space<vmem>>[vector<16xi32>, vector<16xi32>], vector<16xf32>, vector<16xi1>
          %broadcast_in_dim3A_483 = arith.constant 1 : i32
          %broadcast_in_dim3A_484 = vector.broadcast %broadcast_in_dim3A_483 : i32 to vector<16xi32>
          %gather3A_485 = tpu.vector_load_idx %arg7[%broadcast_in_dim3A_484, %min3A_477] : memref<32x33xf32, #tpu.memory_space<vmem>>[vector<16xi32>, vector<16xi32>], vector<16xf32>,
          tpu.vector_store_idx %arg9[%broadcast_in_dim3A_484, %add3A_481], %gather3A_485 masked %ge3A_464 : memref<32x128xf32, #tpu.memory_space<vmem>>[vector<16xi32>, vector<16xi32>], vector<16xf32>, vector<16xi1>
          %broadcast_in_dim3A_486 = arith.constant 2 : i32
          %broadcast_in_dim3A_487 = vector.broadcast %broadcast_in_dim3A_486 : i32 to vector<16xi32>
          %gather3A_488 = tpu.vector_load_idx %arg7[%broadcast_in_dim3A_487, %min3A_477] : memref<32x33xf32, #tpu.memory_space<vmem>>[vector<16xi32>, vector<16xi32>], vector<16xf32>,
          tpu.vector_store_idx %arg9[%broadcast_in_dim3A_487, %add3A_481], %gather3A_488 masked %ge3A_464 : memref<32x128xf32, #tpu.memory_space<vmem>>[vector<16xi32>, vector<16xi32>], vector<16xf32>, vector<16xi1>
          %broadcast_in_dim3A_489 = arith.constant 3 : i32
          %broadcast_in_dim3A_490 = vector.broadcast %broadcast_in_dim3A_489 : i32 to vector<16xi32>
          %gather3A_491 = tpu.vector_load_idx %arg7[%broadcast_in_dim3A_490, %min3A_477] : memref<32x33xf32, #tpu.memory_space<vmem>>[vector<16xi32>, vector<16xi32>], vector<16xf32>,
          tpu.vector_store_idx %arg9[%broadcast_in_dim3A_490, %add3A_481], %gather3A_491 masked %ge3A_464 : memref<32x128xf32, #tpu.memory_space<vmem>>[vector<16xi32>, vector<16xi32>], vector<16xf32>, vector<16xi1>
          %broadcast_in_dim3A_492 = arith.constant 4 : i32
          %broadcast_in_dim3A_493 = vector.broadcast %broadcast_in_dim3A_492 : i32 to vector<16xi32>
          %gather3A_494 = tpu.vector_load_idx %arg7[%broadcast_in_dim3A_493, %min3A_477] : memref<32x33xf32, #tpu.memory_space<vmem>>[vector<16xi32>, vector<16xi32>], vector<16xf32>,
          tpu.vector_store_idx %arg9[%broadcast_in_dim3A_493, %add3A_481], %gather3A_494 masked %ge3A_464 : memref<32x128xf32, #tpu.memory_space<vmem>>[vector<16xi32>, vector<16xi32>], vector<16xf32>, vector<16xi1>
          %broadcast_in_dim3A_495 = arith.constant 5 : i32
          %broadcast_in_dim3A_496 = vector.broadcast %broadcast_in_dim3A_495 : i32 to vector<16xi32>
          %gather3A_497 = tpu.vector_load_idx %arg7[%broadcast_in_dim3A_496, %min3A_477] : memref<32x33xf32, #tpu.memory_space<vmem>>[vector<16xi32>, vector<16xi32>], vector<16xf32>,
          tpu.vector_store_idx %arg9[%broadcast_in_dim3A_496, %add3A_481], %gather3A_497 masked %ge3A_464 : memref<32x128xf32, #tpu.memory_space<vmem>>[vector<16xi32>, vector<16xi32>], vector<16xf32>, vector<16xi1>
          %broadcast_in_dim3A_498 = arith.constant 6 : i32
          %broadcast_in_dim3A_499 = vector.broadcast %broadcast_in_dim3A_498 : i32 to vector<16xi32>
          %gather3A_500 = tpu.vector_load_idx %arg7[%broadcast_in_dim3A_499, %min3A_477] : memref<32x33xf32, #tpu.memory_space<vmem>>[vector<16xi32>, vector<16xi32>], vector<16xf32>,
          tpu.vector_store_idx %arg9[%broadcast_in_dim3A_499, %add3A_481], %gather3A_500 masked %ge3A_464 : memref<32x128xf32, #tpu.memory_space<vmem>>[vector<16xi32>, vector<16xi32>], vector<16xf32>, vector<16xi1>
          %broadcast_in_dim3A_501 = arith.constant 7 : i32
          %broadcast_in_dim3A_502 = vector.broadcast %broadcast_in_dim3A_501 : i32 to vector<16xi32>
          %gather3A_503 = tpu.vector_load_idx %arg7[%broadcast_in_dim3A_502, %min3A_477] : memref<32x33xf32, #tpu.memory_space<vmem>>[vector<16xi32>, vector<16xi32>], vector<16xf32>,
          tpu.vector_store_idx %arg9[%broadcast_in_dim3A_502, %add3A_481], %gather3A_503 masked %ge3A_464 : memref<32x128xf32, #tpu.memory_space<vmem>>[vector<16xi32>, vector<16xi32>], vector<16xf32>, vector<16xi1>
          %broadcast_in_dim3A_504 = arith.constant 8 : i32
          %broadcast_in_dim3A_505 = vector.broadcast %broadcast_in_dim3A_504 : i32 to vector<16xi32>
          %gather3A_506 = tpu.vector_load_idx %arg7[%broadcast_in_dim3A_505, %min3A_477] : memref<32x33xf32, #tpu.memory_space<vmem>>[vector<16xi32>, vector<16xi32>], vector<16xf32>,
          tpu.vector_store_idx %arg9[%broadcast_in_dim3A_505, %add3A_481], %gather3A_506 masked %ge3A_464 : memref<32x128xf32, #tpu.memory_space<vmem>>[vector<16xi32>, vector<16xi32>], vector<16xf32>, vector<16xi1>
          %broadcast_in_dim3A_507 = arith.constant 9 : i32
          %broadcast_in_dim3A_508 = vector.broadcast %broadcast_in_dim3A_507 : i32 to vector<16xi32>
          %gather3A_509 = tpu.vector_load_idx %arg7[%broadcast_in_dim3A_508, %min3A_477] : memref<32x33xf32, #tpu.memory_space<vmem>>[vector<16xi32>, vector<16xi32>], vector<16xf32>,
          tpu.vector_store_idx %arg9[%broadcast_in_dim3A_508, %add3A_481], %gather3A_509 masked %ge3A_464 : memref<32x128xf32, #tpu.memory_space<vmem>>[vector<16xi32>, vector<16xi32>], vector<16xf32>, vector<16xi1>
          %broadcast_in_dim3A_510 = arith.constant 10 : i32
          %broadcast_in_dim3A_511 = vector.broadcast %broadcast_in_dim3A_510 : i32 to vector<16xi32>
          %gather3A_512 = tpu.vector_load_idx %arg7[%broadcast_in_dim3A_511, %min3A_477] : memref<32x33xf32, #tpu.memory_space<vmem>>[vector<16xi32>, vector<16xi32>], vector<16xf32>,
          tpu.vector_store_idx %arg9[%broadcast_in_dim3A_511, %add3A_481], %gather3A_512 masked %ge3A_464 : memref<32x128xf32, #tpu.memory_space<vmem>>[vector<16xi32>, vector<16xi32>], vector<16xf32>, vector<16xi1>
          %broadcast_in_dim3A_513 = arith.constant 11 : i32
          %broadcast_in_dim3A_514 = vector.broadcast %broadcast_in_dim3A_513 : i32 to vector<16xi32>
          %gather3A_515 = tpu.vector_load_idx %arg7[%broadcast_in_dim3A_514, %min3A_477] : memref<32x33xf32, #tpu.memory_space<vmem>>[vector<16xi32>, vector<16xi32>], vector<16xf32>,
          tpu.vector_store_idx %arg9[%broadcast_in_dim3A_514, %add3A_481], %gather3A_515 masked %ge3A_464 : memref<32x128xf32, #tpu.memory_space<vmem>>[vector<16xi32>, vector<16xi32>], vector<16xf32>, vector<16xi1>
          %broadcast_in_dim3A_516 = arith.constant 12 : i32
          %broadcast_in_dim3A_517 = vector.broadcast %broadcast_in_dim3A_516 : i32 to vector<16xi32>
          %gather3A_518 = tpu.vector_load_idx %arg7[%broadcast_in_dim3A_517, %min3A_477] : memref<32x33xf32, #tpu.memory_space<vmem>>[vector<16xi32>, vector<16xi32>], vector<16xf32>,
          tpu.vector_store_idx %arg9[%broadcast_in_dim3A_517, %add3A_481], %gather3A_518 masked %ge3A_464 : memref<32x128xf32, #tpu.memory_space<vmem>>[vector<16xi32>, vector<16xi32>], vector<16xf32>, vector<16xi1>
          %broadcast_in_dim3A_519 = arith.constant 13 : i32
          %broadcast_in_dim3A_520 = vector.broadcast %broadcast_in_dim3A_519 : i32 to vector<16xi32>
          %gather3A_521 = tpu.vector_load_idx %arg7[%broadcast_in_dim3A_520, %min3A_477] : memref<32x33xf32, #tpu.memory_space<vmem>>[vector<16xi32>, vector<16xi32>], vector<16xf32>,
          tpu.vector_store_idx %arg9[%broadcast_in_dim3A_520, %add3A_481], %gather3A_521 masked %ge3A_464 : memref<32x128xf32, #tpu.memory_space<vmem>>[vector<16xi32>, vector<16xi32>], vector<16xf32>, vector<16xi1>
          %broadcast_in_dim3A_522 = arith.constant 14 : i32
          %broadcast_in_dim3A_523 = vector.broadcast %broadcast_in_dim3A_522 : i32 to vector<16xi32>
          %gather3A_524 = tpu.vector_load_idx %arg7[%broadcast_in_dim3A_523, %min3A_477] : memref<32x33xf32, #tpu.memory_space<vmem>>[vector<16xi32>, vector<16xi32>], vector<16xf32>,
          tpu.vector_store_idx %arg9[%broadcast_in_dim3A_523, %add3A_481], %gather3A_524 masked %ge3A_464 : memref<32x128xf32, #tpu.memory_space<vmem>>[vector<16xi32>, vector<16xi32>], vector<16xf32>, vector<16xi1>
          %broadcast_in_dim3A_525 = arith.constant 15 : i32
          %broadcast_in_dim3A_526 = vector.broadcast %broadcast_in_dim3A_525 : i32 to vector<16xi32>
          %gather3A_527 = tpu.vector_load_idx %arg7[%broadcast_in_dim3A_526, %min3A_477] : memref<32x33xf32, #tpu.memory_space<vmem>>[vector<16xi32>, vector<16xi32>], vector<16xf32>,
          tpu.vector_store_idx %arg9[%broadcast_in_dim3A_526, %add3A_481], %gather3A_527 masked %ge3A_464 : memref<32x128xf32, #tpu.memory_space<vmem>>[vector<16xi32>, vector<16xi32>], vector<16xf32>, vector<16xi1>
          %broadcast_in_dim3A_528 = arith.constant 16 : i32
          %broadcast_in_dim3A_529 = vector.broadcast %broadcast_in_dim3A_528 : i32 to vector<16xi32>
          %gather3A_530 = tpu.vector_load_idx %arg7[%broadcast_in_dim3A_529, %min3A_477] : memref<32x33xf32, #tpu.memory_space<vmem>>[vector<16xi32>, vector<16xi32>], vector<16xf32>,
          tpu.vector_store_idx %arg9[%broadcast_in_dim3A_529, %add3A_481], %gather3A_530 masked %ge3A_464 : memref<32x128xf32, #tpu.memory_space<vmem>>[vector<16xi32>, vector<16xi32>], vector<16xf32>, vector<16xi1>
          %broadcast_in_dim3A_531 = arith.constant 17 : i32
          %broadcast_in_dim3A_532 = vector.broadcast %broadcast_in_dim3A_531 : i32 to vector<16xi32>
          %gather3A_533 = tpu.vector_load_idx %arg7[%broadcast_in_dim3A_532, %min3A_477] : memref<32x33xf32, #tpu.memory_space<vmem>>[vector<16xi32>, vector<16xi32>], vector<16xf32>,
          tpu.vector_store_idx %arg9[%broadcast_in_dim3A_532, %add3A_481], %gather3A_533 masked %ge3A_464 : memref<32x128xf32, #tpu.memory_space<vmem>>[vector<16xi32>, vector<16xi32>], vector<16xf32>, vector<16xi1>
          %broadcast_in_dim3A_534 = arith.constant 18 : i32
          %broadcast_in_dim3A_535 = vector.broadcast %broadcast_in_dim3A_534 : i32 to vector<16xi32>
          %gather3A_536 = tpu.vector_load_idx %arg7[%broadcast_in_dim3A_535, %min3A_477] : memref<32x33xf32, #tpu.memory_space<vmem>>[vector<16xi32>, vector<16xi32>], vector<16xf32>,
          tpu.vector_store_idx %arg9[%broadcast_in_dim3A_535, %add3A_481], %gather3A_536 masked %ge3A_464 : memref<32x128xf32, #tpu.memory_space<vmem>>[vector<16xi32>, vector<16xi32>], vector<16xf32>, vector<16xi1>
          %broadcast_in_dim3A_537 = arith.constant 19 : i32
          %broadcast_in_dim3A_538 = vector.broadcast %broadcast_in_dim3A_537 : i32 to vector<16xi32>
          %gather3A_539 = tpu.vector_load_idx %arg7[%broadcast_in_dim3A_538, %min3A_477] : memref<32x33xf32, #tpu.memory_space<vmem>>[vector<16xi32>, vector<16xi32>], vector<16xf32>,
          tpu.vector_store_idx %arg9[%broadcast_in_dim3A_538, %add3A_481], %gather3A_539 masked %ge3A_464 : memref<32x128xf32, #tpu.memory_space<vmem>>[vector<16xi32>, vector<16xi32>], vector<16xf32>, vector<16xi1>
          %broadcast_in_dim3A_540 = arith.constant 20 : i32
          %broadcast_in_dim3A_541 = vector.broadcast %broadcast_in_dim3A_540 : i32 to vector<16xi32>
          %gather3A_542 = tpu.vector_load_idx %arg7[%broadcast_in_dim3A_541, %min3A_477] : memref<32x33xf32, #tpu.memory_space<vmem>>[vector<16xi32>, vector<16xi32>], vector<16xf32>,
          tpu.vector_store_idx %arg9[%broadcast_in_dim3A_541, %add3A_481], %gather3A_542 masked %ge3A_464 : memref<32x128xf32, #tpu.memory_space<vmem>>[vector<16xi32>, vector<16xi32>], vector<16xf32>, vector<16xi1>
          %broadcast_in_dim3A_543 = arith.constant 21 : i32
          %broadcast_in_dim3A_544 = vector.broadcast %broadcast_in_dim3A_543 : i32 to vector<16xi32>
          %gather3A_545 = tpu.vector_load_idx %arg7[%broadcast_in_dim3A_544, %min3A_477] : memref<32x33xf32, #tpu.memory_space<vmem>>[vector<16xi32>, vector<16xi32>], vector<16xf32>,
          tpu.vector_store_idx %arg9[%broadcast_in_dim3A_544, %add3A_481], %gather3A_545 masked %ge3A_464 : memref<32x128xf32, #tpu.memory_space<vmem>>[vector<16xi32>, vector<16xi32>], vector<16xf32>, vector<16xi1>
          %broadcast_in_dim3A_546 = arith.constant 22 : i32
          %broadcast_in_dim3A_547 = vector.broadcast %broadcast_in_dim3A_546 : i32 to vector<16xi32>
          %gather3A_548 = tpu.vector_load_idx %arg7[%broadcast_in_dim3A_547, %min3A_477] : memref<32x33xf32, #tpu.memory_space<vmem>>[vector<16xi32>, vector<16xi32>], vector<16xf32>,
          tpu.vector_store_idx %arg9[%broadcast_in_dim3A_547, %add3A_481], %gather3A_548 masked %ge3A_464 : memref<32x128xf32, #tpu.memory_space<vmem>>[vector<16xi32>, vector<16xi32>], vector<16xf32>, vector<16xi1>
          %broadcast_in_dim3A_549 = arith.constant 23 : i32
          %broadcast_in_dim3A_550 = vector.broadcast %broadcast_in_dim3A_549 : i32 to vector<16xi32>
          %gather3A_551 = tpu.vector_load_idx %arg7[%broadcast_in_dim3A_550, %min3A_477] : memref<32x33xf32, #tpu.memory_space<vmem>>[vector<16xi32>, vector<16xi32>], vector<16xf32>,
          tpu.vector_store_idx %arg9[%broadcast_in_dim3A_550, %add3A_481], %gather3A_551 masked %ge3A_464 : memref<32x128xf32, #tpu.memory_space<vmem>>[vector<16xi32>, vector<16xi32>], vector<16xf32>, vector<16xi1>
          %broadcast_in_dim3A_552 = arith.constant 24 : i32
          %broadcast_in_dim3A_553 = vector.broadcast %broadcast_in_dim3A_552 : i32 to vector<16xi32>
          %gather3A_554 = tpu.vector_load_idx %arg7[%broadcast_in_dim3A_553, %min3A_477] : memref<32x33xf32, #tpu.memory_space<vmem>>[vector<16xi32>, vector<16xi32>], vector<16xf32>,
          tpu.vector_store_idx %arg9[%broadcast_in_dim3A_553, %add3A_481], %gather3A_554 masked %ge3A_464 : memref<32x128xf32, #tpu.memory_space<vmem>>[vector<16xi32>, vector<16xi32>], vector<16xf32>, vector<16xi1>
          %broadcast_in_dim3A_555 = arith.constant 25 : i32
          %broadcast_in_dim3A_556 = vector.broadcast %broadcast_in_dim3A_555 : i32 to vector<16xi32>
          %gather3A_557 = tpu.vector_load_idx %arg7[%broadcast_in_dim3A_556, %min3A_477] : memref<32x33xf32, #tpu.memory_space<vmem>>[vector<16xi32>, vector<16xi32>], vector<16xf32>,
          tpu.vector_store_idx %arg9[%broadcast_in_dim3A_556, %add3A_481], %gather3A_557 masked %ge3A_464 : memref<32x128xf32, #tpu.memory_space<vmem>>[vector<16xi32>, vector<16xi32>], vector<16xf32>, vector<16xi1>
          %broadcast_in_dim3A_558 = arith.constant 26 : i32
          %broadcast_in_dim3A_559 = vector.broadcast %broadcast_in_dim3A_558 : i32 to vector<16xi32>
          %gather3A_560 = tpu.vector_load_idx %arg7[%broadcast_in_dim3A_559, %min3A_477] : memref<32x33xf32, #tpu.memory_space<vmem>>[vector<16xi32>, vector<16xi32>], vector<16xf32>,
          tpu.vector_store_idx %arg9[%broadcast_in_dim3A_559, %add3A_481], %gather3A_560 masked %ge3A_464 : memref<32x128xf32, #tpu.memory_space<vmem>>[vector<16xi32>, vector<16xi32>], vector<16xf32>, vector<16xi1>
          %broadcast_in_dim3A_561 = arith.constant 27 : i32
          %broadcast_in_dim3A_562 = vector.broadcast %broadcast_in_dim3A_561 : i32 to vector<16xi32>
          %gather3A_563 = tpu.vector_load_idx %arg7[%broadcast_in_dim3A_562, %min3A_477] : memref<32x33xf32, #tpu.memory_space<vmem>>[vector<16xi32>, vector<16xi32>], vector<16xf32>,
          tpu.vector_store_idx %arg9[%broadcast_in_dim3A_562, %add3A_481], %gather3A_563 masked %ge3A_464 : memref<32x128xf32, #tpu.memory_space<vmem>>[vector<16xi32>, vector<16xi32>], vector<16xf32>, vector<16xi1>
          %broadcast_in_dim3A_564 = arith.constant 28 : i32
          %broadcast_in_dim3A_565 = vector.broadcast %broadcast_in_dim3A_564 : i32 to vector<16xi32>
          %gather3A_566 = tpu.vector_load_idx %arg7[%broadcast_in_dim3A_565, %min3A_477] : memref<32x33xf32, #tpu.memory_space<vmem>>[vector<16xi32>, vector<16xi32>], vector<16xf32>,
          tpu.vector_store_idx %arg9[%broadcast_in_dim3A_565, %add3A_481], %gather3A_566 masked %ge3A_464 : memref<32x128xf32, #tpu.memory_space<vmem>>[vector<16xi32>, vector<16xi32>], vector<16xf32>, vector<16xi1>
          %broadcast_in_dim3A_567 = arith.constant 29 : i32
          %broadcast_in_dim3A_568 = vector.broadcast %broadcast_in_dim3A_567 : i32 to vector<16xi32>
          %gather3A_569 = tpu.vector_load_idx %arg7[%broadcast_in_dim3A_568, %min3A_477] : memref<32x33xf32, #tpu.memory_space<vmem>>[vector<16xi32>, vector<16xi32>], vector<16xf32>,
          tpu.vector_store_idx %arg9[%broadcast_in_dim3A_568, %add3A_481], %gather3A_569 masked %ge3A_464 : memref<32x128xf32, #tpu.memory_space<vmem>>[vector<16xi32>, vector<16xi32>], vector<16xf32>, vector<16xi1>
          %broadcast_in_dim3A_570 = arith.constant 30 : i32
          %broadcast_in_dim3A_571 = vector.broadcast %broadcast_in_dim3A_570 : i32 to vector<16xi32>
          %gather3A_572 = tpu.vector_load_idx %arg7[%broadcast_in_dim3A_571, %min3A_477] : memref<32x33xf32, #tpu.memory_space<vmem>>[vector<16xi32>, vector<16xi32>], vector<16xf32>,
          tpu.vector_store_idx %arg9[%broadcast_in_dim3A_571, %add3A_481], %gather3A_572 masked %ge3A_464 : memref<32x128xf32, #tpu.memory_space<vmem>>[vector<16xi32>, vector<16xi32>], vector<16xf32>, vector<16xi1>
          %broadcast_in_dim3A_573 = arith.constant 31 : i32
          %broadcast_in_dim3A_574 = vector.broadcast %broadcast_in_dim3A_573 : i32 to vector<16xi32>
          %gather3A_575 = tpu.vector_load_idx %arg7[%broadcast_in_dim3A_574, %min3A_477] : memref<32x33xf32, #tpu.memory_space<vmem>>[vector<16xi32>, vector<16xi32>], vector<16xf32>,
          tpu.vector_store_idx %arg9[%broadcast_in_dim3A_574, %add3A_481], %gather3A_575 masked %ge3A_464 : memref<32x128xf32, #tpu.memory_space<vmem>>[vector<16xi32>, vector<16xi32>], vector<16xf32>, vector<16xi1>
        } else {
        }
      }
      %scan3A_450 = arith.constant 8 : i32
      %dma_start3A_451 = arith.constant 0 : i32
      %dma_start3A_452 = tpu.memref_slice %arg5[%add3A_30, %dma_start3A_451, %mul3A_2] : memref<26x32x4096xf32, #tpu.memory_space<hbm>> -> memref<1x32x128xf32, #tpu.memory_space<hbm>>
      %dma_start3A_453 = tpu.memref_squeeze %dma_start3A_452 : memref<1x32x128xf32, #tpu.memory_space<hbm>> -> memref<32x128xf32, #tpu.memory_space<hbm>>
      %dma_start3A_454 = arith.constant 0 : i32
      %dma_start3A_455 = tpu.memref_slice %arg5[%add3A_30, %dma_start3A_454, %mul3A_2] : memref<26x32x4096xf32, #tpu.memory_space<hbm>> -> memref<1x32x128xf32, #tpu.memory_space<hbm>>
      %dma_start3A_456 = tpu.memref_squeeze %dma_start3A_455 : memref<1x32x128xf32, #tpu.memory_space<hbm>> -> memref<32x128xf32, #tpu.memory_space<hbm>>
      tpu.enqueue_dma source(%arg9 : memref<32x128xf32, #tpu.memory_space<vmem>>) target(%dma_start3A_456 : memref<32x128xf32, #tpu.memory_space<hbm>>) target_semaphore(%arg27 : memref<!tpu.dma_semaphore, #tpu.memory_space<semaphore_mem>>)
    }
    %scan3A_10 = arith.constant 13 : i32
    %dma_wait3A = arith.constant 24 : i32
    %dma_wait3A_11 = arith.constant 0 : i32
    %dma_wait3A_12 = tpu.memref_slice %arg5[%dma_wait3A, %dma_wait3A_11, %mul3A_2] : memref<26x32x4096xf32, #tpu.memory_space<hbm>> -> memref<1x32x128xf32, #tpu.memory_space<hbm>>
    %dma_wait3A_13 = tpu.memref_squeeze %dma_wait3A_12 : memref<1x32x128xf32, #tpu.memory_space<hbm>> -> memref<32x128xf32, #tpu.memory_space<hbm>>
    %dma_wait3A_14 = arith.constant 0 : i32
    %dma_wait3A_15 = tpu.memref_slice %arg5[%dma_wait3A, %dma_wait3A_14, %mul3A_2] : memref<26x32x4096xf32, #tpu.memory_space<hbm>> -> memref<1x32x128xf32, #tpu.memory_space<hbm>>
    %dma_wait3A_16 = tpu.memref_squeeze %dma_wait3A_15 : memref<1x32x128xf32, #tpu.memory_space<hbm>> -> memref<32x128xf32, #tpu.memory_space<hbm>>
    tpu.wait_dma2 semaphore(%arg26 : memref<!tpu.dma_semaphore, #tpu.memory_space<semaphore_mem>>) src(%arg8 : memref<32x128xf32, #tpu.memory_space<vmem>>) dst(%dma_wait3A_16 : memref<32x128xf32, #tpu.memory_space<hbm>>)
    %dma_wait3A_17 = arith.constant 25 : i32
    %dma_wait3A_18 = arith.constant 0 : i32
    %dma_wait3A_19 = tpu.memref_slice %arg5[%dma_wait3A_17, %dma_wait3A_18, %mul3A_2] : memref<26x32x4096xf32, #tpu.memory_space<hbm>> -> memref<1x32x128xf32, #tpu.memory_space<hbm>>
    %dma_wait3A_20 = tpu.memref_squeeze %dma_wait3A_19 : memref<1x32x128xf32, #tpu.memory_space<hbm>> -> memref<32x128xf32, #tpu.memory_space<hbm>>
    %dma_wait3A_21 = arith.constant 0 : i32
    %dma_wait3A_22 = tpu.memref_slice %arg5[%dma_wait3A_17, %dma_wait3A_21, %mul3A_2] : memref<26x32x4096xf32, #tpu.memory_space<hbm>> -> memref<1x32x128xf32, #tpu.memory_space<hbm>>
    %dma_wait3A_23 = tpu.memref_squeeze %dma_wait3A_22 : memref<1x32x128xf32, #tpu.memory_space<hbm>> -> memref<32x128xf32, #tpu.memory_space<hbm>>
    tpu.wait_dma2 semaphore(%arg27 : memref<!tpu.dma_semaphore, #tpu.memory_space<semaphore_mem>>) src(%arg9 : memref<32x128xf32, #tpu.memory_space<vmem>>) dst(%dma_wait3A_23 : memref<32x128xf32, #tpu.memory_space<hbm>>)
    return
  }
}

</mosaic_0001>

<sc_bundles>
// kernel: _run.3.cloned.1.call-start
scs
__scs_entry_jumppad:
0x0: {  	(pc) =	sbr.rel $0x88, $3  }
0x1: {  	(tag) =	ssettag $0x0;
	lr =	simm.s32 $0x1  }
0x2: {  	[smem:$0x3F9E] =	sst lr;
	_ =	strace $0xD0000000  }
0x3: {  	_ = 	snop  }
0x4: {  	_ = 	snop  }
0x5: {  	_ = 	snop  }
0x6: {  	_ = 	snop  }
0x7: {  	_ = 	snop  }
__scs_overlays_trampoline_lowered:
0x8: {  	[smem:$0x3FAD] =	sst s0  }
0x9: {  	[smem:$0x3FAE] =	sst s1  }
0xa: {  	[smem:$0x3FAF] =	sst s2  }
0xb: {  	[smem:$0x3FB0] =	sst s3  }
0xc: {  	[smem:$0x3FB1] =	sst s4  }
0xd: {  	[smem:$0x3FB2] =	sst s5  }
0xe: {  	[smem:$0x3FB3] =	sst s6  }
0xf: {  	[smem:$0x3FB4] =	sst s7  }
0x10: {  	[smem:$0x3FB5] =	sst s8  }
0x11: {  	[smem:$0x3FB6] =	sst s9;
	s0 =	simm.s32 @!p0 $0x0  }
0x12: {  	s1 =	sld [smem:$0x3F9C];
	s0 =	simm.s32 @p0 $0x1  }
0x13: {  	[smem:$0x3FB7] =	sst s0;
	s0 =	simm.s32 @!p1 $0x0  }
0x14: {  	s2 =	sld [smem:$0x3F9B];
	s0 =	simm.s32 @p1 $0x1  }
0x15: {  	[smem:$0x3FB8] =	sst s0;
	s0 =	simm.s32 @!p2 $0x0  }
0x16: {  	s3 =	sld [smem:$0x3FDB];
	s0 =	simm.s32 @p2 $0x1  }
0x17: {  	s4 =	simm.s32 $0x1BF5;
	[smem:$0x3FBA] =	sst s0  }
0x18: {  	s0 =	sld [smem:$0x3F9D];
	_ =	swait.ge [sflag:s4], $0x0  }
0x19: {  	s7 =	sld [smem:$0x3F9E]  }
0x1a: {  	s8 =	sadd.s32 $0xFFFFE003, lr  }
0x1b: {  	s9 =	sadd.s32 $0xFFFFFEF7, lr;
	s5 =	simm.s32 $0xFFFFFFFF;
	p2 =	slt.u32 s8, $0xFFFFF086  }
0x1c: {  	p1 =	slt.u32 s9, $0xF7A;
	s5 =	simm.s32 @!p2 $0x0  }
0x1d: {  	s5 =	simm.s32 @p1 $0x1;
	p0 =	seq.s32 s7, s2  }
0x1e: {  	s7 =	smul.u32 @!p0 $0xF7A, s2;
	p2 =	seq.s32 @!p0 s5, $0x0  }
0x1f: {  	s9 =	smul.u32 $0xF7A, s1;
	s8 =	simm.s32 @!p0 $0x1BF5;
	p2 =	por !p2, p0  }
0x20: {  	[sflag:s8] =	ssyncset.s32 @!p0 $0xFFFFF086;
	s6 =	sadd.s32 @!p0 s3, s7;
	s7 =	simm.s32 @!p0 $0x108  }
0x21: {  	s3 =	sadd.s32 s3, s9;
	s6 =	sadd.s32 @!p0 $0x88, s6;
	s7 =	simm.s32 @p2 $0x1082  }
0x22: {  	[simem:s7], [sflag:s8] =	dma.local @!p0 [hbm:s6], $0xF7A  }
0x23: {  	s9 =	sor.u32 $0xD0000000, s2;
	s6 =	simm.s32 $0x108;
	_ =	swait.ge @!p0 [sflag:s8], $0x0  }
0x24: {  	s3 =	sadd.s32 $0x88, s3;
	s6 =	simm.s32 @!p1 $0x1082;
	[sflag:s4] =	ssyncset.s32 $0xFFFFF086  }
0x25: {  	[simem:s6], [sflag:s4] =	dma.local [hbm:s3], $0xF7A  }
0x26: {  	[smem:$0x3F9E] =	sst s1;
	(tag) =	ssettag s2;
	_ =	strace s9  }
0x27: {  	s1 =	sld [smem:$0x3FAE]  }
0x28: {  	s2 =	sld [smem:$0x3FAF]  }
0x29: {  	s4 =	sld [smem:$0x3FB1]  }
0x2a: {  	p0 =	seq.s32 s5, $0x0;
	s5 =	sld [smem:$0x3FB2]  }
0x2b: {  	s6 =	sld [smem:$0x3FB3]  }
0x2c: {  	s7 =	sld [smem:$0x3FB4]  }
0x2d: {  	s3 =	simm.s32 $0x108;
	s8 =	sld [smem:$0x3FB5]  }
0x2e: {  	s3 =	simm.s32 @!p0 $0x1082;
	s9 =	sld [smem:$0x3FB6]  }
0x2f: {  	lr =	sadd.s32 s0, s3;
	s0 =	sld [smem:$0x3FAD]  }
0x30: {  	s3 =	sld [smem:$0x3FB0]  }
0x31: {  	[smem:$0x3FB9] =	sst s10  }
0x32: {  	s10 =	sld [smem:$0x3FB7];
	_ =	sdelay $0x3  }
0x33: {  	p0 =	seq.s32 s10, $0x1;
	s10 =	sld [smem:$0x3FB9];
	_ =	sdelay $0x3  }
0x34: {  	[smem:$0x3FB9] =	sst s10  }
0x35: {  	s10 =	sld [smem:$0x3FB8];
	_ =	sdelay $0x3  }
0x36: {  	p1 =	seq.s32 s10, $0x1;
	s10 =	sld [smem:$0x3FB9];
	_ =	sdelay $0x3  }
0x37: {  	[smem:$0x3FB9] =	sst s10  }
0x38: {  	s10 =	sld [smem:$0x3FBA]  }
0x39: {  	_ = 	snop;
	(pc) =	sbr.ind lr, $3  }
0x3a: {  	_ = 	snop  }
0x3b: {  	_ = 	snop  }
0x3c: {  	p2 =	seq.s32 s10, $0x1;
	s10 =	sld [smem:$0x3FB9]  }
0x3d: {  	_ =	shalt  }
0x3e: {  	_ =	shalt  }
0x3f: {  	_ =	shalt  }
0x40: {  	_ =	shalt  }
0x41: {  	_ =	shalt  }
0x42: {  	_ =	shalt  }
0x43: {  	_ =	shalt  }
0x44: {  	_ =	shalt  }
0x45: {  	_ =	shalt  }
0x46: {  	_ =	shalt  }
0x47: {  	_ =	shalt  }
0x48: {  	_ =	shalt  }
0x49: {  	_ =	shalt  }
0x4a: {  	_ =	shalt  }
0x4b: {  	_ =	shalt  }
0x4c: {  	_ =	shalt  }
0x4d: {  	_ =	shalt  }
0x4e: {  	_ =	shalt  }
0x4f: {  	_ =	shalt  }
0x50: {  	_ =	shalt  }
0x51: {  	_ =	shalt  }
0x52: {  	_ =	shalt  }
0x53: {  	_ =	shalt  }
0x54: {  	_ =	shalt  }
0x55: {  	_ =	shalt  }
0x56: {  	_ =	shalt  }
0x57: {  	_ =	shalt  }
0x58: {  	_ =	shalt  }
0x59: {  	_ =	shalt  }
0x5a: {  	_ =	shalt  }
0x5b: {  	_ =	shalt  }
0x5c: {  	_ =	shalt  }
0x5d: {  	_ =	shalt  }
0x5e: {  	_ =	shalt  }
0x5f: {  	_ =	shalt  }
0x60: {  	_ =	shalt  }
0x61: {  	_ =	shalt  }
0x62: {  	_ =	shalt  }
0x63: {  	_ =	shalt  }
0x64: {  	_ =	shalt  }
0x65: {  	_ =	shalt  }
0x66: {  	_ =	shalt  }
0x67: {  	_ =	shalt  }
0x68: {  	_ =	shalt  }
0x69: {  	_ =	shalt  }
0x6a: {  	_ =	shalt  }
0x6b: {  	_ =	shalt  }
0x6c: {  	_ =	shalt  }
0x6d: {  	_ =	shalt  }
0x6e: {  	_ =	shalt  }
0x6f: {  	_ =	shalt  }
0x70: {  	_ =	shalt  }
0x71: {  	_ =	shalt  }
0x72: {  	_ =	shalt  }
0x73: {  	_ =	shalt  }
0x74: {  	_ =	shalt  }
0x75: {  	_ =	shalt  }
0x76: {  	_ =	shalt  }
0x77: {  	_ =	shalt  }
0x78: {  	_ =	shalt  }
0x79: {  	_ =	shalt  }
0x7a: {  	_ =	shalt  }
0x7b: {  	_ =	shalt  }
0x7c: {  	_ =	shalt  }
0x7d: {  	_ =	shalt  }
0x7e: {  	_ =	shalt  }
0x7f: {  	_ =	shalt  }
0x80: {  	_ =	shalt  }
0x81: {  	_ =	shalt  }
0x82: {  	_ =	shalt  }
0x83: {  	_ =	shalt  }
0x84: {  	_ =	shalt  }
0x85: {  	_ =	shalt  }
0x86: {  	_ =	shalt  }
0x87: {  	_ =	shalt  }
.Lfunc_end0:
.L_simem_size_0:
called_computation_lowered:
.L_overlay_start_0:
0x88: {  	s2 =	sld [smem:$0x3FD9]  }
0x89: {  	s3 =	sld [smem:$0x3FFE];
	_ =	sdelay $0x1  }
0x8a: {  	s1 =	srdreg.scid  }
0x8b: {  	s0 =	sand.u32 $0x1, s1  }
0x8c: {  	s18 =	sshll.u32 s0, $0xA;
	s2 =	sadd.s32 s3, s2  }
0x8d: {  	s2 =	sadd.s32 s2, s18  }
0x8e: {  	[smem:$0x3FC5] =	sst s2  }
0x8f: {  	_ = 	snop  }
0x90: {  	s2 =	sld [smem:$0x3FC9]  }
0x91: {  	s19 =	sld [smem:$0x3FC8]  }
0x92: {  	s4 =	sld [smem:$0x3FC7]  }
0x93: {  	s5 =	sld [smem:$0x3FD0];
	(tm) =	ssettm $0x1  }
0x94: {  	s6 =	sld [smem:$0x3FFB];
	_ =	sdelay $0x3  }
0x95: {  	_ =	strace s6  }
0x96: {  	s6 =	sld [smem:$0x3FFC];
	_ =	sdelay $0x3  }
0x97: {  	_ =	strace s6  }
0x98: {  	s6 =	sld [smem:$0x3FFD];
	_ =	sdelay $0x3  }
0x99: {  	_ =	strace s6  }
0x9a: {  	_ =	strace $0x8FFFFFFF  }
0x9b: {  	s20 =	sld [smem:$0x3FDB];
	_ =	sdelay $0x1  }
0x9c: {  	s7 =	simm.s32 $_scs_section_size  }
0x9d: {  	s8 =	simm.s32 $_size__tile_overlayer_lowered;
	s9 =	simm.s32 $_tile_overlayer_lowered  }
0x9e: {  	s23 =	simm.s32 $0x1BFF;
	s22 =	sshll.u32 s9, $0x1;
	s6 =	sadd.s32 s7, s20  }
0x9f: {  	s10 =	simm.s32 $0x0;
	s21 =	sshll.u32 s8, $0x1;
	s8 =	sadd.s32 s22, s6  }
0xa0: {  	[timem:s10], [sflag:s23] =	dma.local [hbm:s8], s21  }
0xa1: {  	_ =	swait.ge [sflag:s23], s21  }
0xa2: {  	s7 =	ssub.s32 $0x0, s21;
	[sflag:s23] =	ssyncset.done $0x0  }
0xa3: {  	[sflag:s23] =	ssyncadd.s32 s7;
	_ =	sdelay $0x1  }
0xa4: {  	s24 =	simm.s32 $0x1B8B  }
0xa5: {  	_ =	swait.ge [sflag:s24], $0x1  }
0xa6: {  	[sflag:s24] =	ssyncset.done $0x0  }
0xa7: {  	s25 =	simm.s32 $0x1B8E;
	[sflag:s24] =	ssyncadd.s32 $0xFFFFFFFF  }
0xa8: {  	s26 =	simm.s32 $execute0_lowered;
	[smem:$0x3FD2] =	sst s25  }
0xa9: {  	s7 =	sshll.u32 s26, $0x1;
	_ =	strace $0x80000046;
	[dreg:$0x1] =	wrdreg $0xFFFFFFFF  }
0xaa: {  	s28 =	simm.s32 $_size_execute0_lowered;
	s6 =	sadd.s32 s6, s7;
	[dreg:$0x0] =	wrdreg $0x0  }
0xab: {  	s7 =	sshll.u32 s28, $0x1;
	[dreg:$0x2] =	wrdreg s6  }
0xac: {  	[dreg:$0x3] =	wrdreg s7  }
0xad: {  	[dreg:$0x4] =	wrdreg $0xC0  }
0xae: {  	_ =	task [dreg:s10], $0x5FFFF  }
0xaf: {  	[dreg:$0x1] =	wrdreg $0xFFFFFFFF  }
0xb0: {  	[dreg:$0x0] =	wrdreg $0x60  }
0xb1: {  	[dreg:$0x2] =	wrdreg s2  }
0xb2: {  	[dreg:$0x3] =	wrdreg s19  }
0xb3: {  	[dreg:$0x4] =	wrdreg s4  }
0xb4: {  	[dreg:$0x5] =	wrdreg s5  }
0xb5: {  	[dreg:$0x6] =	wrdreg $0x9  }
0xb6: {  	_ =	task.clear_ibuf [dreg:s10], $0x7FFFF;
	_ =	strace $0x90000046  }
0xb7: {  	s29 =	simm.s32 $0x9;
	_ =	strace $0x80000048  }
0xb8: {  	_ =	swait.ge [sflag:s29], $0x1  }
0xb9: {  	[sflag:s29] =	ssyncadd.s32 $0xFFFFFFFF  }
0xba: {  	_ =	strace $0x90000048  }
0xbb: {  	_ =	sfence  }
0xbc: {  	s30 =	sld [smem:$0x0];
	_ =	sdelay $0x2  }
0xbd: {  	s31 =	sshll.u32 s1, $0xD;
	s1 =	sshrl.u32 s1, $0x2  }
0xbe: {  	s3 =	sand.u32 $0x4000, s31;
	s1 =	sadd.s32 s1, s30  }
0xbf: {  	s0 =	sor.u32 s3, s0;
	s1 =	sshll.u32 s1, $0x11  }
0xc0: {  	s0 =	sor.u32 s1, s0  }
0xc1: {  	s0 =	sadd.s32 $0x8F2B, s0  }
0xc2: {  	[sflag:s0] =	ssyncadd.remote.s32 $0x1  }
0xc3: {  	_ =	sfence.sel $0xFFFF  }
0xc4: {  	[dreg:$0x0] =	wrdreg $0xFFFFFFFF;
	(pc) =	sbr.abs _section_cstart, $3  }
0xc5: {  	[dreg:$0x1] =	wrdreg $0xFFFFFFFF  }
0xc6: {  	_ =	task.clear_ibuf [dreg:s10], $0x2FFFF;
	_ =	strace $0x9FFFFFFF  }
0xc7: {  	(tm) =	ssettm $0x7FFFFFFF  }
tec
execute0_lowered:
.L_overlay_start_1:
0x0: {  	(tag) =	ssettag $0x1  }
0x1: {  	s23 =	rddreg [dreg:$0x1]  }
0x2: {  	s0 =	rddreg [dreg:$0x3]  }
0x3: {  	s2 =	simm.s32 $0x0;
	s1 =	srdreg.scid;
	v0 =	vlaneseq.u32;
	s6 =	stileid.u32  }
0x4: {  	s31 =	simm.s32 $0x400;
	s8 =	simm.s32 $0xC3800;
	s18 =	simm.s32 $0x4000;
	v1 =	vmul.u32 $0x80, v0  }
0x5: {  	s29 =	simm.s32 $0x5000;
	s30 =	simm.s32 $0x6000;
	s14 =	simm.s32 $0x7000;
	v3 =	vor.u32 $0x80, v0;
	v4 =	vor.u32 $0x100, v0;
	v5 =	vor.u32 $0x180, v0  }
0x6: {  	s12 =	simm.s32 $0x9000;
	s15 =	simm.s32 $0xA000;
	s7 =	simm.s32 $0xB000;
	v6 =	vor.u32 $0x200, v0;
	v7 =	vor.u32 $0x280, v0;
	v8 =	vor.u32 $0x300, v0  }
0x7: {  	s9 =	simm.s32 $0x1;
	s13 =	simm.s32 $0x2000;
	s11 =	simm.s32 $0x2;
	v9 =	vor.u32 $0x380, v0;
	v10 =	vor.u32 $0x400, v0;
	v11 =	vor.u32 $0x480, v0  }
0x8: {  	s19 =	simm.s32 $0x3;
	[smem:$0x7FF] =	sst s2;
	s1 =	sand.u32 $0x1, s1;
	v12 =	vor.u32 $0x500, v0;
	v13 =	vor.u32 $0x580, v0;
	v14 =	vor.u32 $0x600, v0  }
0x9: {  	s4 =	sshll.u32 s6, $0x8;
	s25 =	sshll.u32 s6, $0xA;
	v15 =	vor.u32 $0x680, v0;
	v16 =	vor.u32 $0x700, v0;
	v17 =	vor.u32 $0x780, v0;
	_ =	strace $0x80000047  }
0xa: {  	v18 =	vor.u32 $0x800, v0;
	v19 =	vor.u32 $0x880, v0;
	v20 =	vor.u32 $0x900, v0;
	s24 =	ssub.s32 $0x2, s1;
	s5 =	sshll.u32 s1, $0x7;
	s1 =	sshll.u32 s1, $0x9  }
.Ltmp0:
0xb: {  	v21 =	vor.u32 $0x980, v0;
	v22 =	vor.u32 $0xA00, v0;
	v23 =	vor.u32 $0xA80, v0;
	s3 =	sshrl.u32 s24, $0x1;
	s5 =	sor.u32 s5, s4;
	(pc) =	sbr.rel .LBB2_1-.Ltmp0, $4  }
0xc: {  	v24 =	vor.u32 $0xB00, v0;
	v25 =	vor.u32 $0xB80, v0;
	v26 =	vor.u32 $0xC00, v0;
	s26 =	sor.u32 s1, s25;
	s0 =	sadd.s32 s0, s5;
	[dreg:$0x1a] =	wrdreg s5  }
0xd: {  	v27 =	vor.u32 $0xC80, v0;
	v28 =	vor.u32 $0xD00, v0;
	v29 =	vor.u32 $0xD80, v0;
	s2 =	ssub.s32 s24, s3;
	s10 =	sshrl.u32 s26, $0x2;
	[dreg:$0x1b] =	wrdreg s0  }
0xe: {  	v30 =	vor.u32 $0xE00, v0;
	v31 =	vor.u32 $0xE80, v0;
	v32 =	vor.u32 $0xF00, v0;
	s4 =	simm.s32 $0x1000;
	s28 =	smax.u32 s2, $0x1;
	[dreg:$0x1d] =	wrdreg s10  }
0xf: {  	v33 =	vor.u32 $0xF80, v0;
	v2 =	vor.u32 $0x800, v1;
	v34 =	vmov s5;
	s5 =	simm.s32 $0x8000;
	s2 =	simm.s32 $0x0;
	[dreg:$0x1c] =	wrdreg s28  }
.LBB2_15:
0x10: {  	s0 =	simm.s32 $0x9  }
0x11: {  	_ =	swait.ge [sflag:s0], $0x1000  }
0x12: {  	[sflag:s0] =	ssyncset.done $0x0  }
0x13: {  	s1 =	simm.s32 $0xA;
	[sflag:s0] =	ssyncadd.s32 $0xFFFFF000  }
0x14: {  	_ =	swait.ge [sflag:s1], $0x1000  }
0x15: {  	s2 =	rddreg [dreg:$0x1e]  }
0x16: {  	s28 =	rddreg [dreg:$0x1c];
	s2 =	sadd.s32 $0x1, s2  }
0x17: {  	p0 =	sne.s32 s2, s28  }
.Ltmp1:
0x18: {  	_ = 	snop;
	(pc) =	sbr.rel @!p0 .LBB2_16-.Ltmp1, $3  }
0x19: {  	_ =	sdelay $0x1  }
0x1a: {  	[sflag:s1] =	ssyncset.done $0x0  }
0x1b: {  	[sflag:s1] =	ssyncadd.s32 $0xFFFFF000  }
.LBB2_1:
.Ltmp2:
0x1c: {  	(pc) =	sbr.rel .LBB2_2-.Ltmp2, $2  }
0x1d: {  	_ =	sdelay $0x2  }
0x1e: {  	[dreg:$0x1e] =	wrdreg s2;
	s0 =	simm.s32 $0x0  }
.LBB2_14:
0x1f: {  	s0 =	sld [smem:$0x7FD];
	_ =	sdelay $0x2  }
0x20: {  	s1 =	rddreg [dreg:$0x1b];
	s0 =	sshll.u32 s0, $0xE  }
0x21: {  	s28 =	rddreg [dreg:$0x1f];
	s0 =	sadd.s32 s0, s1  }
0x22: {  	[hbm4b:s0+s31] =	stream.strided.scatter [tilespmem:s21], [sflag:$0xA], $0x1000, s5, s31, $0x38;
	[tilespmem:$0xC000] =	vst v63  }
0x23: {  	s0 =	sadd.s32 $0x1, s28  }
0x24: {  	p0 =	sne.s32 s0, $0xD  }
.Ltmp3:
0x25: {  	_ = 	snop;
	(pc) =	sbr.rel @!p0 .LBB2_15-.Ltmp3, $1  }
0x26: {  	_ =	sdelay $0x3  }
.LBB2_2:
0x27: {  	p0 =	seq.s32 s0, $0x0  }
0x28: {  	s2 =	smov.u32 s0;
	s0 =	simm.s32 @!p0 $0x9  }
0x29: {  	_ =	swait.ge @!p0 [sflag:s0], $0x1000  }
0x2a: {  	[sflag:s0] =	ssyncset.done @!p0 $0x0  }
0x2b: {  	s21 =	simm.s32 $0x0;
	[sflag:s0] =	ssyncadd.s32 @!p0 $0xFFFFF000  }
0x2c: {  	s1 =	sshll.u32 s2, $0xA;
	s6 =	smov.u32 s2;
	s0 =	rddreg [dreg:$0x0]  }
0x2d: {  	s3 =	simm.s32 $0xB;
	[dreg:$0x1f] =	wrdreg s6;
	s0 =	sadd.s32 s0, s1  }
0x2e: {  	[tilespmem:s21], [sflag:$0xB] =	stream.linear.gather [hbm4b:s0+s21], $0x1000, $0x38;
	[tilespmem:$0xC000] =	vst v63  }
0x2f: {  	_ =	swait.ge [sflag:s3], $0x1000  }
0x30: {  	[sflag:s3] =	ssyncset.done $0x0  }
0x31: {  	[sflag:s3] =	ssyncadd.s32 $0xFFFFF000  }
0x32: {  	s22 =	rddreg [dreg:$0x2]  }
0x33: {  	s0 =	sadd.s32 s22, s1  }
0x34: {  	[tilespmem:s4], [sflag:$0xB] =	stream.linear.gather [hbm4b:s0+s21], $0x1000, $0x38;
	[tilespmem:$0xC000] =	vst v63  }
0x35: {  	_ =	swait.ge [sflag:s3], $0x1000  }
0x36: {  	[sflag:s3] =	ssyncset.done $0x0  }
0x37: {  	s24 =	rddreg [dreg:$0x1a];
	[sflag:s3] =	ssyncadd.s32 $0xFFFFF000  }
0x38: {  	v35 =	vld [tilespmem:s24+$0x0];
	_ =	sdelay $0x4  }
0x39: {  	v35 =	vshrl.u32 v35, $0x7  }
0x3a: {  	(v2sf) =	vpush v35, $0x0;
	_ =	sdelay $0x4  }
0x3b: {  	(v2sf) =	vpush v35, $0x1;
	_ =	sdelay $0x5  }
0x3c: {  	(v2sf) =	vpush v35, $0x2;
	_ =	sdelay $0x3  }
0x3d: {  	s25 =	spop (v2sf)  }
0x3e: {  	s6 =	smul.u32 $0x61C000, s6;
	s0 =	smin.u32 s25, $0x30C  }
0x3f: {  	(v2sf) =	vpush v35, $0x3;
	s0 =	sshll.u32 s0, $0xA  }
0x40: {  	s0 =	sadd.s32 s6, s0  }
0x41: {  	s0 =	sshrl.u32 s0, $0x3  }
0x42: {  	s26 =	spop (v2sf);
	s0 =	sadd.s32 s23, s0  }
0x43: {  	[tilespmem:s18], [sflag:$0x1] =	stream.strided.gather [hbm4b:s0+s31], $0x1000, s8, s31, $0x38;
	[tilespmem:$0xC000] =	vst v63  }
0x44: {  	s0 =	smin.u32 s26, $0x30C  }
0x45: {  	(v2sf) =	vpush v35, $0x4;
	s0 =	sshll.u32 s0, $0xA  }
0x46: {  	s0 =	sadd.s32 s6, s0  }
0x47: {  	s0 =	sshrl.u32 s0, $0x3  }
0x48: {  	s28 =	spop (v2sf);
	s0 =	sadd.s32 s23, s0  }
0x49: {  	[tilespmem:s29], [sflag:$0x2] =	stream.strided.gather [hbm4b:s0+s31], $0x1000, s8, s31, $0x38;
	[tilespmem:$0xC000] =	vst v63  }
0x4a: {  	s0 =	smin.u32 s28, $0x30C  }
0x4b: {  	(v2sf) =	vpush v35, $0x5;
	s0 =	sshll.u32 s0, $0xA  }
0x4c: {  	s0 =	sadd.s32 s6, s0  }
0x4d: {  	s0 =	sshrl.u32 s0, $0x3  }
0x4e: {  	s1 =	spop (v2sf);
	s0 =	sadd.s32 s23, s0  }
0x4f: {  	[tilespmem:s30], [sflag:$0x3] =	stream.strided.gather [hbm4b:s0+s31], $0x1000, s8, s31, $0x38;
	[tilespmem:$0xC000] =	vst v63  }
0x50: {  	s0 =	smin.u32 s1, $0x30C  }
0x51: {  	(v2sf) =	vpush v35, $0x6;
	s0 =	sshll.u32 s0, $0xA  }
0x52: {  	s0 =	sadd.s32 s6, s0  }
0x53: {  	s0 =	sshrl.u32 s0, $0x3  }
0x54: {  	s2 =	spop (v2sf);
	s0 =	sadd.s32 s23, s0  }
0x55: {  	[tilespmem:s14], [sflag:$0x4] =	stream.strided.gather [hbm4b:s0+s31], $0x1000, s8, s31, $0x38;
	[tilespmem:$0xC000] =	vst v63  }
0x56: {  	s0 =	smin.u32 s2, $0x30C  }
0x57: {  	(v2sf) =	vpush v35, $0x7;
	s0 =	sshll.u32 s0, $0xA  }
0x58: {  	s0 =	sadd.s32 s6, s0  }
0x59: {  	s0 =	sshrl.u32 s0, $0x3  }
0x5a: {  	s3 =	spop (v2sf);
	s0 =	sadd.s32 s23, s0  }
0x5b: {  	[tilespmem:s5], [sflag:$0x5] =	stream.strided.gather [hbm4b:s0+s31], $0x1000, s8, s31, $0x38;
	[tilespmem:$0xC000] =	vst v63  }
0x5c: {  	s0 =	smin.u32 s3, $0x30C  }
0x5d: {  	s0 =	sshll.u32 s0, $0xA  }
0x5e: {  	s0 =	sadd.s32 s6, s0  }
0x5f: {  	s0 =	sshrl.u32 s0, $0x3  }
0x60: {  	s4 =	spop (v2sf);
	s0 =	sadd.s32 s23, s0  }
0x61: {  	[tilespmem:s12], [sflag:$0x6] =	stream.strided.gather [hbm4b:s0+s31], $0x1000, s8, s31, $0x38;
	[tilespmem:$0xC000] =	vst v63  }
0x62: {  	s0 =	smin.u32 s4, $0x30C  }
0x63: {  	s0 =	sshll.u32 s0, $0xA  }
0x64: {  	s0 =	sadd.s32 s6, s0  }
0x65: {  	s0 =	sshrl.u32 s0, $0x3  }
0x66: {  	s5 =	spop (v2sf);
	s0 =	sadd.s32 s23, s0  }
0x67: {  	[tilespmem:s15], [sflag:$0x7] =	stream.strided.gather [hbm4b:s0+s31], $0x1000, s8, s31, $0x38;
	[tilespmem:$0xC000] =	vst v63  }
0x68: {  	s0 =	smin.u32 s5, $0x30C  }
0x69: {  	s0 =	sshll.u32 s0, $0xA  }
0x6a: {  	s0 =	sadd.s32 s6, s0  }
0x6b: {  	s0 =	sshrl.u32 s0, $0x3  }
0x6c: {  	s0 =	sadd.s32 s23, s0  }
0x6d: {  	[tilespmem:s7], [sflag:$0x8] =	stream.strided.gather [hbm4b:s0+s31], $0x1000, s8, s31, $0x38;
	[tilespmem:$0xC000] =	vst v63  }
0x6e: {  	v50 =	vld [tilespmem:s10+$0x0];
	_ =	sdelay $0x4  }
0x6f: {  	(v2sf) =	vpush v50, $0x0;
	_ =	sdelay $0x3  }
0x70: {  	(v2sf) =	vpush v50, $0x1  }
0x71: {  	(v2sf) =	vpush v50, $0x8  }
0x72: {  	(v2sf) =	vpush v50, $0x2  }
0x73: {  	(v2sf) =	vpush v50, $0x9;
	_ =	sdelay $0x7  }
0x74: {  	s7 =	spop (v2sf)  }
0x75: {  	(v2sf) =	vpush v50, $0x3;
	s8 =	sshrl.u32 s7, $0x7  }
0x76: {  	(v2sf) =	vpush v50, $0xA;
	s2 =	smin.u32 s8, $0x30C  }
0x77: {  	(v2sf) =	vpush v50, $0x4;
	s2 =	sshll.u32 s2, $0x7  }
0x78: {  	s10 =	simm.s32 $0x1;
	s12 =	spop (v2sf);
	s2 =	ssub.s32 s7, s2  }
0x79: {  	s0 =	smin.u32 s10, $0x7;
	s10 =	spop (v2sf);
	p1 =	slt.s32 s2, $0x7F  }
0x7a: {  	s15 =	spop (v2sf);
	s2 =	simm.s32 @!p1 $0x7F  }
0x7b: {  	s21 =	simm.s32 $0x0;
	s22 =	spop (v2sf);
	v36 =	vadd.s32 s2, v1  }
0x7c: {  	v39 =	vmov s21;
	s14 =	sshll.u32 s0, $0x4;
	(v2sf) =	vpush v50, $0xB;
	[smem:$0x7F5] =	sst s22;
	v37 =	vadd.s32 s2, v2  }
0x7d: {  	v39 =	vand.u32 $0x70, v39;
	v38 =	vld.idx.msk [tilespmem:v34+s14+$0x0 ss:$0x1], $0xffff;
	_ =	swait.ge [sflag:s9], $0x1000  }
0x7e: {  	v39 =	vbroadcast v39, $0x0;
	[sflag:s9] =	ssyncset.done $0x0  }
0x7f: {  	[sflag:s9] =	ssyncadd.s32 $0xFFFFF000  }
0x80: {  	v40 =	vor.u32 v1, v39;
	s25 =	sshrl.u32 s12, $0x7;
	(v2sf) =	vpush v50, $0x5;
	v36 =	vld.idx.msk [tilespmem:v36+s18+$0x0], $0xffff  }
0x81: {  	v39 =	vor.u32 v2, v39;
	s28 =	sshrl.u32 s10, $0x7;
	s2 =	smin.u32 s25, $0x30C;
	(v2sf) =	vpush v50, $0xC;
	v37 =	vld.idx.msk [tilespmem:v37+s18+$0x0], $0xffff  }
0x82: {  	s14 =	smin.u32 s28, $0x30C;
	s2 =	sshll.u32 s2, $0x7;
	(v2sf) =	vpush v50, $0x6  }
0x83: {  	s30 =	simm.s32 $0xC3800;
	s4 =	sshll.u32 s14, $0xA;
	s2 =	ssub.s32 s12, s2  }
0x84: {  	s4 =	sadd.s32 s6, s4;
	s3 =	spop (v2sf);
	p1 =	slt.s32 s2, $0x7F  }
0x85: {  	s1 =	sshrl.u32 s4, $0x3;
	s25 =	spop (v2sf);
	s2 =	simm.s32 @!p1 $0x7F;
	[tilespmem:v40+s13+$0x0] =	vst.idx.msk $0xffff, v36  }
0x86: {  	s8 =	simm.s32 $0x1;
	s5 =	sadd.s32 s23, s1;
	s4 =	spop (v2sf);
	v51 =	vadd.s32 s2, v1;
	[tilespmem:v39+s13+$0x0] =	vst.idx.msk $0xffff, v37  }
0x87: {  	v52 =	vmov s8;
	(v2sf) =	vpush v50, $0xD;
	v53 =	vadd.s32 s2, v2;
	[tilespmem:s18], [sflag:$0x1] =	stream.strided.gather [hbm4b:s5+s31], $0x1000, s30, s31, $0x38;
	[tilespmem:$0xC000] =	vst v63  }
0x88: {  	v38 =	vshrl.u32 v38, $0x7;
	v37 =	vand.u32 $0x71, v52;
	_ =	swait.ge [sflag:s11], $0x1000  }
0x89: {  	v37 =	vbroadcast v37, $0x0;
	[sflag:s11] =	ssyncset.done $0x0;
	(v2sf) =	vpush v38, $0x0  }
0x8a: {  	[sflag:s11] =	ssyncadd.s32 $0xFFFFF000;
	(v2sf) =	vpush v50, $0x7  }
0x8b: {  	s9 =	sshrl.u32 s15, $0x7;
	v54 =	vor.u32 v1, v37;
	v36 =	vld.idx.msk [tilespmem:v51+s29+$0x0], $0xffff;
	(v2sf) =	vpush v50, $0xE  }
0x8c: {  	s2 =	smin.u32 s9, $0x30C;
	v37 =	vor.u32 v2, v37;
	s11 =	sshrl.u32 s22, $0x7;
	v39 =	vld.idx.msk [tilespmem:v53+s29+$0x0], $0xffff;
	(v2sf) =	vpush v38, $0x1  }
0x8d: {  	s21 =	simm.s32 $0x2;
	s2 =	sshll.u32 s2, $0x7;
	s17 =	smin.u32 s11, $0x30C  }
0x8e: {  	s1 =	ssub.s32 s15, s2;
	s20 =	spop (v2sf);
	s5 =	sshll.u32 s17, $0xA  }
0x8f: {  	p1 =	slt.s32 s1, $0x7F;
	s7 =	spop (v2sf);
	s12 =	sadd.s32 s6, s5  }
0x90: {  	s1 =	simm.s32 @!p1 $0x7F;
	s0 =	spop (v2sf);
	s15 =	sshrl.u32 s12, $0x3;
	[tilespmem:v54+s13+$0x0] =	vst.idx.msk $0xffff, v36  }
0x91: {  	v55 =	vadd.s32 s1, v1;
	[smem:$0x7F8] =	sst s0;
	s2 =	spop (v2sf);
	s11 =	sadd.s32 s23, s15;
	[tilespmem:v37+s13+$0x0] =	vst.idx.msk $0xffff, v39  }
0x92: {  	v56 =	vmov s21;
	v57 =	vadd.s32 s1, v2;
	[tilespmem:s29], [sflag:$0x2] =	stream.strided.gather [hbm4b:s11+s31], $0x1000, s30, s31, $0x38;
	[tilespmem:$0xC000] =	vst v63  }
0x93: {  	v37 =	vand.u32 $0x72, v56;
	_ =	swait.ge [sflag:s19], $0x1000  }
0x94: {  	s5 =	sshrl.u32 s3, $0x7;
	v37 =	vbroadcast v37, $0x0;
	[sflag:s19] =	ssyncset.done $0x0;
	(v2sf) =	vpush v50, $0xF  }
0x95: {  	s16 =	simm.s32 $0x6000;
	s1 =	smin.u32 s5, $0x30C;
	[sflag:s19] =	ssyncadd.s32 $0xFFFFF000;
	(v2sf) =	vpush v38, $0x2  }
0x96: {  	s8 =	sshrl.u32 s25, $0x7;
	s9 =	sshll.u32 s1, $0x7;
	v59 =	vor.u32 v1, v37;
	s1 =	spop (v2sf);
	v58 =	vld.idx.msk [tilespmem:v55+s16+$0x0], $0xffff;
	(v2sf) =	vpush v38, $0x3  }
0x97: {  	v37 =	vor.u32 v2, v37;
	s19 =	smin.u32 s8, $0x30C;
	v39 =	vld.idx.msk [tilespmem:v57+s16+$0x0], $0xffff  }
0x98: {  	s5 =	simm.s32 $0x2000;
	s13 =	sshll.u32 s19, $0xA;
	s29 =	spop (v2sf)  }
0x99: {  	s11 =	ssub.s32 s3, s9;
	s3 =	sadd.s32 s6, s13;
	s12 =	spop (v2sf)  }
0x9a: {  	p1 =	slt.s32 s11, $0x7F;
	s15 =	sshrl.u32 s3, $0x3;
	s3 =	spop (v2sf)  }
0x9b: {  	s18 =	simm.s32 $0x4;
	s11 =	simm.s32 @!p1 $0x7F;
	[tilespmem:v59+s5+$0x0] =	vst.idx.msk $0xffff, v58;
	s21 =	spop (v2sf)  }
0x9c: {  	s8 =	simm.s32 $0x3;
	v60 =	vadd.s32 s11, v1;
	s13 =	sadd.s32 s23, s15;
	[smem:$0x7F6] =	sst s21;
	[tilespmem:v37+s5+$0x0] =	vst.idx.msk $0xffff, v39  }
0x9d: {  	v62 =	vadd.s32 s11, v2;
	v61 =	vmov s8;
	[tilespmem:s16], [sflag:$0x3] =	stream.strided.gather [hbm4b:s13+s31], $0x1000, s30, s31, $0x38;
	[tilespmem:$0xC000] =	vst v63  }
0x9e: {  	v36 =	vand.u32 $0x73, v61;
	_ =	swait.ge [sflag:s18], $0x1000  }
0x9f: {  	v36 =	vbroadcast v36, $0x0;
	[sflag:s18] =	ssyncset.done $0x0  }
0xa0: {  	s24 =	simm.s32 $0x7000;
	s13 =	sshrl.u32 s4, $0x7;
	[sflag:s18] =	ssyncadd.s32 $0xFFFFF000  }
0xa1: {  	s15 =	sshrl.u32 s20, $0x7;
	v63 =	vor.u32 v1, v36;
	s11 =	smin.u32 s13, $0x30C;
	(v2sf) =	vpush v38, $0x4;
	v35 =	vld.idx.msk [tilespmem:v60+s24+$0x0], $0xffff  }
0xa2: {  	v36 =	vor.u32 v2, v36;
	s21 =	smin.u32 s15, $0x30C;
	s11 =	sshll.u32 s11, $0x7;
	(v2sf) =	vpush v38, $0x5;
	v37 =	vld.idx.msk [tilespmem:v62+s24+$0x0], $0xffff  }
0xa3: {  	s16 =	sshll.u32 s21, $0xA;
	s11 =	ssub.s32 s4, s11;
	s4 =	spop (v2sf)  }
0xa4: {  	s8 =	sadd.s32 s6, s16;
	s16 =	spop (v2sf)  }
0xa5: {  	s13 =	sshrl.u32 s8, $0x3;
	p1 =	slt.s32 s11, $0x7F;
	s15 =	spop (v2sf)  }
0xa6: {  	s11 =	simm.s32 @!p1 $0x7F;
	[tilespmem:v63+s5+$0x0] =	vst.idx.msk $0xffff, v35;
	[smem:$0x7F7] =	sst s15;
	s15 =	simm.s32 $0x4  }
0xa7: {  	s13 =	sadd.s32 s23, s13;
	v40 =	vadd.s32 s11, v1;
	[tilespmem:v36+s5+$0x0] =	vst.idx.msk $0xffff, v37;
	v41 =	vmov s15;
	s15 =	simm.s32 $0x5  }
0xa8: {  	v42 =	vadd.s32 s11, v2;
	(v2sf) =	vpush v38, $0x6;
	[tilespmem:s24], [sflag:$0x4] =	stream.strided.gather [hbm4b:s13+s31], $0x1000, s30, s31, $0x38;
	[tilespmem:$0xC000] =	vst v63  }
0xa9: {  	v36 =	vand.u32 $0x74, v41;
	_ =	swait.ge [sflag:s15], $0x1000  }
0xaa: {  	v36 =	vbroadcast v36, $0x0;
	[sflag:s15] =	ssyncset.done $0x0  }
0xab: {  	s26 =	simm.s32 $0x8000;
	s24 =	sshrl.u32 s7, $0x7;
	[sflag:s15] =	ssyncadd.s32 $0xFFFFF000  }
0xac: {  	s0 =	sshrl.u32 s0, $0x7;
	s11 =	smin.u32 s24, $0x30C;
	v43 =	vor.u32 v1, v36;
	v35 =	vld.idx.msk [tilespmem:v40+s26+$0x0], $0xffff  }
0xad: {  	s24 =	smin.u32 s0, $0x30C;
	s11 =	sshll.u32 s11, $0x7;
	(v2sf) =	vpush v38, $0x7;
	v36 =	vor.u32 v2, v36;
	v37 =	vld.idx.msk [tilespmem:v42+s26+$0x0], $0xffff  }
0xae: {  	s13 =	sshll.u32 s24, $0xA;
	s0 =	ssub.s32 s7, s11  }
0xaf: {  	s7 =	sadd.s32 s6, s13;
	p1 =	slt.s32 s0, $0x7F  }
0xb0: {  	s11 =	sshrl.u32 s7, $0x3;
	s7 =	simm.s32 $0x5;
	s13 =	spop (v2sf)  }
0xb1: {  	s0 =	simm.s32 @!p1 $0x7F;
	[smem:$0x7F9] =	sst s13;
	s15 =	spop (v2sf);
	[tilespmem:v43+s5+$0x0] =	vst.idx.msk $0xffff, v35  }
0xb2: {  	s11 =	sadd.s32 s23, s11;
	v44 =	vadd.s32 s0, v1;
	s13 =	simm.s32 $0x6;
	[smem:$0x7FA] =	sst s15;
	[tilespmem:v36+s5+$0x0] =	vst.idx.msk $0xffff, v37  }
0xb3: {  	v45 =	vmov s7;
	v46 =	vadd.s32 s0, v2;
	[tilespmem:s26], [sflag:$0x5] =	stream.strided.gather [hbm4b:s11+s31], $0x1000, s30, s31, $0x38;
	[tilespmem:$0xC000] =	vst v63  }
0xb4: {  	v36 =	vand.u32 $0x75, v45;
	_ =	swait.ge [sflag:s13], $0x1000  }
0xb5: {  	v36 =	vbroadcast v36, $0x0;
	[sflag:s13] =	ssyncset.done $0x0  }
0xb6: {  	s28 =	simm.s32 $0x9000;
	s15 =	sshrl.u32 s2, $0x7;
	[sflag:s13] =	ssyncadd.s32 $0xFFFFF000  }
0xb7: {  	s0 =	smin.u32 s15, $0x30C;
	v47 =	vor.u32 v1, v36;
	v35 =	vld.idx.msk [tilespmem:v44+s28+$0x0], $0xffff  }
0xb8: {  	s0 =	sshll.u32 s0, $0x7;
	s26 =	sshrl.u32 s1, $0x7;
	v36 =	vor.u32 v2, v36;
	v37 =	vld.idx.msk [tilespmem:v46+s28+$0x0], $0xffff  }
0xb9: {  	s8 =	simm.s32 $0x7;
	s0 =	ssub.s32 s2, s0;
	s26 =	smin.u32 s26, $0x30C  }
0xba: {  	s15 =	smov.u32 s1;
	p1 =	slt.s32 s0, $0x7F;
	s1 =	sshll.u32 s26, $0xA  }
0xbb: {  	s0 =	simm.s32 @!p1 $0x7F;
	s7 =	spop (v2sf);
	s2 =	sadd.s32 s6, s1  }
0xbc: {  	[smem:$0x7FB] =	sst s7;
	s2 =	sshrl.u32 s2, $0x3;
	s7 =	spop (v2sf);
	[tilespmem:v47+s5+$0x0] =	vst.idx.msk $0xffff, v35  }
0xbd: {  	s11 =	simm.s32 $0x6;
	v48 =	vadd.s32 s0, v1;
	s2 =	sadd.s32 s23, s2;
	[smem:$0x7FC] =	sst s7;
	[tilespmem:v36+s5+$0x0] =	vst.idx.msk $0xffff, v37  }
0xbe: {  	v49 =	vmov s11;
	v50 =	vadd.s32 s0, v2;
	[tilespmem:s28], [sflag:$0x6] =	stream.strided.gather [hbm4b:s2+s31], $0x1000, s30, s31, $0x38;
	[tilespmem:$0xC000] =	vst v63  }
0xbf: {  	v36 =	vand.u32 $0x76, v49;
	_ =	swait.ge [sflag:s8], $0x1000  }
0xc0: {  	v36 =	vbroadcast v36, $0x0;
	[sflag:s8] =	ssyncset.done $0x0  }
0xc1: {  	s9 =	simm.s32 $0xA000;
	[sflag:s8] =	ssyncadd.s32 $0xFFFFF000  }
0xc2: {  	s11 =	sshrl.u32 s12, $0x7;
	v51 =	vor.u32 v1, v36;
	v35 =	vld.idx.msk [tilespmem:v48+s9+$0x0], $0xffff  }
0xc3: {  	s0 =	smin.u32 s11, $0x30C;
	s28 =	sshrl.u32 s3, $0x7;
	v36 =	vor.u32 v2, v36;
	v37 =	vld.idx.msk [tilespmem:v50+s9+$0x0], $0xffff  }
0xc4: {  	s0 =	sshll.u32 s0, $0x7;
	s28 =	smin.u32 s28, $0x30C  }
0xc5: {  	s0 =	ssub.s32 s12, s0;
	s2 =	sshll.u32 s28, $0xA  }
0xc6: {  	p1 =	slt.s32 s0, $0x7F;
	s2 =	sadd.s32 s6, s2  }
0xc7: {  	s0 =	simm.s32 @!p1 $0x7F;
	s2 =	sshrl.u32 s2, $0x3;
	[tilespmem:v51+s5+$0x0] =	vst.idx.msk $0xffff, v35  }
0xc8: {  	s22 =	simm.s32 $0x8;
	s1 =	simm.s32 $0x7;
	v52 =	vadd.s32 s0, v1;
	s2 =	sadd.s32 s23, s2;
	[tilespmem:v36+s5+$0x0] =	vst.idx.msk $0xffff, v37  }
0xc9: {  	v53 =	vmov s1;
	v54 =	vadd.s32 s0, v2;
	[tilespmem:s9], [sflag:$0x7] =	stream.strided.gather [hbm4b:s2+s31], $0x1000, s30, s31, $0x38;
	[tilespmem:$0xC000] =	vst v63  }
0xca: {  	v36 =	vand.u32 $0x77, v53;
	_ =	swait.ge [sflag:s22], $0x1000  }
0xcb: {  	v36 =	vbroadcast v36, $0x0;
	[sflag:s22] =	ssyncset.done $0x0  }
0xcc: {  	s11 =	smov.u32 s3;
	s3 =	simm.s32 $0xB000;
	[sflag:s22] =	ssyncadd.s32 $0xFFFFF000  }
0xcd: {  	s8 =	simm.s32 $0xB000;
	v55 =	vor.u32 v1, v36;
	v35 =	vld.idx.msk [tilespmem:v52+s3+$0x0], $0xffff  }
0xce: {  	s7 =	sshrl.u32 s4, $0x7;
	v36 =	vor.u32 v2, v36;
	v37 =	vld.idx.msk [tilespmem:v54+s8+$0x0], $0xffff  }
0xcf: {  	s9 =	sshll.u32 s14, $0x7;
	s14 =	smin.u32 s7, $0x30C  }
0xd0: {  	s0 =	ssub.s32 s10, s9;
	s10 =	sshll.u32 s14, $0xA  }
0xd1: {  	p1 =	slt.s32 s0, $0x7F;
	s2 =	sadd.s32 s6, s10  }
0xd2: {  	s1 =	simm.s32 $0xB000;
	s0 =	simm.s32 @!p1 $0x7F;
	s2 =	sshrl.u32 s2, $0x3;
	[tilespmem:v55+s5+$0x0] =	vst.idx.msk $0xffff, v35  }
0xd3: {  	s22 =	simm.s32 $0x8;
	s2 =	sadd.s32 s23, s2;
	v56 =	vadd.s32 s0, v1;
	s3 =	simm.s32 $0x1;
	[tilespmem:v36+s5+$0x0] =	vst.idx.msk $0xffff, v37  }
0xd4: {  	v57 =	vmov s22;
	v58 =	vadd.s32 s0, v2;
	[tilespmem:s1], [sflag:$0x8] =	stream.strided.gather [hbm4b:s2+s31], $0x1000, s30, s31, $0x38;
	[tilespmem:$0xC000] =	vst v63  }
0xd5: {  	v36 =	vand.u32 $0x78, v57;
	_ =	swait.ge [sflag:s3], $0x1000  }
0xd6: {  	s7 =	simm.s32 $0x1;
	v36 =	vbroadcast v36, $0x0;
	[sflag:s3] =	ssyncset.done $0x0  }
0xd7: {  	s13 =	simm.s32 $0x4000;
	[sflag:s7] =	ssyncadd.s32 $0xFFFFF000  }
0xd8: {  	v59 =	vor.u32 v1, v36;
	s10 =	sld [smem:$0x7F5];
	v35 =	vld.idx.msk [tilespmem:v56+s13+$0x0], $0xffff  }
0xd9: {  	v36 =	vor.u32 v2, v36;
	v37 =	vld.idx.msk [tilespmem:v58+s13+$0x0], $0xffff  }
0xda: {  	s9 =	sshll.u32 s17, $0x7;
	s8 =	smin.u32 s29, $0x30C  }
0xdb: {  	s0 =	sshll.u32 s8, $0xA;
	s2 =	ssub.s32 s10, s9  }
0xdc: {  	s0 =	sadd.s32 s6, s0;
	p1 =	slt.s32 s2, $0x7F  }
0xdd: {  	s0 =	sshrl.u32 s0, $0x3;
	s2 =	simm.s32 @!p1 $0x7F;
	[tilespmem:v59+s5+$0x0] =	vst.idx.msk $0xffff, v35  }
0xde: {  	s17 =	simm.s32 $0x9;
	s22 =	simm.s32 $0x2;
	s0 =	sadd.s32 s23, s0;
	v60 =	vadd.s32 s2, v1;
	[tilespmem:v36+s5+$0x0] =	vst.idx.msk $0xffff, v37  }
0xdf: {  	v61 =	vmov s17;
	v62 =	vadd.s32 s2, v2;
	[tilespmem:s13], [sflag:$0x1] =	stream.strided.gather [hbm4b:s0+s31], $0x1000, s30, s31, $0x38;
	[tilespmem:$0xC000] =	vst v63  }
0xe0: {  	v36 =	vand.u32 $0x79, v61;
	_ =	swait.ge [sflag:s22], $0x1000  }
0xe1: {  	s1 =	simm.s32 $0x2;
	v36 =	vbroadcast v36, $0x0;
	[sflag:s22] =	ssyncset.done $0x0  }
0xe2: {  	s29 =	simm.s32 $0x5000;
	s2 =	sld [smem:$0x7F6];
	[sflag:s1] =	ssyncadd.s32 $0xFFFFF000  }
0xe3: {  	v63 =	vor.u32 v1, v36;
	v35 =	vld.idx.msk [tilespmem:v60+s29+$0x0], $0xffff  }
0xe4: {  	v36 =	vor.u32 v2, v36;
	v37 =	vld.idx.msk [tilespmem:v62+s29+$0x0], $0xffff  }
0xe5: {  	s3 =	sshll.u32 s19, $0x7;
	s0 =	smin.u32 s2, $0x30C  }
0xe6: {  	s2 =	ssub.s32 s25, s3;
	s0 =	sshll.u32 s0, $0xA  }
0xe7: {  	s19 =	simm.s32 $0x2000;
	p1 =	slt.s32 s2, $0x7F;
	s0 =	sadd.s32 s6, s0  }
0xe8: {  	s8 =	simm.s32 $0xC3800;
	s2 =	simm.s32 @!p1 $0x7F;
	s0 =	sshrl.u32 s0, $0x3;
	[tilespmem:v63+s19+$0x0] =	vst.idx.msk $0xffff, v35  }
0xe9: {  	s9 =	simm.s32 $0x3;
	s5 =	simm.s32 $0xA;
	v40 =	vadd.s32 s2, v1;
	s0 =	sadd.s32 s23, s0;
	[tilespmem:v36+s19+$0x0] =	vst.idx.msk $0xffff, v37  }
0xea: {  	v41 =	vmov s5;
	v42 =	vadd.s32 s2, v2;
	[tilespmem:s29], [sflag:$0x2] =	stream.strided.gather [hbm4b:s0+s31], $0x1000, s8, s31, $0x38;
	[tilespmem:$0xC000] =	vst v63  }
0xeb: {  	v36 =	vand.u32 $0x7A, v41;
	_ =	swait.ge [sflag:s9], $0x1000  }
0xec: {  	s10 =	simm.s32 $0x3;
	v36 =	vbroadcast v36, $0x0;
	[sflag:s9] =	ssyncset.done $0x0  }
0xed: {  	s30 =	simm.s32 $0x6000;
	[sflag:s10] =	ssyncadd.s32 $0xFFFFF000  }
0xee: {  	v43 =	vor.u32 v1, v36;
	v35 =	vld.idx.msk [tilespmem:v40+s30+$0x0], $0xffff  }
0xef: {  	v36 =	vor.u32 v2, v36;
	v37 =	vld.idx.msk [tilespmem:v42+s30+$0x0], $0xffff  }
0xf0: {  	s16 =	smin.u32 s16, $0x30C;
	s17 =	sshll.u32 s21, $0x7  }
0xf1: {  	s2 =	ssub.s32 s20, s17;
	s0 =	sshll.u32 s16, $0xA  }
0xf2: {  	p1 =	slt.s32 s2, $0x7F;
	s0 =	sadd.s32 s6, s0  }
0xf3: {  	s2 =	simm.s32 @!p1 $0x7F;
	s0 =	sshrl.u32 s0, $0x3;
	[tilespmem:v43+s19+$0x0] =	vst.idx.msk $0xffff, v35  }
0xf4: {  	s21 =	simm.s32 $0xB;
	v44 =	vadd.s32 s2, v1;
	s0 =	sadd.s32 s23, s0;
	[tilespmem:v36+s19+$0x0] =	vst.idx.msk $0xffff, v37  }
0xf5: {  	v45 =	vmov s21;
	v46 =	vadd.s32 s2, v2;
	[tilespmem:s30], [sflag:$0x3] =	stream.strided.gather [hbm4b:s0+s31], $0x1000, s8, s31, $0x38;
	[tilespmem:$0xC000] =	vst v63  }
0xf6: {  	v36 =	vand.u32 $0x7B, v45;
	_ =	swait.ge [sflag:s18], $0x1000  }
0xf7: {  	v36 =	vbroadcast v36, $0x0;
	[sflag:s18] =	ssyncset.done $0x0  }
0xf8: {  	s22 =	simm.s32 $0x7000;
	s5 =	sld [smem:$0x7F7];
	[sflag:s18] =	ssyncadd.s32 $0xFFFFF000  }
0xf9: {  	v47 =	vor.u32 v1, v36;
	s16 =	sld [smem:$0x7F8];
	v35 =	vld.idx.msk [tilespmem:v44+s22+$0x0], $0xffff  }
0xfa: {  	v36 =	vor.u32 v2, v36;
	v37 =	vld.idx.msk [tilespmem:v46+s22+$0x0], $0xffff  }
0xfb: {  	s9 =	sshll.u32 s24, $0x7;
	s0 =	smin.u32 s5, $0x30C  }
0xfc: {  	s2 =	ssub.s32 s16, s9;
	s0 =	sshll.u32 s0, $0xA  }
0xfd: {  	p1 =	slt.s32 s2, $0x7F;
	s0 =	sadd.s32 s6, s0  }
0xfe: {  	s25 =	simm.s32 $0x7000;
	s2 =	simm.s32 @!p1 $0x7F;
	s0 =	sshrl.u32 s0, $0x3;
	[tilespmem:v47+s19+$0x0] =	vst.idx.msk $0xffff, v35  }
0xff: {  	s17 =	simm.s32 $0xC;
	s18 =	simm.s32 $0x5;
	v48 =	vadd.s32 s2, v1;
	s0 =	sadd.s32 s23, s0;
	[tilespmem:v36+s19+$0x0] =	vst.idx.msk $0xffff, v37  }
0x100: {  	v49 =	vmov s17;
	v50 =	vadd.s32 s2, v2;
	[tilespmem:s25], [sflag:$0x4] =	stream.strided.gather [hbm4b:s0+s31], $0x1000, s8, s31, $0x38;
	[tilespmem:$0xC000] =	vst v63  }
0x101: {  	v36 =	vand.u32 $0x7C, v49;
	_ =	swait.ge [sflag:s18], $0x1000  }
0x102: {  	s20 =	simm.s32 $0x5;
	v36 =	vbroadcast v36, $0x0;
	[sflag:s18] =	ssyncset.done $0x0  }
0x103: {  	s21 =	simm.s32 $0x8000;
	s25 =	sld [smem:$0x7F9];
	[sflag:s20] =	ssyncadd.s32 $0xFFFFF000  }
0x104: {  	v51 =	vor.u32 v1, v36;
	v35 =	vld.idx.msk [tilespmem:v48+s21+$0x0], $0xffff  }
0x105: {  	v36 =	vor.u32 v2, v36;
	v37 =	vld.idx.msk [tilespmem:v50+s21+$0x0], $0xffff  }
0x106: {  	s24 =	sshll.u32 s26, $0x7;
	s2 =	smin.u32 s25, $0x30C  }
0x107: {  	s0 =	ssub.s32 s15, s24;
	s2 =	sshll.u32 s2, $0xA  }
0x108: {  	p1 =	slt.s32 s0, $0x7F;
	s2 =	sadd.s32 s6, s2  }
0x109: {  	s3 =	simm.s32 $0x6;
	s0 =	simm.s32 @!p1 $0x7F;
	s2 =	sshrl.u32 s2, $0x3;
	[tilespmem:v51+s19+$0x0] =	vst.idx.msk $0xffff, v35  }
0x10a: {  	s26 =	simm.s32 $0xD;
	s22 =	simm.s32 $0x8000;
	v52 =	vadd.s32 s0, v1;
	s2 =	sadd.s32 s23, s2;
	[tilespmem:v36+s19+$0x0] =	vst.idx.msk $0xffff, v37  }
0x10b: {  	v53 =	vmov s26;
	v54 =	vadd.s32 s0, v2;
	[tilespmem:s22], [sflag:$0x5] =	stream.strided.gather [hbm4b:s2+s31], $0x1000, s8, s31, $0x38;
	[tilespmem:$0xC000] =	vst v63  }
0x10c: {  	v36 =	vand.u32 $0x7D, v53;
	_ =	swait.ge [sflag:s3], $0x1000  }
0x10d: {  	s5 =	simm.s32 $0x6;
	v36 =	vbroadcast v36, $0x0;
	[sflag:s3] =	ssyncset.done $0x0  }
0x10e: {  	s12 =	simm.s32 $0x9000;
	s16 =	sld [smem:$0x7FA];
	[sflag:s5] =	ssyncadd.s32 $0xFFFFF000  }
0x10f: {  	v55 =	vor.u32 v1, v36;
	v35 =	vld.idx.msk [tilespmem:v52+s12+$0x0], $0xffff  }
0x110: {  	v36 =	vor.u32 v2, v36;
	v37 =	vld.idx.msk [tilespmem:v54+s12+$0x0], $0xffff  }
0x111: {  	s9 =	sshll.u32 s28, $0x7;
	s2 =	smin.u32 s16, $0x30C  }
0x112: {  	s0 =	ssub.s32 s11, s9;
	s2 =	sshll.u32 s2, $0xA  }
0x113: {  	p1 =	slt.s32 s0, $0x7F;
	s2 =	sadd.s32 s6, s2  }
0x114: {  	s0 =	simm.s32 @!p1 $0x7F;
	s2 =	sshrl.u32 s2, $0x3;
	[tilespmem:v55+s19+$0x0] =	vst.idx.msk $0xffff, v35  }
0x115: {  	s10 =	simm.s32 $0x7;
	s18 =	simm.s32 $0xE;
	v56 =	vadd.s32 s0, v1;
	s2 =	sadd.s32 s23, s2;
	[tilespmem:v36+s19+$0x0] =	vst.idx.msk $0xffff, v37  }
0x116: {  	v57 =	vmov s18;
	v58 =	vadd.s32 s0, v2;
	[tilespmem:s12], [sflag:$0x6] =	stream.strided.gather [hbm4b:s2+s31], $0x1000, s8, s31, $0x38;
	[tilespmem:$0xC000] =	vst v63  }
0x117: {  	v36 =	vand.u32 $0x7E, v57;
	_ =	swait.ge [sflag:s10], $0x1000  }
0x118: {  	v36 =	vbroadcast v36, $0x0;
	[sflag:s10] =	ssyncset.done $0x0  }
0x119: {  	s17 =	simm.s32 $0xA000;
	s21 =	sld [smem:$0x7FB];
	[sflag:s10] =	ssyncadd.s32 $0xFFFFF000  }
0x11a: {  	v59 =	vor.u32 v1, v36;
	v35 =	vld.idx.msk [tilespmem:v56+s17+$0x0], $0xffff  }
0x11b: {  	v36 =	vor.u32 v2, v36;
	v37 =	vld.idx.msk [tilespmem:v58+s17+$0x0], $0xffff  }
0x11c: {  	s20 =	sshll.u32 s14, $0x7;
	s2 =	smin.u32 s21, $0x30C  }
0x11d: {  	s0 =	ssub.s32 s4, s20;
	s2 =	sshll.u32 s2, $0xA  }
0x11e: {  	p1 =	slt.s32 s0, $0x7F;
	s2 =	sadd.s32 s6, s2  }
0x11f: {  	s0 =	simm.s32 @!p1 $0x7F;
	s2 =	sshrl.u32 s2, $0x3;
	[tilespmem:v59+s19+$0x0] =	vst.idx.msk $0xffff, v35  }
0x120: {  	s15 =	simm.s32 $0x8;
	v60 =	vadd.s32 s0, v1;
	s22 =	simm.s32 $0xF;
	s2 =	sadd.s32 s23, s2;
	[tilespmem:v36+s19+$0x0] =	vst.idx.msk $0xffff, v37  }
0x121: {  	v61 =	vadd.s32 s0, v2;
	v62 =	vmov s22;
	[tilespmem:s17], [sflag:$0x7] =	stream.strided.gather [hbm4b:s2+s31], $0x1000, s8, s31, $0x38;
	[tilespmem:$0xC000] =	vst v63  }
0x122: {  	v37 =	vand.u32 $0x7F, v62;
	_ =	swait.ge [sflag:s15], $0x1000  }
0x123: {  	v37 =	vbroadcast v37, $0x0;
	[sflag:s15] =	ssyncset.done $0x0  }
0x124: {  	s7 =	simm.s32 $0xB000;
	s24 =	sld [smem:$0x7FC];
	[sflag:s15] =	ssyncadd.s32 $0xFFFFF000  }
0x125: {  	v63 =	vor.u32 v1, v37;
	v35 =	vld.idx.msk [tilespmem:v60+s7+$0x0], $0xffff  }
0x126: {  	v37 =	vor.u32 v2, v37;
	v36 =	vld.idx.msk [tilespmem:v61+s7+$0x0], $0xffff  }
0x127: {  	s0 =	smin.u32 s24, $0x30C  }
0x128: {  	s3 =	simm.s32 $0x2;
	s0 =	sshll.u32 s0, $0xA  }
0x129: {  	s2 =	simm.s32 $0x1F;
	s25 =	rddreg [dreg:$0x1f];
	s0 =	sadd.s32 s6, s0  }
0x12a: {  	s28 =	rddreg [dreg:$0x1d];
	s26 =	sshllo.u32 s25, $0x1;
	s0 =	sshrl.u32 s0, $0x3;
	[tilespmem:v63+s19+$0x0] =	vst.idx.msk $0xffff, v35  }
0x12b: {  	s4 =	sadd.s32 $0x10, s28;
	[smem:$0x7FD] =	sst s26;
	s0 =	sadd.s32 s23, s0;
	[tilespmem:v37+s19+$0x0] =	vst.idx.msk $0xffff, v36  }
.LBB2_3:
0x12c: {  	[tilespmem:s7], [sflag:$0x8] =	stream.strided.gather [hbm4b:s0+s31], $0x1000, s8, s31, $0x38;
	[tilespmem:$0xC000] =	vst v63  }
0x12d: {  	v36 =	vld [tilespmem:s4+$0x0];
	_ =	sdelay $0x4  }
0x12e: {  	(v2sf) =	vpush v36, $0x0;
	_ =	sdelay $0x1  }
0x12f: {  	(v2sf) =	vpush v36, $0x1  }
0x130: {  	(v2sf) =	vpush v36, $0x8;
	_ =	sdelay $0x1  }
0x131: {  	(v2sf) =	vpush v36, $0x2  }
0x132: {  	(v2sf) =	vpush v36, $0x9;
	_ =	sdelay $0x3  }
0x133: {  	(v2sf) =	vpush v36, $0x3;
	_ =	sdelay $0x1  }
0x134: {  	[dreg:$0x9] =	wrdreg s4  }
0x135: {  	[dreg:$0x7] =	wrdreg s3;
	(v2sf) =	vpush v36, $0xA  }
0x136: {  	p1 =	sne.s32 s2, $0x7F;
	s7 =	smov.u32 s2;
	s17 =	sadd.s32 $0x10, s2  }
0x137: {  	s5 =	smin.u32 s3, $0x7;
	s1 =	simm.s32 $0x1;
	s18 =	spop (v2sf)  }
0x138: {  	[dreg:$0x5] =	wrdreg s17;
	s5 =	sshll.u32 s5, $0x4;
	s20 =	sshrl.u32 s18, $0x7  }
0x139: {  	s12 =	sadd.s32 $0xFFFFFFF1, s7;
	s21 =	spop (v2sf);
	s2 =	smin.u32 s20, $0x30C  }
0x13a: {  	(v2sf) =	vpush v36, $0x4;
	s22 =	sshrl.u32 s21, $0x7;
	s14 =	spop (v2sf);
	s2 =	sshll.u32 s2, $0x7  }
0x13b: {  	s9 =	sshrl.u32 s14, $0x7;
	s8 =	smin.u32 s22, $0x30C;
	s0 =	ssub.s32 s18, s2  }
0x13c: {  	s3 =	spop (v2sf);
	s9 =	smin.u32 s9, $0x30C;
	p2 =	slt.s32 s0, $0x7F  }
0x13d: {  	v38 =	vld.idx.msk [tilespmem:v34+s5+$0x0 ss:$0x1], $0xffff;
	(v2sf) =	vpush v36, $0xB;
	s24 =	sshll.u32 s8, $0x7;
	s5 =	spop (v2sf);
	s0 =	simm.s32 @!p2 $0x7F  }
0x13e: {  	s10 =	sshrl.u32 s3, $0x7;
	s25 =	sshll.u32 s9, $0xA;
	_ =	swait.ge [sflag:s1], $0x1000;
	v35 =	vadd.s32 s0, v1  }
0x13f: {  	v39 =	vmov s12;
	s2 =	ssub.s32 s21, s24;
	s15 =	sshrl.u32 s5, $0x7;
	s10 =	smin.u32 s10, $0x30C;
	(v2sf) =	vpush v36, $0x5;
	v37 =	vadd.s32 s0, v2  }
0x140: {  	v39 =	vand.u32 $0x70, v39;
	s26 =	sadd.s32 s6, s25;
	p2 =	slt.s32 s2, $0x7F;
	[sflag:s1] =	ssyncset.done $0x0;
	(v2sf) =	vpush v36, $0xC  }
0x141: {  	v39 =	vbroadcast v39, $0x0;
	s8 =	smin.u32 s15, $0x30C;
	s10 =	sshll.u32 s10, $0x7;
	s17 =	spop (v2sf)  }
0x142: {  	s15 =	simm.s32 $0x4000;
	s25 =	simm.s32 $0xC3800;
	[sflag:s1] =	ssyncadd.s32 $0xFFFFF000  }
0x143: {  	v41 =	vor.u32 v1, v39;
	s2 =	simm.s32 @!p2 $0x7F;
	s11 =	sshll.u32 s8, $0xA;
	s12 =	ssub.s32 s3, s10;
	v40 =	vld.idx.msk [tilespmem:v35+s13+$0x0], $0xffff  }
0x144: {  	v39 =	vor.u32 v2, v39;
	s20 =	sshrl.u32 s17, $0x7;
	s0 =	sshll.u32 s9, $0x7;
	s9 =	spop (v2sf);
	v37 =	vld.idx.msk [tilespmem:v37+s13+$0x0], $0xffff  }
0x145: {  	s4 =	sshrl.u32 s26, $0x3;
	s26 =	simm.s32 $0x2;
	s3 =	simm.s32 $0x2000  }
0x146: {  	s8 =	sshll.u32 s8, $0x7;
	s16 =	sadd.s32 s6, s11;
	p2 =	slt.s32 s12, $0x7F  }
0x147: {  	(v2sf) =	vpush v36, $0x6;
	s11 =	smin.u32 s20, $0x30C;
	s4 =	sadd.s32 s23, s4;
	s23 =	sadd.s32 $0xFFFFFFF2, s7  }
0x148: {  	s14 =	ssub.s32 s14, s0;
	s13 =	sshrl.u32 s16, $0x3;
	s16 =	sshrl.u32 s9, $0x7;
	[tilespmem:v41+s19+$0x0] =	vst.idx.msk $0xffff, v40  }
0x149: {  	v48 =	vadd.s32 s2, v1;
	s12 =	simm.s32 @!p2 $0x7F;
	s18 =	smin.u32 s16, $0x30C;
	s20 =	spop (v2sf);
	(v2sf) =	vpush v36, $0xD;
	[tilespmem:v39+s19+$0x0] =	vst.idx.msk $0xffff, v37  }
0x14a: {  	v50 =	vadd.s32 s2, v2;
	v49 =	vmov s23;
	[tilespmem:s15], [sflag:$0x1] =	stream.strided.gather [hbm4b:s4+s31], $0x1000, s25, s31, $0x38;
	[tilespmem:$0xC000] =	vst v63  }
0x14b: {  	v47 =	vshrl.u32 v38, $0x7;
	s11 =	sshll.u32 s11, $0x7;
	v38 =	vand.u32 $0x71, v49;
	s22 =	sshll.u32 s18, $0xA;
	_ =	swait.ge [sflag:s26], $0x1000  }
0x14c: {  	s17 =	ssub.s32 s17, s11;
	v38 =	vbroadcast v38, $0x0;
	s11 =	sadd.s32 s6, s22;
	[sflag:s26] =	ssyncset.done $0x0  }
0x14d: {  	s21 =	sshrl.u32 s20, $0x7;
	s19 =	spop (v2sf);
	[sflag:s26] =	ssyncadd.s32 $0xFFFFF000  }
0x14e: {  	v51 =	vor.u32 v1, v38;
	s24 =	sshrl.u32 s11, $0x3;
	s10 =	smin.u32 s21, $0x30C;
	(v2sf) =	vpush v47, $0x0;
	s15 =	spop (v2sf);
	v37 =	vld.idx.msk [tilespmem:v48+s29+$0x0], $0xffff  }
0x14f: {  	v38 =	vor.u32 v2, v38;
	s4 =	sshll.u32 s10, $0x7;
	s10 =	sshrl.u32 s19, $0x7;
	(v2sf) =	vpush v36, $0x7;
	v39 =	vld.idx.msk [tilespmem:v50+s29+$0x0], $0xffff;
	s16 =	spop (v2sf)  }
0x150: {  	s21 =	smin.u32 s10, $0x30C;
	(v2sf) =	vpush v36, $0xE;
	s22 =	sshrl.u32 s15, $0x7;
	s23 =	sshrl.u32 s16, $0x7  }
0x151: {  	s11 =	sshll.u32 s21, $0xA;
	s10 =	smin.u32 s22, $0x30C;
	s22 =	smin.u32 s23, $0x30C  }
0x152: {  	s1 =	rddreg [dreg:$0x1];
	s2 =	sadd.s32 s6, s11;
	s11 =	sshll.u32 s22, $0xA  }
0x153: {  	p2 =	slt.s32 s17, $0x7F;
	s13 =	sadd.s32 s1, s13;
	s11 =	sadd.s32 s6, s11;
	[tilespmem:v51+s3+$0x0] =	vst.idx.msk $0xffff, v37  }
0x154: {  	s10 =	sshll.u32 s10, $0x7;
	s26 =	sshrl.u32 s11, $0x3;
	s11 =	simm.s32 $0xC3800;
	[tilespmem:v38+s3+$0x0] =	vst.idx.msk $0xffff, v39  }
0x155: {  	[tilespmem:s29], [sflag:$0x2] =	stream.strided.gather [hbm4b:s13+s31], $0x1000, s11, s31, $0x38;
	[tilespmem:$0xC000] =	vst v63  }
0x156: {  	(v2sf) =	vpush v47, $0x1;
	s23 =	spop (v2sf);
	[dreg:$0x16] =	wrdreg s26;
	s13 =	simm.s32 $0x3  }
0x157: {  	s20 =	ssub.s32 s20, s4;
	s10 =	ssub.s32 s15, s10;
	_ =	swait.ge [sflag:s13], $0x1000  }
0x158: {  	v52 =	vadd.s32 s12, v1;
	v54 =	vadd.s32 s12, v2;
	s25 =	sshrl.u32 s23, $0x7;
	s26 =	sadd.s32 $0xFFFFFFF3, s7;
	s12 =	spop (v2sf)  }
0x159: {  	s4 =	smin.u32 s25, $0x30C;
	v53 =	vmov s26;
	[sflag:s13] =	ssyncset.done $0x0;
	s15 =	sshrl.u32 s12, $0x7  }
0x15a: {  	s4 =	sshll.u32 s4, $0x7;
	v38 =	vand.u32 $0x72, v53;
	[sflag:s13] =	ssyncadd.s32 $0xFFFFF000;
	s13 =	smin.u32 s15, $0x30C  }
0x15b: {  	s17 =	simm.s32 @!p2 $0x7F;
	s25 =	ssub.s32 s23, s4;
	v55 =	vbroadcast v38, $0x0;
	s23 =	sshll.u32 s13, $0xA  }
0x15c: {  	s18 =	sshll.u32 s18, $0x7;
	p2 =	slt.s32 s20, $0x7F;
	(v2sf) =	vpush v36, $0xF;
	s0 =	sadd.s32 s6, s23  }
0x15d: {  	s29 =	simm.s32 $0x6000;
	v37 =	vld.idx.msk [tilespmem:v52+s30+$0x0], $0xffff;
	v57 =	vor.u32 v1, v55;
	s26 =	spop (v2sf);
	s0 =	sshrl.u32 s0, $0x3  }
0x15e: {  	(v2sf) =	vpush v47, $0x2;
	v56 =	vld.idx.msk [tilespmem:v54+s30+$0x0], $0xffff;
	v36 =	vor.u32 v2, v55;
	s4 =	smin.u32 s26, $0x30C;
	s1 =	spop (v2sf);
	[dreg:$0x14] =	wrdreg s0  }
0x15f: {  	s11 =	sshrl.u32 s1, $0x7;
	s4 =	sshll.u32 s4, $0xA;
	s23 =	spop (v2sf)  }
0x160: {  	s0 =	smin.u32 s11, $0x30C;
	s4 =	sadd.s32 s6, s4;
	s28 =	sshrl.u32 s23, $0x7  }
0x161: {  	s11 =	rddreg [dreg:$0x1];
	s30 =	sshll.u32 s0, $0x7;
	s15 =	sshrl.u32 s4, $0x3  }
0x162: {  	(v2sf) =	vpush v47, $0x3;
	[tilespmem:v57+s3+$0x0] =	vst.idx.msk $0xffff, v37;
	s0 =	smin.u32 s28, $0x30C;
	s24 =	sadd.s32 s11, s24;
	[dreg:$0xe] =	wrdreg s15  }
0x163: {  	[tilespmem:v36+s3+$0x0] =	vst.idx.msk $0xffff, v56;
	s28 =	ssub.s32 s1, s30;
	s30 =	sadd.s32 $0xFFFFFFF4, s7;
	s15 =	simm.s32 $0xC3800  }
0x164: {  	v58 =	vadd.s32 s17, v1;
	[tilespmem:s29], [sflag:$0x3] =	stream.strided.gather [hbm4b:s24+s31], $0x1000, s15, s31, $0x38;
	[tilespmem:$0xC000] =	vst v63  }
0x165: {  	v60 =	vadd.s32 s17, v2;
	s21 =	sshll.u32 s21, $0x7;
	s1 =	spop (v2sf);
	v59 =	vmov s30;
	s30 =	simm.s32 $0x4  }
0x166: {  	s20 =	simm.s32 @!p2 $0x7F;
	s21 =	ssub.s32 s19, s21;
	_ =	swait.ge [sflag:s30], $0x1000;
	v37 =	vand.u32 $0x73, v59  }
0x167: {  	s19 =	simm.s32 $0xC3800;
	s4 =	smin.u32 s1, $0x30C;
	[sflag:s30] =	ssyncset.done $0x0;
	v37 =	vbroadcast v37, $0x0  }
0x168: {  	s11 =	simm.s32 $0x7000;
	s4 =	sshll.u32 s4, $0xA;
	(v2sf) =	vpush v47, $0x4;
	[sflag:s30] =	ssyncadd.s32 $0xFFFFF000  }
0x169: {  	s2 =	sshrl.u32 s2, $0x3;
	s26 =	sshll.u32 s0, $0xA;
	s4 =	sadd.s32 s6, s4;
	v36 =	vld.idx.msk [tilespmem:v58+s11+$0x0], $0xffff;
	v61 =	vor.u32 v1, v37  }
0x16a: {  	s24 =	sadd.s32 s6, s26;
	s29 =	simm.s32 $0x400;
	s4 =	sshrl.u32 s4, $0x3;
	v38 =	vld.idx.msk [tilespmem:v60+s11+$0x0], $0xffff;
	v37 =	vor.u32 v2, v37  }
0x16b: {  	s26 =	sshrl.u32 s24, $0x3;
	[dreg:$0x11] =	wrdreg s4;
	s4 =	spop (v2sf)  }
0x16c: {  	[dreg:$0x18] =	wrdreg s26;
	s26 =	ssub.s32 s5, s8;
	s15 =	sshrl.u32 s4, $0x7  }
0x16d: {  	s1 =	rddreg [dreg:$0x1];
	s17 =	spop (v2sf);
	(v2sf) =	vpush v47, $0x5;
	s5 =	smin.u32 s15, $0x30C  }
0x16e: {  	s11 =	simm.s32 $0x7000;
	s2 =	sadd.s32 s1, s2;
	s24 =	sshll.u32 s5, $0xA;
	[tilespmem:v61+s3+$0x0] =	vst.idx.msk $0xffff, v36  }
0x16f: {  	s8 =	smin.u32 s17, $0x30C;
	s17 =	sadd.s32 $0xFFFFFFF5, s7;
	s31 =	sadd.s32 s6, s24;
	[tilespmem:v37+s3+$0x0] =	vst.idx.msk $0xffff, v38  }
0x170: {  	[tilespmem:s11], [sflag:$0x4] =	stream.strided.gather [hbm4b:s2+s29], $0x1000, s19, s29, $0x38;
	[tilespmem:$0xC000] =	vst v63  }
0x171: {  	v62 =	vadd.s32 s20, v1;
	s24 =	ssub.s32 s9, s18;
	s9 =	spop (v2sf);
	(v2sf) =	vpush v47, $0x6;
	s11 =	simm.s32 $0x5  }
0x172: {  	v40 =	vadd.s32 s20, v2;
	p2 =	slt.s32 s10, $0x7F;
	v63 =	vmov s17;
	_ =	swait.ge [sflag:s11], $0x1000  }
0x173: {  	s10 =	simm.s32 @!p2 $0x7F;
	s0 =	sshll.u32 s0, $0x7;
	s8 =	sshll.u32 s8, $0xA;
	v37 =	vand.u32 $0x74, v63;
	(v2sf) =	vpush v47, $0x7  }
0x174: {  	s17 =	simm.s32 $0x8000;
	s8 =	sadd.s32 s6, s8;
	v41 =	vbroadcast v37, $0x0;
	[sflag:s11] =	ssyncset.done $0x0  }
0x175: {  	s18 =	sshrl.u32 s8, $0x3;
	s8 =	smin.u32 s9, $0x30C;
	[sflag:s11] =	ssyncadd.s32 $0xFFFFF000  }
0x176: {  	s15 =	sshll.u32 s13, $0x7;
	s9 =	sshll.u32 s22, $0x7;
	s2 =	sshll.u32 s8, $0xA;
	v43 =	vor.u32 v1, v41;
	v36 =	vld.idx.msk [tilespmem:v62+s17+$0x0], $0xffff  }
0x177: {  	s19 =	ssub.s32 s16, s9;
	v35 =	vor.u32 v2, v41;
	s2 =	sadd.s32 s6, s2;
	v42 =	vld.idx.msk [tilespmem:v40+s17+$0x0], $0xffff;
	s20 =	spop (v2sf)  }
0x178: {  	s8 =	ssub.s32 s12, s15;
	s22 =	sshrl.u32 s2, $0x3;
	s2 =	smin.u32 s20, $0x30C  }
0x179: {  	s9 =	ssub.s32 s23, s0;
	s15 =	sadd.s32 $0xFFFFFFF6, s7;
	s2 =	sshll.u32 s2, $0xA  }
0x17a: {  	s12 =	rddreg [dreg:$0x16];
	v45 =	vmov s15;
	s15 =	simm.s32 $0x6;
	s2 =	sadd.s32 s6, s2  }
0x17b: {  	s23 =	rddreg [dreg:$0x1];
	s20 =	simm.s32 $0xC3800;
	[tilespmem:v43+s3+$0x0] =	vst.idx.msk $0xffff, v36;
	s2 =	sshrl.u32 s2, $0x3  }
0x17c: {  	v44 =	vadd.s32 s10, v1;
	s0 =	spop (v2sf);
	[tilespmem:v35+s3+$0x0] =	vst.idx.msk $0xffff, v42;
	[dreg:$0x10] =	wrdreg s2;
	s2 =	sadd.s32 s23, s12  }
0x17d: {  	v46 =	vadd.s32 s10, v2;
	[tilespmem:s17], [sflag:$0x5] =	stream.strided.gather [hbm4b:s2+s29], $0x1000, s20, s29, $0x38;
	[tilespmem:$0xC000] =	vst v63  }
0x17e: {  	s5 =	sshll.u32 s5, $0x7;
	v36 =	vand.u32 $0x75, v45;
	_ =	swait.ge [sflag:s15], $0x1000  }
0x17f: {  	s5 =	ssub.s32 s4, s5;
	v36 =	vbroadcast v36, $0x0;
	[sflag:s15] =	ssyncset.done $0x0  }
0x180: {  	s16 =	simm.s32 $0x9000;
	s4 =	spop (v2sf);
	[sflag:s15] =	ssyncadd.s32 $0xFFFFF000  }
0x181: {  	p2 =	slt.s32 s25, $0x7F;
	s0 =	smin.u32 s0, $0x30C;
	v47 =	vor.u32 v1, v36;
	s2 =	smin.u32 s4, $0x30C;
	v35 =	vld.idx.msk [tilespmem:v44+s16+$0x0], $0xffff  }
0x182: {  	s0 =	sshll.u32 s0, $0xA;
	v36 =	vor.u32 v2, v36;
	v37 =	vld.idx.msk [tilespmem:v46+s16+$0x0], $0xffff;
	s2 =	sshll.u32 s2, $0xA;
	s12 =	spop (v2sf)  }
0x183: {  	s0 =	sadd.s32 s6, s0;
	s10 =	sadd.s32 s6, s2;
	s2 =	smin.u32 s12, $0x30C  }
0x184: {  	s25 =	simm.s32 @!p2 $0x7F;
	s20 =	sshrl.u32 s0, $0x3;
	s0 =	sshll.u32 s2, $0xA  }
0x185: {  	v48 =	vadd.s32 s25, v1;
	v50 =	vadd.s32 s25, v2;
	s25 =	simm.s32 $0x7;
	s0 =	sadd.s32 s6, s0  }
0x186: {  	s4 =	rddreg [dreg:$0x14];
	s12 =	simm.s32 $0xC3800;
	s0 =	sshrl.u32 s0, $0x3;
	[tilespmem:v47+s3+$0x0] =	vst.idx.msk $0xffff, v35  }
0x187: {  	s2 =	sadd.s32 $0xFFFFFFF7, s7;
	[dreg:$0xb] =	wrdreg s0;
	[tilespmem:v36+s3+$0x0] =	vst.idx.msk $0xffff, v37;
	s0 =	sadd.s32 s23, s4  }
0x188: {  	v49 =	vmov s2;
	[tilespmem:s16], [sflag:$0x6] =	stream.strided.gather [hbm4b:s0+s29], $0x1000, s12, s29, $0x38;
	[tilespmem:$0xC000] =	vst v63  }
0x189: {  	v36 =	vand.u32 $0x76, v49;
	_ =	swait.ge [sflag:s25], $0x1000  }
0x18a: {  	v36 =	vbroadcast v36, $0x0;
	[sflag:s25] =	ssyncset.done $0x0  }
0x18b: {  	s1 =	simm.s32 $0xA000;
	[sflag:s25] =	ssyncadd.s32 $0xFFFFF000  }
0x18c: {  	v51 =	vor.u32 v1, v36;
	v35 =	vld.idx.msk [tilespmem:v48+s1+$0x0], $0xffff  }
0x18d: {  	v36 =	vor.u32 v2, v36;
	v37 =	vld.idx.msk [tilespmem:v50+s1+$0x0], $0xffff;
	_ =	sdelay $0x1  }
0x18e: {  	p3 =	slt.s32 s28, $0x7F  }
0x18f: {  	s28 =	simm.s32 @!p3 $0x7F  }
0x190: {  	v52 =	vadd.s32 s28, v1;
	v54 =	vadd.s32 s28, v2;
	s28 =	simm.s32 $0x8;
	s12 =	rddreg [dreg:$0x18];
	[tilespmem:v51+s3+$0x0] =	vst.idx.msk $0xffff, v35  }
0x191: {  	s2 =	sadd.s32 $0xFFFFFFF8, s7;
	s4 =	simm.s32 $0xC3800;
	s0 =	sadd.s32 s23, s12;
	[tilespmem:v36+s3+$0x0] =	vst.idx.msk $0xffff, v37  }
0x192: {  	v53 =	vmov s2;
	[tilespmem:s1], [sflag:$0x7] =	stream.strided.gather [hbm4b:s0+s29], $0x1000, s4, s29, $0x38;
	[tilespmem:$0xC000] =	vst v63  }
0x193: {  	v36 =	vand.u32 $0x77, v53;
	_ =	swait.ge [sflag:s28], $0x1000  }
0x194: {  	v36 =	vbroadcast v36, $0x0;
	[sflag:s28] =	ssyncset.done $0x0  }
0x195: {  	s2 =	simm.s32 $0xB000;
	[sflag:s28] =	ssyncadd.s32 $0xFFFFF000  }
0x196: {  	s4 =	simm.s32 $0xB000;
	v55 =	vor.u32 v1, v36;
	v35 =	vld.idx.msk [tilespmem:v52+s2+$0x0], $0xffff  }
0x197: {  	v36 =	vor.u32 v2, v36;
	v37 =	vld.idx.msk [tilespmem:v54+s4+$0x0], $0xffff;
	_ =	sdelay $0x1  }
0x198: {  	p2 =	slt.s32 s14, $0x7F  }
0x199: {  	s14 =	simm.s32 @!p2 $0x7F;
	s31 =	sshrl.u32 s31, $0x3  }
0x19a: {  	v56 =	vadd.s32 s14, v1;
	v58 =	vadd.s32 s14, v2;
	s14 =	simm.s32 $0x1;
	s0 =	sadd.s32 s23, s31;
	s31 =	simm.s32 $0x400;
	[tilespmem:v55+s3+$0x0] =	vst.idx.msk $0xffff, v35  }
0x19b: {  	s1 =	simm.s32 $0xC3800;
	s2 =	sadd.s32 $0xFFFFFFF9, s7;
	s4 =	simm.s32 $0xB000;
	[tilespmem:v36+s3+$0x0] =	vst.idx.msk $0xffff, v37  }
0x19c: {  	v57 =	vmov s2;
	[tilespmem:s4], [sflag:$0x8] =	stream.strided.gather [hbm4b:s0+s31], $0x1000, s1, s31, $0x38;
	[tilespmem:$0xC000] =	vst v63  }
0x19d: {  	v36 =	vand.u32 $0x78, v57;
	s4 =	rddreg [dreg:$0x9];
	_ =	swait.ge [sflag:s14], $0x1000  }
0x19e: {  	s1 =	simm.s32 $0x1;
	v36 =	vbroadcast v36, $0x0;
	[sflag:s14] =	ssyncset.done $0x0  }
0x19f: {  	s13 =	simm.s32 $0x4000;
	[sflag:s1] =	ssyncadd.s32 $0xFFFFF000  }
0x1a0: {  	v59 =	vor.u32 v1, v36;
	v35 =	vld.idx.msk [tilespmem:v56+s13+$0x0], $0xffff  }
0x1a1: {  	v36 =	vor.u32 v2, v36;
	v37 =	vld.idx.msk [tilespmem:v58+s13+$0x0], $0xffff;
	_ =	sdelay $0x1  }
0x1a2: {  	p2 =	slt.s32 s26, $0x7F  }
0x1a3: {  	s26 =	simm.s32 @!p2 $0x7F  }
0x1a4: {  	v60 =	vadd.s32 s26, v1;
	v62 =	vadd.s32 s26, v2;
	s26 =	simm.s32 $0x2;
	s2 =	rddreg [dreg:$0xe];
	[tilespmem:v59+s3+$0x0] =	vst.idx.msk $0xffff, v35  }
0x1a5: {  	s14 =	simm.s32 $0xC3800;
	s0 =	sadd.s32 s23, s2;
	s2 =	sadd.s32 $0xFFFFFFFA, s7;
	[tilespmem:v36+s3+$0x0] =	vst.idx.msk $0xffff, v37  }
0x1a6: {  	v61 =	vmov s2;
	[tilespmem:s13], [sflag:$0x1] =	stream.strided.gather [hbm4b:s0+s31], $0x1000, s14, s31, $0x38;
	[tilespmem:$0xC000] =	vst v63  }
0x1a7: {  	v36 =	vand.u32 $0x79, v61;
	_ =	swait.ge [sflag:s26], $0x1000  }
0x1a8: {  	s1 =	simm.s32 $0x2;
	v36 =	vbroadcast v36, $0x0;
	[sflag:s26] =	ssyncset.done $0x0  }
0x1a9: {  	s29 =	simm.s32 $0x5000;
	[sflag:s1] =	ssyncadd.s32 $0xFFFFF000  }
0x1aa: {  	v63 =	vor.u32 v1, v36;
	v35 =	vld.idx.msk [tilespmem:v60+s29+$0x0], $0xffff  }
0x1ab: {  	v36 =	vor.u32 v2, v36;
	v37 =	vld.idx.msk [tilespmem:v62+s29+$0x0], $0xffff;
	_ =	sdelay $0x2  }
0x1ac: {  	p2 =	slt.s32 s24, $0x7F  }
0x1ad: {  	s24 =	simm.s32 @!p2 $0x7F;
	s14 =	sadd.s32 $0xFFFFFFFB, s7;
	s2 =	rddreg [dreg:$0x11];
	[tilespmem:v63+s3+$0x0] =	vst.idx.msk $0xffff, v35  }
0x1ae: {  	v40 =	vadd.s32 s24, v1;
	s26 =	simm.s32 $0xC3800;
	s0 =	sadd.s32 s23, s2;
	s2 =	simm.s32 $0x3;
	[tilespmem:v36+s3+$0x0] =	vst.idx.msk $0xffff, v37  }
0x1af: {  	v42 =	vadd.s32 s24, v2;
	v41 =	vmov s14;
	[tilespmem:s29], [sflag:$0x2] =	stream.strided.gather [hbm4b:s0+s31], $0x1000, s26, s31, $0x38;
	[tilespmem:$0xC000] =	vst v63  }
0x1b0: {  	v36 =	vand.u32 $0x7A, v41;
	_ =	swait.ge [sflag:s2], $0x1000  }
0x1b1: {  	s14 =	simm.s32 $0x3;
	v36 =	vbroadcast v36, $0x0;
	[sflag:s2] =	ssyncset.done $0x0  }
0x1b2: {  	s12 =	simm.s32 $0x6000;
	[sflag:s14] =	ssyncadd.s32 $0xFFFFF000  }
0x1b3: {  	v43 =	vor.u32 v1, v36;
	v35 =	vld.idx.msk [tilespmem:v40+s12+$0x0], $0xffff  }
0x1b4: {  	v36 =	vor.u32 v2, v36;
	v37 =	vld.idx.msk [tilespmem:v42+s12+$0x0], $0xffff;
	_ =	sdelay $0x2  }
0x1b5: {  	p2 =	slt.s32 s21, $0x7F  }
0x1b6: {  	s21 =	simm.s32 @!p2 $0x7F;
	[tilespmem:v43+s3+$0x0] =	vst.idx.msk $0xffff, v35  }
0x1b7: {  	s24 =	sadd.s32 s23, s18;
	v44 =	vadd.s32 s21, v1;
	s26 =	sadd.s32 $0xFFFFFFFC, s7;
	s14 =	simm.s32 $0xC3800;
	[tilespmem:v36+s3+$0x0] =	vst.idx.msk $0xffff, v37  }
0x1b8: {  	v46 =	vadd.s32 s21, v2;
	v45 =	vmov s26;
	[tilespmem:s12], [sflag:$0x3] =	stream.strided.gather [hbm4b:s24+s31], $0x1000, s14, s31, $0x38;
	[tilespmem:$0xC000] =	vst v63  }
0x1b9: {  	v36 =	vand.u32 $0x7B, v45;
	_ =	swait.ge [sflag:s30], $0x1000  }
0x1ba: {  	v36 =	vbroadcast v36, $0x0;
	[sflag:s30] =	ssyncset.done $0x0  }
0x1bb: {  	s18 =	simm.s32 $0x7000;
	[sflag:s30] =	ssyncadd.s32 $0xFFFFF000  }
0x1bc: {  	v47 =	vor.u32 v1, v36;
	v35 =	vld.idx.msk [tilespmem:v44+s18+$0x0], $0xffff  }
0x1bd: {  	v36 =	vor.u32 v2, v36;
	v37 =	vld.idx.msk [tilespmem:v46+s18+$0x0], $0xffff;
	_ =	sdelay $0x2  }
0x1be: {  	p2 =	slt.s32 s19, $0x7F  }
0x1bf: {  	s19 =	simm.s32 @!p2 $0x7F;
	s22 =	sadd.s32 s23, s22;
	[tilespmem:v47+s3+$0x0] =	vst.idx.msk $0xffff, v35  }
0x1c0: {  	s21 =	simm.s32 $0x7000;
	v48 =	vadd.s32 s19, v1;
	s26 =	simm.s32 $0xC3800;
	s24 =	sadd.s32 $0xFFFFFFFD, s7;
	[tilespmem:v36+s3+$0x0] =	vst.idx.msk $0xffff, v37  }
0x1c1: {  	v50 =	vadd.s32 s19, v2;
	v49 =	vmov s24;
	[tilespmem:s21], [sflag:$0x4] =	stream.strided.gather [hbm4b:s22+s31], $0x1000, s26, s31, $0x38;
	[tilespmem:$0xC000] =	vst v63  }
0x1c2: {  	s3 =	rddreg [dreg:$0x7];
	v36 =	vand.u32 $0x7C, v49;
	_ =	swait.ge [sflag:s11], $0x1000  }
0x1c3: {  	v36 =	vbroadcast v36, $0x0;
	[sflag:s11] =	ssyncset.done $0x0  }
0x1c4: {  	[sflag:s11] =	ssyncadd.s32 $0xFFFFF000  }
0x1c5: {  	v51 =	vor.u32 v1, v36;
	v35 =	vld.idx.msk [tilespmem:v48+s17+$0x0], $0xffff  }
0x1c6: {  	v36 =	vor.u32 v2, v36;
	v37 =	vld.idx.msk [tilespmem:v50+s17+$0x0], $0xffff;
	_ =	sdelay $0x2  }
0x1c7: {  	p2 =	slt.s32 s8, $0x7F;
	s19 =	simm.s32 $0x2000  }
0x1c8: {  	s8 =	simm.s32 @!p2 $0x7F;
	s11 =	rddreg [dreg:$0x10];
	[tilespmem:v51+s19+$0x0] =	vst.idx.msk $0xffff, v35  }
0x1c9: {  	v52 =	vadd.s32 s8, v1;
	s14 =	sadd.s32 $0xFFFFFFFE, s7;
	s18 =	simm.s32 $0xC3800;
	s0 =	sadd.s32 s23, s11;
	[tilespmem:v36+s19+$0x0] =	vst.idx.msk $0xffff, v37  }
0x1ca: {  	v54 =	vadd.s32 s8, v2;
	v53 =	vmov s14;
	[tilespmem:s17], [sflag:$0x5] =	stream.strided.gather [hbm4b:s0+s31], $0x1000, s18, s31, $0x38;
	[tilespmem:$0xC000] =	vst v63  }
0x1cb: {  	v36 =	vand.u32 $0x7D, v53;
	_ =	swait.ge [sflag:s15], $0x1000  }
0x1cc: {  	v36 =	vbroadcast v36, $0x0;
	[sflag:s15] =	ssyncset.done $0x0  }
0x1cd: {  	[sflag:s15] =	ssyncadd.s32 $0xFFFFF000  }
0x1ce: {  	v55 =	vor.u32 v1, v36;
	v35 =	vld.idx.msk [tilespmem:v52+s16+$0x0], $0xffff  }
0x1cf: {  	v36 =	vor.u32 v2, v36;
	v37 =	vld.idx.msk [tilespmem:v54+s16+$0x0], $0xffff;
	_ =	sdelay $0x2  }
0x1d0: {  	p2 =	slt.s32 s9, $0x7F  }
0x1d1: {  	s9 =	simm.s32 @!p2 $0x7F;
	[tilespmem:v55+s19+$0x0] =	vst.idx.msk $0xffff, v35  }
0x1d2: {  	s8 =	simm.s32 $0xC3800;
	v56 =	vadd.s32 s9, v1;
	s21 =	sadd.s32 s23, s20;
	s22 =	sadd.s32 $0xFFFFFFFF, s7;
	[tilespmem:v36+s19+$0x0] =	vst.idx.msk $0xffff, v37  }
0x1d3: {  	v58 =	vadd.s32 s9, v2;
	v57 =	vmov s22;
	[tilespmem:s16], [sflag:$0x6] =	stream.strided.gather [hbm4b:s21+s31], $0x1000, s8, s31, $0x38;
	[tilespmem:$0xC000] =	vst v63  }
0x1d4: {  	s2 =	rddreg [dreg:$0x5];
	v36 =	vand.u32 $0x7E, v57;
	_ =	swait.ge [sflag:s25], $0x1000  }
0x1d5: {  	v36 =	vbroadcast v36, $0x0;
	[sflag:s25] =	ssyncset.done $0x0  }
0x1d6: {  	s12 =	simm.s32 $0xA000;
	[sflag:s25] =	ssyncadd.s32 $0xFFFFF000  }
0x1d7: {  	v59 =	vor.u32 v1, v36;
	v35 =	vld.idx.msk [tilespmem:v56+s12+$0x0], $0xffff  }
0x1d8: {  	v36 =	vor.u32 v2, v36;
	v37 =	vld.idx.msk [tilespmem:v58+s12+$0x0], $0xffff;
	_ =	sdelay $0x2  }
0x1d9: {  	p2 =	slt.s32 s5, $0x7F  }
0x1da: {  	s5 =	simm.s32 @!p2 $0x7F;
	s10 =	sshrl.u32 s10, $0x3;
	[tilespmem:v59+s19+$0x0] =	vst.idx.msk $0xffff, v35  }
0x1db: {  	v60 =	vadd.s32 s5, v1;
	s24 =	sadd.s32 s23, s10;
	[tilespmem:v36+s19+$0x0] =	vst.idx.msk $0xffff, v37  }
0x1dc: {  	v61 =	vadd.s32 s5, v2;
	v62 =	vmov s7;
	[tilespmem:s12], [sflag:$0x7] =	stream.strided.gather [hbm4b:s24+s31], $0x1000, s8, s31, $0x38;
	[tilespmem:$0xC000] =	vst v63  }
0x1dd: {  	v37 =	vand.u32 $0x7F, v62;
	_ =	swait.ge [sflag:s28], $0x1000  }
0x1de: {  	v37 =	vbroadcast v37, $0x0;
	[sflag:s28] =	ssyncset.done $0x0  }
0x1df: {  	s7 =	simm.s32 $0xB000;
	[sflag:s28] =	ssyncadd.s32 $0xFFFFF000  }
0x1e0: {  	v63 =	vor.u32 v1, v37;
	v35 =	vld.idx.msk [tilespmem:v60+s7+$0x0], $0xffff  }
0x1e1: {  	v37 =	vor.u32 v2, v37;
	v36 =	vld.idx.msk [tilespmem:v61+s7+$0x0], $0xffff  }
.Ltmp4:
0x1e2: {  	_ = 	snop;
	(pc) =	sbr.rel @p1 .LBB2_3-.Ltmp4, $3  }
0x1e3: {  	_ =	sdelay $0x1  }
0x1e4: {  	s4 =	sadd.s32 $0x10, s4;
	s26 =	rddreg [dreg:$0xb];
	[tilespmem:v63+s19+$0x0] =	vst.idx.msk $0xffff, v35  }
0x1e5: {  	s30 =	simm.s32 $0x6000;
	s3 =	sadd.s32 $0x1, s3;
	s0 =	sadd.s32 s23, s26;
	[tilespmem:v37+s19+$0x0] =	vst.idx.msk $0xffff, v36  }
0x1e6: {  	[tilespmem:s7], [sflag:$0x8] =	stream.strided.gather [hbm4b:s0+s31], $0x1000, s8, s31, $0x38;
	[tilespmem:$0xC000] =	vst v63  }
0x1e7: {  	s18 =	simm.s32 $0x1  }
0x1e8: {  	_ =	swait.ge [sflag:s18], $0x1000  }
0x1e9: {  	[sflag:s18] =	ssyncset.done $0x0  }
0x1ea: {  	s20 =	simm.s32 $0x2;
	[sflag:s18] =	ssyncadd.s32 $0xFFFFF000  }
0x1eb: {  	_ =	swait.ge [sflag:s20], $0x1000  }
0x1ec: {  	[sflag:s20] =	ssyncset.done $0x0  }
0x1ed: {  	s21 =	simm.s32 $0x3;
	[sflag:s20] =	ssyncadd.s32 $0xFFFFF000  }
0x1ee: {  	_ =	swait.ge [sflag:s21], $0x1000  }
0x1ef: {  	[sflag:s21] =	ssyncset.done $0x0  }
0x1f0: {  	s22 =	simm.s32 $0x4;
	[sflag:s21] =	ssyncadd.s32 $0xFFFFF000  }
0x1f1: {  	_ =	swait.ge [sflag:s22], $0x1000  }
0x1f2: {  	[sflag:s22] =	ssyncset.done $0x0  }
0x1f3: {  	s24 =	simm.s32 $0x5;
	[sflag:s22] =	ssyncadd.s32 $0xFFFFF000  }
0x1f4: {  	_ =	swait.ge [sflag:s24], $0x1000  }
0x1f5: {  	[sflag:s24] =	ssyncset.done $0x0  }
0x1f6: {  	s26 =	simm.s32 $0x6;
	[sflag:s24] =	ssyncadd.s32 $0xFFFFF000  }
0x1f7: {  	_ =	swait.ge [sflag:s26], $0x1000  }
0x1f8: {  	[sflag:s26] =	ssyncset.done $0x0  }
0x1f9: {  	[sflag:s26] =	ssyncadd.s32 $0xFFFFF000  }
0x1fa: {  	s1 =	simm.s32 $0x0;
	_ =	swait.ge [sflag:s25], $0x1000  }
.Ltmp5:
0x1fb: {  	s4 =	simm.s32 $0x1000;
	[sflag:s25] =	ssyncset.done $0x0;
	(pc) =	sbr.rel .LBB2_5-.Ltmp5, $4  }
0x1fc: {  	s5 =	simm.s32 $0x7000;
	s6 =	simm.s32 $0x1;
	[sflag:s25] =	ssyncadd.s32 $0xFFFFF000  }
0x1fd: {  	s9 =	simm.s32 $0x2;
	s15 =	simm.s32 $0x3;
	_ =	swait.ge [sflag:s28], $0x1000  }
0x1fe: {  	s21 =	simm.s32 $0x3000;
	[sflag:s28] =	ssyncset.done $0x0;
	s11 =	rddreg [dreg:$0x1d]  }
0x1ff: {  	s24 =	simm.s32 $0x4;
	[sflag:s28] =	ssyncadd.s32 $0xFFFFF000;
	s3 =	smov.u32 s11  }
.LBB2_7:
0x200: {  	s1 =	sadd.s32 $0x10, s1  }
0x201: {  	p1 =	sne.s32 s1, $0x80  }
.Ltmp6:
0x202: {  	_ = 	snop;
	(pc) =	sbr.rel @!p1 .LBB2_8-.Ltmp6, $2  }
0x203: {  	_ =	sdelay $0x2  }
0x204: {  	s3 =	sadd.s32 $0x10, s3  }
.LBB2_5:
0x205: {  	v35 =	vld [tilespmem:s3+$0x0];
	_ =	sdelay $0x4  }
0x206: {  	vm0 =	vgt.s32 v35, $0x1867F  }
0x207: {  	v36 =	vmpcnt.ones.xlane vm0;
	_ =	sdelay $0x1  }
0x208: {  	(v2sf) =	vpush v36, $0x0;
	_ =	sdelay $0xe  }
0x209: {  	s0 =	spop (v2sf)  }
0x20a: {  	p1 =	slt.s32 s0, $0x1  }
.Ltmp7:
0x20b: {  	_ = 	snop;
	(pc) =	sbr.rel @p1 .LBB2_7-.Ltmp7, $1  }
0x20c: {  	_ =	sdelay $0x3  }
0x20d: {  	v35 =	vadd.s32 $0xFFFE7980, v35  }
0x20e: {  	vm1 =	vgt.s32 v35, $0x0  }
0x20f: {  	v35 =	vnsel vm1, $0x0, v35  }
0x210: {  	v35 =	vmin.u32 v35, $0x20;
	_ =	sdelay $0x4  }
0x211: {  	v37 =	vor.u32 s1, v0;
	v36 =	vld.idx.msk [tilespmem:v35+s4+$0x0], $0xffff  }
0x212: {  	v38 =	vor.u32 $0x80, v35;
	_ =	sdelay $0x3  }
0x213: {  	[tilespmem:v37+s19+$0x0] =	vst.idx.msk vm0, v36  }
0x214: {  	v52 =	vor.u32 s1, v3;
	v36 =	vld.idx.msk [tilespmem:v38+s4+$0x0], $0xffff  }
0x215: {  	v53 =	vor.u32 $0x100, v35;
	_ =	sdelay $0x3  }
0x216: {  	[tilespmem:v52+s19+$0x0] =	vst.idx.msk vm0, v36  }
0x217: {  	v54 =	vor.u32 s1, v4;
	v36 =	vld.idx.msk [tilespmem:v53+s4+$0x0], $0xffff  }
0x218: {  	v55 =	vor.u32 $0x180, v35;
	_ =	sdelay $0x3  }
0x219: {  	[tilespmem:v54+s19+$0x0] =	vst.idx.msk vm0, v36  }
0x21a: {  	v56 =	vor.u32 s1, v5;
	v36 =	vld.idx.msk [tilespmem:v55+s4+$0x0], $0xffff  }
0x21b: {  	v57 =	vor.u32 $0x200, v35;
	_ =	sdelay $0x3  }
0x21c: {  	[tilespmem:v56+s19+$0x0] =	vst.idx.msk vm0, v36  }
0x21d: {  	v58 =	vor.u32 s1, v6;
	v36 =	vld.idx.msk [tilespmem:v57+s4+$0x0], $0xffff  }
0x21e: {  	v59 =	vor.u32 $0x280, v35;
	_ =	sdelay $0x3  }
0x21f: {  	[tilespmem:v58+s19+$0x0] =	vst.idx.msk vm0, v36  }
0x220: {  	v60 =	vor.u32 s1, v7;
	v36 =	vld.idx.msk [tilespmem:v59+s4+$0x0], $0xffff  }
0x221: {  	v61 =	vor.u32 $0x300, v35;
	_ =	sdelay $0x3  }
0x222: {  	[tilespmem:v60+s19+$0x0] =	vst.idx.msk vm0, v36  }
0x223: {  	v62 =	vor.u32 s1, v8;
	v36 =	vld.idx.msk [tilespmem:v61+s4+$0x0], $0xffff  }
0x224: {  	v63 =	vor.u32 $0x380, v35;
	_ =	sdelay $0x3  }
0x225: {  	[tilespmem:v62+s19+$0x0] =	vst.idx.msk vm0, v36  }
0x226: {  	v40 =	vor.u32 s1, v9;
	v36 =	vld.idx.msk [tilespmem:v63+s4+$0x0], $0xffff  }
0x227: {  	v41 =	vor.u32 $0x400, v35;
	_ =	sdelay $0x3  }
0x228: {  	[tilespmem:v40+s19+$0x0] =	vst.idx.msk vm0, v36  }
0x229: {  	v42 =	vor.u32 s1, v10;
	v36 =	vld.idx.msk [tilespmem:v41+s4+$0x0], $0xffff  }
0x22a: {  	v43 =	vor.u32 $0x480, v35;
	_ =	sdelay $0x3  }
0x22b: {  	[tilespmem:v42+s19+$0x0] =	vst.idx.msk vm0, v36  }
0x22c: {  	v44 =	vor.u32 s1, v11;
	v36 =	vld.idx.msk [tilespmem:v43+s4+$0x0], $0xffff  }
0x22d: {  	v45 =	vor.u32 $0x500, v35;
	_ =	sdelay $0x3  }
0x22e: {  	[tilespmem:v44+s19+$0x0] =	vst.idx.msk vm0, v36  }
0x22f: {  	v46 =	vor.u32 s1, v12;
	v36 =	vld.idx.msk [tilespmem:v45+s4+$0x0], $0xffff  }
0x230: {  	v47 =	vor.u32 $0x580, v35;
	_ =	sdelay $0x3  }
0x231: {  	[tilespmem:v46+s19+$0x0] =	vst.idx.msk vm0, v36  }
0x232: {  	v48 =	vor.u32 s1, v13;
	v36 =	vld.idx.msk [tilespmem:v47+s4+$0x0], $0xffff  }
0x233: {  	v49 =	vor.u32 $0x600, v35;
	_ =	sdelay $0x3  }
0x234: {  	[tilespmem:v48+s19+$0x0] =	vst.idx.msk vm0, v36  }
0x235: {  	v50 =	vor.u32 s1, v14;
	v36 =	vld.idx.msk [tilespmem:v49+s4+$0x0], $0xffff  }
0x236: {  	v51 =	vor.u32 $0x680, v35;
	_ =	sdelay $0x3  }
0x237: {  	[tilespmem:v50+s19+$0x0] =	vst.idx.msk vm0, v36  }
0x238: {  	v52 =	vor.u32 s1, v15;
	v36 =	vld.idx.msk [tilespmem:v51+s4+$0x0], $0xffff  }
0x239: {  	v53 =	vor.u32 $0x700, v35;
	_ =	sdelay $0x3  }
0x23a: {  	[tilespmem:v52+s19+$0x0] =	vst.idx.msk vm0, v36  }
0x23b: {  	v54 =	vor.u32 s1, v16;
	v36 =	vld.idx.msk [tilespmem:v53+s4+$0x0], $0xffff  }
0x23c: {  	v55 =	vor.u32 $0x780, v35;
	_ =	sdelay $0x3  }
0x23d: {  	[tilespmem:v54+s19+$0x0] =	vst.idx.msk vm0, v36  }
0x23e: {  	v56 =	vor.u32 s1, v17;
	v36 =	vld.idx.msk [tilespmem:v55+s4+$0x0], $0xffff  }
0x23f: {  	v57 =	vor.u32 $0x800, v35;
	_ =	sdelay $0x3  }
0x240: {  	[tilespmem:v56+s19+$0x0] =	vst.idx.msk vm0, v36  }
0x241: {  	v58 =	vor.u32 s1, v18;
	v36 =	vld.idx.msk [tilespmem:v57+s4+$0x0], $0xffff  }
0x242: {  	v59 =	vor.u32 $0x880, v35;
	_ =	sdelay $0x3  }
0x243: {  	[tilespmem:v58+s19+$0x0] =	vst.idx.msk vm0, v36  }
0x244: {  	v60 =	vor.u32 s1, v19;
	v36 =	vld.idx.msk [tilespmem:v59+s4+$0x0], $0xffff  }
0x245: {  	v61 =	vor.u32 $0x900, v35;
	_ =	sdelay $0x3  }
0x246: {  	[tilespmem:v60+s19+$0x0] =	vst.idx.msk vm0, v36  }
0x247: {  	v62 =	vor.u32 s1, v20;
	v36 =	vld.idx.msk [tilespmem:v61+s4+$0x0], $0xffff  }
0x248: {  	v63 =	vor.u32 $0x980, v35;
	_ =	sdelay $0x3  }
0x249: {  	[tilespmem:v62+s19+$0x0] =	vst.idx.msk vm0, v36  }
0x24a: {  	v40 =	vor.u32 s1, v21;
	v36 =	vld.idx.msk [tilespmem:v63+s4+$0x0], $0xffff  }
0x24b: {  	v41 =	vor.u32 $0xA00, v35;
	_ =	sdelay $0x3  }
0x24c: {  	[tilespmem:v40+s19+$0x0] =	vst.idx.msk vm0, v36  }
0x24d: {  	v42 =	vor.u32 s1, v22;
	v36 =	vld.idx.msk [tilespmem:v41+s4+$0x0], $0xffff  }
0x24e: {  	v43 =	vor.u32 $0xA80, v35;
	_ =	sdelay $0x3  }
0x24f: {  	[tilespmem:v42+s19+$0x0] =	vst.idx.msk vm0, v36  }
0x250: {  	v44 =	vor.u32 s1, v23;
	v36 =	vld.idx.msk [tilespmem:v43+s4+$0x0], $0xffff  }
0x251: {  	v45 =	vor.u32 $0xB00, v35;
	_ =	sdelay $0x3  }
0x252: {  	[tilespmem:v44+s19+$0x0] =	vst.idx.msk vm0, v36  }
0x253: {  	v46 =	vor.u32 s1, v24;
	v36 =	vld.idx.msk [tilespmem:v45+s4+$0x0], $0xffff  }
0x254: {  	v47 =	vor.u32 $0xB80, v35;
	_ =	sdelay $0x3  }
0x255: {  	[tilespmem:v46+s19+$0x0] =	vst.idx.msk vm0, v36  }
0x256: {  	v48 =	vor.u32 s1, v25;
	v36 =	vld.idx.msk [tilespmem:v47+s4+$0x0], $0xffff  }
0x257: {  	v49 =	vor.u32 $0xC00, v35;
	_ =	sdelay $0x3  }
0x258: {  	[tilespmem:v48+s19+$0x0] =	vst.idx.msk vm0, v36  }
0x259: {  	v50 =	vor.u32 s1, v26;
	v36 =	vld.idx.msk [tilespmem:v49+s4+$0x0], $0xffff  }
0x25a: {  	v51 =	vor.u32 $0xC80, v35;
	_ =	sdelay $0x3  }
0x25b: {  	[tilespmem:v50+s19+$0x0] =	vst.idx.msk vm0, v36  }
0x25c: {  	v52 =	vor.u32 s1, v27;
	v36 =	vld.idx.msk [tilespmem:v51+s4+$0x0], $0xffff  }
0x25d: {  	v53 =	vor.u32 $0xD00, v35;
	_ =	sdelay $0x3  }
0x25e: {  	[tilespmem:v52+s19+$0x0] =	vst.idx.msk vm0, v36  }
0x25f: {  	v54 =	vor.u32 s1, v28;
	v36 =	vld.idx.msk [tilespmem:v53+s4+$0x0], $0xffff  }
0x260: {  	v55 =	vor.u32 $0xD80, v35;
	_ =	sdelay $0x3  }
0x261: {  	[tilespmem:v54+s19+$0x0] =	vst.idx.msk vm0, v36  }
0x262: {  	v56 =	vor.u32 s1, v29;
	v36 =	vld.idx.msk [tilespmem:v55+s4+$0x0], $0xffff  }
0x263: {  	v57 =	vor.u32 $0xE00, v35;
	_ =	sdelay $0x3  }
0x264: {  	[tilespmem:v56+s19+$0x0] =	vst.idx.msk vm0, v36  }
0x265: {  	v58 =	vor.u32 s1, v30;
	v36 =	vld.idx.msk [tilespmem:v57+s4+$0x0], $0xffff  }
0x266: {  	v59 =	vor.u32 $0xE80, v35;
	_ =	sdelay $0x3  }
0x267: {  	[tilespmem:v58+s19+$0x0] =	vst.idx.msk vm0, v36  }
0x268: {  	v60 =	vor.u32 s1, v31;
	v36 =	vld.idx.msk [tilespmem:v59+s4+$0x0], $0xffff  }
0x269: {  	v61 =	vor.u32 $0xF00, v35;
	_ =	sdelay $0x3  }
0x26a: {  	[tilespmem:v60+s19+$0x0] =	vst.idx.msk vm0, v36  }
0x26b: {  	v62 =	vor.u32 s1, v32;
	v36 =	vld.idx.msk [tilespmem:v61+s4+$0x0], $0xffff  }
0x26c: {  	v35 =	vor.u32 $0xF80, v35;
	_ =	sdelay $0x3  }
0x26d: {  	[tilespmem:v62+s19+$0x0] =	vst.idx.msk vm0, v36  }
0x26e: {  	v63 =	vor.u32 s1, v33;
	v35 =	vld.idx.msk [tilespmem:v35+s4+$0x0], $0xffff  }
.Ltmp8:
0x26f: {  	_ = 	snop;
	(pc) =	sbr.rel .LBB2_7-.Ltmp8, $2  }
0x270: {  	_ =	sdelay $0x2  }
0x271: {  	[tilespmem:v63+s19+$0x0] =	vst.idx.msk vm0, v35  }
.LBB2_8:
0x272: {  	s0 =	rddreg [dreg:$0x1f]  }
0x273: {  	s1 =	rddreg [dreg:$0x1b];
	s0 =	sshll.u32 s0, $0xF  }
0x274: {  	s18 =	simm.s32 $0x8000;
	s0 =	sadd.s32 s0, s1  }
0x275: {  	[hbm4b:s0+s31] =	stream.strided.scatter [tilespmem:s19], [sflag:$0x9], $0x1000, s18, s31, $0x38;
	[tilespmem:$0xC000] =	vst v63  }
0x276: {  	s0 =	simm.s32 @!p0 $0xA  }
0x277: {  	_ =	swait.ge @!p0 [sflag:s0], $0x1000  }
0x278: {  	s10 =	sld [smem:$0x7FD]  }
0x279: {  	[sflag:s0] =	ssyncset.done @!p0 $0x0  }
0x27a: {  	[sflag:s0] =	ssyncadd.s32 @!p0 $0xFFFFF000  }
0x27b: {  	s0 =	rddreg [dreg:$0x0];
	s28 =	sshll.u32 s10, $0x9  }
0x27c: {  	s2 =	simm.s32 $0x0;
	s3 =	simm.s32 $0xB;
	s0 =	sadd.s32 s0, s28  }
0x27d: {  	[tilespmem:s2], [sflag:$0xB] =	stream.linear.gather [hbm4b:s0+s2], $0x1000, $0x38;
	[tilespmem:$0xC000] =	vst v63  }
0x27e: {  	_ =	swait.ge [sflag:s3], $0x1000  }
0x27f: {  	[sflag:s3] =	ssyncset.done $0x0  }
0x280: {  	[sflag:s3] =	ssyncadd.s32 $0xFFFFF000  }
0x281: {  	s14 =	rddreg [dreg:$0x2]  }
0x282: {  	s0 =	sadd.s32 s14, s28  }
0x283: {  	[tilespmem:s4], [sflag:$0xB] =	stream.linear.gather [hbm4b:s0+s2], $0x1000, $0x38;
	[tilespmem:$0xC000] =	vst v63  }
0x284: {  	_ =	swait.ge [sflag:s3], $0x1000  }
0x285: {  	[sflag:s3] =	ssyncset.done $0x0  }
0x286: {  	s17 =	rddreg [dreg:$0x1a];
	[sflag:s3] =	ssyncadd.s32 $0xFFFFF000  }
0x287: {  	v35 =	vld [tilespmem:s17+$0x0];
	_ =	sdelay $0x4  }
0x288: {  	v35 =	vshrl.u32 v35, $0x7  }
0x289: {  	(v2sf) =	vpush v35, $0x0;
	_ =	sdelay $0x4  }
0x28a: {  	(v2sf) =	vpush v35, $0x1;
	_ =	sdelay $0x5  }
0x28b: {  	(v2sf) =	vpush v35, $0x2;
	_ =	sdelay $0x3  }
0x28c: {  	s19 =	spop (v2sf)  }
0x28d: {  	s1 =	smul.u32 $0x30E000, s10;
	s0 =	smin.u32 s19, $0x30C  }
0x28e: {  	(v2sf) =	vpush v35, $0x3;
	s0 =	sshll.u32 s0, $0xA  }
0x28f: {  	s0 =	sadd.s32 s1, s0  }
0x290: {  	s0 =	sshrl.u32 s0, $0x3  }
0x291: {  	s20 =	spop (v2sf);
	s0 =	sadd.s32 s23, s0  }
0x292: {  	[tilespmem:s13], [sflag:$0x1] =	stream.strided.gather [hbm4b:s0+s31], $0x1000, s8, s31, $0x38;
	[tilespmem:$0xC000] =	vst v63  }
0x293: {  	s0 =	smin.u32 s20, $0x30C  }
0x294: {  	(v2sf) =	vpush v35, $0x4;
	s0 =	sshll.u32 s0, $0xA  }
0x295: {  	s0 =	sadd.s32 s1, s0  }
0x296: {  	s0 =	sshrl.u32 s0, $0x3  }
0x297: {  	s22 =	spop (v2sf);
	s0 =	sadd.s32 s23, s0  }
0x298: {  	[tilespmem:s29], [sflag:$0x2] =	stream.strided.gather [hbm4b:s0+s31], $0x1000, s8, s31, $0x38;
	[tilespmem:$0xC000] =	vst v63  }
0x299: {  	s0 =	smin.u32 s22, $0x30C  }
0x29a: {  	(v2sf) =	vpush v35, $0x5;
	s0 =	sshll.u32 s0, $0xA  }
0x29b: {  	s0 =	sadd.s32 s1, s0  }
0x29c: {  	s0 =	sshrl.u32 s0, $0x3  }
0x29d: {  	s25 =	spop (v2sf);
	s0 =	sadd.s32 s23, s0  }
0x29e: {  	[tilespmem:s30], [sflag:$0x3] =	stream.strided.gather [hbm4b:s0+s31], $0x1000, s8, s31, $0x38;
	[tilespmem:$0xC000] =	vst v63  }
0x29f: {  	s0 =	smin.u32 s25, $0x30C  }
0x2a0: {  	(v2sf) =	vpush v35, $0x6;
	s0 =	sshll.u32 s0, $0xA  }
0x2a1: {  	s0 =	sadd.s32 s1, s0  }
0x2a2: {  	s0 =	sshrl.u32 s0, $0x3  }
0x2a3: {  	s26 =	spop (v2sf);
	s0 =	sadd.s32 s23, s0  }
0x2a4: {  	[tilespmem:s5], [sflag:$0x4] =	stream.strided.gather [hbm4b:s0+s31], $0x1000, s8, s31, $0x38;
	[tilespmem:$0xC000] =	vst v63  }
0x2a5: {  	s0 =	smin.u32 s26, $0x30C  }
0x2a6: {  	(v2sf) =	vpush v35, $0x7;
	s0 =	sshll.u32 s0, $0xA  }
0x2a7: {  	s0 =	sadd.s32 s1, s0  }
0x2a8: {  	s0 =	sshrl.u32 s0, $0x3  }
0x2a9: {  	s28 =	spop (v2sf);
	s0 =	sadd.s32 s23, s0  }
0x2aa: {  	[tilespmem:s18], [sflag:$0x5] =	stream.strided.gather [hbm4b:s0+s31], $0x1000, s8, s31, $0x38;
	[tilespmem:$0xC000] =	vst v63  }
0x2ab: {  	s0 =	smin.u32 s28, $0x30C  }
0x2ac: {  	s0 =	sshll.u32 s0, $0xA  }
0x2ad: {  	s0 =	sadd.s32 s1, s0  }
0x2ae: {  	s0 =	sshrl.u32 s0, $0x3  }
0x2af: {  	s2 =	spop (v2sf);
	s0 =	sadd.s32 s23, s0  }
0x2b0: {  	[tilespmem:s16], [sflag:$0x6] =	stream.strided.gather [hbm4b:s0+s31], $0x1000, s8, s31, $0x38;
	[tilespmem:$0xC000] =	vst v63  }
0x2b1: {  	s0 =	smin.u32 s2, $0x30C  }
0x2b2: {  	s0 =	sshll.u32 s0, $0xA  }
0x2b3: {  	s0 =	sadd.s32 s1, s0  }
0x2b4: {  	s0 =	sshrl.u32 s0, $0x3  }
0x2b5: {  	s3 =	spop (v2sf);
	s0 =	sadd.s32 s23, s0  }
0x2b6: {  	[tilespmem:s12], [sflag:$0x7] =	stream.strided.gather [hbm4b:s0+s31], $0x1000, s8, s31, $0x38;
	[tilespmem:$0xC000] =	vst v63  }
0x2b7: {  	s0 =	smin.u32 s3, $0x30C  }
0x2b8: {  	s0 =	sshll.u32 s0, $0xA  }
0x2b9: {  	s0 =	sadd.s32 s1, s0  }
0x2ba: {  	s0 =	sshrl.u32 s0, $0x3  }
0x2bb: {  	s0 =	sadd.s32 s23, s0  }
0x2bc: {  	[tilespmem:s7], [sflag:$0x8] =	stream.strided.gather [hbm4b:s0+s31], $0x1000, s8, s31, $0x38;
	[tilespmem:$0xC000] =	vst v63  }
0x2bd: {  	v50 =	vld [tilespmem:s11+$0x0];
	_ =	sdelay $0x4  }
0x2be: {  	(v2sf) =	vpush v50, $0x0;
	_ =	sdelay $0x4  }
0x2bf: {  	(v2sf) =	vpush v50, $0x1  }
0x2c0: {  	(v2sf) =	vpush v50, $0x8  }
0x2c1: {  	(v2sf) =	vpush v50, $0x2  }
0x2c2: {  	(v2sf) =	vpush v50, $0x9;
	_ =	sdelay $0x6  }
0x2c3: {  	s4 =	spop (v2sf)  }
0x2c4: {  	(v2sf) =	vpush v50, $0x3;
	s5 =	sshrl.u32 s4, $0x7  }
0x2c5: {  	(v2sf) =	vpush v50, $0xA;
	s2 =	smin.u32 s5, $0x30C  }
0x2c6: {  	(v2sf) =	vpush v50, $0x4;
	s2 =	sshll.u32 s2, $0x7  }
0x2c7: {  	s2 =	ssub.s32 s4, s2  }
0x2c8: {  	s8 =	spop (v2sf);
	p0 =	slt.s32 s2, $0x7F  }
0x2c9: {  	s7 =	simm.s32 $0x1;
	s10 =	spop (v2sf);
	s2 =	simm.s32 @!p0 $0x7F  }
0x2ca: {  	s19 =	simm.s32 $0x0;
	s0 =	smin.u32 s7, $0x7;
	s12 =	spop (v2sf);
	v36 =	vadd.s32 s2, v1  }
0x2cb: {  	v39 =	vmov s19;
	s11 =	sshll.u32 s0, $0x4;
	(v2sf) =	vpush v50, $0xB;
	s20 =	spop (v2sf);
	v37 =	vadd.s32 s2, v2  }
0x2cc: {  	v39 =	vand.u32 $0x70, v39;
	v38 =	vld.idx.msk [tilespmem:v34+s11+$0x0 ss:$0x1], $0xffff;
	_ =	swait.ge [sflag:s6], $0x1000  }
0x2cd: {  	v39 =	vbroadcast v39, $0x0;
	[sflag:s6] =	ssyncset.done $0x0  }
0x2ce: {  	[sflag:s6] =	ssyncadd.s32 $0xFFFFF000  }
0x2cf: {  	v40 =	vor.u32 v1, v39;
	s22 =	sshrl.u32 s8, $0x7;
	(v2sf) =	vpush v50, $0x5;
	v36 =	vld.idx.msk [tilespmem:v36+s13+$0x0], $0xffff  }
0x2d0: {  	v39 =	vor.u32 v2, v39;
	s25 =	sshrl.u32 s10, $0x7;
	s2 =	smin.u32 s22, $0x30C;
	(v2sf) =	vpush v50, $0xC;
	v37 =	vld.idx.msk [tilespmem:v37+s13+$0x0], $0xffff  }
0x2d1: {  	s14 =	smin.u32 s25, $0x30C;
	s2 =	sshll.u32 s2, $0x7;
	(v2sf) =	vpush v50, $0x6  }
0x2d2: {  	s30 =	simm.s32 $0xC3800;
	s4 =	sshll.u32 s14, $0xA;
	s2 =	ssub.s32 s8, s2  }
0x2d3: {  	s4 =	sadd.s32 s1, s4;
	s3 =	spop (v2sf);
	p0 =	slt.s32 s2, $0x7F  }
0x2d4: {  	s26 =	sshrl.u32 s4, $0x3;
	s8 =	spop (v2sf);
	s2 =	simm.s32 @!p0 $0x7F;
	[tilespmem:v40+s21+$0x0] =	vst.idx.msk $0xffff, v36  }
0x2d5: {  	s28 =	simm.s32 $0x1;
	s5 =	sadd.s32 s23, s26;
	s4 =	spop (v2sf);
	v51 =	vadd.s32 s2, v1;
	[tilespmem:v39+s21+$0x0] =	vst.idx.msk $0xffff, v37  }
0x2d6: {  	v52 =	vmov s28;
	(v2sf) =	vpush v50, $0xD;
	v53 =	vadd.s32 s2, v2;
	[tilespmem:s13], [sflag:$0x1] =	stream.strided.gather [hbm4b:s5+s31], $0x1000, s30, s31, $0x38;
	[tilespmem:$0xC000] =	vst v63  }
0x2d7: {  	v38 =	vshrl.u32 v38, $0x7;
	v37 =	vand.u32 $0x71, v52;
	_ =	swait.ge [sflag:s9], $0x1000  }
0x2d8: {  	v37 =	vbroadcast v37, $0x0;
	[sflag:s9] =	ssyncset.done $0x0;
	(v2sf) =	vpush v38, $0x0  }
0x2d9: {  	s7 =	sshrl.u32 s12, $0x7;
	[sflag:s9] =	ssyncadd.s32 $0xFFFFF000;
	(v2sf) =	vpush v50, $0x7  }
0x2da: {  	s2 =	smin.u32 s7, $0x30C;
	v54 =	vor.u32 v1, v37;
	v36 =	vld.idx.msk [tilespmem:v51+s29+$0x0], $0xffff;
	(v2sf) =	vpush v50, $0xE  }
0x2db: {  	s2 =	sshll.u32 s2, $0x7;
	v37 =	vor.u32 v2, v37;
	s9 =	sshrl.u32 s20, $0x7;
	v39 =	vld.idx.msk [tilespmem:v53+s29+$0x0], $0xffff;
	(v2sf) =	vpush v38, $0x1  }
0x2dc: {  	s6 =	ssub.s32 s12, s2;
	s17 =	smin.u32 s9, $0x30C  }
0x2dd: {  	p0 =	slt.s32 s6, $0x7F;
	s9 =	spop (v2sf);
	s5 =	sshll.u32 s17, $0xA  }
0x2de: {  	s6 =	simm.s32 @!p0 $0x7F;
	s0 =	spop (v2sf);
	s11 =	sadd.s32 s1, s5  }
0x2df: {  	s13 =	simm.s32 $0x2;
	s26 =	spop (v2sf);
	s12 =	sshrl.u32 s11, $0x3;
	[tilespmem:v54+s21+$0x0] =	vst.idx.msk $0xffff, v36  }
0x2e0: {  	v55 =	vadd.s32 s6, v1;
	[smem:$0x7F1] =	sst s26;
	s2 =	spop (v2sf);
	s11 =	sadd.s32 s23, s12;
	[tilespmem:v37+s21+$0x0] =	vst.idx.msk $0xffff, v39  }
0x2e1: {  	v57 =	vadd.s32 s6, v2;
	v56 =	vmov s13;
	[tilespmem:s29], [sflag:$0x2] =	stream.strided.gather [hbm4b:s11+s31], $0x1000, s30, s31, $0x38;
	[tilespmem:$0xC000] =	vst v63  }
0x2e2: {  	v37 =	vand.u32 $0x72, v56;
	_ =	swait.ge [sflag:s15], $0x1000  }
0x2e3: {  	v37 =	vbroadcast v37, $0x0;
	[sflag:s15] =	ssyncset.done $0x0  }
0x2e4: {  	s16 =	simm.s32 $0x6000;
	(v2sf) =	vpush v50, $0xF;
	[sflag:s15] =	ssyncadd.s32 $0xFFFFF000  }
0x2e5: {  	s19 =	sshrl.u32 s3, $0x7;
	s25 =	sshrl.u32 s8, $0x7;
	v59 =	vor.u32 v1, v37;
	(v2sf) =	vpush v38, $0x2;
	v58 =	vld.idx.msk [tilespmem:v55+s16+$0x0], $0xffff  }
0x2e6: {  	s6 =	smin.u32 s19, $0x30C;
	s19 =	smin.u32 s25, $0x30C;
	v37 =	vor.u32 v2, v37;
	s25 =	spop (v2sf);
	v39 =	vld.idx.msk [tilespmem:v57+s16+$0x0], $0xffff;
	(v2sf) =	vpush v38, $0x3  }
0x2e7: {  	s5 =	sshll.u32 s6, $0x7;
	s6 =	sshll.u32 s19, $0xA;
	s29 =	spop (v2sf)  }
0x2e8: {  	s11 =	ssub.s32 s3, s5;
	s3 =	sadd.s32 s1, s6;
	s12 =	spop (v2sf)  }
0x2e9: {  	p0 =	slt.s32 s11, $0x7F;
	s7 =	sshrl.u32 s3, $0x3;
	s3 =	spop (v2sf)  }
0x2ea: {  	s11 =	simm.s32 @!p0 $0x7F;
	[tilespmem:v59+s21+$0x0] =	vst.idx.msk $0xffff, v58;
	s15 =	spop (v2sf)  }
0x2eb: {  	s6 =	simm.s32 $0x3;
	s13 =	sadd.s32 s23, s7;
	v60 =	vadd.s32 s11, v1;
	[smem:$0x7EE] =	sst s15;
	[tilespmem:v37+s21+$0x0] =	vst.idx.msk $0xffff, v39  }
0x2ec: {  	v61 =	vmov s6;
	v62 =	vadd.s32 s11, v2;
	[tilespmem:s16], [sflag:$0x3] =	stream.strided.gather [hbm4b:s13+s31], $0x1000, s30, s31, $0x38;
	[tilespmem:$0xC000] =	vst v63  }
0x2ed: {  	v36 =	vand.u32 $0x73, v61;
	_ =	swait.ge [sflag:s24], $0x1000  }
0x2ee: {  	v36 =	vbroadcast v36, $0x0;
	[sflag:s24] =	ssyncset.done $0x0  }
0x2ef: {  	s22 =	simm.s32 $0x7000;
	s16 =	sshrl.u32 s4, $0x7;
	[sflag:s24] =	ssyncadd.s32 $0xFFFFF000  }
0x2f0: {  	v63 =	vor.u32 v1, v36;
	s21 =	sshrl.u32 s9, $0x7;
	s11 =	smin.u32 s16, $0x30C;
	(v2sf) =	vpush v38, $0x4;
	v35 =	vld.idx.msk [tilespmem:v60+s22+$0x0], $0xffff  }
0x2f1: {  	v36 =	vor.u32 v2, v36;
	s21 =	smin.u32 s21, $0x30C;
	s11 =	sshll.u32 s11, $0x7;
	(v2sf) =	vpush v38, $0x5;
	v37 =	vld.idx.msk [tilespmem:v62+s22+$0x0], $0xffff  }
0x2f2: {  	s5 =	simm.s32 $0x3000;
	s11 =	ssub.s32 s4, s11;
	s24 =	sshll.u32 s21, $0xA  }
0x2f3: {  	p0 =	slt.s32 s11, $0x7F;
	s6 =	sadd.s32 s1, s24;
	s16 =	spop (v2sf)  }
0x2f4: {  	s11 =	simm.s32 @!p0 $0x7F;
	s13 =	sshrl.u32 s6, $0x3;
	s15 =	spop (v2sf)  }
0x2f5: {  	s6 =	simm.s32 $0x4;
	[smem:$0x7EF] =	sst s15;
	s24 =	spop (v2sf);
	[tilespmem:v63+s5+$0x0] =	vst.idx.msk $0xffff, v35  }
0x2f6: {  	s13 =	sadd.s32 s23, s13;
	v40 =	vadd.s32 s11, v1;
	v41 =	vmov s6;
	s6 =	simm.s32 $0x5;
	[smem:$0x7F0] =	sst s24;
	[tilespmem:v36+s5+$0x0] =	vst.idx.msk $0xffff, v37  }
0x2f7: {  	v42 =	vadd.s32 s11, v2;
	(v2sf) =	vpush v38, $0x6;
	[tilespmem:s22], [sflag:$0x4] =	stream.strided.gather [hbm4b:s13+s31], $0x1000, s30, s31, $0x38;
	[tilespmem:$0xC000] =	vst v63  }
0x2f8: {  	v36 =	vand.u32 $0x74, v41;
	_ =	swait.ge [sflag:s6], $0x1000  }
0x2f9: {  	v36 =	vbroadcast v36, $0x0;
	[sflag:s6] =	ssyncset.done $0x0  }
0x2fa: {  	s24 =	sshrl.u32 s0, $0x7;
	[sflag:s6] =	ssyncadd.s32 $0xFFFFF000  }
0x2fb: {  	s26 =	sshrl.u32 s26, $0x7;
	s11 =	smin.u32 s24, $0x30C;
	v43 =	vor.u32 v1, v36;
	v35 =	vld.idx.msk [tilespmem:v40+s18+$0x0], $0xffff  }
0x2fc: {  	s24 =	smin.u32 s26, $0x30C;
	s11 =	sshll.u32 s11, $0x7;
	v36 =	vor.u32 v2, v36;
	v37 =	vld.idx.msk [tilespmem:v42+s18+$0x0], $0xffff  }
0x2fd: {  	s13 =	sshll.u32 s24, $0xA;
	s0 =	ssub.s32 s0, s11  }
0x2fe: {  	s4 =	sadd.s32 s1, s13;
	p0 =	slt.s32 s0, $0x7F  }
0x2ff: {  	(v2sf) =	vpush v38, $0x7;
	s11 =	sshrl.u32 s4, $0x3;
	s4 =	simm.s32 $0x5;
	s13 =	spop (v2sf)  }
0x300: {  	s0 =	simm.s32 @!p0 $0x7F;
	[smem:$0x7F2] =	sst s13;
	s26 =	spop (v2sf);
	[tilespmem:v43+s5+$0x0] =	vst.idx.msk $0xffff, v35  }
0x301: {  	s11 =	sadd.s32 s23, s11;
	v45 =	vmov s4;
	s4 =	simm.s32 $0x6;
	v44 =	vadd.s32 s0, v1;
	[smem:$0x7F3] =	sst s26;
	[tilespmem:v36+s5+$0x0] =	vst.idx.msk $0xffff, v37  }
0x302: {  	v46 =	vadd.s32 s0, v2;
	[tilespmem:s18], [sflag:$0x5] =	stream.strided.gather [hbm4b:s11+s31], $0x1000, s30, s31, $0x38;
	[tilespmem:$0xC000] =	vst v63  }
0x303: {  	v36 =	vand.u32 $0x75, v45;
	_ =	swait.ge [sflag:s4], $0x1000  }
0x304: {  	v36 =	vbroadcast v36, $0x0;
	[sflag:s4] =	ssyncset.done $0x0  }
0x305: {  	s28 =	simm.s32 $0x9000;
	[sflag:s4] =	ssyncadd.s32 $0xFFFFF000  }
0x306: {  	v47 =	vor.u32 v1, v36;
	v35 =	vld.idx.msk [tilespmem:v44+s28+$0x0], $0xffff  }
0x307: {  	s26 =	sshrl.u32 s25, $0x7;
	s18 =	sshrl.u32 s2, $0x7;
	v36 =	vor.u32 v2, v36;
	v37 =	vld.idx.msk [tilespmem:v46+s28+$0x0], $0xffff  }
0x308: {  	s26 =	smin.u32 s26, $0x30C;
	s0 =	smin.u32 s18, $0x30C  }
0x309: {  	s13 =	sshll.u32 s26, $0xA;
	s0 =	sshll.u32 s0, $0x7  }
0x30a: {  	s0 =	ssub.s32 s2, s0;
	s2 =	sadd.s32 s1, s13  }
0x30b: {  	p0 =	slt.s32 s0, $0x7F;
	s2 =	sshrl.u32 s2, $0x3;
	[tilespmem:v47+s5+$0x0] =	vst.idx.msk $0xffff, v35  }
0x30c: {  	s11 =	spop (v2sf);
	s0 =	simm.s32 @!p0 $0x7F;
	s2 =	sadd.s32 s23, s2;
	[tilespmem:v36+s5+$0x0] =	vst.idx.msk $0xffff, v37  }
0x30d: {  	[tilespmem:s28], [sflag:$0x6] =	stream.strided.gather [hbm4b:s2+s31], $0x1000, s30, s31, $0x38;
	[tilespmem:$0xC000] =	vst v63  }
0x30e: {  	s18 =	simm.s32 $0x6;
	v48 =	vadd.s32 s0, v1;
	s28 =	spop (v2sf)  }
0x30f: {  	v49 =	vmov s18;
	v50 =	vadd.s32 s0, v2;
	s2 =	simm.s32 $0x7;
	[smem:$0x7F4] =	sst s28  }
0x310: {  	v36 =	vand.u32 $0x76, v49;
	_ =	swait.ge [sflag:s2], $0x1000  }
0x311: {  	v36 =	vbroadcast v36, $0x0;
	[sflag:s2] =	ssyncset.done $0x0  }
0x312: {  	s7 =	simm.s32 $0xA000;
	[sflag:s2] =	ssyncadd.s32 $0xFFFFF000  }
0x313: {  	v51 =	vor.u32 v1, v36;
	v35 =	vld.idx.msk [tilespmem:v48+s7+$0x0], $0xffff  }
0x314: {  	s13 =	sshrl.u32 s12, $0x7;
	s28 =	sshrl.u32 s3, $0x7;
	v36 =	vor.u32 v2, v36;
	v37 =	vld.idx.msk [tilespmem:v50+s7+$0x0], $0xffff  }
0x315: {  	s0 =	smin.u32 s13, $0x30C;
	s28 =	smin.u32 s28, $0x30C  }
0x316: {  	s0 =	sshll.u32 s0, $0x7;
	s2 =	sshll.u32 s28, $0xA  }
0x317: {  	s0 =	ssub.s32 s12, s0;
	s2 =	sadd.s32 s1, s2  }
0x318: {  	s13 =	smov.u32 s3;
	p0 =	slt.s32 s0, $0x7F;
	s2 =	sshrl.u32 s2, $0x3;
	[tilespmem:v51+s5+$0x0] =	vst.idx.msk $0xffff, v35  }
0x319: {  	s0 =	simm.s32 @!p0 $0x7F;
	s3 =	simm.s32 $0x7;
	s2 =	sadd.s32 s23, s2;
	[tilespmem:v36+s5+$0x0] =	vst.idx.msk $0xffff, v37  }
0x31a: {  	v52 =	vadd.s32 s0, v1;
	[tilespmem:s7], [sflag:$0x7] =	stream.strided.gather [hbm4b:s2+s31], $0x1000, s30, s31, $0x38;
	[tilespmem:$0xC000] =	vst v63  }
0x31b: {  	v54 =	vadd.s32 s0, v2;
	v53 =	vmov s3;
	s7 =	simm.s32 $0x8  }
0x31c: {  	v36 =	vand.u32 $0x77, v53;
	_ =	swait.ge [sflag:s7], $0x1000  }
0x31d: {  	v36 =	vbroadcast v36, $0x0;
	[sflag:s7] =	ssyncset.done $0x0  }
0x31e: {  	s2 =	simm.s32 $0xB000;
	[sflag:s7] =	ssyncadd.s32 $0xFFFFF000  }
0x31f: {  	s3 =	simm.s32 $0xB000;
	v55 =	vor.u32 v1, v36;
	v35 =	vld.idx.msk [tilespmem:v52+s2+$0x0], $0xffff  }
0x320: {  	s0 =	sshrl.u32 s16, $0x7;
	v36 =	vor.u32 v2, v36;
	v37 =	vld.idx.msk [tilespmem:v54+s3+$0x0], $0xffff  }
0x321: {  	s7 =	sshll.u32 s14, $0x7;
	s14 =	smin.u32 s0, $0x30C  }
0x322: {  	s0 =	ssub.s32 s10, s7;
	s3 =	sshll.u32 s14, $0xA  }
0x323: {  	p0 =	slt.s32 s0, $0x7F;
	s2 =	sadd.s32 s1, s3  }
0x324: {  	s10 =	simm.s32 $0x8;
	s0 =	simm.s32 @!p0 $0x7F;
	s2 =	sshrl.u32 s2, $0x3;
	[tilespmem:v55+s5+$0x0] =	vst.idx.msk $0xffff, v35  }
0x325: {  	s7 =	simm.s32 $0xB000;
	s3 =	simm.s32 $0x1;
	s2 =	sadd.s32 s23, s2;
	v56 =	vadd.s32 s0, v1;
	[tilespmem:v36+s5+$0x0] =	vst.idx.msk $0xffff, v37  }
0x326: {  	v57 =	vmov s10;
	v58 =	vadd.s32 s0, v2;
	[tilespmem:s7], [sflag:$0x8] =	stream.strided.gather [hbm4b:s2+s31], $0x1000, s30, s31, $0x38;
	[tilespmem:$0xC000] =	vst v63  }
0x327: {  	v36 =	vand.u32 $0x78, v57;
	_ =	swait.ge [sflag:s3], $0x1000  }
0x328: {  	s7 =	simm.s32 $0x1;
	v36 =	vbroadcast v36, $0x0;
	[sflag:s3] =	ssyncset.done $0x0  }
0x329: {  	s18 =	simm.s32 $0x4000;
	[sflag:s7] =	ssyncadd.s32 $0xFFFFF000  }
0x32a: {  	v59 =	vor.u32 v1, v36;
	v35 =	vld.idx.msk [tilespmem:v56+s18+$0x0], $0xffff  }
0x32b: {  	v36 =	vor.u32 v2, v36;
	v37 =	vld.idx.msk [tilespmem:v58+s18+$0x0], $0xffff  }
0x32c: {  	s17 =	sshll.u32 s17, $0x7;
	s10 =	smin.u32 s29, $0x30C  }
0x32d: {  	s0 =	sshll.u32 s10, $0xA;
	s2 =	ssub.s32 s20, s17  }
0x32e: {  	s0 =	sadd.s32 s1, s0;
	p0 =	slt.s32 s2, $0x7F  }
0x32f: {  	s0 =	sshrl.u32 s0, $0x3;
	s2 =	simm.s32 @!p0 $0x7F;
	[tilespmem:v59+s5+$0x0] =	vst.idx.msk $0xffff, v35  }
0x330: {  	s0 =	sadd.s32 s23, s0;
	s3 =	simm.s32 $0x9;
	v60 =	vadd.s32 s2, v1;
	s7 =	simm.s32 $0x2;
	[tilespmem:v36+s5+$0x0] =	vst.idx.msk $0xffff, v37  }
0x331: {  	v61 =	vmov s3;
	v62 =	vadd.s32 s2, v2;
	[tilespmem:s18], [sflag:$0x1] =	stream.strided.gather [hbm4b:s0+s31], $0x1000, s30, s31, $0x38;
	[tilespmem:$0xC000] =	vst v63  }
0x332: {  	v36 =	vand.u32 $0x79, v61;
	_ =	swait.ge [sflag:s7], $0x1000  }
0x333: {  	s10 =	simm.s32 $0x2;
	v36 =	vbroadcast v36, $0x0;
	[sflag:s7] =	ssyncset.done $0x0  }
0x334: {  	s29 =	simm.s32 $0x5000;
	s17 =	sld [smem:$0x7EE];
	[sflag:s10] =	ssyncadd.s32 $0xFFFFF000  }
0x335: {  	v63 =	vor.u32 v1, v36;
	v35 =	vld.idx.msk [tilespmem:v60+s29+$0x0], $0xffff  }
0x336: {  	v36 =	vor.u32 v2, v36;
	v37 =	vld.idx.msk [tilespmem:v62+s29+$0x0], $0xffff  }
0x337: {  	s19 =	sshll.u32 s19, $0x7;
	s0 =	smin.u32 s17, $0x30C  }
0x338: {  	s2 =	ssub.s32 s8, s19;
	s0 =	sshll.u32 s0, $0xA  }
0x339: {  	p0 =	slt.s32 s2, $0x7F;
	s0 =	sadd.s32 s1, s0  }
0x33a: {  	s20 =	simm.s32 $0xA;
	s2 =	simm.s32 @!p0 $0x7F;
	s0 =	sshrl.u32 s0, $0x3;
	[tilespmem:v63+s5+$0x0] =	vst.idx.msk $0xffff, v35  }
0x33b: {  	s8 =	simm.s32 $0xC3800;
	v40 =	vadd.s32 s2, v1;
	v42 =	vadd.s32 s2, v2;
	s2 =	simm.s32 $0x3;
	s0 =	sadd.s32 s23, s0;
	[tilespmem:v36+s5+$0x0] =	vst.idx.msk $0xffff, v37  }
0x33c: {  	v41 =	vmov s20;
	[tilespmem:s29], [sflag:$0x2] =	stream.strided.gather [hbm4b:s0+s31], $0x1000, s8, s31, $0x38;
	[tilespmem:$0xC000] =	vst v63  }
0x33d: {  	v36 =	vand.u32 $0x7A, v41;
	_ =	swait.ge [sflag:s2], $0x1000  }
0x33e: {  	s3 =	simm.s32 $0x3;
	v36 =	vbroadcast v36, $0x0;
	[sflag:s2] =	ssyncset.done $0x0  }
0x33f: {  	s30 =	simm.s32 $0x6000;
	s5 =	sld [smem:$0x7EF];
	[sflag:s3] =	ssyncadd.s32 $0xFFFFF000  }
0x340: {  	v43 =	vor.u32 v1, v36;
	v35 =	vld.idx.msk [tilespmem:v40+s30+$0x0], $0xffff  }
0x341: {  	v36 =	vor.u32 v2, v36;
	v37 =	vld.idx.msk [tilespmem:v42+s30+$0x0], $0xffff  }
0x342: {  	s7 =	sshll.u32 s21, $0x7;
	s0 =	smin.u32 s5, $0x30C  }
0x343: {  	s2 =	ssub.s32 s9, s7;
	s0 =	sshll.u32 s0, $0xA  }
0x344: {  	s21 =	simm.s32 $0x3000;
	p0 =	slt.s32 s2, $0x7F;
	s0 =	sadd.s32 s1, s0  }
0x345: {  	s2 =	simm.s32 @!p0 $0x7F;
	s0 =	sshrl.u32 s0, $0x3;
	[tilespmem:v43+s21+$0x0] =	vst.idx.msk $0xffff, v35  }
0x346: {  	s15 =	simm.s32 $0x4;
	s9 =	simm.s32 $0xB;
	v44 =	vadd.s32 s2, v1;
	s0 =	sadd.s32 s23, s0;
	[tilespmem:v36+s21+$0x0] =	vst.idx.msk $0xffff, v37  }
0x347: {  	v45 =	vmov s9;
	v46 =	vadd.s32 s2, v2;
	[tilespmem:s30], [sflag:$0x3] =	stream.strided.gather [hbm4b:s0+s31], $0x1000, s8, s31, $0x38;
	[tilespmem:$0xC000] =	vst v63  }
0x348: {  	v36 =	vand.u32 $0x7B, v45;
	_ =	swait.ge [sflag:s15], $0x1000  }
0x349: {  	v36 =	vbroadcast v36, $0x0;
	[sflag:s15] =	ssyncset.done $0x0  }
0x34a: {  	[sflag:s15] =	ssyncadd.s32 $0xFFFFF000;
	s15 =	sld [smem:$0x7F0]  }
0x34b: {  	v47 =	vor.u32 v1, v36;
	s19 =	sld [smem:$0x7F1];
	v35 =	vld.idx.msk [tilespmem:v44+s22+$0x0], $0xffff  }
0x34c: {  	v36 =	vor.u32 v2, v36;
	v37 =	vld.idx.msk [tilespmem:v46+s22+$0x0], $0xffff  }
0x34d: {  	s17 =	sshll.u32 s24, $0x7;
	s0 =	smin.u32 s15, $0x30C  }
0x34e: {  	s2 =	ssub.s32 s19, s17;
	s0 =	sshll.u32 s0, $0xA  }
0x34f: {  	p0 =	slt.s32 s2, $0x7F;
	s0 =	sadd.s32 s1, s0  }
0x350: {  	s2 =	simm.s32 @!p0 $0x7F;
	s0 =	sshrl.u32 s0, $0x3;
	[tilespmem:v47+s21+$0x0] =	vst.idx.msk $0xffff, v35  }
0x351: {  	s20 =	simm.s32 $0xC;
	v48 =	vadd.s32 s2, v1;
	[tilespmem:v36+s21+$0x0] =	vst.idx.msk $0xffff, v37;
	s0 =	sadd.s32 s23, s0  }
0x352: {  	v49 =	vmov s20;
	v50 =	vadd.s32 s2, v2;
	[tilespmem:s22], [sflag:$0x4] =	stream.strided.gather [hbm4b:s0+s31], $0x1000, s8, s31, $0x38;
	[tilespmem:$0xC000] =	vst v63  }
0x353: {  	v36 =	vand.u32 $0x7C, v49;
	_ =	swait.ge [sflag:s6], $0x1000  }
0x354: {  	v36 =	vbroadcast v36, $0x0;
	[sflag:s6] =	ssyncset.done $0x0  }
0x355: {  	s22 =	simm.s32 $0x8000;
	s5 =	sld [smem:$0x7F2];
	[sflag:s6] =	ssyncadd.s32 $0xFFFFF000  }
0x356: {  	v51 =	vor.u32 v1, v36;
	v35 =	vld.idx.msk [tilespmem:v48+s22+$0x0], $0xffff  }
0x357: {  	v36 =	vor.u32 v2, v36;
	v37 =	vld.idx.msk [tilespmem:v50+s22+$0x0], $0xffff  }
0x358: {  	s26 =	sshll.u32 s26, $0x7;
	s2 =	smin.u32 s5, $0x30C  }
0x359: {  	s0 =	ssub.s32 s25, s26;
	s2 =	sshll.u32 s2, $0xA  }
0x35a: {  	p0 =	slt.s32 s0, $0x7F;
	s2 =	sadd.s32 s1, s2  }
0x35b: {  	s0 =	simm.s32 @!p0 $0x7F;
	s2 =	sshrl.u32 s2, $0x3;
	[tilespmem:v51+s21+$0x0] =	vst.idx.msk $0xffff, v35  }
0x35c: {  	s24 =	simm.s32 $0x8000;
	s6 =	simm.s32 $0xD;
	v52 =	vadd.s32 s0, v1;
	s2 =	sadd.s32 s23, s2;
	[tilespmem:v36+s21+$0x0] =	vst.idx.msk $0xffff, v37  }
0x35d: {  	v54 =	vadd.s32 s0, v2;
	v53 =	vmov s6;
	[tilespmem:s24], [sflag:$0x5] =	stream.strided.gather [hbm4b:s2+s31], $0x1000, s8, s31, $0x38;
	[tilespmem:$0xC000] =	vst v63  }
0x35e: {  	v36 =	vand.u32 $0x7D, v53;
	_ =	swait.ge [sflag:s4], $0x1000  }
0x35f: {  	v36 =	vbroadcast v36, $0x0;
	[sflag:s4] =	ssyncset.done $0x0  }
0x360: {  	s12 =	simm.s32 $0x9000;
	s17 =	sld [smem:$0x7F3];
	[sflag:s4] =	ssyncadd.s32 $0xFFFFF000  }
0x361: {  	v55 =	vor.u32 v1, v36;
	v35 =	vld.idx.msk [tilespmem:v52+s12+$0x0], $0xffff  }
0x362: {  	v36 =	vor.u32 v2, v36;
	v37 =	vld.idx.msk [tilespmem:v54+s12+$0x0], $0xffff  }
0x363: {  	s9 =	sshll.u32 s28, $0x7;
	s2 =	smin.u32 s17, $0x30C  }
0x364: {  	s0 =	ssub.s32 s13, s9;
	s2 =	sshll.u32 s2, $0xA  }
0x365: {  	p0 =	slt.s32 s0, $0x7F;
	s2 =	sadd.s32 s1, s2  }
0x366: {  	s0 =	simm.s32 @!p0 $0x7F;
	s2 =	sshrl.u32 s2, $0x3;
	[tilespmem:v55+s21+$0x0] =	vst.idx.msk $0xffff, v35  }
0x367: {  	s20 =	simm.s32 $0xE;
	s10 =	simm.s32 $0x7;
	v56 =	vadd.s32 s0, v1;
	s2 =	sadd.s32 s23, s2;
	[tilespmem:v36+s21+$0x0] =	vst.idx.msk $0xffff, v37  }
0x368: {  	v57 =	vmov s20;
	v58 =	vadd.s32 s0, v2;
	[tilespmem:s12], [sflag:$0x6] =	stream.strided.gather [hbm4b:s2+s31], $0x1000, s8, s31, $0x38;
	[tilespmem:$0xC000] =	vst v63  }
0x369: {  	v36 =	vand.u32 $0x7E, v57;
	_ =	swait.ge [sflag:s10], $0x1000  }
0x36a: {  	v36 =	vbroadcast v36, $0x0;
	[sflag:s10] =	ssyncset.done $0x0  }
0x36b: {  	s19 =	simm.s32 $0xA000;
	[sflag:s10] =	ssyncadd.s32 $0xFFFFF000  }
0x36c: {  	v59 =	vor.u32 v1, v36;
	v35 =	vld.idx.msk [tilespmem:v56+s19+$0x0], $0xffff  }
0x36d: {  	v36 =	vor.u32 v2, v36;
	v37 =	vld.idx.msk [tilespmem:v58+s19+$0x0], $0xffff  }
0x36e: {  	s22 =	sshll.u32 s14, $0x7;
	s24 =	smin.u32 s11, $0x30C  }
0x36f: {  	s0 =	ssub.s32 s16, s22;
	s2 =	sshll.u32 s24, $0xA  }
0x370: {  	p0 =	slt.s32 s0, $0x7F;
	s2 =	sadd.s32 s1, s2  }
0x371: {  	s0 =	simm.s32 @!p0 $0x7F;
	s2 =	sshrl.u32 s2, $0x3;
	[tilespmem:v59+s21+$0x0] =	vst.idx.msk $0xffff, v35  }
0x372: {  	s15 =	simm.s32 $0x8;
	s25 =	simm.s32 $0xF;
	v60 =	vadd.s32 s0, v1;
	s2 =	sadd.s32 s23, s2;
	[tilespmem:v36+s21+$0x0] =	vst.idx.msk $0xffff, v37  }
0x373: {  	v62 =	vmov s25;
	v61 =	vadd.s32 s0, v2;
	[tilespmem:s19], [sflag:$0x7] =	stream.strided.gather [hbm4b:s2+s31], $0x1000, s8, s31, $0x38;
	[tilespmem:$0xC000] =	vst v63  }
0x374: {  	v37 =	vand.u32 $0x7F, v62;
	_ =	swait.ge [sflag:s15], $0x1000  }
0x375: {  	v37 =	vbroadcast v37, $0x0;
	[sflag:s15] =	ssyncset.done $0x0  }
0x376: {  	s7 =	simm.s32 $0xB000;
	s26 =	sld [smem:$0x7F4];
	[sflag:s15] =	ssyncadd.s32 $0xFFFFF000  }
0x377: {  	v63 =	vor.u32 v1, v37;
	v35 =	vld.idx.msk [tilespmem:v60+s7+$0x0], $0xffff  }
0x378: {  	v37 =	vor.u32 v2, v37;
	v36 =	vld.idx.msk [tilespmem:v61+s7+$0x0], $0xffff  }
0x379: {  	s0 =	smin.u32 s26, $0x30C  }
0x37a: {  	s0 =	sshll.u32 s0, $0xA  }
0x37b: {  	s0 =	sadd.s32 s1, s0  }
0x37c: {  	s3 =	simm.s32 $0x2;
	s28 =	rddreg [dreg:$0x1d];
	s0 =	sshrl.u32 s0, $0x3;
	[tilespmem:v63+s21+$0x0] =	vst.idx.msk $0xffff, v35  }
0x37d: {  	s2 =	simm.s32 $0x1F;
	s4 =	sadd.s32 $0x10, s28;
	s0 =	sadd.s32 s23, s0;
	[tilespmem:v37+s21+$0x0] =	vst.idx.msk $0xffff, v36  }
.LBB2_9:
0x37e: {  	[tilespmem:s7], [sflag:$0x8] =	stream.strided.gather [hbm4b:s0+s31], $0x1000, s8, s31, $0x38;
	[tilespmem:$0xC000] =	vst v63  }
0x37f: {  	v36 =	vld [tilespmem:s4+$0x0];
	_ =	sdelay $0x4  }
0x380: {  	(v2sf) =	vpush v36, $0x0;
	_ =	sdelay $0x1  }
0x381: {  	(v2sf) =	vpush v36, $0x1  }
0x382: {  	(v2sf) =	vpush v36, $0x8  }
0x383: {  	(v2sf) =	vpush v36, $0x2  }
0x384: {  	(v2sf) =	vpush v36, $0x9;
	_ =	sdelay $0x6  }
0x385: {  	(v2sf) =	vpush v36, $0x3  }
0x386: {  	[dreg:$0xa] =	wrdreg s4  }
0x387: {  	[dreg:$0x8] =	wrdreg s3;
	p0 =	sne.s32 s2, $0x7F;
	s7 =	smov.u32 s2;
	(v2sf) =	vpush v36, $0xA  }
0x388: {  	s16 =	sadd.s32 $0x10, s2;
	s5 =	smin.u32 s3, $0x7;
	s17 =	spop (v2sf)  }
0x389: {  	s6 =	simm.s32 $0xC3800;
	s15 =	simm.s32 $0x1;
	s19 =	sshrl.u32 s17, $0x7  }
0x38a: {  	s3 =	simm.s32 $0x3000;
	s20 =	spop (v2sf);
	s2 =	smin.u32 s19, $0x30C  }
0x38b: {  	[dreg:$0x6] =	wrdreg s16;
	(v2sf) =	vpush v36, $0x4;
	s14 =	spop (v2sf);
	s2 =	sshll.u32 s2, $0x7  }
0x38c: {  	s5 =	sshll.u32 s5, $0x4;
	s12 =	spop (v2sf);
	s0 =	ssub.s32 s17, s2  }
0x38d: {  	v38 =	vld.idx.msk [tilespmem:v34+s5+$0x0 ss:$0x1], $0xffff;
	s22 =	sshrl.u32 s20, $0x7;
	(v2sf) =	vpush v36, $0xB;
	s5 =	spop (v2sf);
	p1 =	slt.s32 s0, $0x7F  }
0x38e: {  	s9 =	sshrl.u32 s14, $0x7;
	_ =	swait.ge [sflag:s15], $0x1000;
	s0 =	simm.s32 @!p1 $0x7F  }
0x38f: {  	s13 =	sadd.s32 $0xFFFFFFF1, s7;
	s8 =	smin.u32 s22, $0x30C;
	s9 =	smin.u32 s9, $0x30C;
	(v2sf) =	vpush v36, $0x5;
	v35 =	vadd.s32 s0, v1  }
0x390: {  	v39 =	vmov s13;
	s24 =	sshll.u32 s8, $0x7;
	s10 =	sshrl.u32 s12, $0x7;
	s25 =	sshll.u32 s9, $0xA;
	v37 =	vadd.s32 s0, v2;
	(v2sf) =	vpush v36, $0xC  }
0x391: {  	v39 =	vand.u32 $0x70, v39;
	s2 =	ssub.s32 s20, s24;
	s16 =	sshrl.u32 s5, $0x7;
	s10 =	smin.u32 s10, $0x30C  }
0x392: {  	v39 =	vbroadcast v39, $0x0;
	s26 =	sadd.s32 s1, s25;
	p1 =	slt.s32 s2, $0x7F;
	[sflag:s15] =	ssyncset.done $0x0  }
0x393: {  	s8 =	smin.u32 s16, $0x30C;
	s10 =	sshll.u32 s10, $0x7;
	[sflag:s15] =	ssyncadd.s32 $0xFFFFF000  }
0x394: {  	v41 =	vor.u32 v1, v39;
	s19 =	spop (v2sf);
	s25 =	sadd.s32 $0xFFFFFFF2, s7;
	s2 =	simm.s32 @!p1 $0x7F;
	v40 =	vld.idx.msk [tilespmem:v35+s18+$0x0], $0xffff  }
0x395: {  	v39 =	vor.u32 v2, v39;
	s11 =	sshll.u32 s8, $0xA;
	s12 =	ssub.s32 s12, s10;
	s15 =	simm.s32 $0x4000;
	v37 =	vld.idx.msk [tilespmem:v37+s18+$0x0], $0xffff  }
0x396: {  	s20 =	sshrl.u32 s19, $0x7;
	s0 =	sshll.u32 s9, $0x7;
	s9 =	spop (v2sf)  }
0x397: {  	s4 =	sshrl.u32 s26, $0x3;
	s26 =	simm.s32 $0x2;
	s17 =	sadd.s32 s1, s11  }
0x398: {  	(v2sf) =	vpush v36, $0x6;
	s11 =	smin.u32 s20, $0x30C;
	s16 =	sshrl.u32 s9, $0x7;
	s4 =	sadd.s32 s23, s4  }
0x399: {  	s13 =	sshrl.u32 s17, $0x3;
	s11 =	sshll.u32 s11, $0x7;
	s18 =	smin.u32 s16, $0x30C;
	[tilespmem:v41+s21+$0x0] =	vst.idx.msk $0xffff, v40  }
0x39a: {  	s17 =	ssub.s32 s19, s11;
	s24 =	sshll.u32 s18, $0xA;
	s20 =	spop (v2sf);
	[tilespmem:v39+s21+$0x0] =	vst.idx.msk $0xffff, v37  }
0x39b: {  	(v2sf) =	vpush v36, $0xD;
	[tilespmem:s15], [sflag:$0x1] =	stream.strided.gather [hbm4b:s4+s31], $0x1000, s6, s31, $0x38;
	[tilespmem:$0xC000] =	vst v63  }
0x39c: {  	v48 =	vadd.s32 s2, v1;
	s11 =	sadd.s32 s1, s24;
	s22 =	sshrl.u32 s20, $0x7;
	_ =	swait.ge [sflag:s26], $0x1000  }
0x39d: {  	v49 =	vmov s25;
	v50 =	vadd.s32 s2, v2;
	s24 =	sshrl.u32 s11, $0x3;
	s10 =	smin.u32 s22, $0x30C;
	s19 =	spop (v2sf)  }
0x39e: {  	v47 =	vshrl.u32 v38, $0x7;
	v38 =	vand.u32 $0x71, v49;
	s4 =	sshll.u32 s10, $0x7;
	[sflag:s26] =	ssyncset.done $0x0;
	s15 =	spop (v2sf)  }
0x39f: {  	v38 =	vbroadcast v38, $0x0;
	(v2sf) =	vpush v47, $0x0;
	s10 =	sshrl.u32 s19, $0x7;
	[sflag:s26] =	ssyncadd.s32 $0xFFFFF000;
	s16 =	spop (v2sf)  }
0x3a0: {  	(v2sf) =	vpush v36, $0x7;
	s21 =	smin.u32 s10, $0x30C;
	s22 =	sshrl.u32 s15, $0x7;
	s23 =	sshrl.u32 s16, $0x7  }
0x3a1: {  	v51 =	vor.u32 v1, v38;
	v37 =	vld.idx.msk [tilespmem:v48+s29+$0x0], $0xffff;
	s11 =	sshll.u32 s21, $0xA;
	s10 =	smin.u32 s22, $0x30C;
	s22 =	smin.u32 s23, $0x30C  }
0x3a2: {  	s8 =	sshll.u32 s8, $0x7;
	v38 =	vor.u32 v2, v38;
	(v2sf) =	vpush v36, $0xE;
	v39 =	vld.idx.msk [tilespmem:v50+s29+$0x0], $0xffff;
	s2 =	sadd.s32 s1, s11;
	s11 =	sshll.u32 s22, $0xA  }
0x3a3: {  	p1 =	slt.s32 s12, $0x7F;
	s14 =	ssub.s32 s14, s0;
	s11 =	sadd.s32 s1, s11  }
0x3a4: {  	s12 =	simm.s32 @!p1 $0x7F;
	p1 =	slt.s32 s17, $0x7F;
	s11 =	sshrl.u32 s11, $0x3  }
0x3a5: {  	s17 =	simm.s32 @!p1 $0x7F;
	s20 =	ssub.s32 s20, s4;
	[dreg:$0x17] =	wrdreg s11  }
0x3a6: {  	s18 =	sshll.u32 s18, $0x7;
	p1 =	slt.s32 s20, $0x7F;
	(v2sf) =	vpush v47, $0x1;
	[tilespmem:v51+s3+$0x0] =	vst.idx.msk $0xffff, v37;
	s11 =	rddreg [dreg:$0x1]  }
0x3a7: {  	s25 =	spop (v2sf);
	s23 =	simm.s32 $0x3;
	[tilespmem:v38+s3+$0x0] =	vst.idx.msk $0xffff, v39;
	s13 =	sadd.s32 s11, s13  }
0x3a8: {  	[tilespmem:s29], [sflag:$0x2] =	stream.strided.gather [hbm4b:s13+s31], $0x1000, s6, s31, $0x38;
	[tilespmem:$0xC000] =	vst v63  }
0x3a9: {  	s20 =	simm.s32 @!p1 $0x7F;
	s26 =	sshrl.u32 s25, $0x7;
	_ =	swait.ge [sflag:s23], $0x1000  }
0x3aa: {  	v52 =	vadd.s32 s12, v1;
	v54 =	vadd.s32 s12, v2;
	s4 =	smin.u32 s26, $0x30C;
	s26 =	sadd.s32 $0xFFFFFFF3, s7;
	s12 =	spop (v2sf)  }
0x3ab: {  	s10 =	sshll.u32 s10, $0x7;
	s2 =	sshrl.u32 s2, $0x3;
	v53 =	vmov s26;
	s26 =	sshrl.u32 s12, $0x7  }
0x3ac: {  	s10 =	ssub.s32 s15, s10;
	s4 =	sshll.u32 s4, $0x7;
	v38 =	vand.u32 $0x72, v53;
	(v2sf) =	vpush v36, $0xF;
	s13 =	smin.u32 s26, $0x30C  }
0x3ad: {  	s25 =	ssub.s32 s25, s4;
	v55 =	vbroadcast v38, $0x0;
	[sflag:s23] =	ssyncset.done $0x0;
	(v2sf) =	vpush v47, $0x2;
	s4 =	sshll.u32 s13, $0xA  }
0x3ae: {  	[sflag:s23] =	ssyncadd.s32 $0xFFFFF000;
	s11 =	spop (v2sf);
	s0 =	sadd.s32 s1, s4  }
0x3af: {  	v57 =	vor.u32 v1, v55;
	v37 =	vld.idx.msk [tilespmem:v52+s30+$0x0], $0xffff;
	s4 =	smin.u32 s11, $0x30C;
	s15 =	spop (v2sf);
	s0 =	sshrl.u32 s0, $0x3  }
0x3b0: {  	v36 =	vor.u32 v2, v55;
	v56 =	vld.idx.msk [tilespmem:v54+s30+$0x0], $0xffff;
	s23 =	sshrl.u32 s15, $0x7;
	s4 =	sshll.u32 s4, $0xA;
	[dreg:$0x15] =	wrdreg s0  }
0x3b1: {  	s0 =	smin.u32 s23, $0x30C;
	s4 =	sadd.s32 s1, s4;
	s23 =	spop (v2sf);
	(v2sf) =	vpush v47, $0x3  }
0x3b2: {  	s29 =	simm.s32 $0x6000;
	s28 =	sshrl.u32 s23, $0x7;
	s11 =	sshrl.u32 s4, $0x3  }
0x3b3: {  	s30 =	sshll.u32 s0, $0x7;
	[dreg:$0xf] =	wrdreg s11;
	s0 =	smin.u32 s28, $0x30C  }
0x3b4: {  	[tilespmem:v57+s3+$0x0] =	vst.idx.msk $0xffff, v37;
	s28 =	ssub.s32 s15, s30;
	s11 =	rddreg [dreg:$0x1];
	s30 =	sadd.s32 $0xFFFFFFF4, s7  }
0x3b5: {  	v58 =	vadd.s32 s17, v1;
	s15 =	spop (v2sf);
	[tilespmem:v36+s3+$0x0] =	vst.idx.msk $0xffff, v56;
	s24 =	sadd.s32 s11, s24;
	v59 =	vmov s30;
	s30 =	simm.s32 $0x4  }
0x3b6: {  	v60 =	vadd.s32 s17, v2;
	[tilespmem:s29], [sflag:$0x3] =	stream.strided.gather [hbm4b:s24+s31], $0x1000, s6, s31, $0x38;
	[tilespmem:$0xC000] =	vst v63  }
0x3b7: {  	s26 =	sshll.u32 s0, $0xA;
	s4 =	smin.u32 s15, $0x30C;
	v37 =	vand.u32 $0x73, v59;
	_ =	swait.ge [sflag:s30], $0x1000  }
0x3b8: {  	s15 =	sadd.s32 s1, s26;
	s4 =	sshll.u32 s4, $0xA;
	v37 =	vbroadcast v37, $0x0;
	[sflag:s30] =	ssyncset.done $0x0  }
0x3b9: {  	s26 =	simm.s32 $0x7000;
	s4 =	sadd.s32 s1, s4;
	[sflag:s30] =	ssyncadd.s32 $0xFFFFF000  }
0x3ba: {  	s11 =	simm.s32 $0x7000;
	s29 =	simm.s32 $0x400;
	(v2sf) =	vpush v47, $0x4;
	s4 =	sshrl.u32 s4, $0x3;
	v61 =	vor.u32 v1, v37;
	v36 =	vld.idx.msk [tilespmem:v58+s26+$0x0], $0xffff  }
0x3bb: {  	s24 =	sshrl.u32 s15, $0x3;
	[dreg:$0x12] =	wrdreg s4;
	v37 =	vor.u32 v2, v37;
	v38 =	vld.idx.msk [tilespmem:v60+s26+$0x0], $0xffff;
	s4 =	spop (v2sf)  }
0x3bc: {  	[dreg:$0x19] =	wrdreg s24;
	s15 =	sshrl.u32 s4, $0x7;
	s17 =	spop (v2sf)  }
0x3bd: {  	s26 =	ssub.s32 s5, s8;
	s5 =	smin.u32 s15, $0x30C;
	s8 =	smin.u32 s17, $0x30C  }
0x3be: {  	(v2sf) =	vpush v47, $0x5;
	s17 =	rddreg [dreg:$0x1];
	s24 =	sshll.u32 s5, $0xA;
	s8 =	sshll.u32 s8, $0xA  }
0x3bf: {  	s2 =	sadd.s32 s17, s2;
	s31 =	sadd.s32 s1, s24;
	s8 =	sadd.s32 s1, s8;
	[tilespmem:v61+s3+$0x0] =	vst.idx.msk $0xffff, v36  }
0x3c0: {  	s24 =	ssub.s32 s9, s18;
	s8 =	sshrl.u32 s8, $0x3;
	[tilespmem:v37+s3+$0x0] =	vst.idx.msk $0xffff, v38;
	s9 =	spop (v2sf)  }
0x3c1: {  	(v2sf) =	vpush v47, $0x6;
	[tilespmem:s11], [sflag:$0x4] =	stream.strided.gather [hbm4b:s2+s29], $0x1000, s6, s29, $0x38;
	[tilespmem:$0xC000] =	vst v63  }
0x3c2: {  	v62 =	vadd.s32 s20, v1;
	s18 =	sadd.s32 $0xFFFFFFF5, s7;
	[dreg:$0x13] =	wrdreg s8;
	s11 =	simm.s32 $0x5  }
0x3c3: {  	v40 =	vadd.s32 s20, v2;
	s21 =	sshll.u32 s21, $0x7;
	v63 =	vmov s18;
	_ =	swait.ge [sflag:s11], $0x1000  }
0x3c4: {  	s21 =	ssub.s32 s19, s21;
	p1 =	slt.s32 s10, $0x7F;
	v37 =	vand.u32 $0x74, v63;
	(v2sf) =	vpush v47, $0x7  }
0x3c5: {  	s10 =	simm.s32 @!p1 $0x7F;
	s13 =	sshll.u32 s13, $0x7;
	v41 =	vbroadcast v37, $0x0;
	[sflag:s11] =	ssyncset.done $0x0  }
0x3c6: {  	s0 =	sshll.u32 s0, $0x7;
	s17 =	simm.s32 $0x8000;
	[sflag:s11] =	ssyncadd.s32 $0xFFFFF000  }
0x3c7: {  	s5 =	sshll.u32 s5, $0x7;
	s8 =	smin.u32 s9, $0x30C;
	s9 =	sshll.u32 s22, $0x7;
	v43 =	vor.u32 v1, v41;
	v36 =	vld.idx.msk [tilespmem:v62+s17+$0x0], $0xffff  }
0x3c8: {  	s5 =	ssub.s32 s4, s5;
	s2 =	sshll.u32 s8, $0xA;
	s19 =	ssub.s32 s16, s9;
	v35 =	vor.u32 v2, v41;
	v42 =	vld.idx.msk [tilespmem:v40+s17+$0x0], $0xffff  }
0x3c9: {  	s8 =	ssub.s32 s12, s13;
	s2 =	sadd.s32 s1, s2;
	s16 =	spop (v2sf)  }
0x3ca: {  	s9 =	ssub.s32 s23, s0;
	s22 =	sshrl.u32 s2, $0x3;
	s2 =	smin.u32 s16, $0x30C  }
0x3cb: {  	s4 =	rddreg [dreg:$0x17];
	s13 =	sadd.s32 $0xFFFFFFF6, s7;
	s2 =	sshll.u32 s2, $0xA  }
0x3cc: {  	v45 =	vmov s13;
	s13 =	simm.s32 $0x6;
	s23 =	rddreg [dreg:$0x1];
	s2 =	sadd.s32 s1, s2;
	[tilespmem:v43+s3+$0x0] =	vst.idx.msk $0xffff, v36  }
0x3cd: {  	v44 =	vadd.s32 s10, v1;
	s16 =	sshrl.u32 s2, $0x3;
	s18 =	spop (v2sf);
	[tilespmem:v35+s3+$0x0] =	vst.idx.msk $0xffff, v42;
	s2 =	sadd.s32 s23, s4  }
0x3ce: {  	v46 =	vadd.s32 s10, v2;
	[tilespmem:s17], [sflag:$0x5] =	stream.strided.gather [hbm4b:s2+s29], $0x1000, s6, s29, $0x38;
	[tilespmem:$0xC000] =	vst v63  }
0x3cf: {  	v36 =	vand.u32 $0x75, v45;
	_ =	swait.ge [sflag:s13], $0x1000  }
0x3d0: {  	v36 =	vbroadcast v36, $0x0;
	s0 =	smin.u32 s18, $0x30C;
	[sflag:s13] =	ssyncset.done $0x0;
	s18 =	spop (v2sf)  }
0x3d1: {  	s12 =	simm.s32 $0x9000;
	[sflag:s13] =	ssyncadd.s32 $0xFFFFF000;
	s2 =	smin.u32 s18, $0x30C  }
0x3d2: {  	s0 =	sshll.u32 s0, $0xA;
	v47 =	vor.u32 v1, v36;
	v35 =	vld.idx.msk [tilespmem:v44+s12+$0x0], $0xffff;
	s2 =	sshll.u32 s2, $0xA  }
0x3d3: {  	v36 =	vor.u32 v2, v36;
	s0 =	sadd.s32 s1, s0;
	v37 =	vld.idx.msk [tilespmem:v46+s12+$0x0], $0xffff;
	s18 =	spop (v2sf);
	s4 =	sadd.s32 s1, s2  }
0x3d4: {  	s10 =	sshrl.u32 s0, $0x3;
	s2 =	smin.u32 s18, $0x30C;
	s0 =	sshrl.u32 s4, $0x3  }
0x3d5: {  	p1 =	slt.s32 s25, $0x7F;
	[dreg:$0xd] =	wrdreg s0;
	s0 =	sshll.u32 s2, $0xA  }
0x3d6: {  	s25 =	simm.s32 @!p1 $0x7F;
	s0 =	sadd.s32 s1, s0  }
0x3d7: {  	v48 =	vadd.s32 s25, v1;
	v50 =	vadd.s32 s25, v2;
	s25 =	simm.s32 $0x7;
	s4 =	rddreg [dreg:$0x15];
	[tilespmem:v47+s3+$0x0] =	vst.idx.msk $0xffff, v35;
	s0 =	sshrl.u32 s0, $0x3  }
0x3d8: {  	s18 =	sadd.s32 $0xFFFFFFF7, s7;
	[tilespmem:v36+s3+$0x0] =	vst.idx.msk $0xffff, v37;
	[dreg:$0xc] =	wrdreg s0;
	s0 =	sadd.s32 s23, s4  }
0x3d9: {  	v49 =	vmov s18;
	[tilespmem:s12], [sflag:$0x6] =	stream.strided.gather [hbm4b:s0+s29], $0x1000, s6, s29, $0x38;
	[tilespmem:$0xC000] =	vst v63  }
0x3da: {  	v36 =	vand.u32 $0x76, v49;
	_ =	swait.ge [sflag:s25], $0x1000  }
0x3db: {  	v36 =	vbroadcast v36, $0x0;
	[sflag:s25] =	ssyncset.done $0x0  }
0x3dc: {  	s15 =	simm.s32 $0xA000;
	[sflag:s25] =	ssyncadd.s32 $0xFFFFF000  }
0x3dd: {  	v51 =	vor.u32 v1, v36;
	v35 =	vld.idx.msk [tilespmem:v48+s15+$0x0], $0xffff  }
0x3de: {  	v36 =	vor.u32 v2, v36;
	v37 =	vld.idx.msk [tilespmem:v50+s15+$0x0], $0xffff;
	_ =	sdelay $0x2  }
0x3df: {  	p2 =	slt.s32 s28, $0x7F  }
0x3e0: {  	s28 =	simm.s32 @!p2 $0x7F;
	s2 =	rddreg [dreg:$0x19];
	[tilespmem:v51+s3+$0x0] =	vst.idx.msk $0xffff, v35  }
0x3e1: {  	v52 =	vadd.s32 s28, v1;
	v54 =	vadd.s32 s28, v2;
	s28 =	simm.s32 $0x8;
	s4 =	sadd.s32 $0xFFFFFFF8, s7;
	s0 =	sadd.s32 s23, s2;
	[tilespmem:v36+s3+$0x0] =	vst.idx.msk $0xffff, v37  }
0x3e2: {  	v53 =	vmov s4;
	[tilespmem:s15], [sflag:$0x7] =	stream.strided.gather [hbm4b:s0+s29], $0x1000, s6, s29, $0x38;
	[tilespmem:$0xC000] =	vst v63  }
0x3e3: {  	v36 =	vand.u32 $0x77, v53;
	_ =	swait.ge [sflag:s28], $0x1000  }
0x3e4: {  	v36 =	vbroadcast v36, $0x0;
	[sflag:s28] =	ssyncset.done $0x0  }
0x3e5: {  	s2 =	simm.s32 $0xB000;
	[sflag:s28] =	ssyncadd.s32 $0xFFFFF000  }
0x3e6: {  	s4 =	simm.s32 $0xB000;
	v55 =	vor.u32 v1, v36;
	v35 =	vld.idx.msk [tilespmem:v52+s2+$0x0], $0xffff  }
0x3e7: {  	v36 =	vor.u32 v2, v36;
	v37 =	vld.idx.msk [tilespmem:v54+s4+$0x0], $0xffff;
	_ =	sdelay $0x2  }
0x3e8: {  	p1 =	slt.s32 s14, $0x7F;
	s31 =	sshrl.u32 s31, $0x3  }
0x3e9: {  	s14 =	simm.s32 @!p1 $0x7F;
	s0 =	sadd.s32 s23, s31;
	s2 =	sadd.s32 $0xFFFFFFF9, s7;
	[tilespmem:v55+s3+$0x0] =	vst.idx.msk $0xffff, v35  }
0x3ea: {  	v56 =	vadd.s32 s14, v1;
	s31 =	simm.s32 $0x400;
	s4 =	simm.s32 $0xB000;
	v57 =	vmov s2;
	s2 =	simm.s32 $0x1;
	[tilespmem:v36+s3+$0x0] =	vst.idx.msk $0xffff, v37  }
0x3eb: {  	v58 =	vadd.s32 s14, v2;
	[tilespmem:s4], [sflag:$0x8] =	stream.strided.gather [hbm4b:s0+s31], $0x1000, s6, s31, $0x38;
	[tilespmem:$0xC000] =	vst v63  }
0x3ec: {  	v36 =	vand.u32 $0x78, v57;
	s4 =	rddreg [dreg:$0xa];
	_ =	swait.ge [sflag:s2], $0x1000  }
0x3ed: {  	s14 =	simm.s32 $0x1;
	v36 =	vbroadcast v36, $0x0;
	[sflag:s2] =	ssyncset.done $0x0  }
0x3ee: {  	s20 =	simm.s32 $0x4000;
	[sflag:s14] =	ssyncadd.s32 $0xFFFFF000  }
0x3ef: {  	v59 =	vor.u32 v1, v36;
	v35 =	vld.idx.msk [tilespmem:v56+s20+$0x0], $0xffff  }
0x3f0: {  	v36 =	vor.u32 v2, v36;
	v37 =	vld.idx.msk [tilespmem:v58+s20+$0x0], $0xffff;
	_ =	sdelay $0x2  }
0x3f1: {  	p1 =	slt.s32 s26, $0x7F  }
0x3f2: {  	s26 =	simm.s32 @!p1 $0x7F;
	s2 =	rddreg [dreg:$0xf];
	[tilespmem:v59+s3+$0x0] =	vst.idx.msk $0xffff, v35  }
0x3f3: {  	v60 =	vadd.s32 s26, v1;
	s0 =	sadd.s32 s23, s2;
	s14 =	sadd.s32 $0xFFFFFFFA, s7;
	s2 =	simm.s32 $0x2;
	[tilespmem:v36+s3+$0x0] =	vst.idx.msk $0xffff, v37  }
0x3f4: {  	v62 =	vadd.s32 s26, v2;
	v61 =	vmov s14;
	[tilespmem:s20], [sflag:$0x1] =	stream.strided.gather [hbm4b:s0+s31], $0x1000, s6, s31, $0x38;
	[tilespmem:$0xC000] =	vst v63  }
0x3f5: {  	v36 =	vand.u32 $0x79, v61;
	_ =	swait.ge [sflag:s2], $0x1000  }
0x3f6: {  	s14 =	simm.s32 $0x2;
	v36 =	vbroadcast v36, $0x0;
	[sflag:s2] =	ssyncset.done $0x0  }
0x3f7: {  	s29 =	simm.s32 $0x5000;
	[sflag:s14] =	ssyncadd.s32 $0xFFFFF000  }
0x3f8: {  	v63 =	vor.u32 v1, v36;
	v35 =	vld.idx.msk [tilespmem:v60+s29+$0x0], $0xffff  }
0x3f9: {  	v36 =	vor.u32 v2, v36;
	v37 =	vld.idx.msk [tilespmem:v62+s29+$0x0], $0xffff;
	_ =	sdelay $0x2  }
0x3fa: {  	p1 =	slt.s32 s24, $0x7F  }
0x3fb: {  	s24 =	simm.s32 @!p1 $0x7F;
	s20 =	rddreg [dreg:$0x12];
	[tilespmem:v63+s3+$0x0] =	vst.idx.msk $0xffff, v35  }
0x3fc: {  	s26 =	sadd.s32 $0xFFFFFFFB, s7;
	v40 =	vadd.s32 s24, v1;
	s0 =	sadd.s32 s23, s20;
	s14 =	simm.s32 $0x3;
	[tilespmem:v36+s3+$0x0] =	vst.idx.msk $0xffff, v37  }
0x3fd: {  	v41 =	vmov s26;
	v42 =	vadd.s32 s24, v2;
	[tilespmem:s29], [sflag:$0x2] =	stream.strided.gather [hbm4b:s0+s31], $0x1000, s6, s31, $0x38;
	[tilespmem:$0xC000] =	vst v63  }
0x3fe: {  	v36 =	vand.u32 $0x7A, v41;
	_ =	swait.ge [sflag:s14], $0x1000  }
0x3ff: {  	s20 =	simm.s32 $0x3;
	v36 =	vbroadcast v36, $0x0;
	[sflag:s14] =	ssyncset.done $0x0  }
0x400: {  	s18 =	simm.s32 $0x6000;
	[sflag:s20] =	ssyncadd.s32 $0xFFFFF000  }
0x401: {  	v43 =	vor.u32 v1, v36;
	v35 =	vld.idx.msk [tilespmem:v40+s18+$0x0], $0xffff  }
0x402: {  	v36 =	vor.u32 v2, v36;
	v37 =	vld.idx.msk [tilespmem:v42+s18+$0x0], $0xffff;
	_ =	sdelay $0x2  }
0x403: {  	p1 =	slt.s32 s21, $0x7F  }
0x404: {  	s21 =	simm.s32 @!p1 $0x7F;
	s24 =	rddreg [dreg:$0x13];
	[tilespmem:v43+s3+$0x0] =	vst.idx.msk $0xffff, v35  }
0x405: {  	s26 =	sadd.s32 $0xFFFFFFFC, s7;
	v44 =	vadd.s32 s21, v1;
	s0 =	sadd.s32 s23, s24;
	[tilespmem:v36+s3+$0x0] =	vst.idx.msk $0xffff, v37  }
0x406: {  	v45 =	vmov s26;
	v46 =	vadd.s32 s21, v2;
	[tilespmem:s18], [sflag:$0x3] =	stream.strided.gather [hbm4b:s0+s31], $0x1000, s6, s31, $0x38;
	[tilespmem:$0xC000] =	vst v63  }
0x407: {  	s3 =	rddreg [dreg:$0x8];
	v36 =	vand.u32 $0x7B, v45;
	_ =	swait.ge [sflag:s30], $0x1000  }
0x408: {  	v36 =	vbroadcast v36, $0x0;
	[sflag:s30] =	ssyncset.done $0x0  }
0x409: {  	s14 =	simm.s32 $0x7000;
	[sflag:s30] =	ssyncadd.s32 $0xFFFFF000  }
0x40a: {  	v47 =	vor.u32 v1, v36;
	v35 =	vld.idx.msk [tilespmem:v44+s14+$0x0], $0xffff  }
0x40b: {  	v36 =	vor.u32 v2, v36;
	v37 =	vld.idx.msk [tilespmem:v46+s14+$0x0], $0xffff;
	_ =	sdelay $0x2  }
0x40c: {  	p1 =	slt.s32 s19, $0x7F;
	s21 =	simm.s32 $0x3000  }
0x40d: {  	s19 =	simm.s32 @!p1 $0x7F;
	[tilespmem:v47+s21+$0x0] =	vst.idx.msk $0xffff, v35  }
0x40e: {  	s26 =	sadd.s32 $0xFFFFFFFD, s7;
	v48 =	vadd.s32 s19, v1;
	s20 =	simm.s32 $0x7000;
	s24 =	sadd.s32 s23, s22;
	[tilespmem:v36+s21+$0x0] =	vst.idx.msk $0xffff, v37  }
0x40f: {  	v49 =	vmov s26;
	v50 =	vadd.s32 s19, v2;
	[tilespmem:s20], [sflag:$0x4] =	stream.strided.gather [hbm4b:s24+s31], $0x1000, s6, s31, $0x38;
	[tilespmem:$0xC000] =	vst v63  }
0x410: {  	v36 =	vand.u32 $0x7C, v49;
	_ =	swait.ge [sflag:s11], $0x1000  }
0x411: {  	v36 =	vbroadcast v36, $0x0;
	[sflag:s11] =	ssyncset.done $0x0  }
0x412: {  	[sflag:s11] =	ssyncadd.s32 $0xFFFFF000  }
0x413: {  	v51 =	vor.u32 v1, v36;
	v35 =	vld.idx.msk [tilespmem:v48+s17+$0x0], $0xffff  }
0x414: {  	v36 =	vor.u32 v2, v36;
	v37 =	vld.idx.msk [tilespmem:v50+s17+$0x0], $0xffff;
	_ =	sdelay $0x2  }
0x415: {  	p1 =	slt.s32 s8, $0x7F  }
0x416: {  	s8 =	simm.s32 @!p1 $0x7F;
	[tilespmem:v51+s21+$0x0] =	vst.idx.msk $0xffff, v35  }
0x417: {  	s16 =	sadd.s32 s23, s16;
	s19 =	sadd.s32 $0xFFFFFFFE, s7;
	v52 =	vadd.s32 s8, v1;
	[tilespmem:v36+s21+$0x0] =	vst.idx.msk $0xffff, v37  }
0x418: {  	v53 =	vmov s19;
	v54 =	vadd.s32 s8, v2;
	[tilespmem:s17], [sflag:$0x5] =	stream.strided.gather [hbm4b:s16+s31], $0x1000, s6, s31, $0x38;
	[tilespmem:$0xC000] =	vst v63  }
0x419: {  	v36 =	vand.u32 $0x7D, v53;
	_ =	swait.ge [sflag:s13], $0x1000  }
0x41a: {  	v36 =	vbroadcast v36, $0x0;
	[sflag:s13] =	ssyncset.done $0x0  }
0x41b: {  	[sflag:s13] =	ssyncadd.s32 $0xFFFFF000  }
0x41c: {  	v55 =	vor.u32 v1, v36;
	v35 =	vld.idx.msk [tilespmem:v52+s12+$0x0], $0xffff  }
0x41d: {  	v36 =	vor.u32 v2, v36;
	v37 =	vld.idx.msk [tilespmem:v54+s12+$0x0], $0xffff;
	_ =	sdelay $0x2  }
0x41e: {  	p1 =	slt.s32 s9, $0x7F  }
0x41f: {  	s9 =	simm.s32 @!p1 $0x7F;
	[tilespmem:v55+s21+$0x0] =	vst.idx.msk $0xffff, v35  }
0x420: {  	s8 =	simm.s32 $0xC3800;
	v56 =	vadd.s32 s9, v1;
	s22 =	sadd.s32 $0xFFFFFFFF, s7;
	s20 =	sadd.s32 s23, s10;
	[tilespmem:v36+s21+$0x0] =	vst.idx.msk $0xffff, v37  }
0x421: {  	v58 =	vadd.s32 s9, v2;
	v57 =	vmov s22;
	[tilespmem:s12], [sflag:$0x6] =	stream.strided.gather [hbm4b:s20+s31], $0x1000, s8, s31, $0x38;
	[tilespmem:$0xC000] =	vst v63  }
0x422: {  	s2 =	rddreg [dreg:$0x6];
	v36 =	vand.u32 $0x7E, v57;
	_ =	swait.ge [sflag:s25], $0x1000  }
0x423: {  	v36 =	vbroadcast v36, $0x0;
	[sflag:s25] =	ssyncset.done $0x0  }
0x424: {  	[sflag:s25] =	ssyncadd.s32 $0xFFFFF000  }
0x425: {  	v59 =	vor.u32 v1, v36;
	v35 =	vld.idx.msk [tilespmem:v56+s15+$0x0], $0xffff  }
0x426: {  	v36 =	vor.u32 v2, v36;
	v37 =	vld.idx.msk [tilespmem:v58+s15+$0x0], $0xffff;
	_ =	sdelay $0x2  }
0x427: {  	p1 =	slt.s32 s5, $0x7F  }
0x428: {  	s5 =	simm.s32 @!p1 $0x7F;
	s24 =	rddreg [dreg:$0xd];
	[tilespmem:v59+s21+$0x0] =	vst.idx.msk $0xffff, v35  }
0x429: {  	v60 =	vadd.s32 s5, v1;
	s0 =	sadd.s32 s23, s24;
	[tilespmem:v36+s21+$0x0] =	vst.idx.msk $0xffff, v37  }
0x42a: {  	v61 =	vadd.s32 s5, v2;
	v62 =	vmov s7;
	[tilespmem:s15], [sflag:$0x7] =	stream.strided.gather [hbm4b:s0+s31], $0x1000, s8, s31, $0x38;
	[tilespmem:$0xC000] =	vst v63  }
0x42b: {  	v37 =	vand.u32 $0x7F, v62;
	_ =	swait.ge [sflag:s28], $0x1000  }
0x42c: {  	v37 =	vbroadcast v37, $0x0;
	[sflag:s28] =	ssyncset.done $0x0  }
0x42d: {  	s7 =	simm.s32 $0xB000;
	[sflag:s28] =	ssyncadd.s32 $0xFFFFF000  }
0x42e: {  	v63 =	vor.u32 v1, v37;
	v35 =	vld.idx.msk [tilespmem:v60+s7+$0x0], $0xffff  }
0x42f: {  	v37 =	vor.u32 v2, v37;
	v36 =	vld.idx.msk [tilespmem:v61+s7+$0x0], $0xffff  }
.Ltmp9:
0x430: {  	_ = 	snop;
	(pc) =	sbr.rel @p0 .LBB2_9-.Ltmp9, $3  }
0x431: {  	_ =	sdelay $0x1  }
0x432: {  	s4 =	sadd.s32 $0x10, s4;
	s18 =	simm.s32 $0x4000;
	s26 =	rddreg [dreg:$0xc];
	[tilespmem:v63+s21+$0x0] =	vst.idx.msk $0xffff, v35  }
0x433: {  	s3 =	sadd.s32 $0x1, s3;
	s30 =	simm.s32 $0x6000;
	s0 =	sadd.s32 s23, s26;
	[tilespmem:v37+s21+$0x0] =	vst.idx.msk $0xffff, v36  }
0x434: {  	[tilespmem:s7], [sflag:$0x8] =	stream.strided.gather [hbm4b:s0+s31], $0x1000, s8, s31, $0x38;
	[tilespmem:$0xC000] =	vst v63  }
0x435: {  	s17 =	simm.s32 $0x1  }
0x436: {  	_ =	swait.ge [sflag:s17], $0x1000  }
0x437: {  	[sflag:s17] =	ssyncset.done $0x0  }
0x438: {  	s19 =	simm.s32 $0x2;
	[sflag:s17] =	ssyncadd.s32 $0xFFFFF000  }
0x439: {  	_ =	swait.ge [sflag:s19], $0x1000  }
0x43a: {  	[sflag:s19] =	ssyncset.done $0x0  }
0x43b: {  	s20 =	simm.s32 $0x3;
	[sflag:s19] =	ssyncadd.s32 $0xFFFFF000  }
0x43c: {  	_ =	swait.ge [sflag:s20], $0x1000  }
0x43d: {  	[sflag:s20] =	ssyncset.done $0x0  }
0x43e: {  	s22 =	simm.s32 $0x4;
	[sflag:s20] =	ssyncadd.s32 $0xFFFFF000  }
0x43f: {  	_ =	swait.ge [sflag:s22], $0x1000  }
0x440: {  	[sflag:s22] =	ssyncset.done $0x0  }
0x441: {  	s24 =	simm.s32 $0x5;
	[sflag:s22] =	ssyncadd.s32 $0xFFFFF000  }
0x442: {  	_ =	swait.ge [sflag:s24], $0x1000  }
0x443: {  	[sflag:s24] =	ssyncset.done $0x0  }
0x444: {  	s26 =	simm.s32 $0x6;
	[sflag:s24] =	ssyncadd.s32 $0xFFFFF000  }
0x445: {  	_ =	swait.ge [sflag:s26], $0x1000  }
0x446: {  	[sflag:s26] =	ssyncset.done $0x0  }
0x447: {  	[sflag:s26] =	ssyncadd.s32 $0xFFFFF000  }
0x448: {  	s1 =	simm.s32 $0x0;
	_ =	swait.ge [sflag:s25], $0x1000  }
.Ltmp10:
0x449: {  	s4 =	simm.s32 $0x1000;
	[sflag:s25] =	ssyncset.done $0x0;
	(pc) =	sbr.rel .LBB2_11-.Ltmp10, $4  }
0x44a: {  	s14 =	simm.s32 $0x7000;
	s5 =	simm.s32 $0x8000;
	[sflag:s25] =	ssyncadd.s32 $0xFFFFF000  }
0x44b: {  	s9 =	simm.s32 $0x1;
	s13 =	simm.s32 $0x2000;
	_ =	swait.ge [sflag:s28], $0x1000  }
0x44c: {  	s11 =	simm.s32 $0x2;
	[sflag:s28] =	ssyncset.done $0x0;
	s10 =	rddreg [dreg:$0x1d]  }
0x44d: {  	s19 =	simm.s32 $0x3;
	[sflag:s28] =	ssyncadd.s32 $0xFFFFF000;
	s3 =	smov.u32 s10  }
.LBB2_13:
0x44e: {  	s1 =	sadd.s32 $0x10, s1  }
0x44f: {  	p0 =	sne.s32 s1, $0x80  }
.Ltmp11:
0x450: {  	_ = 	snop;
	(pc) =	sbr.rel @!p0 .LBB2_14-.Ltmp11, $2  }
0x451: {  	_ =	sdelay $0x2  }
0x452: {  	s3 =	sadd.s32 $0x10, s3  }
.LBB2_11:
0x453: {  	v35 =	vld [tilespmem:s3+$0x0];
	_ =	sdelay $0x4  }
0x454: {  	vm0 =	vgt.s32 v35, $0x1867F  }
0x455: {  	v36 =	vmpcnt.ones.xlane vm0;
	_ =	sdelay $0x1  }
0x456: {  	(v2sf) =	vpush v36, $0x0;
	_ =	sdelay $0xe  }
0x457: {  	s0 =	spop (v2sf)  }
0x458: {  	p0 =	slt.s32 s0, $0x1  }
.Ltmp12:
0x459: {  	_ = 	snop;
	(pc) =	sbr.rel @p0 .LBB2_13-.Ltmp12, $1  }
0x45a: {  	_ =	sdelay $0x3  }
0x45b: {  	v35 =	vadd.s32 $0xFFFE7980, v35  }
0x45c: {  	vm1 =	vgt.s32 v35, $0x0  }
0x45d: {  	v35 =	vnsel vm1, $0x0, v35  }
0x45e: {  	v35 =	vmin.u32 v35, $0x20;
	_ =	sdelay $0x4  }
0x45f: {  	v37 =	vor.u32 s1, v0;
	v36 =	vld.idx.msk [tilespmem:v35+s4+$0x0], $0xffff  }
0x460: {  	v38 =	vor.u32 $0x80, v35;
	_ =	sdelay $0x3  }
0x461: {  	[tilespmem:v37+s21+$0x0] =	vst.idx.msk vm0, v36  }
0x462: {  	v52 =	vor.u32 s1, v3;
	v36 =	vld.idx.msk [tilespmem:v38+s4+$0x0], $0xffff  }
0x463: {  	v53 =	vor.u32 $0x100, v35;
	_ =	sdelay $0x3  }
0x464: {  	[tilespmem:v52+s21+$0x0] =	vst.idx.msk vm0, v36  }
0x465: {  	v54 =	vor.u32 s1, v4;
	v36 =	vld.idx.msk [tilespmem:v53+s4+$0x0], $0xffff  }
0x466: {  	v55 =	vor.u32 $0x180, v35;
	_ =	sdelay $0x3  }
0x467: {  	[tilespmem:v54+s21+$0x0] =	vst.idx.msk vm0, v36  }
0x468: {  	v56 =	vor.u32 s1, v5;
	v36 =	vld.idx.msk [tilespmem:v55+s4+$0x0], $0xffff  }
0x469: {  	v57 =	vor.u32 $0x200, v35;
	_ =	sdelay $0x3  }
0x46a: {  	[tilespmem:v56+s21+$0x0] =	vst.idx.msk vm0, v36  }
0x46b: {  	v58 =	vor.u32 s1, v6;
	v36 =	vld.idx.msk [tilespmem:v57+s4+$0x0], $0xffff  }
0x46c: {  	v59 =	vor.u32 $0x280, v35;
	_ =	sdelay $0x3  }
0x46d: {  	[tilespmem:v58+s21+$0x0] =	vst.idx.msk vm0, v36  }
0x46e: {  	v60 =	vor.u32 s1, v7;
	v36 =	vld.idx.msk [tilespmem:v59+s4+$0x0], $0xffff  }
0x46f: {  	v61 =	vor.u32 $0x300, v35;
	_ =	sdelay $0x3  }
0x470: {  	[tilespmem:v60+s21+$0x0] =	vst.idx.msk vm0, v36  }
0x471: {  	v62 =	vor.u32 s1, v8;
	v36 =	vld.idx.msk [tilespmem:v61+s4+$0x0], $0xffff  }
0x472: {  	v63 =	vor.u32 $0x380, v35;
	_ =	sdelay $0x3  }
0x473: {  	[tilespmem:v62+s21+$0x0] =	vst.idx.msk vm0, v36  }
0x474: {  	v40 =	vor.u32 s1, v9;
	v36 =	vld.idx.msk [tilespmem:v63+s4+$0x0], $0xffff  }
0x475: {  	v41 =	vor.u32 $0x400, v35;
	_ =	sdelay $0x3  }
0x476: {  	[tilespmem:v40+s21+$0x0] =	vst.idx.msk vm0, v36  }
0x477: {  	v42 =	vor.u32 s1, v10;
	v36 =	vld.idx.msk [tilespmem:v41+s4+$0x0], $0xffff  }
0x478: {  	v43 =	vor.u32 $0x480, v35;
	_ =	sdelay $0x3  }
0x479: {  	[tilespmem:v42+s21+$0x0] =	vst.idx.msk vm0, v36  }
0x47a: {  	v44 =	vor.u32 s1, v11;
	v36 =	vld.idx.msk [tilespmem:v43+s4+$0x0], $0xffff  }
0x47b: {  	v45 =	vor.u32 $0x500, v35;
	_ =	sdelay $0x3  }
0x47c: {  	[tilespmem:v44+s21+$0x0] =	vst.idx.msk vm0, v36  }
0x47d: {  	v46 =	vor.u32 s1, v12;
	v36 =	vld.idx.msk [tilespmem:v45+s4+$0x0], $0xffff  }
0x47e: {  	v47 =	vor.u32 $0x580, v35;
	_ =	sdelay $0x3  }
0x47f: {  	[tilespmem:v46+s21+$0x0] =	vst.idx.msk vm0, v36  }
0x480: {  	v48 =	vor.u32 s1, v13;
	v36 =	vld.idx.msk [tilespmem:v47+s4+$0x0], $0xffff  }
0x481: {  	v49 =	vor.u32 $0x600, v35;
	_ =	sdelay $0x3  }
0x482: {  	[tilespmem:v48+s21+$0x0] =	vst.idx.msk vm0, v36  }
0x483: {  	v50 =	vor.u32 s1, v14;
	v36 =	vld.idx.msk [tilespmem:v49+s4+$0x0], $0xffff  }
0x484: {  	v51 =	vor.u32 $0x680, v35;
	_ =	sdelay $0x3  }
0x485: {  	[tilespmem:v50+s21+$0x0] =	vst.idx.msk vm0, v36  }
0x486: {  	v52 =	vor.u32 s1, v15;
	v36 =	vld.idx.msk [tilespmem:v51+s4+$0x0], $0xffff  }
0x487: {  	v53 =	vor.u32 $0x700, v35;
	_ =	sdelay $0x3  }
0x488: {  	[tilespmem:v52+s21+$0x0] =	vst.idx.msk vm0, v36  }
0x489: {  	v54 =	vor.u32 s1, v16;
	v36 =	vld.idx.msk [tilespmem:v53+s4+$0x0], $0xffff  }
0x48a: {  	v55 =	vor.u32 $0x780, v35;
	_ =	sdelay $0x3  }
0x48b: {  	[tilespmem:v54+s21+$0x0] =	vst.idx.msk vm0, v36  }
0x48c: {  	v56 =	vor.u32 s1, v17;
	v36 =	vld.idx.msk [tilespmem:v55+s4+$0x0], $0xffff  }
0x48d: {  	v57 =	vor.u32 $0x800, v35;
	_ =	sdelay $0x3  }
0x48e: {  	[tilespmem:v56+s21+$0x0] =	vst.idx.msk vm0, v36  }
0x48f: {  	v58 =	vor.u32 s1, v18;
	v36 =	vld.idx.msk [tilespmem:v57+s4+$0x0], $0xffff  }
0x490: {  	v59 =	vor.u32 $0x880, v35;
	_ =	sdelay $0x3  }
0x491: {  	[tilespmem:v58+s21+$0x0] =	vst.idx.msk vm0, v36  }
0x492: {  	v60 =	vor.u32 s1, v19;
	v36 =	vld.idx.msk [tilespmem:v59+s4+$0x0], $0xffff  }
0x493: {  	v61 =	vor.u32 $0x900, v35;
	_ =	sdelay $0x3  }
0x494: {  	[tilespmem:v60+s21+$0x0] =	vst.idx.msk vm0, v36  }
0x495: {  	v62 =	vor.u32 s1, v20;
	v36 =	vld.idx.msk [tilespmem:v61+s4+$0x0], $0xffff  }
0x496: {  	v63 =	vor.u32 $0x980, v35;
	_ =	sdelay $0x3  }
0x497: {  	[tilespmem:v62+s21+$0x0] =	vst.idx.msk vm0, v36  }
0x498: {  	v40 =	vor.u32 s1, v21;
	v36 =	vld.idx.msk [tilespmem:v63+s4+$0x0], $0xffff  }
0x499: {  	v41 =	vor.u32 $0xA00, v35;
	_ =	sdelay $0x3  }
0x49a: {  	[tilespmem:v40+s21+$0x0] =	vst.idx.msk vm0, v36  }
0x49b: {  	v42 =	vor.u32 s1, v22;
	v36 =	vld.idx.msk [tilespmem:v41+s4+$0x0], $0xffff  }
0x49c: {  	v43 =	vor.u32 $0xA80, v35;
	_ =	sdelay $0x3  }
0x49d: {  	[tilespmem:v42+s21+$0x0] =	vst.idx.msk vm0, v36  }
0x49e: {  	v44 =	vor.u32 s1, v23;
	v36 =	vld.idx.msk [tilespmem:v43+s4+$0x0], $0xffff  }
0x49f: {  	v45 =	vor.u32 $0xB00, v35;
	_ =	sdelay $0x3  }
0x4a0: {  	[tilespmem:v44+s21+$0x0] =	vst.idx.msk vm0, v36  }
0x4a1: {  	v46 =	vor.u32 s1, v24;
	v36 =	vld.idx.msk [tilespmem:v45+s4+$0x0], $0xffff  }
0x4a2: {  	v47 =	vor.u32 $0xB80, v35;
	_ =	sdelay $0x3  }
0x4a3: {  	[tilespmem:v46+s21+$0x0] =	vst.idx.msk vm0, v36  }
0x4a4: {  	v48 =	vor.u32 s1, v25;
	v36 =	vld.idx.msk [tilespmem:v47+s4+$0x0], $0xffff  }
0x4a5: {  	v49 =	vor.u32 $0xC00, v35;
	_ =	sdelay $0x3  }
0x4a6: {  	[tilespmem:v48+s21+$0x0] =	vst.idx.msk vm0, v36  }
0x4a7: {  	v50 =	vor.u32 s1, v26;
	v36 =	vld.idx.msk [tilespmem:v49+s4+$0x0], $0xffff  }
0x4a8: {  	v51 =	vor.u32 $0xC80, v35;
	_ =	sdelay $0x3  }
0x4a9: {  	[tilespmem:v50+s21+$0x0] =	vst.idx.msk vm0, v36  }
0x4aa: {  	v52 =	vor.u32 s1, v27;
	v36 =	vld.idx.msk [tilespmem:v51+s4+$0x0], $0xffff  }
0x4ab: {  	v53 =	vor.u32 $0xD00, v35;
	_ =	sdelay $0x3  }
0x4ac: {  	[tilespmem:v52+s21+$0x0] =	vst.idx.msk vm0, v36  }
0x4ad: {  	v54 =	vor.u32 s1, v28;
	v36 =	vld.idx.msk [tilespmem:v53+s4+$0x0], $0xffff  }
0x4ae: {  	v55 =	vor.u32 $0xD80, v35;
	_ =	sdelay $0x3  }
0x4af: {  	[tilespmem:v54+s21+$0x0] =	vst.idx.msk vm0, v36  }
0x4b0: {  	v56 =	vor.u32 s1, v29;
	v36 =	vld.idx.msk [tilespmem:v55+s4+$0x0], $0xffff  }
0x4b1: {  	v57 =	vor.u32 $0xE00, v35;
	_ =	sdelay $0x3  }
0x4b2: {  	[tilespmem:v56+s21+$0x0] =	vst.idx.msk vm0, v36  }
0x4b3: {  	v58 =	vor.u32 s1, v30;
	v36 =	vld.idx.msk [tilespmem:v57+s4+$0x0], $0xffff  }
0x4b4: {  	v59 =	vor.u32 $0xE80, v35;
	_ =	sdelay $0x3  }
0x4b5: {  	[tilespmem:v58+s21+$0x0] =	vst.idx.msk vm0, v36  }
0x4b6: {  	v60 =	vor.u32 s1, v31;
	v36 =	vld.idx.msk [tilespmem:v59+s4+$0x0], $0xffff  }
0x4b7: {  	v61 =	vor.u32 $0xF00, v35;
	_ =	sdelay $0x3  }
0x4b8: {  	[tilespmem:v60+s21+$0x0] =	vst.idx.msk vm0, v36  }
0x4b9: {  	v62 =	vor.u32 s1, v32;
	v36 =	vld.idx.msk [tilespmem:v61+s4+$0x0], $0xffff  }
0x4ba: {  	v35 =	vor.u32 $0xF80, v35;
	_ =	sdelay $0x3  }
0x4bb: {  	[tilespmem:v62+s21+$0x0] =	vst.idx.msk vm0, v36  }
0x4bc: {  	v63 =	vor.u32 s1, v33;
	v35 =	vld.idx.msk [tilespmem:v35+s4+$0x0], $0xffff  }
.Ltmp13:
0x4bd: {  	_ = 	snop;
	(pc) =	sbr.rel .LBB2_13-.Ltmp13, $2  }
0x4be: {  	_ =	sdelay $0x2  }
0x4bf: {  	[tilespmem:v63+s21+$0x0] =	vst.idx.msk vm0, v35  }
.LBB2_16:
0x4c0: {  	_ =	sfence.sel $0x180000  }
0x4c1: {  	[bflag:$0x0] =	sbarrier.arrive $0xFFFF  }
0x4c2: {  	_ =	strace $0x90000047  }
0x4c3: {  	s0 =	stileid.u32;
	[bflag:$0x2] =	sbarrier.arrive $0xFFFF  }
0x4c4: {  	p0 =	sne.s32 s0, $0x0;
	s0 =	rddreg [dreg:$0x4]  }
0x4c5: {  	s0 =	sadd.s32 @!p0 $0x100000, s0  }
0x4c6: {  	[sflag:s0] =	ssyncadd.tile.s32 @!p0 $0x1;
	_ =	shalt  }
.Lfunc_end2:
_tile_overlayer_lowered:
.L_overlay_start_2:
0x4c7: {  	(tag) =	ssettag $0x2  }
0x4c8: {  	s0 =	rddreg [dreg:$0x0];
	s2 =	stileid.u32  }
0x4c9: {  	s1 =	rddreg [dreg:$0x1];
	p0 =	sne.s32 s2, $0x0  }
0x4ca: {  	s3 =	rddreg [dreg:$0x2];
	[bflag:$0x3] =	sbarrier.arrive $0xFFFF;
	s2 =	simm.s32 @!p0 $0x1C0B  }
0x4cb: {  	[timem:s3], [sflag:s2] =	dma.local @!p0 [hbm:s0], s1  }
0x4cc: {  	s0 =	simm.s32 @!p0 $0xB  }
0x4cd: {  	_ =	swait.ge @!p0 [sflag:s0], s1  }
0x4ce: {  	s1 =	ssub.s32 @!p0 $0x0, s1;
	[sflag:s0] =	ssyncset.done @!p0 $0x0  }
0x4cf: {  	[sflag:s0] =	ssyncadd.s32 @!p0 s1  }
0x4d0: {  	[bflag:$0x3] =	sbarrier.arrive $0xFFFF  }
0x4d1: {  	_ =	shalt  }

</sc_bundles>
